<compile_context>
chip_gen: v7x
topology: tpu7x:2x2x1
jax: 0.10.2.dev20260603
libtpu: 0.0.44.dev20260713+nightly
codegen_flags: <defaults>
</compile_context>

<pallas_src>
import functools

import jax
import jax.numpy as jnp
import numpy as np
from jax import lax
from jax.experimental import pallas as pl
from jax.experimental.pallas import tpu as pltpu
from jax.experimental.pallas import tpu_sc as plsc

N = 10000
D = 128
E = 320000
NC = 2
NS = 16
EW = E // (NC * NS)
CH = 80
NB = 2
NSUP = 32
NLOOP = NSUP
EWP = NSUP * 2 * NB * CH
EP = EWP * NC * NS
NP = 10240
RPT = NP // NS
ZR = 16
BN_EPS = 1e-5


def _sc_aggregate(h, src3, dst3):
    mesh = plsc.VectorSubcoreMesh(core_axis_name="c", subcore_axis_name="s")

    @functools.partial(
        pl.kernel,
        out_type=jax.ShapeDtypeStruct((NC, NP, D), jnp.float32),
        mesh=mesh,
        scratch_types=[
            pltpu.VMEM((2, 2 * NB, CH), jnp.int32),
            pltpu.VMEM((2, 2 * NB, CH), jnp.int32),
            *[pltpu.VMEM((CH, D), jnp.float32) for _ in range(2 * NB)],
            pltpu.VMEM((ZR, D), jnp.float32),
            pltpu.VMEM_SHARED((NP, D), jnp.float32),
            *[pltpu.SemaphoreType.DMA for _ in range(4 * NB + 2)],
        ],
    )
    def agg_kernel(h_hbm, src_hbm, dst_hbm, out_hbm, sbuf, dbuf, *rest):
        rows = rest[:2 * NB]
        zbuf = rest[2 * NB]
        agg = rest[2 * NB + 1]
        gsem = rest[2 * NB + 2:2 * NB + 2 + 2 * NB]
        ssem = rest[2 * NB + 2 + 2 * NB:2 * NB + 2 + 4 * NB]
        isem = rest[2 * NB + 2 + 4 * NB:]
        cid = lax.axis_index("c")
        sid = lax.axis_index("s")

        pltpu.sync_copy(src_hbm.at[cid, sid, 0], sbuf.at[0])
        pltpu.sync_copy(dst_hbm.at[cid, sid, 0], dbuf.at[0])
        for j in range(2 * NB):
            pltpu.async_copy(h_hbm.at[sbuf.at[0, j]], rows[j], gsem[j])

        zvec = jnp.zeros((16,), jnp.float32)

        def zfill(k, carry):
            zbuf[k // (D // 16), pl.ds((k % (D // 16)) * 16, 16)] = zvec
            return carry

        lax.fori_loop(0, ZR * (D // 16), zfill, 0)
        for r in range(RPT // ZR):
            pltpu.sync_copy(zbuf, agg.at[pl.ds(sid * RPT + r * ZR, ZR)])
        plsc.subcore_barrier()

        def super_step(s, carry):
            par = s % 2
            nxt = (s + 1) % 2

            @pl.when(s + 1 < NLOOP)
            def _():
                pltpu.async_copy(src_hbm.at[cid, sid, s + 1], sbuf.at[nxt],
                                 isem[0])
                pltpu.async_copy(dst_hbm.at[cid, sid, s + 1], dbuf.at[nxt],
                                 isem[1])

            for b in range(NB):
                pltpu.make_async_copy(
                    h_hbm.at[sbuf.at[par, b]], rows[b], gsem[b]).wait()

            @pl.when(s + 1 < NLOOP)
            def _():
                pltpu.make_async_copy(src_hbm.at[cid, sid, s + 1],
                                      sbuf.at[nxt], isem[0]).wait()
                pltpu.make_async_copy(dst_hbm.at[cid, sid, s + 1],
                                      dbuf.at[nxt], isem[1]).wait()
                for b in range(NB):
                    pltpu.async_copy(h_hbm.at[sbuf.at[nxt, b]], rows[b],
                                     gsem[b])

            for b in range(NB):
                j = NB + b
                pltpu.make_async_copy(
                    h_hbm.at[sbuf.at[par, j]], rows[j], gsem[j]).wait()

            @pl.when(s + 1 < NLOOP)
            def _():
                for b in range(NB):
                    j = NB + b
                    pltpu.async_copy(h_hbm.at[sbuf.at[nxt, j]], rows[j],
                                     gsem[j])

            return carry

        lax.fori_loop(0, NLOOP, super_step, 0)

        plsc.subcore_barrier()
        pltpu.sync_copy(agg.at[pl.ds(sid * RPT, RPT)],
                        out_hbm.at[cid, pl.ds(sid * RPT, RPT)])

    return agg_kernel(h, src3, dst3)


def _tc_mlp(h, p, eps, W1, b1, g, bt, W2, b2, relu_out):
    BR = 2000
    inv = float(1.0 / np.sqrt(1.0 + BN_EPS))

    def body(eps_ref, h_ref, p0_ref, p1_ref, w1_ref, b1_ref, g_ref, bt_ref,
             w2_ref, b2_ref, o_ref):
        scale = 1.0 + eps_ref[0, 0]
        a = h_ref[...] * scale + p0_ref[0] + p1_ref[0]
        gs = g_ref[...] * inv
        w1 = w1_ref[...] * gs
        c1 = b1_ref[...] * gs + bt_ref[...]
        t = jnp.dot(a, w1, preferred_element_type=jnp.float32,
                    precision=jax.lax.Precision.HIGHEST) + c1
        t = jnp.maximum(t, 0.0)
        o = jnp.dot(t, w2_ref[...], preferred_element_type=jnp.float32,
                    precision=jax.lax.Precision.HIGHEST) + b2_ref[...]
        if relu_out:
            o = jnp.maximum(o, 0.0)
        o_ref[...] = o

    row_spec = pl.BlockSpec((BR, D), lambda i: (i, 0))
    p0_spec = pl.BlockSpec((1, BR, D), lambda i: (0, i, 0))
    p1_spec = pl.BlockSpec((1, BR, D), lambda i: (1, i, 0))
    full = lambda shape: pl.BlockSpec(shape, lambda i: (0,) * len(shape))
    return pl.pallas_call(
        body,
        grid=(N // BR,),
        in_specs=[
            pl.BlockSpec(memory_space=pltpu.SMEM),
            row_spec, p0_spec, p1_spec,
            full((D, D)), full((1, D)), full((1, D)), full((1, D)),
            full((D, D)), full((1, D)),
        ],
        out_specs=row_spec,
        out_shape=jax.ShapeDtypeStruct((N, D), jnp.float32),
    )(eps.reshape(1, 1), h, p, p, W1, b1.reshape(1, D), g.reshape(1, D),
      bt.reshape(1, D), W2, b2.reshape(1, D))


def kernel(x, edge_index,
           W1_0, b1_0, g_0, bt_0, W2_0, b2_0, eps_0,
           W1_1, b1_1, g_1, bt_1, W2_1, b2_1, eps_1,
           W1_2, b1_2, g_2, bt_2, W2_2, b2_2, eps_2):
    pad = EP - E
    pad_src = (jnp.arange(pad, dtype=jnp.int32) * 13) % N
    pad_dst = N + (jnp.arange(pad, dtype=jnp.int32) % (NP - N))
    src3 = jnp.concatenate([edge_index[0], pad_src]).reshape(
        NC, NS, NSUP, 2 * NB, CH)
    dst3 = jnp.concatenate([edge_index[1], pad_dst]).reshape(
        NC, NS, NSUP, 2 * NB, CH)
    layers = [
        (W1_0, b1_0, g_0, bt_0, W2_0, b2_0, eps_0),
        (W1_1, b1_1, g_1, bt_1, W2_1, b2_1, eps_1),
        (W1_2, b1_2, g_2, bt_2, W2_2, b2_2, eps_2),
    ]
    h = x
    for i, (W1, b1, g, bt, W2, b2, eps) in enumerate(layers):
        p = _sc_aggregate(h, src3, dst3)
        h = _tc_mlp(h, p, eps, W1, b1, g, bt, W2, b2, relu_out=(i < 2))
    return h

# --- scband reference (transcript-rebuilt; emitter-appended) ---
"""Pipeline reference for scband-simple-gin-80461917323503 (READ-ONLY COPY).

The authoritative reference and input builder live on the scoring server;
editing this copy changes nothing except your own understanding.
"""

import jax, jax.numpy as jnp
import numpy as np

N = 10000
E = 320000
D = 128
H = 128
O = 128
BN_EPS = 1e-5


def _mk_layer_params(key, in_dim, hid, out_dim):
    k1, k2, k3, k4 = jax.random.split(key, 4)
    s1 = 1.0 / np.sqrt(in_dim)
    s2 = 1.0 / np.sqrt(hid)
    return {
        'W1': jax.random.uniform(k1, (in_dim, hid), jnp.float32, -s1, s1),
        'b1': jax.random.uniform(k2, (hid,), jnp.float32, -s1, s1),
        'g': jnp.ones((hid,), jnp.float32),
        'bt': jnp.zeros((hid,), jnp.float32),
        'W2': jax.random.uniform(k3, (hid, out_dim), jnp.float32, -s2, s2),
        'b2': jax.random.uniform(k4, (out_dim,), jnp.float32, -s2, s2),
        'eps': jnp.zeros((), jnp.float32),
    }


def setup_inputs(seed: int = 0) -> dict:
    key = jax.random.key(seed)
    kx, ke, k0, k1, k2 = jax.random.split(key, 5)
    inp = {}
    inp['x'] = jax.random.normal(kx, (N, D), dtype=jnp.float32)
    inp['edge_index'] = jax.random.randint(ke, (2, E), 0, N, dtype=jnp.int32)
    for i, k in enumerate([k0, k1, k2]):
        in_dim = D if i == 0 else H
        out_dim = O if i == 2 else H
        p = _mk_layer_params(k, in_dim, H, out_dim)
        for name, v in p.items():
            inp[f'{name}_{i}'] = v
    return inp


def _gin_conv(x, src, dst, W1, b1, g, bt, W2, b2, eps):
    # sum-aggregate neighbor messages (scatter-add at destination nodes)
    agg = jax.ops.segment_sum(jnp.take(x, src, axis=0), dst, num_segments=N)
    h = (1.0 + eps) * x + agg
    # MLP: Linear -> BatchNorm1d (eval mode: running_mean=0, running_var=1) -> ReLU -> Linear
    h = h @ W1 + b1
    h = h / jnp.sqrt(1.0 + BN_EPS) * g + bt
    h = jax.nn.relu(h)
    h = h @ W2 + b2
    return h


def reference(x, edge_index,
              W1_0, b1_0, g_0, bt_0, W2_0, b2_0, eps_0,
              W1_1, b1_1, g_1, bt_1, W2_1, b2_1, eps_1,
              W1_2, b1_2, g_2, bt_2, W2_2, b2_2, eps_2):
    src = edge_index[0]
    dst = edge_index[1]
    layers = [
        (W1_0, b1_0, g_0, bt_0, W2_0, b2_0, eps_0),
        (W1_1, b1_1, g_1, bt_1, W2_1, b2_1, eps_1),
        (W1_2, b1_2, g_2, bt_2, W2_2, b2_2, eps_2),
    ]
    h = x
    for i, p in enumerate(layers):
        h = _gin_conv(h, src, dst, *p)
        if i < len(layers) - 1:
            h = jax.nn.relu(h)
            # dropout p=0.5 is identity in eval mode
    return h

if __name__ == "__main__":
    import jax
    _d = setup_inputs()
    print(jax.jit(kernel)(*tuple(_d.values())))

</pallas_src>

<mosaic_0001>
#map = affine_map<(d0, d1) -> (0, 0)>
#map1 = affine_map<(d0, d1) -> (0, 0, 0, 0, 0)>
#map2 = affine_map<(d0, d1) -> (0, 0, 0)>
module attributes {stable_mosaic.version = 14 : i64} {
  func.func @agg_kernel(%arg0: i32, %arg1: i32, %arg2: memref<10000x128xf32, #tpu.memory_space<hbm>>, %arg3: memref<2x16x32x4x80xi32, #tpu.memory_space<hbm>>, %arg4: memref<2x16x32x4x80xi32, #tpu.memory_space<hbm>>, %arg5: memref<2x10240x128xf32, #tpu.memory_space<hbm>>, %arg6: memref<2x4x80xi32, #tpu.memory_space<vmem>>, %arg7: memref<2x4x80xi32, #tpu.memory_space<vmem>>, %arg8: memref<80x128xf32, #tpu.memory_space<vmem>>, %arg9: memref<80x128xf32, #tpu.memory_space<vmem>>, %arg10: memref<80x128xf32, #tpu.memory_space<vmem>>, %arg11: memref<80x128xf32, #tpu.memory_space<vmem>>, %arg12: memref<16x128xf32, #tpu.memory_space<vmem>>, %arg13: memref<10240x128xf32, #tpu.memory_space<vmem_shared>>, %arg14: memref<!tpu.dma_semaphore, #tpu.memory_space<semaphore_mem>>, %arg15: memref<!tpu.dma_semaphore, #tpu.memory_space<semaphore_mem>>, %arg16: memref<!tpu.dma_semaphore, #tpu.memory_space<semaphore_mem>>, %arg17: memref<!tpu.dma_semaphore, #tpu.memory_space<semaphore_mem>>, %arg18: memref<!tpu.dma_semaphore, #tpu.memory_space<semaphore_mem>>, %arg19: memref<!tpu.dma_semaphore, #tpu.memory_space<semaphore_mem>>, %arg20: memref<!tpu.dma_semaphore, #tpu.memory_space<semaphore_mem>>, %arg21: memref<!tpu.dma_semaphore, #tpu.memory_space<semaphore_mem>>, %arg22: memref<!tpu.dma_semaphore, #tpu.memory_space<semaphore_mem>>, %arg23: memref<!tpu.dma_semaphore, #tpu.memory_space<semaphore_mem>>) attributes {dimension_semantics = [#tpu.dimension_semantics<core_parallel>, #tpu.dimension_semantics<subcore_parallel>], iteration_bounds = array<i64: 2, 16>, scalar_prefetch = 0 : i64, scratch_operands = 18 : i64, tpu.core_type = #tpu.core_type<sc_vector_subcore>, window_params = [{transform_indices = #map}, {transform_indices = #map1}, {transform_indices = #map1}, {transform_indices = #map2}]} {
    %run_scoped3A = arith.constant 0 : i32
    %run_scoped3A_0 = arith.constant 0 : i32
    "tpu.region"() ({
      %run_scoped3A_209 = tpu.sem_alloc : memref<!tpu.dma_semaphore, #tpu.memory_space<semaphore_mem>>
      %dma_start3A_210 = arith.constant 0 : i32
      %dma_start3A_211 = arith.constant 0 : i32
      %dma_start3A_212 = tpu.memref_slice %arg6[%run_scoped3A_0, %dma_start3A_210, %dma_start3A_211] : memref<2x4x80xi32, #tpu.memory_space<vmem>> -> memref<1x4x80xi32, #tpu.memory_space<vmem>>
      %dma_start3A_213 = tpu.memref_squeeze %dma_start3A_212 : memref<1x4x80xi32, #tpu.memory_space<vmem>> -> memref<4x80xi32, #tpu.memory_space<vmem>>
      %dma_start3A_214 = arith.constant 0 : i32
      %dma_start3A_215 = arith.constant 0 : i32
      %dma_start3A_216 = tpu.memref_slice %arg3[%arg0, %arg1, %run_scoped3A, %dma_start3A_214, %dma_start3A_215] : memref<2x16x32x4x80xi32, #tpu.memory_space<hbm>> -> memref<1x1x1x4x80xi32, #tpu.memory_space<hbm>>
      %dma_start3A_217 = tpu.memref_squeeze %dma_start3A_216 : memref<1x1x1x4x80xi32, #tpu.memory_space<hbm>> -> memref<4x80xi32, #tpu.memory_space<hbm>>
      %dma_start3A_218 = arith.constant 0 : i32
      %dma_start3A_219 = arith.constant 0 : i32
      %dma_start3A_220 = tpu.memref_slice %arg6[%run_scoped3A_0, %dma_start3A_218, %dma_start3A_219] : memref<2x4x80xi32, #tpu.memory_space<vmem>> -> memref<1x4x80xi32, #tpu.memory_space<vmem>>
      %dma_start3A_221 = tpu.memref_squeeze %dma_start3A_220 : memref<1x4x80xi32, #tpu.memory_space<vmem>> -> memref<4x80xi32, #tpu.memory_space<vmem>>
      %dma_start3A_222 = arith.constant 0 : i32
      %dma_start3A_223 = arith.constant 0 : i32
      %dma_start3A_224 = tpu.memref_slice %arg3[%arg0, %arg1, %run_scoped3A, %dma_start3A_222, %dma_start3A_223] : memref<2x16x32x4x80xi32, #tpu.memory_space<hbm>> -> memref<1x1x1x4x80xi32, #tpu.memory_space<hbm>>
      %dma_start3A_225 = tpu.memref_squeeze %dma_start3A_224 : memref<1x1x1x4x80xi32, #tpu.memory_space<hbm>> -> memref<4x80xi32, #tpu.memory_space<hbm>>
      tpu.enqueue_dma source(%dma_start3A_225 : memref<4x80xi32, #tpu.memory_space<hbm>>) target(%dma_start3A_221 : memref<4x80xi32, #tpu.memory_space<vmem>>) target_semaphore(%run_scoped3A_209 : memref<!tpu.dma_semaphore, #tpu.memory_space<semaphore_mem>>)
      %dma_wait3A = arith.constant 0 : i32
      %dma_wait3A_226 = arith.constant 0 : i32
      %dma_wait3A_227 = tpu.memref_slice %arg6[%run_scoped3A_0, %dma_wait3A, %dma_wait3A_226] : memref<2x4x80xi32, #tpu.memory_space<vmem>> -> memref<1x4x80xi32, #tpu.memory_space<vmem>>
      %dma_wait3A_228 = tpu.memref_squeeze %dma_wait3A_227 : memref<1x4x80xi32, #tpu.memory_space<vmem>> -> memref<4x80xi32, #tpu.memory_space<vmem>>
      %dma_wait3A_229 = arith.constant 0 : i32
      %dma_wait3A_230 = arith.constant 0 : i32
      %dma_wait3A_231 = tpu.memref_slice %arg3[%arg0, %arg1, %run_scoped3A, %dma_wait3A_229, %dma_wait3A_230] : memref<2x16x32x4x80xi32, #tpu.memory_space<hbm>> -> memref<1x1x1x4x80xi32, #tpu.memory_space<hbm>>
      %dma_wait3A_232 = tpu.memref_squeeze %dma_wait3A_231 : memref<1x1x1x4x80xi32, #tpu.memory_space<hbm>> -> memref<4x80xi32, #tpu.memory_space<hbm>>
      %dma_wait3A_233 = arith.constant 0 : i32
      %dma_wait3A_234 = arith.constant 0 : i32
      %dma_wait3A_235 = tpu.memref_slice %arg6[%run_scoped3A_0, %dma_wait3A_233, %dma_wait3A_234] : memref<2x4x80xi32, #tpu.memory_space<vmem>> -> memref<1x4x80xi32, #tpu.memory_space<vmem>>
      %dma_wait3A_236 = tpu.memref_squeeze %dma_wait3A_235 : memref<1x4x80xi32, #tpu.memory_space<vmem>> -> memref<4x80xi32, #tpu.memory_space<vmem>>
      %dma_wait3A_237 = arith.constant 0 : i32
      %dma_wait3A_238 = arith.constant 0 : i32
      %dma_wait3A_239 = tpu.memref_slice %arg3[%arg0, %arg1, %run_scoped3A, %dma_wait3A_237, %dma_wait3A_238] : memref<2x16x32x4x80xi32, #tpu.memory_space<hbm>> -> memref<1x1x1x4x80xi32, #tpu.memory_space<hbm>>
      %dma_wait3A_240 = tpu.memref_squeeze %dma_wait3A_239 : memref<1x1x1x4x80xi32, #tpu.memory_space<hbm>> -> memref<4x80xi32, #tpu.memory_space<hbm>>
      tpu.wait_dma2 semaphore(%run_scoped3A_209 : memref<!tpu.dma_semaphore, #tpu.memory_space<semaphore_mem>>) src(%dma_wait3A_240 : memref<4x80xi32, #tpu.memory_space<hbm>>) dst(%dma_wait3A_236 : memref<4x80xi32, #tpu.memory_space<vmem>>)
      tpu.yield
    }) : () -> ()
    %run_scoped3A_1 = arith.constant 0 : i32
    %run_scoped3A_2 = arith.constant 0 : i32
    "tpu.region"() ({
      %run_scoped3A_209 = tpu.sem_alloc : memref<!tpu.dma_semaphore, #tpu.memory_space<semaphore_mem>>
      %dma_start3A_210 = arith.constant 0 : i32
      %dma_start3A_211 = arith.constant 0 : i32
      %dma_start3A_212 = tpu.memref_slice %arg7[%run_scoped3A_2, %dma_start3A_210, %dma_start3A_211] : memref<2x4x80xi32, #tpu.memory_space<vmem>> -> memref<1x4x80xi32, #tpu.memory_space<vmem>>
      %dma_start3A_213 = tpu.memref_squeeze %dma_start3A_212 : memref<1x4x80xi32, #tpu.memory_space<vmem>> -> memref<4x80xi32, #tpu.memory_space<vmem>>
      %dma_start3A_214 = arith.constant 0 : i32
      %dma_start3A_215 = arith.constant 0 : i32
      %dma_start3A_216 = tpu.memref_slice %arg4[%arg0, %arg1, %run_scoped3A_1, %dma_start3A_214, %dma_start3A_215] : memref<2x16x32x4x80xi32, #tpu.memory_space<hbm>> -> memref<1x1x1x4x80xi32, #tpu.memory_space<hbm>>
      %dma_start3A_217 = tpu.memref_squeeze %dma_start3A_216 : memref<1x1x1x4x80xi32, #tpu.memory_space<hbm>> -> memref<4x80xi32, #tpu.memory_space<hbm>>
      %dma_start3A_218 = arith.constant 0 : i32
      %dma_start3A_219 = arith.constant 0 : i32
      %dma_start3A_220 = tpu.memref_slice %arg7[%run_scoped3A_2, %dma_start3A_218, %dma_start3A_219] : memref<2x4x80xi32, #tpu.memory_space<vmem>> -> memref<1x4x80xi32, #tpu.memory_space<vmem>>
      %dma_start3A_221 = tpu.memref_squeeze %dma_start3A_220 : memref<1x4x80xi32, #tpu.memory_space<vmem>> -> memref<4x80xi32, #tpu.memory_space<vmem>>
      %dma_start3A_222 = arith.constant 0 : i32
      %dma_start3A_223 = arith.constant 0 : i32
      %dma_start3A_224 = tpu.memref_slice %arg4[%arg0, %arg1, %run_scoped3A_1, %dma_start3A_222, %dma_start3A_223] : memref<2x16x32x4x80xi32, #tpu.memory_space<hbm>> -> memref<1x1x1x4x80xi32, #tpu.memory_space<hbm>>
      %dma_start3A_225 = tpu.memref_squeeze %dma_start3A_224 : memref<1x1x1x4x80xi32, #tpu.memory_space<hbm>> -> memref<4x80xi32, #tpu.memory_space<hbm>>
      tpu.enqueue_dma source(%dma_start3A_225 : memref<4x80xi32, #tpu.memory_space<hbm>>) target(%dma_start3A_221 : memref<4x80xi32, #tpu.memory_space<vmem>>) target_semaphore(%run_scoped3A_209 : memref<!tpu.dma_semaphore, #tpu.memory_space<semaphore_mem>>)
      %dma_wait3A = arith.constant 0 : i32
      %dma_wait3A_226 = arith.constant 0 : i32
      %dma_wait3A_227 = tpu.memref_slice %arg7[%run_scoped3A_2, %dma_wait3A, %dma_wait3A_226] : memref<2x4x80xi32, #tpu.memory_space<vmem>> -> memref<1x4x80xi32, #tpu.memory_space<vmem>>
      %dma_wait3A_228 = tpu.memref_squeeze %dma_wait3A_227 : memref<1x4x80xi32, #tpu.memory_space<vmem>> -> memref<4x80xi32, #tpu.memory_space<vmem>>
      %dma_wait3A_229 = arith.constant 0 : i32
      %dma_wait3A_230 = arith.constant 0 : i32
      %dma_wait3A_231 = tpu.memref_slice %arg4[%arg0, %arg1, %run_scoped3A_1, %dma_wait3A_229, %dma_wait3A_230] : memref<2x16x32x4x80xi32, #tpu.memory_space<hbm>> -> memref<1x1x1x4x80xi32, #tpu.memory_space<hbm>>
      %dma_wait3A_232 = tpu.memref_squeeze %dma_wait3A_231 : memref<1x1x1x4x80xi32, #tpu.memory_space<hbm>> -> memref<4x80xi32, #tpu.memory_space<hbm>>
      %dma_wait3A_233 = arith.constant 0 : i32
      %dma_wait3A_234 = arith.constant 0 : i32
      %dma_wait3A_235 = tpu.memref_slice %arg7[%run_scoped3A_2, %dma_wait3A_233, %dma_wait3A_234] : memref<2x4x80xi32, #tpu.memory_space<vmem>> -> memref<1x4x80xi32, #tpu.memory_space<vmem>>
      %dma_wait3A_236 = tpu.memref_squeeze %dma_wait3A_235 : memref<1x4x80xi32, #tpu.memory_space<vmem>> -> memref<4x80xi32, #tpu.memory_space<vmem>>
      %dma_wait3A_237 = arith.constant 0 : i32
      %dma_wait3A_238 = arith.constant 0 : i32
      %dma_wait3A_239 = tpu.memref_slice %arg4[%arg0, %arg1, %run_scoped3A_1, %dma_wait3A_237, %dma_wait3A_238] : memref<2x16x32x4x80xi32, #tpu.memory_space<hbm>> -> memref<1x1x1x4x80xi32, #tpu.memory_space<hbm>>
      %dma_wait3A_240 = tpu.memref_squeeze %dma_wait3A_239 : memref<1x1x1x4x80xi32, #tpu.memory_space<hbm>> -> memref<4x80xi32, #tpu.memory_space<hbm>>
      tpu.wait_dma2 semaphore(%run_scoped3A_209 : memref<!tpu.dma_semaphore, #tpu.memory_space<semaphore_mem>>) src(%dma_wait3A_240 : memref<4x80xi32, #tpu.memory_space<hbm>>) dst(%dma_wait3A_236 : memref<4x80xi32, #tpu.memory_space<vmem>>)
      tpu.yield
    }) : () -> ()
    %dma_start3A = arith.constant 0 : i32
    %dma_start3A_3 = arith.constant 0 : i32
    %dma_start3A_4 = arith.constant 0 : i32
    %dma_start3A_5 = tpu.memref_slice %arg6[%dma_start3A, %dma_start3A_3, %dma_start3A_4] : memref<2x4x80xi32, #tpu.memory_space<vmem>> -> memref<1x1x80xi32, #tpu.memory_space<vmem>>
    %dma_start3A_6 = tpu.memref_squeeze %dma_start3A_5 : memref<1x1x80xi32, #tpu.memory_space<vmem>> -> memref<80xi32, #tpu.memory_space<vmem>>
    %dma_start3A_7 = arith.constant 0 : i32
    %dma_start3A_8 = arith.constant 0 : i32
    %dma_start3A_9 = tpu.memref_slice %arg2[%dma_start3A_7, %dma_start3A_8] : memref<10000x128xf32, #tpu.memory_space<hbm>> -> memref<10000x128xf32, #tpu.memory_space<hbm>>
    tpu.enqueue_indirect_dma source(%dma_start3A_9 : memref<10000x128xf32, #tpu.memory_space<hbm>>) target(%arg8 : memref<80x128xf32, #tpu.memory_space<vmem>>) offsets(%dma_start3A_6 : memref<80xi32, #tpu.memory_space<vmem>>) semaphore(%arg14 : memref<!tpu.dma_semaphore, #tpu.memory_space<semaphore_mem>>)
    %dma_start3A_10 = arith.constant 0 : i32
    %dma_start3A_11 = arith.constant 1 : i32
    %dma_start3A_12 = arith.constant 0 : i32
    %dma_start3A_13 = tpu.memref_slice %arg6[%dma_start3A_10, %dma_start3A_11, %dma_start3A_12] : memref<2x4x80xi32, #tpu.memory_space<vmem>> -> memref<1x1x80xi32, #tpu.memory_space<vmem>>
    %dma_start3A_14 = tpu.memref_squeeze %dma_start3A_13 : memref<1x1x80xi32, #tpu.memory_space<vmem>> -> memref<80xi32, #tpu.memory_space<vmem>>
    %dma_start3A_15 = arith.constant 0 : i32
    %dma_start3A_16 = arith.constant 0 : i32
    %dma_start3A_17 = tpu.memref_slice %arg2[%dma_start3A_15, %dma_start3A_16] : memref<10000x128xf32, #tpu.memory_space<hbm>> -> memref<10000x128xf32, #tpu.memory_space<hbm>>
    tpu.enqueue_indirect_dma source(%dma_start3A_17 : memref<10000x128xf32, #tpu.memory_space<hbm>>) target(%arg9 : memref<80x128xf32, #tpu.memory_space<vmem>>) offsets(%dma_start3A_14 : memref<80xi32, #tpu.memory_space<vmem>>) semaphore(%arg15 : memref<!tpu.dma_semaphore, #tpu.memory_space<semaphore_mem>>)
    %dma_start3A_18 = arith.constant 0 : i32
    %dma_start3A_19 = arith.constant 2 : i32
    %dma_start3A_20 = arith.constant 0 : i32
    %dma_start3A_21 = tpu.memref_slice %arg6[%dma_start3A_18, %dma_start3A_19, %dma_start3A_20] : memref<2x4x80xi32, #tpu.memory_space<vmem>> -> memref<1x1x80xi32, #tpu.memory_space<vmem>>
    %dma_start3A_22 = tpu.memref_squeeze %dma_start3A_21 : memref<1x1x80xi32, #tpu.memory_space<vmem>> -> memref<80xi32, #tpu.memory_space<vmem>>
    %dma_start3A_23 = arith.constant 0 : i32
    %dma_start3A_24 = arith.constant 0 : i32
    %dma_start3A_25 = tpu.memref_slice %arg2[%dma_start3A_23, %dma_start3A_24] : memref<10000x128xf32, #tpu.memory_space<hbm>> -> memref<10000x128xf32, #tpu.memory_space<hbm>>
    tpu.enqueue_indirect_dma source(%dma_start3A_25 : memref<10000x128xf32, #tpu.memory_space<hbm>>) target(%arg10 : memref<80x128xf32, #tpu.memory_space<vmem>>) offsets(%dma_start3A_22 : memref<80xi32, #tpu.memory_space<vmem>>) semaphore(%arg16 : memref<!tpu.dma_semaphore, #tpu.memory_space<semaphore_mem>>)
    %dma_start3A_26 = arith.constant 0 : i32
    %dma_start3A_27 = arith.constant 3 : i32
    %dma_start3A_28 = arith.constant 0 : i32
    %dma_start3A_29 = tpu.memref_slice %arg6[%dma_start3A_26, %dma_start3A_27, %dma_start3A_28] : memref<2x4x80xi32, #tpu.memory_space<vmem>> -> memref<1x1x80xi32, #tpu.memory_space<vmem>>
    %dma_start3A_30 = tpu.memref_squeeze %dma_start3A_29 : memref<1x1x80xi32, #tpu.memory_space<vmem>> -> memref<80xi32, #tpu.memory_space<vmem>>
    %dma_start3A_31 = arith.constant 0 : i32
    %dma_start3A_32 = arith.constant 0 : i32
    %dma_start3A_33 = tpu.memref_slice %arg2[%dma_start3A_31, %dma_start3A_32] : memref<10000x128xf32, #tpu.memory_space<hbm>> -> memref<10000x128xf32, #tpu.memory_space<hbm>>
    tpu.enqueue_indirect_dma source(%dma_start3A_33 : memref<10000x128xf32, #tpu.memory_space<hbm>>) target(%arg11 : memref<80x128xf32, #tpu.memory_space<vmem>>) offsets(%dma_start3A_30 : memref<80xi32, #tpu.memory_space<vmem>>) semaphore(%arg17 : memref<!tpu.dma_semaphore, #tpu.memory_space<semaphore_mem>>)
    %broadcast_in_dim3A = arith.constant 0.000000e+00 : f32
    %broadcast_in_dim3A_34 = vector.broadcast %broadcast_in_dim3A : f32 to vector<16xf32>
    %scan3A = arith.constant 0 : i32
    %scan3A_35 = arith.constant 0 : i32
    %scan3A_36 = arith.constant 128 : i32
    %scan3A_37 = arith.addi %scan3A_35, %scan3A_36 : i32
    %scan3A_38 = arith.constant 1 : i32
    scf.for %scan3A_209 = %scan3A_35 to %scan3A_37 step %scan3A_38  : i32 {
      %jit3A = arith.constant 8 : i32
      %div3A = arith.divsi %scan3A_209, %jit3A : i32
      %sign3A = arith.constant 0 : i32
      %sign3A_210 = arith.cmpi sgt, %scan3A_209, %sign3A : i32
      %sign3A_211 = arith.extui %sign3A_210 : i1 to i32
      %sign3A_212 = arith.constant 0 : i32
      %sign3A_213 = arith.cmpi slt, %scan3A_209, %sign3A_212 : i32
      %sign3A_214 = arith.extui %sign3A_213 : i1 to i32
      %sign3A_215 = arith.subi %sign3A_211, %sign3A_214 : i32
      %sign3A_216 = arith.constant 0 : i32
      %sign3A_217 = arith.cmpi sgt, %jit3A, %sign3A_216 : i32
      %sign3A_218 = arith.extui %sign3A_217 : i1 to i32
      %sign3A_219 = arith.constant 0 : i32
      %sign3A_220 = arith.cmpi slt, %jit3A, %sign3A_219 : i32
      %sign3A_221 = arith.extui %sign3A_220 : i1 to i32
      %sign3A_222 = arith.subi %sign3A_218, %sign3A_221 : i32
      %ne3A = arith.cmpi ne, %sign3A_215, %sign3A_222 : i32
      %rem3A = arith.remsi %scan3A_209, %jit3A : i32
      %ne3A_223 = arith.constant 0 : i32
      %ne3A_224 = arith.cmpi ne, %rem3A, %ne3A_223 : i32
      %and3A = arith.andi %ne3A, %ne3A_224 : i1
      %sub3A = arith.constant 1 : i32
      %sub3A_225 = arith.subi %div3A, %sub3A : i32
      %select_n3A = arith.select %and3A, %sub3A_225, %div3A : i32
      %jit3A_226 = arith.constant 8 : i32
      %eq3A = arith.constant 0 : i32
      %eq3A_227 = arith.cmpi eq, %jit3A_226, %eq3A : i32
      %jit3A_228 = arith.constant 1 : i32
      %select_n3A_229 = arith.select %eq3A_227, %jit3A_228, %jit3A_226 : i32
      %rem3A_230 = arith.remsi %scan3A_209, %select_n3A_229 : i32
      %ne3A_231 = arith.constant 0 : i32
      %ne3A_232 = arith.cmpi ne, %rem3A_230, %ne3A_231 : i32
      %lt3A = arith.constant 0 : i32
      %lt3A_233 = arith.cmpi slt, %rem3A_230, %lt3A : i32
      %lt3A_234 = arith.constant 0 : i32
      %lt3A_235 = arith.cmpi slt, %select_n3A_229, %lt3A_234 : i32
      %ne3A_236 = arith.xori %lt3A_233, %lt3A_235 : i1
      %and3A_237 = arith.andi %ne3A_236, %ne3A_232 : i1
      %add3A_238 = arith.addi %rem3A_230, %select_n3A_229 : i32
      %select_n3A_239 = arith.select %and3A_237, %add3A_238, %rem3A_230 : i32
      %mul3A_240 = arith.constant 16 : i32
      %mul3A_241 = arith.muli %select_n3A_239, %mul3A_240 : i32
      %swap3A = arith.index_cast %select_n3A : i32 to index
      %swap3A_242 = arith.index_cast %mul3A_241 : i32 to index
      %swap3A_243 = tpu.vector_load %arg12[%swap3A, %swap3A_242] {strides = array<i32>} : memref<16x128xf32, #tpu.memory_space<vmem>>, vector<1x16xf32>,
      %swap3A_244 = vector.shape_cast %swap3A_243 : vector<1x16xf32> to vector<16xf32>
      %swap3A_245 = vector.shape_cast %broadcast_in_dim3A_34 : vector<16xf32> to vector<1x16xf32>
      tpu.vector_store %arg12[%swap3A, %swap3A_242], %swap3A_245 {strides = array<i32>} : memref<16x128xf32, #tpu.memory_space<vmem>>, vector<1x16xf32>,
    }
    %scan3A_39 = arith.constant 128 : i32
    %mul3A = arith.constant 640 : i32
    %mul3A_40 = arith.muli %arg1, %mul3A : i32
    %add3A = arith.constant 0 : i32
    %add3A_41 = arith.addi %mul3A_40, %add3A : i32
    "tpu.region"() ({
      %run_scoped3A_209 = tpu.sem_alloc : memref<!tpu.dma_semaphore, #tpu.memory_space<semaphore_mem>>
      %dma_start3A_210 = arith.constant 0 : i32
      %dma_start3A_211 = tpu.memref_slice %arg13[%add3A_41, %dma_start3A_210] : memref<10240x128xf32, #tpu.memory_space<vmem_shared>> -> memref<16x128xf32, #tpu.memory_space<vmem_shared>>
      %dma_start3A_212 = arith.constant 0 : i32
      %dma_start3A_213 = tpu.memref_slice %arg13[%add3A_41, %dma_start3A_212] : memref<10240x128xf32, #tpu.memory_space<vmem_shared>> -> memref<16x128xf32, #tpu.memory_space<vmem_shared>>
      tpu.enqueue_dma source(%arg12 : memref<16x128xf32, #tpu.memory_space<vmem>>) target(%dma_start3A_213 : memref<16x128xf32, #tpu.memory_space<vmem_shared>>) target_semaphore(%run_scoped3A_209 : memref<!tpu.dma_semaphore, #tpu.memory_space<semaphore_mem>>)
      %dma_wait3A = arith.constant 0 : i32
      %dma_wait3A_214 = tpu.memref_slice %arg13[%add3A_41, %dma_wait3A] : memref<10240x128xf32, #tpu.memory_space<vmem_shared>> -> memref<16x128xf32, #tpu.memory_space<vmem_shared>>
      %dma_wait3A_215 = arith.constant 0 : i32
      %dma_wait3A_216 = tpu.memref_slice %arg13[%add3A_41, %dma_wait3A_215] : memref<10240x128xf32, #tpu.memory_space<vmem_shared>> -> memref<16x128xf32, #tpu.memory_space<vmem_shared>>
      tpu.wait_dma2 semaphore(%run_scoped3A_209 : memref<!tpu.dma_semaphore, #tpu.memory_space<semaphore_mem>>) src(%arg12 : memref<16x128xf32, #tpu.memory_space<vmem>>) dst(%dma_wait3A_216 : memref<16x128xf32, #tpu.memory_space<vmem_shared>>)
      tpu.yield
    }) : () -> ()
    %mul3A_42 = arith.constant 640 : i32
    %mul3A_43 = arith.muli %arg1, %mul3A_42 : i32
    %add3A_44 = arith.constant 16 : i32
    %add3A_45 = arith.addi %mul3A_43, %add3A_44 : i32
    "tpu.region"() ({
      %run_scoped3A_209 = tpu.sem_alloc : memref<!tpu.dma_semaphore, #tpu.memory_space<semaphore_mem>>
      %dma_start3A_210 = arith.constant 0 : i32
      %dma_start3A_211 = tpu.memref_slice %arg13[%add3A_45, %dma_start3A_210] : memref<10240x128xf32, #tpu.memory_space<vmem_shared>> -> memref<16x128xf32, #tpu.memory_space<vmem_shared>>
      %dma_start3A_212 = arith.constant 0 : i32
      %dma_start3A_213 = tpu.memref_slice %arg13[%add3A_45, %dma_start3A_212] : memref<10240x128xf32, #tpu.memory_space<vmem_shared>> -> memref<16x128xf32, #tpu.memory_space<vmem_shared>>
      tpu.enqueue_dma source(%arg12 : memref<16x128xf32, #tpu.memory_space<vmem>>) target(%dma_start3A_213 : memref<16x128xf32, #tpu.memory_space<vmem_shared>>) target_semaphore(%run_scoped3A_209 : memref<!tpu.dma_semaphore, #tpu.memory_space<semaphore_mem>>)
      %dma_wait3A = arith.constant 0 : i32
      %dma_wait3A_214 = tpu.memref_slice %arg13[%add3A_45, %dma_wait3A] : memref<10240x128xf32, #tpu.memory_space<vmem_shared>> -> memref<16x128xf32, #tpu.memory_space<vmem_shared>>
      %dma_wait3A_215 = arith.constant 0 : i32
      %dma_wait3A_216 = tpu.memref_slice %arg13[%add3A_45, %dma_wait3A_215] : memref<10240x128xf32, #tpu.memory_space<vmem_shared>> -> memref<16x128xf32, #tpu.memory_space<vmem_shared>>
      tpu.wait_dma2 semaphore(%run_scoped3A_209 : memref<!tpu.dma_semaphore, #tpu.memory_space<semaphore_mem>>) src(%arg12 : memref<16x128xf32, #tpu.memory_space<vmem>>) dst(%dma_wait3A_216 : memref<16x128xf32, #tpu.memory_space<vmem_shared>>)
      tpu.yield
    }) : () -> ()
    %mul3A_46 = arith.constant 640 : i32
    %mul3A_47 = arith.muli %arg1, %mul3A_46 : i32
    %add3A_48 = arith.constant 32 : i32
    %add3A_49 = arith.addi %mul3A_47, %add3A_48 : i32
    "tpu.region"() ({
      %run_scoped3A_209 = tpu.sem_alloc : memref<!tpu.dma_semaphore, #tpu.memory_space<semaphore_mem>>
      %dma_start3A_210 = arith.constant 0 : i32
      %dma_start3A_211 = tpu.memref_slice %arg13[%add3A_49, %dma_start3A_210] : memref<10240x128xf32, #tpu.memory_space<vmem_shared>> -> memref<16x128xf32, #tpu.memory_space<vmem_shared>>
      %dma_start3A_212 = arith.constant 0 : i32
      %dma_start3A_213 = tpu.memref_slice %arg13[%add3A_49, %dma_start3A_212] : memref<10240x128xf32, #tpu.memory_space<vmem_shared>> -> memref<16x128xf32, #tpu.memory_space<vmem_shared>>
      tpu.enqueue_dma source(%arg12 : memref<16x128xf32, #tpu.memory_space<vmem>>) target(%dma_start3A_213 : memref<16x128xf32, #tpu.memory_space<vmem_shared>>) target_semaphore(%run_scoped3A_209 : memref<!tpu.dma_semaphore, #tpu.memory_space<semaphore_mem>>)
      %dma_wait3A = arith.constant 0 : i32
      %dma_wait3A_214 = tpu.memref_slice %arg13[%add3A_49, %dma_wait3A] : memref<10240x128xf32, #tpu.memory_space<vmem_shared>> -> memref<16x128xf32, #tpu.memory_space<vmem_shared>>
      %dma_wait3A_215 = arith.constant 0 : i32
      %dma_wait3A_216 = tpu.memref_slice %arg13[%add3A_49, %dma_wait3A_215] : memref<10240x128xf32, #tpu.memory_space<vmem_shared>> -> memref<16x128xf32, #tpu.memory_space<vmem_shared>>
      tpu.wait_dma2 semaphore(%run_scoped3A_209 : memref<!tpu.dma_semaphore, #tpu.memory_space<semaphore_mem>>) src(%arg12 : memref<16x128xf32, #tpu.memory_space<vmem>>) dst(%dma_wait3A_216 : memref<16x128xf32, #tpu.memory_space<vmem_shared>>)
      tpu.yield
    }) : () -> ()
    %mul3A_50 = arith.constant 640 : i32
    %mul3A_51 = arith.muli %arg1, %mul3A_50 : i32
    %add3A_52 = arith.constant 48 : i32
    %add3A_53 = arith.addi %mul3A_51, %add3A_52 : i32
    "tpu.region"() ({
      %run_scoped3A_209 = tpu.sem_alloc : memref<!tpu.dma_semaphore, #tpu.memory_space<semaphore_mem>>
      %dma_start3A_210 = arith.constant 0 : i32
      %dma_start3A_211 = tpu.memref_slice %arg13[%add3A_53, %dma_start3A_210] : memref<10240x128xf32, #tpu.memory_space<vmem_shared>> -> memref<16x128xf32, #tpu.memory_space<vmem_shared>>
      %dma_start3A_212 = arith.constant 0 : i32
      %dma_start3A_213 = tpu.memref_slice %arg13[%add3A_53, %dma_start3A_212] : memref<10240x128xf32, #tpu.memory_space<vmem_shared>> -> memref<16x128xf32, #tpu.memory_space<vmem_shared>>
      tpu.enqueue_dma source(%arg12 : memref<16x128xf32, #tpu.memory_space<vmem>>) target(%dma_start3A_213 : memref<16x128xf32, #tpu.memory_space<vmem_shared>>) target_semaphore(%run_scoped3A_209 : memref<!tpu.dma_semaphore, #tpu.memory_space<semaphore_mem>>)
      %dma_wait3A = arith.constant 0 : i32
      %dma_wait3A_214 = tpu.memref_slice %arg13[%add3A_53, %dma_wait3A] : memref<10240x128xf32, #tpu.memory_space<vmem_shared>> -> memref<16x128xf32, #tpu.memory_space<vmem_shared>>
      %dma_wait3A_215 = arith.constant 0 : i32
      %dma_wait3A_216 = tpu.memref_slice %arg13[%add3A_53, %dma_wait3A_215] : memref<10240x128xf32, #tpu.memory_space<vmem_shared>> -> memref<16x128xf32, #tpu.memory_space<vmem_shared>>
      tpu.wait_dma2 semaphore(%run_scoped3A_209 : memref<!tpu.dma_semaphore, #tpu.memory_space<semaphore_mem>>) src(%arg12 : memref<16x128xf32, #tpu.memory_space<vmem>>) dst(%dma_wait3A_216 : memref<16x128xf32, #tpu.memory_space<vmem_shared>>)
      tpu.yield
    }) : () -> ()
    %mul3A_54 = arith.constant 640 : i32
    %mul3A_55 = arith.muli %arg1, %mul3A_54 : i32
    %add3A_56 = arith.constant 64 : i32
    %add3A_57 = arith.addi %mul3A_55, %add3A_56 : i32
    "tpu.region"() ({
      %run_scoped3A_209 = tpu.sem_alloc : memref<!tpu.dma_semaphore, #tpu.memory_space<semaphore_mem>>
      %dma_start3A_210 = arith.constant 0 : i32
      %dma_start3A_211 = tpu.memref_slice %arg13[%add3A_57, %dma_start3A_210] : memref<10240x128xf32, #tpu.memory_space<vmem_shared>> -> memref<16x128xf32, #tpu.memory_space<vmem_shared>>
      %dma_start3A_212 = arith.constant 0 : i32
      %dma_start3A_213 = tpu.memref_slice %arg13[%add3A_57, %dma_start3A_212] : memref<10240x128xf32, #tpu.memory_space<vmem_shared>> -> memref<16x128xf32, #tpu.memory_space<vmem_shared>>
      tpu.enqueue_dma source(%arg12 : memref<16x128xf32, #tpu.memory_space<vmem>>) target(%dma_start3A_213 : memref<16x128xf32, #tpu.memory_space<vmem_shared>>) target_semaphore(%run_scoped3A_209 : memref<!tpu.dma_semaphore, #tpu.memory_space<semaphore_mem>>)
      %dma_wait3A = arith.constant 0 : i32
      %dma_wait3A_214 = tpu.memref_slice %arg13[%add3A_57, %dma_wait3A] : memref<10240x128xf32, #tpu.memory_space<vmem_shared>> -> memref<16x128xf32, #tpu.memory_space<vmem_shared>>
      %dma_wait3A_215 = arith.constant 0 : i32
      %dma_wait3A_216 = tpu.memref_slice %arg13[%add3A_57, %dma_wait3A_215] : memref<10240x128xf32, #tpu.memory_space<vmem_shared>> -> memref<16x128xf32, #tpu.memory_space<vmem_shared>>
      tpu.wait_dma2 semaphore(%run_scoped3A_209 : memref<!tpu.dma_semaphore, #tpu.memory_space<semaphore_mem>>) src(%arg12 : memref<16x128xf32, #tpu.memory_space<vmem>>) dst(%dma_wait3A_216 : memref<16x128xf32, #tpu.memory_space<vmem_shared>>)
      tpu.yield
    }) : () -> ()
    %mul3A_58 = arith.constant 640 : i32
    %mul3A_59 = arith.muli %arg1, %mul3A_58 : i32
    %add3A_60 = arith.constant 80 : i32
    %add3A_61 = arith.addi %mul3A_59, %add3A_60 : i32
    "tpu.region"() ({
      %run_scoped3A_209 = tpu.sem_alloc : memref<!tpu.dma_semaphore, #tpu.memory_space<semaphore_mem>>
      %dma_start3A_210 = arith.constant 0 : i32
      %dma_start3A_211 = tpu.memref_slice %arg13[%add3A_61, %dma_start3A_210] : memref<10240x128xf32, #tpu.memory_space<vmem_shared>> -> memref<16x128xf32, #tpu.memory_space<vmem_shared>>
      %dma_start3A_212 = arith.constant 0 : i32
      %dma_start3A_213 = tpu.memref_slice %arg13[%add3A_61, %dma_start3A_212] : memref<10240x128xf32, #tpu.memory_space<vmem_shared>> -> memref<16x128xf32, #tpu.memory_space<vmem_shared>>
      tpu.enqueue_dma source(%arg12 : memref<16x128xf32, #tpu.memory_space<vmem>>) target(%dma_start3A_213 : memref<16x128xf32, #tpu.memory_space<vmem_shared>>) target_semaphore(%run_scoped3A_209 : memref<!tpu.dma_semaphore, #tpu.memory_space<semaphore_mem>>)
      %dma_wait3A = arith.constant 0 : i32
      %dma_wait3A_214 = tpu.memref_slice %arg13[%add3A_61, %dma_wait3A] : memref<10240x128xf32, #tpu.memory_space<vmem_shared>> -> memref<16x128xf32, #tpu.memory_space<vmem_shared>>
      %dma_wait3A_215 = arith.constant 0 : i32
      %dma_wait3A_216 = tpu.memref_slice %arg13[%add3A_61, %dma_wait3A_215] : memref<10240x128xf32, #tpu.memory_space<vmem_shared>> -> memref<16x128xf32, #tpu.memory_space<vmem_shared>>
      tpu.wait_dma2 semaphore(%run_scoped3A_209 : memref<!tpu.dma_semaphore, #tpu.memory_space<semaphore_mem>>) src(%arg12 : memref<16x128xf32, #tpu.memory_space<vmem>>) dst(%dma_wait3A_216 : memref<16x128xf32, #tpu.memory_space<vmem_shared>>)
      tpu.yield
    }) : () -> ()
    %mul3A_62 = arith.constant 640 : i32
    %mul3A_63 = arith.muli %arg1, %mul3A_62 : i32
    %add3A_64 = arith.constant 96 : i32
    %add3A_65 = arith.addi %mul3A_63, %add3A_64 : i32
    "tpu.region"() ({
      %run_scoped3A_209 = tpu.sem_alloc : memref<!tpu.dma_semaphore, #tpu.memory_space<semaphore_mem>>
      %dma_start3A_210 = arith.constant 0 : i32
      %dma_start3A_211 = tpu.memref_slice %arg13[%add3A_65, %dma_start3A_210] : memref<10240x128xf32, #tpu.memory_space<vmem_shared>> -> memref<16x128xf32, #tpu.memory_space<vmem_shared>>
      %dma_start3A_212 = arith.constant 0 : i32
      %dma_start3A_213 = tpu.memref_slice %arg13[%add3A_65, %dma_start3A_212] : memref<10240x128xf32, #tpu.memory_space<vmem_shared>> -> memref<16x128xf32, #tpu.memory_space<vmem_shared>>
      tpu.enqueue_dma source(%arg12 : memref<16x128xf32, #tpu.memory_space<vmem>>) target(%dma_start3A_213 : memref<16x128xf32, #tpu.memory_space<vmem_shared>>) target_semaphore(%run_scoped3A_209 : memref<!tpu.dma_semaphore, #tpu.memory_space<semaphore_mem>>)
      %dma_wait3A = arith.constant 0 : i32
      %dma_wait3A_214 = tpu.memref_slice %arg13[%add3A_65, %dma_wait3A] : memref<10240x128xf32, #tpu.memory_space<vmem_shared>> -> memref<16x128xf32, #tpu.memory_space<vmem_shared>>
      %dma_wait3A_215 = arith.constant 0 : i32
      %dma_wait3A_216 = tpu.memref_slice %arg13[%add3A_65, %dma_wait3A_215] : memref<10240x128xf32, #tpu.memory_space<vmem_shared>> -> memref<16x128xf32, #tpu.memory_space<vmem_shared>>
      tpu.wait_dma2 semaphore(%run_scoped3A_209 : memref<!tpu.dma_semaphore, #tpu.memory_space<semaphore_mem>>) src(%arg12 : memref<16x128xf32, #tpu.memory_space<vmem>>) dst(%dma_wait3A_216 : memref<16x128xf32, #tpu.memory_space<vmem_shared>>)
      tpu.yield
    }) : () -> ()
    %mul3A_66 = arith.constant 640 : i32
    %mul3A_67 = arith.muli %arg1, %mul3A_66 : i32
    %add3A_68 = arith.constant 112 : i32
    %add3A_69 = arith.addi %mul3A_67, %add3A_68 : i32
    "tpu.region"() ({
      %run_scoped3A_209 = tpu.sem_alloc : memref<!tpu.dma_semaphore, #tpu.memory_space<semaphore_mem>>
      %dma_start3A_210 = arith.constant 0 : i32
      %dma_start3A_211 = tpu.memref_slice %arg13[%add3A_69, %dma_start3A_210] : memref<10240x128xf32, #tpu.memory_space<vmem_shared>> -> memref<16x128xf32, #tpu.memory_space<vmem_shared>>
      %dma_start3A_212 = arith.constant 0 : i32
      %dma_start3A_213 = tpu.memref_slice %arg13[%add3A_69, %dma_start3A_212] : memref<10240x128xf32, #tpu.memory_space<vmem_shared>> -> memref<16x128xf32, #tpu.memory_space<vmem_shared>>
      tpu.enqueue_dma source(%arg12 : memref<16x128xf32, #tpu.memory_space<vmem>>) target(%dma_start3A_213 : memref<16x128xf32, #tpu.memory_space<vmem_shared>>) target_semaphore(%run_scoped3A_209 : memref<!tpu.dma_semaphore, #tpu.memory_space<semaphore_mem>>)
      %dma_wait3A = arith.constant 0 : i32
      %dma_wait3A_214 = tpu.memref_slice %arg13[%add3A_69, %dma_wait3A] : memref<10240x128xf32, #tpu.memory_space<vmem_shared>> -> memref<16x128xf32, #tpu.memory_space<vmem_shared>>
      %dma_wait3A_215 = arith.constant 0 : i32
      %dma_wait3A_216 = tpu.memref_slice %arg13[%add3A_69, %dma_wait3A_215] : memref<10240x128xf32, #tpu.memory_space<vmem_shared>> -> memref<16x128xf32, #tpu.memory_space<vmem_shared>>
      tpu.wait_dma2 semaphore(%run_scoped3A_209 : memref<!tpu.dma_semaphore, #tpu.memory_space<semaphore_mem>>) src(%arg12 : memref<16x128xf32, #tpu.memory_space<vmem>>) dst(%dma_wait3A_216 : memref<16x128xf32, #tpu.memory_space<vmem_shared>>)
      tpu.yield
    }) : () -> ()
    %mul3A_70 = arith.constant 640 : i32
    %mul3A_71 = arith.muli %arg1, %mul3A_70 : i32
    %add3A_72 = arith.constant 128 : i32
    %add3A_73 = arith.addi %mul3A_71, %add3A_72 : i32
    "tpu.region"() ({
      %run_scoped3A_209 = tpu.sem_alloc : memref<!tpu.dma_semaphore, #tpu.memory_space<semaphore_mem>>
      %dma_start3A_210 = arith.constant 0 : i32
      %dma_start3A_211 = tpu.memref_slice %arg13[%add3A_73, %dma_start3A_210] : memref<10240x128xf32, #tpu.memory_space<vmem_shared>> -> memref<16x128xf32, #tpu.memory_space<vmem_shared>>
      %dma_start3A_212 = arith.constant 0 : i32
      %dma_start3A_213 = tpu.memref_slice %arg13[%add3A_73, %dma_start3A_212] : memref<10240x128xf32, #tpu.memory_space<vmem_shared>> -> memref<16x128xf32, #tpu.memory_space<vmem_shared>>
      tpu.enqueue_dma source(%arg12 : memref<16x128xf32, #tpu.memory_space<vmem>>) target(%dma_start3A_213 : memref<16x128xf32, #tpu.memory_space<vmem_shared>>) target_semaphore(%run_scoped3A_209 : memref<!tpu.dma_semaphore, #tpu.memory_space<semaphore_mem>>)
      %dma_wait3A = arith.constant 0 : i32
      %dma_wait3A_214 = tpu.memref_slice %arg13[%add3A_73, %dma_wait3A] : memref<10240x128xf32, #tpu.memory_space<vmem_shared>> -> memref<16x128xf32, #tpu.memory_space<vmem_shared>>
      %dma_wait3A_215 = arith.constant 0 : i32
      %dma_wait3A_216 = tpu.memref_slice %arg13[%add3A_73, %dma_wait3A_215] : memref<10240x128xf32, #tpu.memory_space<vmem_shared>> -> memref<16x128xf32, #tpu.memory_space<vmem_shared>>
      tpu.wait_dma2 semaphore(%run_scoped3A_209 : memref<!tpu.dma_semaphore, #tpu.memory_space<semaphore_mem>>) src(%arg12 : memref<16x128xf32, #tpu.memory_space<vmem>>) dst(%dma_wait3A_216 : memref<16x128xf32, #tpu.memory_space<vmem_shared>>)
      tpu.yield
    }) : () -> ()
    %mul3A_74 = arith.constant 640 : i32
    %mul3A_75 = arith.muli %arg1, %mul3A_74 : i32
    %add3A_76 = arith.constant 144 : i32
    %add3A_77 = arith.addi %mul3A_75, %add3A_76 : i32
    "tpu.region"() ({
      %run_scoped3A_209 = tpu.sem_alloc : memref<!tpu.dma_semaphore, #tpu.memory_space<semaphore_mem>>
      %dma_start3A_210 = arith.constant 0 : i32
      %dma_start3A_211 = tpu.memref_slice %arg13[%add3A_77, %dma_start3A_210] : memref<10240x128xf32, #tpu.memory_space<vmem_shared>> -> memref<16x128xf32, #tpu.memory_space<vmem_shared>>
      %dma_start3A_212 = arith.constant 0 : i32
      %dma_start3A_213 = tpu.memref_slice %arg13[%add3A_77, %dma_start3A_212] : memref<10240x128xf32, #tpu.memory_space<vmem_shared>> -> memref<16x128xf32, #tpu.memory_space<vmem_shared>>
      tpu.enqueue_dma source(%arg12 : memref<16x128xf32, #tpu.memory_space<vmem>>) target(%dma_start3A_213 : memref<16x128xf32, #tpu.memory_space<vmem_shared>>) target_semaphore(%run_scoped3A_209 : memref<!tpu.dma_semaphore, #tpu.memory_space<semaphore_mem>>)
      %dma_wait3A = arith.constant 0 : i32
      %dma_wait3A_214 = tpu.memref_slice %arg13[%add3A_77, %dma_wait3A] : memref<10240x128xf32, #tpu.memory_space<vmem_shared>> -> memref<16x128xf32, #tpu.memory_space<vmem_shared>>
      %dma_wait3A_215 = arith.constant 0 : i32
      %dma_wait3A_216 = tpu.memref_slice %arg13[%add3A_77, %dma_wait3A_215] : memref<10240x128xf32, #tpu.memory_space<vmem_shared>> -> memref<16x128xf32, #tpu.memory_space<vmem_shared>>
      tpu.wait_dma2 semaphore(%run_scoped3A_209 : memref<!tpu.dma_semaphore, #tpu.memory_space<semaphore_mem>>) src(%arg12 : memref<16x128xf32, #tpu.memory_space<vmem>>) dst(%dma_wait3A_216 : memref<16x128xf32, #tpu.memory_space<vmem_shared>>)
      tpu.yield
    }) : () -> ()
    %mul3A_78 = arith.constant 640 : i32
    %mul3A_79 = arith.muli %arg1, %mul3A_78 : i32
    %add3A_80 = arith.constant 160 : i32
    %add3A_81 = arith.addi %mul3A_79, %add3A_80 : i32
    "tpu.region"() ({
      %run_scoped3A_209 = tpu.sem_alloc : memref<!tpu.dma_semaphore, #tpu.memory_space<semaphore_mem>>
      %dma_start3A_210 = arith.constant 0 : i32
      %dma_start3A_211 = tpu.memref_slice %arg13[%add3A_81, %dma_start3A_210] : memref<10240x128xf32, #tpu.memory_space<vmem_shared>> -> memref<16x128xf32, #tpu.memory_space<vmem_shared>>
      %dma_start3A_212 = arith.constant 0 : i32
      %dma_start3A_213 = tpu.memref_slice %arg13[%add3A_81, %dma_start3A_212] : memref<10240x128xf32, #tpu.memory_space<vmem_shared>> -> memref<16x128xf32, #tpu.memory_space<vmem_shared>>
      tpu.enqueue_dma source(%arg12 : memref<16x128xf32, #tpu.memory_space<vmem>>) target(%dma_start3A_213 : memref<16x128xf32, #tpu.memory_space<vmem_shared>>) target_semaphore(%run_scoped3A_209 : memref<!tpu.dma_semaphore, #tpu.memory_space<semaphore_mem>>)
      %dma_wait3A = arith.constant 0 : i32
      %dma_wait3A_214 = tpu.memref_slice %arg13[%add3A_81, %dma_wait3A] : memref<10240x128xf32, #tpu.memory_space<vmem_shared>> -> memref<16x128xf32, #tpu.memory_space<vmem_shared>>
      %dma_wait3A_215 = arith.constant 0 : i32
      %dma_wait3A_216 = tpu.memref_slice %arg13[%add3A_81, %dma_wait3A_215] : memref<10240x128xf32, #tpu.memory_space<vmem_shared>> -> memref<16x128xf32, #tpu.memory_space<vmem_shared>>
      tpu.wait_dma2 semaphore(%run_scoped3A_209 : memref<!tpu.dma_semaphore, #tpu.memory_space<semaphore_mem>>) src(%arg12 : memref<16x128xf32, #tpu.memory_space<vmem>>) dst(%dma_wait3A_216 : memref<16x128xf32, #tpu.memory_space<vmem_shared>>)
      tpu.yield
    }) : () -> ()
    %mul3A_82 = arith.constant 640 : i32
    %mul3A_83 = arith.muli %arg1, %mul3A_82 : i32
    %add3A_84 = arith.constant 176 : i32
    %add3A_85 = arith.addi %mul3A_83, %add3A_84 : i32
    "tpu.region"() ({
      %run_scoped3A_209 = tpu.sem_alloc : memref<!tpu.dma_semaphore, #tpu.memory_space<semaphore_mem>>
      %dma_start3A_210 = arith.constant 0 : i32
      %dma_start3A_211 = tpu.memref_slice %arg13[%add3A_85, %dma_start3A_210] : memref<10240x128xf32, #tpu.memory_space<vmem_shared>> -> memref<16x128xf32, #tpu.memory_space<vmem_shared>>
      %dma_start3A_212 = arith.constant 0 : i32
      %dma_start3A_213 = tpu.memref_slice %arg13[%add3A_85, %dma_start3A_212] : memref<10240x128xf32, #tpu.memory_space<vmem_shared>> -> memref<16x128xf32, #tpu.memory_space<vmem_shared>>
      tpu.enqueue_dma source(%arg12 : memref<16x128xf32, #tpu.memory_space<vmem>>) target(%dma_start3A_213 : memref<16x128xf32, #tpu.memory_space<vmem_shared>>) target_semaphore(%run_scoped3A_209 : memref<!tpu.dma_semaphore, #tpu.memory_space<semaphore_mem>>)
      %dma_wait3A = arith.constant 0 : i32
      %dma_wait3A_214 = tpu.memref_slice %arg13[%add3A_85, %dma_wait3A] : memref<10240x128xf32, #tpu.memory_space<vmem_shared>> -> memref<16x128xf32, #tpu.memory_space<vmem_shared>>
      %dma_wait3A_215 = arith.constant 0 : i32
      %dma_wait3A_216 = tpu.memref_slice %arg13[%add3A_85, %dma_wait3A_215] : memref<10240x128xf32, #tpu.memory_space<vmem_shared>> -> memref<16x128xf32, #tpu.memory_space<vmem_shared>>
      tpu.wait_dma2 semaphore(%run_scoped3A_209 : memref<!tpu.dma_semaphore, #tpu.memory_space<semaphore_mem>>) src(%arg12 : memref<16x128xf32, #tpu.memory_space<vmem>>) dst(%dma_wait3A_216 : memref<16x128xf32, #tpu.memory_space<vmem_shared>>)
      tpu.yield
    }) : () -> ()
    %mul3A_86 = arith.constant 640 : i32
    %mul3A_87 = arith.muli %arg1, %mul3A_86 : i32
    %add3A_88 = arith.constant 192 : i32
    %add3A_89 = arith.addi %mul3A_87, %add3A_88 : i32
    "tpu.region"() ({
      %run_scoped3A_209 = tpu.sem_alloc : memref<!tpu.dma_semaphore, #tpu.memory_space<semaphore_mem>>
      %dma_start3A_210 = arith.constant 0 : i32
      %dma_start3A_211 = tpu.memref_slice %arg13[%add3A_89, %dma_start3A_210] : memref<10240x128xf32, #tpu.memory_space<vmem_shared>> -> memref<16x128xf32, #tpu.memory_space<vmem_shared>>
      %dma_start3A_212 = arith.constant 0 : i32
      %dma_start3A_213 = tpu.memref_slice %arg13[%add3A_89, %dma_start3A_212] : memref<10240x128xf32, #tpu.memory_space<vmem_shared>> -> memref<16x128xf32, #tpu.memory_space<vmem_shared>>
      tpu.enqueue_dma source(%arg12 : memref<16x128xf32, #tpu.memory_space<vmem>>) target(%dma_start3A_213 : memref<16x128xf32, #tpu.memory_space<vmem_shared>>) target_semaphore(%run_scoped3A_209 : memref<!tpu.dma_semaphore, #tpu.memory_space<semaphore_mem>>)
      %dma_wait3A = arith.constant 0 : i32
      %dma_wait3A_214 = tpu.memref_slice %arg13[%add3A_89, %dma_wait3A] : memref<10240x128xf32, #tpu.memory_space<vmem_shared>> -> memref<16x128xf32, #tpu.memory_space<vmem_shared>>
      %dma_wait3A_215 = arith.constant 0 : i32
      %dma_wait3A_216 = tpu.memref_slice %arg13[%add3A_89, %dma_wait3A_215] : memref<10240x128xf32, #tpu.memory_space<vmem_shared>> -> memref<16x128xf32, #tpu.memory_space<vmem_shared>>
      tpu.wait_dma2 semaphore(%run_scoped3A_209 : memref<!tpu.dma_semaphore, #tpu.memory_space<semaphore_mem>>) src(%arg12 : memref<16x128xf32, #tpu.memory_space<vmem>>) dst(%dma_wait3A_216 : memref<16x128xf32, #tpu.memory_space<vmem_shared>>)
      tpu.yield
    }) : () -> ()
    %mul3A_90 = arith.constant 640 : i32
    %mul3A_91 = arith.muli %arg1, %mul3A_90 : i32
    %add3A_92 = arith.constant 208 : i32
    %add3A_93 = arith.addi %mul3A_91, %add3A_92 : i32
    "tpu.region"() ({
      %run_scoped3A_209 = tpu.sem_alloc : memref<!tpu.dma_semaphore, #tpu.memory_space<semaphore_mem>>
      %dma_start3A_210 = arith.constant 0 : i32
      %dma_start3A_211 = tpu.memref_slice %arg13[%add3A_93, %dma_start3A_210] : memref<10240x128xf32, #tpu.memory_space<vmem_shared>> -> memref<16x128xf32, #tpu.memory_space<vmem_shared>>
      %dma_start3A_212 = arith.constant 0 : i32
      %dma_start3A_213 = tpu.memref_slice %arg13[%add3A_93, %dma_start3A_212] : memref<10240x128xf32, #tpu.memory_space<vmem_shared>> -> memref<16x128xf32, #tpu.memory_space<vmem_shared>>
      tpu.enqueue_dma source(%arg12 : memref<16x128xf32, #tpu.memory_space<vmem>>) target(%dma_start3A_213 : memref<16x128xf32, #tpu.memory_space<vmem_shared>>) target_semaphore(%run_scoped3A_209 : memref<!tpu.dma_semaphore, #tpu.memory_space<semaphore_mem>>)
      %dma_wait3A = arith.constant 0 : i32
      %dma_wait3A_214 = tpu.memref_slice %arg13[%add3A_93, %dma_wait3A] : memref<10240x128xf32, #tpu.memory_space<vmem_shared>> -> memref<16x128xf32, #tpu.memory_space<vmem_shared>>
      %dma_wait3A_215 = arith.constant 0 : i32
      %dma_wait3A_216 = tpu.memref_slice %arg13[%add3A_93, %dma_wait3A_215] : memref<10240x128xf32, #tpu.memory_space<vmem_shared>> -> memref<16x128xf32, #tpu.memory_space<vmem_shared>>
      tpu.wait_dma2 semaphore(%run_scoped3A_209 : memref<!tpu.dma_semaphore, #tpu.memory_space<semaphore_mem>>) src(%arg12 : memref<16x128xf32, #tpu.memory_space<vmem>>) dst(%dma_wait3A_216 : memref<16x128xf32, #tpu.memory_space<vmem_shared>>)
      tpu.yield
    }) : () -> ()
    %mul3A_94 = arith.constant 640 : i32
    %mul3A_95 = arith.muli %arg1, %mul3A_94 : i32
    %add3A_96 = arith.constant 224 : i32
    %add3A_97 = arith.addi %mul3A_95, %add3A_96 : i32
    "tpu.region"() ({
      %run_scoped3A_209 = tpu.sem_alloc : memref<!tpu.dma_semaphore, #tpu.memory_space<semaphore_mem>>
      %dma_start3A_210 = arith.constant 0 : i32
      %dma_start3A_211 = tpu.memref_slice %arg13[%add3A_97, %dma_start3A_210] : memref<10240x128xf32, #tpu.memory_space<vmem_shared>> -> memref<16x128xf32, #tpu.memory_space<vmem_shared>>
      %dma_start3A_212 = arith.constant 0 : i32
      %dma_start3A_213 = tpu.memref_slice %arg13[%add3A_97, %dma_start3A_212] : memref<10240x128xf32, #tpu.memory_space<vmem_shared>> -> memref<16x128xf32, #tpu.memory_space<vmem_shared>>
      tpu.enqueue_dma source(%arg12 : memref<16x128xf32, #tpu.memory_space<vmem>>) target(%dma_start3A_213 : memref<16x128xf32, #tpu.memory_space<vmem_shared>>) target_semaphore(%run_scoped3A_209 : memref<!tpu.dma_semaphore, #tpu.memory_space<semaphore_mem>>)
      %dma_wait3A = arith.constant 0 : i32
      %dma_wait3A_214 = tpu.memref_slice %arg13[%add3A_97, %dma_wait3A] : memref<10240x128xf32, #tpu.memory_space<vmem_shared>> -> memref<16x128xf32, #tpu.memory_space<vmem_shared>>
      %dma_wait3A_215 = arith.constant 0 : i32
      %dma_wait3A_216 = tpu.memref_slice %arg13[%add3A_97, %dma_wait3A_215] : memref<10240x128xf32, #tpu.memory_space<vmem_shared>> -> memref<16x128xf32, #tpu.memory_space<vmem_shared>>
      tpu.wait_dma2 semaphore(%run_scoped3A_209 : memref<!tpu.dma_semaphore, #tpu.memory_space<semaphore_mem>>) src(%arg12 : memref<16x128xf32, #tpu.memory_space<vmem>>) dst(%dma_wait3A_216 : memref<16x128xf32, #tpu.memory_space<vmem_shared>>)
      tpu.yield
    }) : () -> ()
    %mul3A_98 = arith.constant 640 : i32
    %mul3A_99 = arith.muli %arg1, %mul3A_98 : i32
    %add3A_100 = arith.constant 240 : i32
    %add3A_101 = arith.addi %mul3A_99, %add3A_100 : i32
    "tpu.region"() ({
      %run_scoped3A_209 = tpu.sem_alloc : memref<!tpu.dma_semaphore, #tpu.memory_space<semaphore_mem>>
      %dma_start3A_210 = arith.constant 0 : i32
      %dma_start3A_211 = tpu.memref_slice %arg13[%add3A_101, %dma_start3A_210] : memref<10240x128xf32, #tpu.memory_space<vmem_shared>> -> memref<16x128xf32, #tpu.memory_space<vmem_shared>>
      %dma_start3A_212 = arith.constant 0 : i32
      %dma_start3A_213 = tpu.memref_slice %arg13[%add3A_101, %dma_start3A_212] : memref<10240x128xf32, #tpu.memory_space<vmem_shared>> -> memref<16x128xf32, #tpu.memory_space<vmem_shared>>
      tpu.enqueue_dma source(%arg12 : memref<16x128xf32, #tpu.memory_space<vmem>>) target(%dma_start3A_213 : memref<16x128xf32, #tpu.memory_space<vmem_shared>>) target_semaphore(%run_scoped3A_209 : memref<!tpu.dma_semaphore, #tpu.memory_space<semaphore_mem>>)
      %dma_wait3A = arith.constant 0 : i32
      %dma_wait3A_214 = tpu.memref_slice %arg13[%add3A_101, %dma_wait3A] : memref<10240x128xf32, #tpu.memory_space<vmem_shared>> -> memref<16x128xf32, #tpu.memory_space<vmem_shared>>
      %dma_wait3A_215 = arith.constant 0 : i32
      %dma_wait3A_216 = tpu.memref_slice %arg13[%add3A_101, %dma_wait3A_215] : memref<10240x128xf32, #tpu.memory_space<vmem_shared>> -> memref<16x128xf32, #tpu.memory_space<vmem_shared>>
      tpu.wait_dma2 semaphore(%run_scoped3A_209 : memref<!tpu.dma_semaphore, #tpu.memory_space<semaphore_mem>>) src(%arg12 : memref<16x128xf32, #tpu.memory_space<vmem>>) dst(%dma_wait3A_216 : memref<16x128xf32, #tpu.memory_space<vmem_shared>>)
      tpu.yield
    }) : () -> ()
    %mul3A_102 = arith.constant 640 : i32
    %mul3A_103 = arith.muli %arg1, %mul3A_102 : i32
    %add3A_104 = arith.constant 256 : i32
    %add3A_105 = arith.addi %mul3A_103, %add3A_104 : i32
    "tpu.region"() ({
      %run_scoped3A_209 = tpu.sem_alloc : memref<!tpu.dma_semaphore, #tpu.memory_space<semaphore_mem>>
      %dma_start3A_210 = arith.constant 0 : i32
      %dma_start3A_211 = tpu.memref_slice %arg13[%add3A_105, %dma_start3A_210] : memref<10240x128xf32, #tpu.memory_space<vmem_shared>> -> memref<16x128xf32, #tpu.memory_space<vmem_shared>>
      %dma_start3A_212 = arith.constant 0 : i32
      %dma_start3A_213 = tpu.memref_slice %arg13[%add3A_105, %dma_start3A_212] : memref<10240x128xf32, #tpu.memory_space<vmem_shared>> -> memref<16x128xf32, #tpu.memory_space<vmem_shared>>
      tpu.enqueue_dma source(%arg12 : memref<16x128xf32, #tpu.memory_space<vmem>>) target(%dma_start3A_213 : memref<16x128xf32, #tpu.memory_space<vmem_shared>>) target_semaphore(%run_scoped3A_209 : memref<!tpu.dma_semaphore, #tpu.memory_space<semaphore_mem>>)
      %dma_wait3A = arith.constant 0 : i32
      %dma_wait3A_214 = tpu.memref_slice %arg13[%add3A_105, %dma_wait3A] : memref<10240x128xf32, #tpu.memory_space<vmem_shared>> -> memref<16x128xf32, #tpu.memory_space<vmem_shared>>
      %dma_wait3A_215 = arith.constant 0 : i32
      %dma_wait3A_216 = tpu.memref_slice %arg13[%add3A_105, %dma_wait3A_215] : memref<10240x128xf32, #tpu.memory_space<vmem_shared>> -> memref<16x128xf32, #tpu.memory_space<vmem_shared>>
      tpu.wait_dma2 semaphore(%run_scoped3A_209 : memref<!tpu.dma_semaphore, #tpu.memory_space<semaphore_mem>>) src(%arg12 : memref<16x128xf32, #tpu.memory_space<vmem>>) dst(%dma_wait3A_216 : memref<16x128xf32, #tpu.memory_space<vmem_shared>>)
      tpu.yield
    }) : () -> ()
    %mul3A_106 = arith.constant 640 : i32
    %mul3A_107 = arith.muli %arg1, %mul3A_106 : i32
    %add3A_108 = arith.constant 272 : i32
    %add3A_109 = arith.addi %mul3A_107, %add3A_108 : i32
    "tpu.region"() ({
      %run_scoped3A_209 = tpu.sem_alloc : memref<!tpu.dma_semaphore, #tpu.memory_space<semaphore_mem>>
      %dma_start3A_210 = arith.constant 0 : i32
      %dma_start3A_211 = tpu.memref_slice %arg13[%add3A_109, %dma_start3A_210] : memref<10240x128xf32, #tpu.memory_space<vmem_shared>> -> memref<16x128xf32, #tpu.memory_space<vmem_shared>>
      %dma_start3A_212 = arith.constant 0 : i32
      %dma_start3A_213 = tpu.memref_slice %arg13[%add3A_109, %dma_start3A_212] : memref<10240x128xf32, #tpu.memory_space<vmem_shared>> -> memref<16x128xf32, #tpu.memory_space<vmem_shared>>
      tpu.enqueue_dma source(%arg12 : memref<16x128xf32, #tpu.memory_space<vmem>>) target(%dma_start3A_213 : memref<16x128xf32, #tpu.memory_space<vmem_shared>>) target_semaphore(%run_scoped3A_209 : memref<!tpu.dma_semaphore, #tpu.memory_space<semaphore_mem>>)
      %dma_wait3A = arith.constant 0 : i32
      %dma_wait3A_214 = tpu.memref_slice %arg13[%add3A_109, %dma_wait3A] : memref<10240x128xf32, #tpu.memory_space<vmem_shared>> -> memref<16x128xf32, #tpu.memory_space<vmem_shared>>
      %dma_wait3A_215 = arith.constant 0 : i32
      %dma_wait3A_216 = tpu.memref_slice %arg13[%add3A_109, %dma_wait3A_215] : memref<10240x128xf32, #tpu.memory_space<vmem_shared>> -> memref<16x128xf32, #tpu.memory_space<vmem_shared>>
      tpu.wait_dma2 semaphore(%run_scoped3A_209 : memref<!tpu.dma_semaphore, #tpu.memory_space<semaphore_mem>>) src(%arg12 : memref<16x128xf32, #tpu.memory_space<vmem>>) dst(%dma_wait3A_216 : memref<16x128xf32, #tpu.memory_space<vmem_shared>>)
      tpu.yield
    }) : () -> ()
    %mul3A_110 = arith.constant 640 : i32
    %mul3A_111 = arith.muli %arg1, %mul3A_110 : i32
    %add3A_112 = arith.constant 288 : i32
    %add3A_113 = arith.addi %mul3A_111, %add3A_112 : i32
    "tpu.region"() ({
      %run_scoped3A_209 = tpu.sem_alloc : memref<!tpu.dma_semaphore, #tpu.memory_space<semaphore_mem>>
      %dma_start3A_210 = arith.constant 0 : i32
      %dma_start3A_211 = tpu.memref_slice %arg13[%add3A_113, %dma_start3A_210] : memref<10240x128xf32, #tpu.memory_space<vmem_shared>> -> memref<16x128xf32, #tpu.memory_space<vmem_shared>>
      %dma_start3A_212 = arith.constant 0 : i32
      %dma_start3A_213 = tpu.memref_slice %arg13[%add3A_113, %dma_start3A_212] : memref<10240x128xf32, #tpu.memory_space<vmem_shared>> -> memref<16x128xf32, #tpu.memory_space<vmem_shared>>
      tpu.enqueue_dma source(%arg12 : memref<16x128xf32, #tpu.memory_space<vmem>>) target(%dma_start3A_213 : memref<16x128xf32, #tpu.memory_space<vmem_shared>>) target_semaphore(%run_scoped3A_209 : memref<!tpu.dma_semaphore, #tpu.memory_space<semaphore_mem>>)
      %dma_wait3A = arith.constant 0 : i32
      %dma_wait3A_214 = tpu.memref_slice %arg13[%add3A_113, %dma_wait3A] : memref<10240x128xf32, #tpu.memory_space<vmem_shared>> -> memref<16x128xf32, #tpu.memory_space<vmem_shared>>
      %dma_wait3A_215 = arith.constant 0 : i32
      %dma_wait3A_216 = tpu.memref_slice %arg13[%add3A_113, %dma_wait3A_215] : memref<10240x128xf32, #tpu.memory_space<vmem_shared>> -> memref<16x128xf32, #tpu.memory_space<vmem_shared>>
      tpu.wait_dma2 semaphore(%run_scoped3A_209 : memref<!tpu.dma_semaphore, #tpu.memory_space<semaphore_mem>>) src(%arg12 : memref<16x128xf32, #tpu.memory_space<vmem>>) dst(%dma_wait3A_216 : memref<16x128xf32, #tpu.memory_space<vmem_shared>>)
      tpu.yield
    }) : () -> ()
    %mul3A_114 = arith.constant 640 : i32
    %mul3A_115 = arith.muli %arg1, %mul3A_114 : i32
    %add3A_116 = arith.constant 304 : i32
    %add3A_117 = arith.addi %mul3A_115, %add3A_116 : i32
    "tpu.region"() ({
      %run_scoped3A_209 = tpu.sem_alloc : memref<!tpu.dma_semaphore, #tpu.memory_space<semaphore_mem>>
      %dma_start3A_210 = arith.constant 0 : i32
      %dma_start3A_211 = tpu.memref_slice %arg13[%add3A_117, %dma_start3A_210] : memref<10240x128xf32, #tpu.memory_space<vmem_shared>> -> memref<16x128xf32, #tpu.memory_space<vmem_shared>>
      %dma_start3A_212 = arith.constant 0 : i32
      %dma_start3A_213 = tpu.memref_slice %arg13[%add3A_117, %dma_start3A_212] : memref<10240x128xf32, #tpu.memory_space<vmem_shared>> -> memref<16x128xf32, #tpu.memory_space<vmem_shared>>
      tpu.enqueue_dma source(%arg12 : memref<16x128xf32, #tpu.memory_space<vmem>>) target(%dma_start3A_213 : memref<16x128xf32, #tpu.memory_space<vmem_shared>>) target_semaphore(%run_scoped3A_209 : memref<!tpu.dma_semaphore, #tpu.memory_space<semaphore_mem>>)
      %dma_wait3A = arith.constant 0 : i32
      %dma_wait3A_214 = tpu.memref_slice %arg13[%add3A_117, %dma_wait3A] : memref<10240x128xf32, #tpu.memory_space<vmem_shared>> -> memref<16x128xf32, #tpu.memory_space<vmem_shared>>
      %dma_wait3A_215 = arith.constant 0 : i32
      %dma_wait3A_216 = tpu.memref_slice %arg13[%add3A_117, %dma_wait3A_215] : memref<10240x128xf32, #tpu.memory_space<vmem_shared>> -> memref<16x128xf32, #tpu.memory_space<vmem_shared>>
      tpu.wait_dma2 semaphore(%run_scoped3A_209 : memref<!tpu.dma_semaphore, #tpu.memory_space<semaphore_mem>>) src(%arg12 : memref<16x128xf32, #tpu.memory_space<vmem>>) dst(%dma_wait3A_216 : memref<16x128xf32, #tpu.memory_space<vmem_shared>>)
      tpu.yield
    }) : () -> ()
    %mul3A_118 = arith.constant 640 : i32
    %mul3A_119 = arith.muli %arg1, %mul3A_118 : i32
    %add3A_120 = arith.constant 320 : i32
    %add3A_121 = arith.addi %mul3A_119, %add3A_120 : i32
    "tpu.region"() ({
      %run_scoped3A_209 = tpu.sem_alloc : memref<!tpu.dma_semaphore, #tpu.memory_space<semaphore_mem>>
      %dma_start3A_210 = arith.constant 0 : i32
      %dma_start3A_211 = tpu.memref_slice %arg13[%add3A_121, %dma_start3A_210] : memref<10240x128xf32, #tpu.memory_space<vmem_shared>> -> memref<16x128xf32, #tpu.memory_space<vmem_shared>>
      %dma_start3A_212 = arith.constant 0 : i32
      %dma_start3A_213 = tpu.memref_slice %arg13[%add3A_121, %dma_start3A_212] : memref<10240x128xf32, #tpu.memory_space<vmem_shared>> -> memref<16x128xf32, #tpu.memory_space<vmem_shared>>
      tpu.enqueue_dma source(%arg12 : memref<16x128xf32, #tpu.memory_space<vmem>>) target(%dma_start3A_213 : memref<16x128xf32, #tpu.memory_space<vmem_shared>>) target_semaphore(%run_scoped3A_209 : memref<!tpu.dma_semaphore, #tpu.memory_space<semaphore_mem>>)
      %dma_wait3A = arith.constant 0 : i32
      %dma_wait3A_214 = tpu.memref_slice %arg13[%add3A_121, %dma_wait3A] : memref<10240x128xf32, #tpu.memory_space<vmem_shared>> -> memref<16x128xf32, #tpu.memory_space<vmem_shared>>
      %dma_wait3A_215 = arith.constant 0 : i32
      %dma_wait3A_216 = tpu.memref_slice %arg13[%add3A_121, %dma_wait3A_215] : memref<10240x128xf32, #tpu.memory_space<vmem_shared>> -> memref<16x128xf32, #tpu.memory_space<vmem_shared>>
      tpu.wait_dma2 semaphore(%run_scoped3A_209 : memref<!tpu.dma_semaphore, #tpu.memory_space<semaphore_mem>>) src(%arg12 : memref<16x128xf32, #tpu.memory_space<vmem>>) dst(%dma_wait3A_216 : memref<16x128xf32, #tpu.memory_space<vmem_shared>>)
      tpu.yield
    }) : () -> ()
    %mul3A_122 = arith.constant 640 : i32
    %mul3A_123 = arith.muli %arg1, %mul3A_122 : i32
    %add3A_124 = arith.constant 336 : i32
    %add3A_125 = arith.addi %mul3A_123, %add3A_124 : i32
    "tpu.region"() ({
      %run_scoped3A_209 = tpu.sem_alloc : memref<!tpu.dma_semaphore, #tpu.memory_space<semaphore_mem>>
      %dma_start3A_210 = arith.constant 0 : i32
      %dma_start3A_211 = tpu.memref_slice %arg13[%add3A_125, %dma_start3A_210] : memref<10240x128xf32, #tpu.memory_space<vmem_shared>> -> memref<16x128xf32, #tpu.memory_space<vmem_shared>>
      %dma_start3A_212 = arith.constant 0 : i32
      %dma_start3A_213 = tpu.memref_slice %arg13[%add3A_125, %dma_start3A_212] : memref<10240x128xf32, #tpu.memory_space<vmem_shared>> -> memref<16x128xf32, #tpu.memory_space<vmem_shared>>
      tpu.enqueue_dma source(%arg12 : memref<16x128xf32, #tpu.memory_space<vmem>>) target(%dma_start3A_213 : memref<16x128xf32, #tpu.memory_space<vmem_shared>>) target_semaphore(%run_scoped3A_209 : memref<!tpu.dma_semaphore, #tpu.memory_space<semaphore_mem>>)
      %dma_wait3A = arith.constant 0 : i32
      %dma_wait3A_214 = tpu.memref_slice %arg13[%add3A_125, %dma_wait3A] : memref<10240x128xf32, #tpu.memory_space<vmem_shared>> -> memref<16x128xf32, #tpu.memory_space<vmem_shared>>
      %dma_wait3A_215 = arith.constant 0 : i32
      %dma_wait3A_216 = tpu.memref_slice %arg13[%add3A_125, %dma_wait3A_215] : memref<10240x128xf32, #tpu.memory_space<vmem_shared>> -> memref<16x128xf32, #tpu.memory_space<vmem_shared>>
      tpu.wait_dma2 semaphore(%run_scoped3A_209 : memref<!tpu.dma_semaphore, #tpu.memory_space<semaphore_mem>>) src(%arg12 : memref<16x128xf32, #tpu.memory_space<vmem>>) dst(%dma_wait3A_216 : memref<16x128xf32, #tpu.memory_space<vmem_shared>>)
      tpu.yield
    }) : () -> ()
    %mul3A_126 = arith.constant 640 : i32
    %mul3A_127 = arith.muli %arg1, %mul3A_126 : i32
    %add3A_128 = arith.constant 352 : i32
    %add3A_129 = arith.addi %mul3A_127, %add3A_128 : i32
    "tpu.region"() ({
      %run_scoped3A_209 = tpu.sem_alloc : memref<!tpu.dma_semaphore, #tpu.memory_space<semaphore_mem>>
      %dma_start3A_210 = arith.constant 0 : i32
      %dma_start3A_211 = tpu.memref_slice %arg13[%add3A_129, %dma_start3A_210] : memref<10240x128xf32, #tpu.memory_space<vmem_shared>> -> memref<16x128xf32, #tpu.memory_space<vmem_shared>>
      %dma_start3A_212 = arith.constant 0 : i32
      %dma_start3A_213 = tpu.memref_slice %arg13[%add3A_129, %dma_start3A_212] : memref<10240x128xf32, #tpu.memory_space<vmem_shared>> -> memref<16x128xf32, #tpu.memory_space<vmem_shared>>
      tpu.enqueue_dma source(%arg12 : memref<16x128xf32, #tpu.memory_space<vmem>>) target(%dma_start3A_213 : memref<16x128xf32, #tpu.memory_space<vmem_shared>>) target_semaphore(%run_scoped3A_209 : memref<!tpu.dma_semaphore, #tpu.memory_space<semaphore_mem>>)
      %dma_wait3A = arith.constant 0 : i32
      %dma_wait3A_214 = tpu.memref_slice %arg13[%add3A_129, %dma_wait3A] : memref<10240x128xf32, #tpu.memory_space<vmem_shared>> -> memref<16x128xf32, #tpu.memory_space<vmem_shared>>
      %dma_wait3A_215 = arith.constant 0 : i32
      %dma_wait3A_216 = tpu.memref_slice %arg13[%add3A_129, %dma_wait3A_215] : memref<10240x128xf32, #tpu.memory_space<vmem_shared>> -> memref<16x128xf32, #tpu.memory_space<vmem_shared>>
      tpu.wait_dma2 semaphore(%run_scoped3A_209 : memref<!tpu.dma_semaphore, #tpu.memory_space<semaphore_mem>>) src(%arg12 : memref<16x128xf32, #tpu.memory_space<vmem>>) dst(%dma_wait3A_216 : memref<16x128xf32, #tpu.memory_space<vmem_shared>>)
      tpu.yield
    }) : () -> ()
    %mul3A_130 = arith.constant 640 : i32
    %mul3A_131 = arith.muli %arg1, %mul3A_130 : i32
    %add3A_132 = arith.constant 368 : i32
    %add3A_133 = arith.addi %mul3A_131, %add3A_132 : i32
    "tpu.region"() ({
      %run_scoped3A_209 = tpu.sem_alloc : memref<!tpu.dma_semaphore, #tpu.memory_space<semaphore_mem>>
      %dma_start3A_210 = arith.constant 0 : i32
      %dma_start3A_211 = tpu.memref_slice %arg13[%add3A_133, %dma_start3A_210] : memref<10240x128xf32, #tpu.memory_space<vmem_shared>> -> memref<16x128xf32, #tpu.memory_space<vmem_shared>>
      %dma_start3A_212 = arith.constant 0 : i32
      %dma_start3A_213 = tpu.memref_slice %arg13[%add3A_133, %dma_start3A_212] : memref<10240x128xf32, #tpu.memory_space<vmem_shared>> -> memref<16x128xf32, #tpu.memory_space<vmem_shared>>
      tpu.enqueue_dma source(%arg12 : memref<16x128xf32, #tpu.memory_space<vmem>>) target(%dma_start3A_213 : memref<16x128xf32, #tpu.memory_space<vmem_shared>>) target_semaphore(%run_scoped3A_209 : memref<!tpu.dma_semaphore, #tpu.memory_space<semaphore_mem>>)
      %dma_wait3A = arith.constant 0 : i32
      %dma_wait3A_214 = tpu.memref_slice %arg13[%add3A_133, %dma_wait3A] : memref<10240x128xf32, #tpu.memory_space<vmem_shared>> -> memref<16x128xf32, #tpu.memory_space<vmem_shared>>
      %dma_wait3A_215 = arith.constant 0 : i32
      %dma_wait3A_216 = tpu.memref_slice %arg13[%add3A_133, %dma_wait3A_215] : memref<10240x128xf32, #tpu.memory_space<vmem_shared>> -> memref<16x128xf32, #tpu.memory_space<vmem_shared>>
      tpu.wait_dma2 semaphore(%run_scoped3A_209 : memref<!tpu.dma_semaphore, #tpu.memory_space<semaphore_mem>>) src(%arg12 : memref<16x128xf32, #tpu.memory_space<vmem>>) dst(%dma_wait3A_216 : memref<16x128xf32, #tpu.memory_space<vmem_shared>>)
      tpu.yield
    }) : () -> ()
    %mul3A_134 = arith.constant 640 : i32
    %mul3A_135 = arith.muli %arg1, %mul3A_134 : i32
    %add3A_136 = arith.constant 384 : i32
    %add3A_137 = arith.addi %mul3A_135, %add3A_136 : i32
    "tpu.region"() ({
      %run_scoped3A_209 = tpu.sem_alloc : memref<!tpu.dma_semaphore, #tpu.memory_space<semaphore_mem>>
      %dma_start3A_210 = arith.constant 0 : i32
      %dma_start3A_211 = tpu.memref_slice %arg13[%add3A_137, %dma_start3A_210] : memref<10240x128xf32, #tpu.memory_space<vmem_shared>> -> memref<16x128xf32, #tpu.memory_space<vmem_shared>>
      %dma_start3A_212 = arith.constant 0 : i32
      %dma_start3A_213 = tpu.memref_slice %arg13[%add3A_137, %dma_start3A_212] : memref<10240x128xf32, #tpu.memory_space<vmem_shared>> -> memref<16x128xf32, #tpu.memory_space<vmem_shared>>
      tpu.enqueue_dma source(%arg12 : memref<16x128xf32, #tpu.memory_space<vmem>>) target(%dma_start3A_213 : memref<16x128xf32, #tpu.memory_space<vmem_shared>>) target_semaphore(%run_scoped3A_209 : memref<!tpu.dma_semaphore, #tpu.memory_space<semaphore_mem>>)
      %dma_wait3A = arith.constant 0 : i32
      %dma_wait3A_214 = tpu.memref_slice %arg13[%add3A_137, %dma_wait3A] : memref<10240x128xf32, #tpu.memory_space<vmem_shared>> -> memref<16x128xf32, #tpu.memory_space<vmem_shared>>
      %dma_wait3A_215 = arith.constant 0 : i32
      %dma_wait3A_216 = tpu.memref_slice %arg13[%add3A_137, %dma_wait3A_215] : memref<10240x128xf32, #tpu.memory_space<vmem_shared>> -> memref<16x128xf32, #tpu.memory_space<vmem_shared>>
      tpu.wait_dma2 semaphore(%run_scoped3A_209 : memref<!tpu.dma_semaphore, #tpu.memory_space<semaphore_mem>>) src(%arg12 : memref<16x128xf32, #tpu.memory_space<vmem>>) dst(%dma_wait3A_216 : memref<16x128xf32, #tpu.memory_space<vmem_shared>>)
      tpu.yield
    }) : () -> ()
    %mul3A_138 = arith.constant 640 : i32
    %mul3A_139 = arith.muli %arg1, %mul3A_138 : i32
    %add3A_140 = arith.constant 400 : i32
    %add3A_141 = arith.addi %mul3A_139, %add3A_140 : i32
    "tpu.region"() ({
      %run_scoped3A_209 = tpu.sem_alloc : memref<!tpu.dma_semaphore, #tpu.memory_space<semaphore_mem>>
      %dma_start3A_210 = arith.constant 0 : i32
      %dma_start3A_211 = tpu.memref_slice %arg13[%add3A_141, %dma_start3A_210] : memref<10240x128xf32, #tpu.memory_space<vmem_shared>> -> memref<16x128xf32, #tpu.memory_space<vmem_shared>>
      %dma_start3A_212 = arith.constant 0 : i32
      %dma_start3A_213 = tpu.memref_slice %arg13[%add3A_141, %dma_start3A_212] : memref<10240x128xf32, #tpu.memory_space<vmem_shared>> -> memref<16x128xf32, #tpu.memory_space<vmem_shared>>
      tpu.enqueue_dma source(%arg12 : memref<16x128xf32, #tpu.memory_space<vmem>>) target(%dma_start3A_213 : memref<16x128xf32, #tpu.memory_space<vmem_shared>>) target_semaphore(%run_scoped3A_209 : memref<!tpu.dma_semaphore, #tpu.memory_space<semaphore_mem>>)
      %dma_wait3A = arith.constant 0 : i32
      %dma_wait3A_214 = tpu.memref_slice %arg13[%add3A_141, %dma_wait3A] : memref<10240x128xf32, #tpu.memory_space<vmem_shared>> -> memref<16x128xf32, #tpu.memory_space<vmem_shared>>
      %dma_wait3A_215 = arith.constant 0 : i32
      %dma_wait3A_216 = tpu.memref_slice %arg13[%add3A_141, %dma_wait3A_215] : memref<10240x128xf32, #tpu.memory_space<vmem_shared>> -> memref<16x128xf32, #tpu.memory_space<vmem_shared>>
      tpu.wait_dma2 semaphore(%run_scoped3A_209 : memref<!tpu.dma_semaphore, #tpu.memory_space<semaphore_mem>>) src(%arg12 : memref<16x128xf32, #tpu.memory_space<vmem>>) dst(%dma_wait3A_216 : memref<16x128xf32, #tpu.memory_space<vmem_shared>>)
      tpu.yield
    }) : () -> ()
    %mul3A_142 = arith.constant 640 : i32
    %mul3A_143 = arith.muli %arg1, %mul3A_142 : i32
    %add3A_144 = arith.constant 416 : i32
    %add3A_145 = arith.addi %mul3A_143, %add3A_144 : i32
    "tpu.region"() ({
      %run_scoped3A_209 = tpu.sem_alloc : memref<!tpu.dma_semaphore, #tpu.memory_space<semaphore_mem>>
      %dma_start3A_210 = arith.constant 0 : i32
      %dma_start3A_211 = tpu.memref_slice %arg13[%add3A_145, %dma_start3A_210] : memref<10240x128xf32, #tpu.memory_space<vmem_shared>> -> memref<16x128xf32, #tpu.memory_space<vmem_shared>>
      %dma_start3A_212 = arith.constant 0 : i32
      %dma_start3A_213 = tpu.memref_slice %arg13[%add3A_145, %dma_start3A_212] : memref<10240x128xf32, #tpu.memory_space<vmem_shared>> -> memref<16x128xf32, #tpu.memory_space<vmem_shared>>
      tpu.enqueue_dma source(%arg12 : memref<16x128xf32, #tpu.memory_space<vmem>>) target(%dma_start3A_213 : memref<16x128xf32, #tpu.memory_space<vmem_shared>>) target_semaphore(%run_scoped3A_209 : memref<!tpu.dma_semaphore, #tpu.memory_space<semaphore_mem>>)
      %dma_wait3A = arith.constant 0 : i32
      %dma_wait3A_214 = tpu.memref_slice %arg13[%add3A_145, %dma_wait3A] : memref<10240x128xf32, #tpu.memory_space<vmem_shared>> -> memref<16x128xf32, #tpu.memory_space<vmem_shared>>
      %dma_wait3A_215 = arith.constant 0 : i32
      %dma_wait3A_216 = tpu.memref_slice %arg13[%add3A_145, %dma_wait3A_215] : memref<10240x128xf32, #tpu.memory_space<vmem_shared>> -> memref<16x128xf32, #tpu.memory_space<vmem_shared>>
      tpu.wait_dma2 semaphore(%run_scoped3A_209 : memref<!tpu.dma_semaphore, #tpu.memory_space<semaphore_mem>>) src(%arg12 : memref<16x128xf32, #tpu.memory_space<vmem>>) dst(%dma_wait3A_216 : memref<16x128xf32, #tpu.memory_space<vmem_shared>>)
      tpu.yield
    }) : () -> ()
    %mul3A_146 = arith.constant 640 : i32
    %mul3A_147 = arith.muli %arg1, %mul3A_146 : i32
    %add3A_148 = arith.constant 432 : i32
    %add3A_149 = arith.addi %mul3A_147, %add3A_148 : i32
    "tpu.region"() ({
      %run_scoped3A_209 = tpu.sem_alloc : memref<!tpu.dma_semaphore, #tpu.memory_space<semaphore_mem>>
      %dma_start3A_210 = arith.constant 0 : i32
      %dma_start3A_211 = tpu.memref_slice %arg13[%add3A_149, %dma_start3A_210] : memref<10240x128xf32, #tpu.memory_space<vmem_shared>> -> memref<16x128xf32, #tpu.memory_space<vmem_shared>>
      %dma_start3A_212 = arith.constant 0 : i32
      %dma_start3A_213 = tpu.memref_slice %arg13[%add3A_149, %dma_start3A_212] : memref<10240x128xf32, #tpu.memory_space<vmem_shared>> -> memref<16x128xf32, #tpu.memory_space<vmem_shared>>
      tpu.enqueue_dma source(%arg12 : memref<16x128xf32, #tpu.memory_space<vmem>>) target(%dma_start3A_213 : memref<16x128xf32, #tpu.memory_space<vmem_shared>>) target_semaphore(%run_scoped3A_209 : memref<!tpu.dma_semaphore, #tpu.memory_space<semaphore_mem>>)
      %dma_wait3A = arith.constant 0 : i32
      %dma_wait3A_214 = tpu.memref_slice %arg13[%add3A_149, %dma_wait3A] : memref<10240x128xf32, #tpu.memory_space<vmem_shared>> -> memref<16x128xf32, #tpu.memory_space<vmem_shared>>
      %dma_wait3A_215 = arith.constant 0 : i32
      %dma_wait3A_216 = tpu.memref_slice %arg13[%add3A_149, %dma_wait3A_215] : memref<10240x128xf32, #tpu.memory_space<vmem_shared>> -> memref<16x128xf32, #tpu.memory_space<vmem_shared>>
      tpu.wait_dma2 semaphore(%run_scoped3A_209 : memref<!tpu.dma_semaphore, #tpu.memory_space<semaphore_mem>>) src(%arg12 : memref<16x128xf32, #tpu.memory_space<vmem>>) dst(%dma_wait3A_216 : memref<16x128xf32, #tpu.memory_space<vmem_shared>>)
      tpu.yield
    }) : () -> ()
    %mul3A_150 = arith.constant 640 : i32
    %mul3A_151 = arith.muli %arg1, %mul3A_150 : i32
    %add3A_152 = arith.constant 448 : i32
    %add3A_153 = arith.addi %mul3A_151, %add3A_152 : i32
    "tpu.region"() ({
      %run_scoped3A_209 = tpu.sem_alloc : memref<!tpu.dma_semaphore, #tpu.memory_space<semaphore_mem>>
      %dma_start3A_210 = arith.constant 0 : i32
      %dma_start3A_211 = tpu.memref_slice %arg13[%add3A_153, %dma_start3A_210] : memref<10240x128xf32, #tpu.memory_space<vmem_shared>> -> memref<16x128xf32, #tpu.memory_space<vmem_shared>>
      %dma_start3A_212 = arith.constant 0 : i32
      %dma_start3A_213 = tpu.memref_slice %arg13[%add3A_153, %dma_start3A_212] : memref<10240x128xf32, #tpu.memory_space<vmem_shared>> -> memref<16x128xf32, #tpu.memory_space<vmem_shared>>
      tpu.enqueue_dma source(%arg12 : memref<16x128xf32, #tpu.memory_space<vmem>>) target(%dma_start3A_213 : memref<16x128xf32, #tpu.memory_space<vmem_shared>>) target_semaphore(%run_scoped3A_209 : memref<!tpu.dma_semaphore, #tpu.memory_space<semaphore_mem>>)
      %dma_wait3A = arith.constant 0 : i32
      %dma_wait3A_214 = tpu.memref_slice %arg13[%add3A_153, %dma_wait3A] : memref<10240x128xf32, #tpu.memory_space<vmem_shared>> -> memref<16x128xf32, #tpu.memory_space<vmem_shared>>
      %dma_wait3A_215 = arith.constant 0 : i32
      %dma_wait3A_216 = tpu.memref_slice %arg13[%add3A_153, %dma_wait3A_215] : memref<10240x128xf32, #tpu.memory_space<vmem_shared>> -> memref<16x128xf32, #tpu.memory_space<vmem_shared>>
      tpu.wait_dma2 semaphore(%run_scoped3A_209 : memref<!tpu.dma_semaphore, #tpu.memory_space<semaphore_mem>>) src(%arg12 : memref<16x128xf32, #tpu.memory_space<vmem>>) dst(%dma_wait3A_216 : memref<16x128xf32, #tpu.memory_space<vmem_shared>>)
      tpu.yield
    }) : () -> ()
    %mul3A_154 = arith.constant 640 : i32
    %mul3A_155 = arith.muli %arg1, %mul3A_154 : i32
    %add3A_156 = arith.constant 464 : i32
    %add3A_157 = arith.addi %mul3A_155, %add3A_156 : i32
    "tpu.region"() ({
      %run_scoped3A_209 = tpu.sem_alloc : memref<!tpu.dma_semaphore, #tpu.memory_space<semaphore_mem>>
      %dma_start3A_210 = arith.constant 0 : i32
      %dma_start3A_211 = tpu.memref_slice %arg13[%add3A_157, %dma_start3A_210] : memref<10240x128xf32, #tpu.memory_space<vmem_shared>> -> memref<16x128xf32, #tpu.memory_space<vmem_shared>>
      %dma_start3A_212 = arith.constant 0 : i32
      %dma_start3A_213 = tpu.memref_slice %arg13[%add3A_157, %dma_start3A_212] : memref<10240x128xf32, #tpu.memory_space<vmem_shared>> -> memref<16x128xf32, #tpu.memory_space<vmem_shared>>
      tpu.enqueue_dma source(%arg12 : memref<16x128xf32, #tpu.memory_space<vmem>>) target(%dma_start3A_213 : memref<16x128xf32, #tpu.memory_space<vmem_shared>>) target_semaphore(%run_scoped3A_209 : memref<!tpu.dma_semaphore, #tpu.memory_space<semaphore_mem>>)
      %dma_wait3A = arith.constant 0 : i32
      %dma_wait3A_214 = tpu.memref_slice %arg13[%add3A_157, %dma_wait3A] : memref<10240x128xf32, #tpu.memory_space<vmem_shared>> -> memref<16x128xf32, #tpu.memory_space<vmem_shared>>
      %dma_wait3A_215 = arith.constant 0 : i32
      %dma_wait3A_216 = tpu.memref_slice %arg13[%add3A_157, %dma_wait3A_215] : memref<10240x128xf32, #tpu.memory_space<vmem_shared>> -> memref<16x128xf32, #tpu.memory_space<vmem_shared>>
      tpu.wait_dma2 semaphore(%run_scoped3A_209 : memref<!tpu.dma_semaphore, #tpu.memory_space<semaphore_mem>>) src(%arg12 : memref<16x128xf32, #tpu.memory_space<vmem>>) dst(%dma_wait3A_216 : memref<16x128xf32, #tpu.memory_space<vmem_shared>>)
      tpu.yield
    }) : () -> ()
    %mul3A_158 = arith.constant 640 : i32
    %mul3A_159 = arith.muli %arg1, %mul3A_158 : i32
    %add3A_160 = arith.constant 480 : i32
    %add3A_161 = arith.addi %mul3A_159, %add3A_160 : i32
    "tpu.region"() ({
      %run_scoped3A_209 = tpu.sem_alloc : memref<!tpu.dma_semaphore, #tpu.memory_space<semaphore_mem>>
      %dma_start3A_210 = arith.constant 0 : i32
      %dma_start3A_211 = tpu.memref_slice %arg13[%add3A_161, %dma_start3A_210] : memref<10240x128xf32, #tpu.memory_space<vmem_shared>> -> memref<16x128xf32, #tpu.memory_space<vmem_shared>>
      %dma_start3A_212 = arith.constant 0 : i32
      %dma_start3A_213 = tpu.memref_slice %arg13[%add3A_161, %dma_start3A_212] : memref<10240x128xf32, #tpu.memory_space<vmem_shared>> -> memref<16x128xf32, #tpu.memory_space<vmem_shared>>
      tpu.enqueue_dma source(%arg12 : memref<16x128xf32, #tpu.memory_space<vmem>>) target(%dma_start3A_213 : memref<16x128xf32, #tpu.memory_space<vmem_shared>>) target_semaphore(%run_scoped3A_209 : memref<!tpu.dma_semaphore, #tpu.memory_space<semaphore_mem>>)
      %dma_wait3A = arith.constant 0 : i32
      %dma_wait3A_214 = tpu.memref_slice %arg13[%add3A_161, %dma_wait3A] : memref<10240x128xf32, #tpu.memory_space<vmem_shared>> -> memref<16x128xf32, #tpu.memory_space<vmem_shared>>
      %dma_wait3A_215 = arith.constant 0 : i32
      %dma_wait3A_216 = tpu.memref_slice %arg13[%add3A_161, %dma_wait3A_215] : memref<10240x128xf32, #tpu.memory_space<vmem_shared>> -> memref<16x128xf32, #tpu.memory_space<vmem_shared>>
      tpu.wait_dma2 semaphore(%run_scoped3A_209 : memref<!tpu.dma_semaphore, #tpu.memory_space<semaphore_mem>>) src(%arg12 : memref<16x128xf32, #tpu.memory_space<vmem>>) dst(%dma_wait3A_216 : memref<16x128xf32, #tpu.memory_space<vmem_shared>>)
      tpu.yield
    }) : () -> ()
    %mul3A_162 = arith.constant 640 : i32
    %mul3A_163 = arith.muli %arg1, %mul3A_162 : i32
    %add3A_164 = arith.constant 496 : i32
    %add3A_165 = arith.addi %mul3A_163, %add3A_164 : i32
    "tpu.region"() ({
      %run_scoped3A_209 = tpu.sem_alloc : memref<!tpu.dma_semaphore, #tpu.memory_space<semaphore_mem>>
      %dma_start3A_210 = arith.constant 0 : i32
      %dma_start3A_211 = tpu.memref_slice %arg13[%add3A_165, %dma_start3A_210] : memref<10240x128xf32, #tpu.memory_space<vmem_shared>> -> memref<16x128xf32, #tpu.memory_space<vmem_shared>>
      %dma_start3A_212 = arith.constant 0 : i32
      %dma_start3A_213 = tpu.memref_slice %arg13[%add3A_165, %dma_start3A_212] : memref<10240x128xf32, #tpu.memory_space<vmem_shared>> -> memref<16x128xf32, #tpu.memory_space<vmem_shared>>
      tpu.enqueue_dma source(%arg12 : memref<16x128xf32, #tpu.memory_space<vmem>>) target(%dma_start3A_213 : memref<16x128xf32, #tpu.memory_space<vmem_shared>>) target_semaphore(%run_scoped3A_209 : memref<!tpu.dma_semaphore, #tpu.memory_space<semaphore_mem>>)
      %dma_wait3A = arith.constant 0 : i32
      %dma_wait3A_214 = tpu.memref_slice %arg13[%add3A_165, %dma_wait3A] : memref<10240x128xf32, #tpu.memory_space<vmem_shared>> -> memref<16x128xf32, #tpu.memory_space<vmem_shared>>
      %dma_wait3A_215 = arith.constant 0 : i32
      %dma_wait3A_216 = tpu.memref_slice %arg13[%add3A_165, %dma_wait3A_215] : memref<10240x128xf32, #tpu.memory_space<vmem_shared>> -> memref<16x128xf32, #tpu.memory_space<vmem_shared>>
      tpu.wait_dma2 semaphore(%run_scoped3A_209 : memref<!tpu.dma_semaphore, #tpu.memory_space<semaphore_mem>>) src(%arg12 : memref<16x128xf32, #tpu.memory_space<vmem>>) dst(%dma_wait3A_216 : memref<16x128xf32, #tpu.memory_space<vmem_shared>>)
      tpu.yield
    }) : () -> ()
    %mul3A_166 = arith.constant 640 : i32
    %mul3A_167 = arith.muli %arg1, %mul3A_166 : i32
    %add3A_168 = arith.constant 512 : i32
    %add3A_169 = arith.addi %mul3A_167, %add3A_168 : i32
    "tpu.region"() ({
      %run_scoped3A_209 = tpu.sem_alloc : memref<!tpu.dma_semaphore, #tpu.memory_space<semaphore_mem>>
      %dma_start3A_210 = arith.constant 0 : i32
      %dma_start3A_211 = tpu.memref_slice %arg13[%add3A_169, %dma_start3A_210] : memref<10240x128xf32, #tpu.memory_space<vmem_shared>> -> memref<16x128xf32, #tpu.memory_space<vmem_shared>>
      %dma_start3A_212 = arith.constant 0 : i32
      %dma_start3A_213 = tpu.memref_slice %arg13[%add3A_169, %dma_start3A_212] : memref<10240x128xf32, #tpu.memory_space<vmem_shared>> -> memref<16x128xf32, #tpu.memory_space<vmem_shared>>
      tpu.enqueue_dma source(%arg12 : memref<16x128xf32, #tpu.memory_space<vmem>>) target(%dma_start3A_213 : memref<16x128xf32, #tpu.memory_space<vmem_shared>>) target_semaphore(%run_scoped3A_209 : memref<!tpu.dma_semaphore, #tpu.memory_space<semaphore_mem>>)
      %dma_wait3A = arith.constant 0 : i32
      %dma_wait3A_214 = tpu.memref_slice %arg13[%add3A_169, %dma_wait3A] : memref<10240x128xf32, #tpu.memory_space<vmem_shared>> -> memref<16x128xf32, #tpu.memory_space<vmem_shared>>
      %dma_wait3A_215 = arith.constant 0 : i32
      %dma_wait3A_216 = tpu.memref_slice %arg13[%add3A_169, %dma_wait3A_215] : memref<10240x128xf32, #tpu.memory_space<vmem_shared>> -> memref<16x128xf32, #tpu.memory_space<vmem_shared>>
      tpu.wait_dma2 semaphore(%run_scoped3A_209 : memref<!tpu.dma_semaphore, #tpu.memory_space<semaphore_mem>>) src(%arg12 : memref<16x128xf32, #tpu.memory_space<vmem>>) dst(%dma_wait3A_216 : memref<16x128xf32, #tpu.memory_space<vmem_shared>>)
      tpu.yield
    }) : () -> ()
    %mul3A_170 = arith.constant 640 : i32
    %mul3A_171 = arith.muli %arg1, %mul3A_170 : i32
    %add3A_172 = arith.constant 528 : i32
    %add3A_173 = arith.addi %mul3A_171, %add3A_172 : i32
    "tpu.region"() ({
      %run_scoped3A_209 = tpu.sem_alloc : memref<!tpu.dma_semaphore, #tpu.memory_space<semaphore_mem>>
      %dma_start3A_210 = arith.constant 0 : i32
      %dma_start3A_211 = tpu.memref_slice %arg13[%add3A_173, %dma_start3A_210] : memref<10240x128xf32, #tpu.memory_space<vmem_shared>> -> memref<16x128xf32, #tpu.memory_space<vmem_shared>>
      %dma_start3A_212 = arith.constant 0 : i32
      %dma_start3A_213 = tpu.memref_slice %arg13[%add3A_173, %dma_start3A_212] : memref<10240x128xf32, #tpu.memory_space<vmem_shared>> -> memref<16x128xf32, #tpu.memory_space<vmem_shared>>
      tpu.enqueue_dma source(%arg12 : memref<16x128xf32, #tpu.memory_space<vmem>>) target(%dma_start3A_213 : memref<16x128xf32, #tpu.memory_space<vmem_shared>>) target_semaphore(%run_scoped3A_209 : memref<!tpu.dma_semaphore, #tpu.memory_space<semaphore_mem>>)
      %dma_wait3A = arith.constant 0 : i32
      %dma_wait3A_214 = tpu.memref_slice %arg13[%add3A_173, %dma_wait3A] : memref<10240x128xf32, #tpu.memory_space<vmem_shared>> -> memref<16x128xf32, #tpu.memory_space<vmem_shared>>
      %dma_wait3A_215 = arith.constant 0 : i32
      %dma_wait3A_216 = tpu.memref_slice %arg13[%add3A_173, %dma_wait3A_215] : memref<10240x128xf32, #tpu.memory_space<vmem_shared>> -> memref<16x128xf32, #tpu.memory_space<vmem_shared>>
      tpu.wait_dma2 semaphore(%run_scoped3A_209 : memref<!tpu.dma_semaphore, #tpu.memory_space<semaphore_mem>>) src(%arg12 : memref<16x128xf32, #tpu.memory_space<vmem>>) dst(%dma_wait3A_216 : memref<16x128xf32, #tpu.memory_space<vmem_shared>>)
      tpu.yield
    }) : () -> ()
    %mul3A_174 = arith.constant 640 : i32
    %mul3A_175 = arith.muli %arg1, %mul3A_174 : i32
    %add3A_176 = arith.constant 544 : i32
    %add3A_177 = arith.addi %mul3A_175, %add3A_176 : i32
    "tpu.region"() ({
      %run_scoped3A_209 = tpu.sem_alloc : memref<!tpu.dma_semaphore, #tpu.memory_space<semaphore_mem>>
      %dma_start3A_210 = arith.constant 0 : i32
      %dma_start3A_211 = tpu.memref_slice %arg13[%add3A_177, %dma_start3A_210] : memref<10240x128xf32, #tpu.memory_space<vmem_shared>> -> memref<16x128xf32, #tpu.memory_space<vmem_shared>>
      %dma_start3A_212 = arith.constant 0 : i32
      %dma_start3A_213 = tpu.memref_slice %arg13[%add3A_177, %dma_start3A_212] : memref<10240x128xf32, #tpu.memory_space<vmem_shared>> -> memref<16x128xf32, #tpu.memory_space<vmem_shared>>
      tpu.enqueue_dma source(%arg12 : memref<16x128xf32, #tpu.memory_space<vmem>>) target(%dma_start3A_213 : memref<16x128xf32, #tpu.memory_space<vmem_shared>>) target_semaphore(%run_scoped3A_209 : memref<!tpu.dma_semaphore, #tpu.memory_space<semaphore_mem>>)
      %dma_wait3A = arith.constant 0 : i32
      %dma_wait3A_214 = tpu.memref_slice %arg13[%add3A_177, %dma_wait3A] : memref<10240x128xf32, #tpu.memory_space<vmem_shared>> -> memref<16x128xf32, #tpu.memory_space<vmem_shared>>
      %dma_wait3A_215 = arith.constant 0 : i32
      %dma_wait3A_216 = tpu.memref_slice %arg13[%add3A_177, %dma_wait3A_215] : memref<10240x128xf32, #tpu.memory_space<vmem_shared>> -> memref<16x128xf32, #tpu.memory_space<vmem_shared>>
      tpu.wait_dma2 semaphore(%run_scoped3A_209 : memref<!tpu.dma_semaphore, #tpu.memory_space<semaphore_mem>>) src(%arg12 : memref<16x128xf32, #tpu.memory_space<vmem>>) dst(%dma_wait3A_216 : memref<16x128xf32, #tpu.memory_space<vmem_shared>>)
      tpu.yield
    }) : () -> ()
    %mul3A_178 = arith.constant 640 : i32
    %mul3A_179 = arith.muli %arg1, %mul3A_178 : i32
    %add3A_180 = arith.constant 560 : i32
    %add3A_181 = arith.addi %mul3A_179, %add3A_180 : i32
    "tpu.region"() ({
      %run_scoped3A_209 = tpu.sem_alloc : memref<!tpu.dma_semaphore, #tpu.memory_space<semaphore_mem>>
      %dma_start3A_210 = arith.constant 0 : i32
      %dma_start3A_211 = tpu.memref_slice %arg13[%add3A_181, %dma_start3A_210] : memref<10240x128xf32, #tpu.memory_space<vmem_shared>> -> memref<16x128xf32, #tpu.memory_space<vmem_shared>>
      %dma_start3A_212 = arith.constant 0 : i32
      %dma_start3A_213 = tpu.memref_slice %arg13[%add3A_181, %dma_start3A_212] : memref<10240x128xf32, #tpu.memory_space<vmem_shared>> -> memref<16x128xf32, #tpu.memory_space<vmem_shared>>
      tpu.enqueue_dma source(%arg12 : memref<16x128xf32, #tpu.memory_space<vmem>>) target(%dma_start3A_213 : memref<16x128xf32, #tpu.memory_space<vmem_shared>>) target_semaphore(%run_scoped3A_209 : memref<!tpu.dma_semaphore, #tpu.memory_space<semaphore_mem>>)
      %dma_wait3A = arith.constant 0 : i32
      %dma_wait3A_214 = tpu.memref_slice %arg13[%add3A_181, %dma_wait3A] : memref<10240x128xf32, #tpu.memory_space<vmem_shared>> -> memref<16x128xf32, #tpu.memory_space<vmem_shared>>
      %dma_wait3A_215 = arith.constant 0 : i32
      %dma_wait3A_216 = tpu.memref_slice %arg13[%add3A_181, %dma_wait3A_215] : memref<10240x128xf32, #tpu.memory_space<vmem_shared>> -> memref<16x128xf32, #tpu.memory_space<vmem_shared>>
      tpu.wait_dma2 semaphore(%run_scoped3A_209 : memref<!tpu.dma_semaphore, #tpu.memory_space<semaphore_mem>>) src(%arg12 : memref<16x128xf32, #tpu.memory_space<vmem>>) dst(%dma_wait3A_216 : memref<16x128xf32, #tpu.memory_space<vmem_shared>>)
      tpu.yield
    }) : () -> ()
    %mul3A_182 = arith.constant 640 : i32
    %mul3A_183 = arith.muli %arg1, %mul3A_182 : i32
    %add3A_184 = arith.constant 576 : i32
    %add3A_185 = arith.addi %mul3A_183, %add3A_184 : i32
    "tpu.region"() ({
      %run_scoped3A_209 = tpu.sem_alloc : memref<!tpu.dma_semaphore, #tpu.memory_space<semaphore_mem>>
      %dma_start3A_210 = arith.constant 0 : i32
      %dma_start3A_211 = tpu.memref_slice %arg13[%add3A_185, %dma_start3A_210] : memref<10240x128xf32, #tpu.memory_space<vmem_shared>> -> memref<16x128xf32, #tpu.memory_space<vmem_shared>>
      %dma_start3A_212 = arith.constant 0 : i32
      %dma_start3A_213 = tpu.memref_slice %arg13[%add3A_185, %dma_start3A_212] : memref<10240x128xf32, #tpu.memory_space<vmem_shared>> -> memref<16x128xf32, #tpu.memory_space<vmem_shared>>
      tpu.enqueue_dma source(%arg12 : memref<16x128xf32, #tpu.memory_space<vmem>>) target(%dma_start3A_213 : memref<16x128xf32, #tpu.memory_space<vmem_shared>>) target_semaphore(%run_scoped3A_209 : memref<!tpu.dma_semaphore, #tpu.memory_space<semaphore_mem>>)
      %dma_wait3A = arith.constant 0 : i32
      %dma_wait3A_214 = tpu.memref_slice %arg13[%add3A_185, %dma_wait3A] : memref<10240x128xf32, #tpu.memory_space<vmem_shared>> -> memref<16x128xf32, #tpu.memory_space<vmem_shared>>
      %dma_wait3A_215 = arith.constant 0 : i32
      %dma_wait3A_216 = tpu.memref_slice %arg13[%add3A_185, %dma_wait3A_215] : memref<10240x128xf32, #tpu.memory_space<vmem_shared>> -> memref<16x128xf32, #tpu.memory_space<vmem_shared>>
      tpu.wait_dma2 semaphore(%run_scoped3A_209 : memref<!tpu.dma_semaphore, #tpu.memory_space<semaphore_mem>>) src(%arg12 : memref<16x128xf32, #tpu.memory_space<vmem>>) dst(%dma_wait3A_216 : memref<16x128xf32, #tpu.memory_space<vmem_shared>>)
      tpu.yield
    }) : () -> ()
    %mul3A_186 = arith.constant 640 : i32
    %mul3A_187 = arith.muli %arg1, %mul3A_186 : i32
    %add3A_188 = arith.constant 592 : i32
    %add3A_189 = arith.addi %mul3A_187, %add3A_188 : i32
    "tpu.region"() ({
      %run_scoped3A_209 = tpu.sem_alloc : memref<!tpu.dma_semaphore, #tpu.memory_space<semaphore_mem>>
      %dma_start3A_210 = arith.constant 0 : i32
      %dma_start3A_211 = tpu.memref_slice %arg13[%add3A_189, %dma_start3A_210] : memref<10240x128xf32, #tpu.memory_space<vmem_shared>> -> memref<16x128xf32, #tpu.memory_space<vmem_shared>>
      %dma_start3A_212 = arith.constant 0 : i32
      %dma_start3A_213 = tpu.memref_slice %arg13[%add3A_189, %dma_start3A_212] : memref<10240x128xf32, #tpu.memory_space<vmem_shared>> -> memref<16x128xf32, #tpu.memory_space<vmem_shared>>
      tpu.enqueue_dma source(%arg12 : memref<16x128xf32, #tpu.memory_space<vmem>>) target(%dma_start3A_213 : memref<16x128xf32, #tpu.memory_space<vmem_shared>>) target_semaphore(%run_scoped3A_209 : memref<!tpu.dma_semaphore, #tpu.memory_space<semaphore_mem>>)
      %dma_wait3A = arith.constant 0 : i32
      %dma_wait3A_214 = tpu.memref_slice %arg13[%add3A_189, %dma_wait3A] : memref<10240x128xf32, #tpu.memory_space<vmem_shared>> -> memref<16x128xf32, #tpu.memory_space<vmem_shared>>
      %dma_wait3A_215 = arith.constant 0 : i32
      %dma_wait3A_216 = tpu.memref_slice %arg13[%add3A_189, %dma_wait3A_215] : memref<10240x128xf32, #tpu.memory_space<vmem_shared>> -> memref<16x128xf32, #tpu.memory_space<vmem_shared>>
      tpu.wait_dma2 semaphore(%run_scoped3A_209 : memref<!tpu.dma_semaphore, #tpu.memory_space<semaphore_mem>>) src(%arg12 : memref<16x128xf32, #tpu.memory_space<vmem>>) dst(%dma_wait3A_216 : memref<16x128xf32, #tpu.memory_space<vmem_shared>>)
      tpu.yield
    }) : () -> ()
    %mul3A_190 = arith.constant 640 : i32
    %mul3A_191 = arith.muli %arg1, %mul3A_190 : i32
    %add3A_192 = arith.constant 608 : i32
    %add3A_193 = arith.addi %mul3A_191, %add3A_192 : i32
    "tpu.region"() ({
      %run_scoped3A_209 = tpu.sem_alloc : memref<!tpu.dma_semaphore, #tpu.memory_space<semaphore_mem>>
      %dma_start3A_210 = arith.constant 0 : i32
      %dma_start3A_211 = tpu.memref_slice %arg13[%add3A_193, %dma_start3A_210] : memref<10240x128xf32, #tpu.memory_space<vmem_shared>> -> memref<16x128xf32, #tpu.memory_space<vmem_shared>>
      %dma_start3A_212 = arith.constant 0 : i32
      %dma_start3A_213 = tpu.memref_slice %arg13[%add3A_193, %dma_start3A_212] : memref<10240x128xf32, #tpu.memory_space<vmem_shared>> -> memref<16x128xf32, #tpu.memory_space<vmem_shared>>
      tpu.enqueue_dma source(%arg12 : memref<16x128xf32, #tpu.memory_space<vmem>>) target(%dma_start3A_213 : memref<16x128xf32, #tpu.memory_space<vmem_shared>>) target_semaphore(%run_scoped3A_209 : memref<!tpu.dma_semaphore, #tpu.memory_space<semaphore_mem>>)
      %dma_wait3A = arith.constant 0 : i32
      %dma_wait3A_214 = tpu.memref_slice %arg13[%add3A_193, %dma_wait3A] : memref<10240x128xf32, #tpu.memory_space<vmem_shared>> -> memref<16x128xf32, #tpu.memory_space<vmem_shared>>
      %dma_wait3A_215 = arith.constant 0 : i32
      %dma_wait3A_216 = tpu.memref_slice %arg13[%add3A_193, %dma_wait3A_215] : memref<10240x128xf32, #tpu.memory_space<vmem_shared>> -> memref<16x128xf32, #tpu.memory_space<vmem_shared>>
      tpu.wait_dma2 semaphore(%run_scoped3A_209 : memref<!tpu.dma_semaphore, #tpu.memory_space<semaphore_mem>>) src(%arg12 : memref<16x128xf32, #tpu.memory_space<vmem>>) dst(%dma_wait3A_216 : memref<16x128xf32, #tpu.memory_space<vmem_shared>>)
      tpu.yield
    }) : () -> ()
    %mul3A_194 = arith.constant 640 : i32
    %mul3A_195 = arith.muli %arg1, %mul3A_194 : i32
    %add3A_196 = arith.constant 624 : i32
    %add3A_197 = arith.addi %mul3A_195, %add3A_196 : i32
    "tpu.region"() ({
      %run_scoped3A_209 = tpu.sem_alloc : memref<!tpu.dma_semaphore, #tpu.memory_space<semaphore_mem>>
      %dma_start3A_210 = arith.constant 0 : i32
      %dma_start3A_211 = tpu.memref_slice %arg13[%add3A_197, %dma_start3A_210] : memref<10240x128xf32, #tpu.memory_space<vmem_shared>> -> memref<16x128xf32, #tpu.memory_space<vmem_shared>>
      %dma_start3A_212 = arith.constant 0 : i32
      %dma_start3A_213 = tpu.memref_slice %arg13[%add3A_197, %dma_start3A_212] : memref<10240x128xf32, #tpu.memory_space<vmem_shared>> -> memref<16x128xf32, #tpu.memory_space<vmem_shared>>
      tpu.enqueue_dma source(%arg12 : memref<16x128xf32, #tpu.memory_space<vmem>>) target(%dma_start3A_213 : memref<16x128xf32, #tpu.memory_space<vmem_shared>>) target_semaphore(%run_scoped3A_209 : memref<!tpu.dma_semaphore, #tpu.memory_space<semaphore_mem>>)
      %dma_wait3A = arith.constant 0 : i32
      %dma_wait3A_214 = tpu.memref_slice %arg13[%add3A_197, %dma_wait3A] : memref<10240x128xf32, #tpu.memory_space<vmem_shared>> -> memref<16x128xf32, #tpu.memory_space<vmem_shared>>
      %dma_wait3A_215 = arith.constant 0 : i32
      %dma_wait3A_216 = tpu.memref_slice %arg13[%add3A_197, %dma_wait3A_215] : memref<10240x128xf32, #tpu.memory_space<vmem_shared>> -> memref<16x128xf32, #tpu.memory_space<vmem_shared>>
      tpu.wait_dma2 semaphore(%run_scoped3A_209 : memref<!tpu.dma_semaphore, #tpu.memory_space<semaphore_mem>>) src(%arg12 : memref<16x128xf32, #tpu.memory_space<vmem>>) dst(%dma_wait3A_216 : memref<16x128xf32, #tpu.memory_space<vmem_shared>>)
      tpu.yield
    }) : () -> ()
    %barrier3A = arith.constant 0 : index
    tpu.barrier barrier_id(%barrier3A)
    %scan3A_198 = arith.constant 0 : i32
    %scan3A_199 = arith.constant 0 : i32
    %scan3A_200 = arith.constant 32 : i32
    %scan3A_201 = arith.addi %scan3A_199, %scan3A_200 : i32
    %scan3A_202 = arith.constant 1 : i32
    scf.for %scan3A_209 = %scan3A_199 to %scan3A_201 step %scan3A_202  : i32 {
      %jit3A = arith.constant 2 : i32
      %eq3A = arith.constant 0 : i32
      %eq3A_210 = arith.cmpi eq, %jit3A, %eq3A : i32
      %jit3A_211 = arith.constant 1 : i32
      %select_n3A = arith.select %eq3A_210, %jit3A_211, %jit3A : i32
      %rem3A = arith.remsi %scan3A_209, %select_n3A : i32
      %ne3A = arith.constant 0 : i32
      %ne3A_212 = arith.cmpi ne, %rem3A, %ne3A : i32
      %lt3A = arith.constant 0 : i32
      %lt3A_213 = arith.cmpi slt, %rem3A, %lt3A : i32
      %lt3A_214 = arith.constant 0 : i32
      %lt3A_215 = arith.cmpi slt, %select_n3A, %lt3A_214 : i32
      %ne3A_216 = arith.xori %lt3A_213, %lt3A_215 : i1
      %and3A = arith.andi %ne3A_216, %ne3A_212 : i1
      %add3A_217 = arith.addi %rem3A, %select_n3A : i32
      %select_n3A_218 = arith.select %and3A, %add3A_217, %rem3A : i32
      %add3A_219 = arith.constant 1 : i32
      %add3A_220 = arith.addi %scan3A_209, %add3A_219 : i32
      %jit3A_221 = arith.constant 2 : i32
      %eq3A_222 = arith.constant 0 : i32
      %eq3A_223 = arith.cmpi eq, %jit3A_221, %eq3A_222 : i32
      %jit3A_224 = arith.constant 1 : i32
      %select_n3A_225 = arith.select %eq3A_223, %jit3A_224, %jit3A_221 : i32
      %rem3A_226 = arith.remsi %add3A_220, %select_n3A_225 : i32
      %ne3A_227 = arith.constant 0 : i32
      %ne3A_228 = arith.cmpi ne, %rem3A_226, %ne3A_227 : i32
      %lt3A_229 = arith.constant 0 : i32
      %lt3A_230 = arith.cmpi slt, %rem3A_226, %lt3A_229 : i32
      %lt3A_231 = arith.constant 0 : i32
      %lt3A_232 = arith.cmpi slt, %select_n3A_225, %lt3A_231 : i32
      %ne3A_233 = arith.xori %lt3A_230, %lt3A_232 : i1
      %and3A_234 = arith.andi %ne3A_233, %ne3A_228 : i1
      %add3A_235 = arith.addi %rem3A_226, %select_n3A_225 : i32
      %select_n3A_236 = arith.select %and3A_234, %add3A_235, %rem3A_226 : i32
      %add3A_237 = arith.constant 1 : i32
      %add3A_238 = arith.addi %scan3A_209, %add3A_237 : i32
      %lt3A_239 = arith.constant 32 : i32
      %lt3A_240 = arith.cmpi slt, %add3A_238, %lt3A_239 : i32
      %convert_element_type3A = arith.extui %lt3A_240 : i1 to i32
      %cond3A = arith.constant 0 : i32
      %cond3A_241 = arith.cmpi ne, %convert_element_type3A, %cond3A : i32
      scf.if %cond3A_241 {
        %add3A_283 = arith.constant 1 : i32
        %add3A_284 = arith.addi %scan3A_209, %add3A_283 : i32
        %dma_start3A_285 = arith.constant 0 : i32
        %dma_start3A_286 = arith.constant 0 : i32
        %dma_start3A_287 = tpu.memref_slice %arg6[%select_n3A_236, %dma_start3A_285, %dma_start3A_286] : memref<2x4x80xi32, #tpu.memory_space<vmem>> -> memref<1x4x80xi32, #tpu.memory_space<vmem>>
        %dma_start3A_288 = tpu.memref_squeeze %dma_start3A_287 : memref<1x4x80xi32, #tpu.memory_space<vmem>> -> memref<4x80xi32, #tpu.memory_space<vmem>>
        %dma_start3A_289 = arith.constant 0 : i32
        %dma_start3A_290 = arith.constant 0 : i32
        %dma_start3A_291 = tpu.memref_slice %arg3[%arg0, %arg1, %add3A_284, %dma_start3A_289, %dma_start3A_290] : memref<2x16x32x4x80xi32, #tpu.memory_space<hbm>> -> memref<1x1x1x4x80xi32, #tpu.memory_space<hbm>>
        %dma_start3A_292 = tpu.memref_squeeze %dma_start3A_291 : memref<1x1x1x4x80xi32, #tpu.memory_space<hbm>> -> memref<4x80xi32, #tpu.memory_space<hbm>>
        %dma_start3A_293 = arith.constant 0 : i32
        %dma_start3A_294 = arith.constant 0 : i32
        %dma_start3A_295 = tpu.memref_slice %arg6[%select_n3A_236, %dma_start3A_293, %dma_start3A_294] : memref<2x4x80xi32, #tpu.memory_space<vmem>> -> memref<1x4x80xi32, #tpu.memory_space<vmem>>
        %dma_start3A_296 = tpu.memref_squeeze %dma_start3A_295 : memref<1x4x80xi32, #tpu.memory_space<vmem>> -> memref<4x80xi32, #tpu.memory_space<vmem>>
        %dma_start3A_297 = arith.constant 0 : i32
        %dma_start3A_298 = arith.constant 0 : i32
        %dma_start3A_299 = tpu.memref_slice %arg3[%arg0, %arg1, %add3A_284, %dma_start3A_297, %dma_start3A_298] : memref<2x16x32x4x80xi32, #tpu.memory_space<hbm>> -> memref<1x1x1x4x80xi32, #tpu.memory_space<hbm>>
        %dma_start3A_300 = tpu.memref_squeeze %dma_start3A_299 : memref<1x1x1x4x80xi32, #tpu.memory_space<hbm>> -> memref<4x80xi32, #tpu.memory_space<hbm>>
        tpu.enqueue_dma source(%dma_start3A_300 : memref<4x80xi32, #tpu.memory_space<hbm>>) target(%dma_start3A_296 : memref<4x80xi32, #tpu.memory_space<vmem>>) target_semaphore(%arg22 : memref<!tpu.dma_semaphore, #tpu.memory_space<semaphore_mem>>)
        %add3A_301 = arith.constant 1 : i32
        %add3A_302 = arith.addi %scan3A_209, %add3A_301 : i32
        %dma_start3A_303 = arith.constant 0 : i32
        %dma_start3A_304 = arith.constant 0 : i32
        %dma_start3A_305 = tpu.memref_slice %arg7[%select_n3A_236, %dma_start3A_303, %dma_start3A_304] : memref<2x4x80xi32, #tpu.memory_space<vmem>> -> memref<1x4x80xi32, #tpu.memory_space<vmem>>
        %dma_start3A_306 = tpu.memref_squeeze %dma_start3A_305 : memref<1x4x80xi32, #tpu.memory_space<vmem>> -> memref<4x80xi32, #tpu.memory_space<vmem>>
        %dma_start3A_307 = arith.constant 0 : i32
        %dma_start3A_308 = arith.constant 0 : i32
        %dma_start3A_309 = tpu.memref_slice %arg4[%arg0, %arg1, %add3A_302, %dma_start3A_307, %dma_start3A_308] : memref<2x16x32x4x80xi32, #tpu.memory_space<hbm>> -> memref<1x1x1x4x80xi32, #tpu.memory_space<hbm>>
        %dma_start3A_310 = tpu.memref_squeeze %dma_start3A_309 : memref<1x1x1x4x80xi32, #tpu.memory_space<hbm>> -> memref<4x80xi32, #tpu.memory_space<hbm>>
        %dma_start3A_311 = arith.constant 0 : i32
        %dma_start3A_312 = arith.constant 0 : i32
        %dma_start3A_313 = tpu.memref_slice %arg7[%select_n3A_236, %dma_start3A_311, %dma_start3A_312] : memref<2x4x80xi32, #tpu.memory_space<vmem>> -> memref<1x4x80xi32, #tpu.memory_space<vmem>>
        %dma_start3A_314 = tpu.memref_squeeze %dma_start3A_313 : memref<1x4x80xi32, #tpu.memory_space<vmem>> -> memref<4x80xi32, #tpu.memory_space<vmem>>
        %dma_start3A_315 = arith.constant 0 : i32
        %dma_start3A_316 = arith.constant 0 : i32
        %dma_start3A_317 = tpu.memref_slice %arg4[%arg0, %arg1, %add3A_302, %dma_start3A_315, %dma_start3A_316] : memref<2x16x32x4x80xi32, #tpu.memory_space<hbm>> -> memref<1x1x1x4x80xi32, #tpu.memory_space<hbm>>
        %dma_start3A_318 = tpu.memref_squeeze %dma_start3A_317 : memref<1x1x1x4x80xi32, #tpu.memory_space<hbm>> -> memref<4x80xi32, #tpu.memory_space<hbm>>
        tpu.enqueue_dma source(%dma_start3A_318 : memref<4x80xi32, #tpu.memory_space<hbm>>) target(%dma_start3A_314 : memref<4x80xi32, #tpu.memory_space<vmem>>) target_semaphore(%arg23 : memref<!tpu.dma_semaphore, #tpu.memory_space<semaphore_mem>>)
      } else {
      }
      %dma_wait3A = arith.constant 0 : i32
      %dma_wait3A_242 = arith.constant 0 : i32
      %dma_wait3A_243 = tpu.memref_slice %arg6[%select_n3A_218, %dma_wait3A, %dma_wait3A_242] : memref<2x4x80xi32, #tpu.memory_space<vmem>> -> memref<1x1x80xi32, #tpu.memory_space<vmem>>
      %dma_wait3A_244 = tpu.memref_squeeze %dma_wait3A_243 : memref<1x1x80xi32, #tpu.memory_space<vmem>> -> memref<80xi32, #tpu.memory_space<vmem>>
      %dma_wait3A_245 = arith.constant 0 : i32
      %dma_wait3A_246 = arith.constant 0 : i32
      %dma_wait3A_247 = tpu.memref_slice %arg2[%dma_wait3A_245, %dma_wait3A_246] : memref<10000x128xf32, #tpu.memory_space<hbm>> -> memref<10000x128xf32, #tpu.memory_space<hbm>>
      tpu.wait_indirect_dma semaphore(%arg14 : memref<!tpu.dma_semaphore, #tpu.memory_space<semaphore_mem>>) src(%dma_wait3A_247 : memref<10000x128xf32, #tpu.memory_space<hbm>>) dst(%arg8 : memref<80x128xf32, #tpu.memory_space<vmem>>)
      %dma_wait3A_248 = arith.constant 1 : i32
      %dma_wait3A_249 = arith.constant 0 : i32
      %dma_wait3A_250 = tpu.memref_slice %arg6[%select_n3A_218, %dma_wait3A_248, %dma_wait3A_249] : memref<2x4x80xi32, #tpu.memory_space<vmem>> -> memref<1x1x80xi32, #tpu.memory_space<vmem>>
      %dma_wait3A_251 = tpu.memref_squeeze %dma_wait3A_250 : memref<1x1x80xi32, #tpu.memory_space<vmem>> -> memref<80xi32, #tpu.memory_space<vmem>>
      %dma_wait3A_252 = arith.constant 0 : i32
      %dma_wait3A_253 = arith.constant 0 : i32
      %dma_wait3A_254 = tpu.memref_slice %arg2[%dma_wait3A_252, %dma_wait3A_253] : memref<10000x128xf32, #tpu.memory_space<hbm>> -> memref<10000x128xf32, #tpu.memory_space<hbm>>
      tpu.wait_indirect_dma semaphore(%arg15 : memref<!tpu.dma_semaphore, #tpu.memory_space<semaphore_mem>>) src(%dma_wait3A_254 : memref<10000x128xf32, #tpu.memory_space<hbm>>) dst(%arg9 : memref<80x128xf32, #tpu.memory_space<vmem>>)
      %add3A_255 = arith.constant 1 : i32
      %add3A_256 = arith.addi %scan3A_209, %add3A_255 : i32
      %lt3A_257 = arith.constant 32 : i32
      %lt3A_258 = arith.cmpi slt, %add3A_256, %lt3A_257 : i32
      %convert_element_type3A_259 = arith.extui %lt3A_258 : i1 to i32
      %cond3A_260 = arith.constant 0 : i32
      %cond3A_261 = arith.cmpi ne, %convert_element_type3A_259, %cond3A_260 : i32
      scf.if %cond3A_261 {
        %add3A_283 = arith.constant 1 : i32
        %add3A_284 = arith.addi %scan3A_209, %add3A_283 : i32
        %dma_wait3A_285 = arith.constant 0 : i32
        %dma_wait3A_286 = arith.constant 0 : i32
        %dma_wait3A_287 = tpu.memref_slice %arg6[%select_n3A_236, %dma_wait3A_285, %dma_wait3A_286] : memref<2x4x80xi32, #tpu.memory_space<vmem>> -> memref<1x4x80xi32, #tpu.memory_space<vmem>>
        %dma_wait3A_288 = tpu.memref_squeeze %dma_wait3A_287 : memref<1x4x80xi32, #tpu.memory_space<vmem>> -> memref<4x80xi32, #tpu.memory_space<vmem>>
        %dma_wait3A_289 = arith.constant 0 : i32
        %dma_wait3A_290 = arith.constant 0 : i32
        %dma_wait3A_291 = tpu.memref_slice %arg3[%arg0, %arg1, %add3A_284, %dma_wait3A_289, %dma_wait3A_290] : memref<2x16x32x4x80xi32, #tpu.memory_space<hbm>> -> memref<1x1x1x4x80xi32, #tpu.memory_space<hbm>>
        %dma_wait3A_292 = tpu.memref_squeeze %dma_wait3A_291 : memref<1x1x1x4x80xi32, #tpu.memory_space<hbm>> -> memref<4x80xi32, #tpu.memory_space<hbm>>
        %dma_wait3A_293 = arith.constant 0 : i32
        %dma_wait3A_294 = arith.constant 0 : i32
        %dma_wait3A_295 = tpu.memref_slice %arg6[%select_n3A_236, %dma_wait3A_293, %dma_wait3A_294] : memref<2x4x80xi32, #tpu.memory_space<vmem>> -> memref<1x4x80xi32, #tpu.memory_space<vmem>>
        %dma_wait3A_296 = tpu.memref_squeeze %dma_wait3A_295 : memref<1x4x80xi32, #tpu.memory_space<vmem>> -> memref<4x80xi32, #tpu.memory_space<vmem>>
        %dma_wait3A_297 = arith.constant 0 : i32
        %dma_wait3A_298 = arith.constant 0 : i32
        %dma_wait3A_299 = tpu.memref_slice %arg3[%arg0, %arg1, %add3A_284, %dma_wait3A_297, %dma_wait3A_298] : memref<2x16x32x4x80xi32, #tpu.memory_space<hbm>> -> memref<1x1x1x4x80xi32, #tpu.memory_space<hbm>>
        %dma_wait3A_300 = tpu.memref_squeeze %dma_wait3A_299 : memref<1x1x1x4x80xi32, #tpu.memory_space<hbm>> -> memref<4x80xi32, #tpu.memory_space<hbm>>
        tpu.wait_dma2 semaphore(%arg22 : memref<!tpu.dma_semaphore, #tpu.memory_space<semaphore_mem>>) src(%dma_wait3A_300 : memref<4x80xi32, #tpu.memory_space<hbm>>) dst(%dma_wait3A_296 : memref<4x80xi32, #tpu.memory_space<vmem>>)
        %add3A_301 = arith.constant 1 : i32
        %add3A_302 = arith.addi %scan3A_209, %add3A_301 : i32
        %dma_wait3A_303 = arith.constant 0 : i32
        %dma_wait3A_304 = arith.constant 0 : i32
        %dma_wait3A_305 = tpu.memref_slice %arg7[%select_n3A_236, %dma_wait3A_303, %dma_wait3A_304] : memref<2x4x80xi32, #tpu.memory_space<vmem>> -> memref<1x4x80xi32, #tpu.memory_space<vmem>>
        %dma_wait3A_306 = tpu.memref_squeeze %dma_wait3A_305 : memref<1x4x80xi32, #tpu.memory_space<vmem>> -> memref<4x80xi32, #tpu.memory_space<vmem>>
        %dma_wait3A_307 = arith.constant 0 : i32
        %dma_wait3A_308 = arith.constant 0 : i32
        %dma_wait3A_309 = tpu.memref_slice %arg4[%arg0, %arg1, %add3A_302, %dma_wait3A_307, %dma_wait3A_308] : memref<2x16x32x4x80xi32, #tpu.memory_space<hbm>> -> memref<1x1x1x4x80xi32, #tpu.memory_space<hbm>>
        %dma_wait3A_310 = tpu.memref_squeeze %dma_wait3A_309 : memref<1x1x1x4x80xi32, #tpu.memory_space<hbm>> -> memref<4x80xi32, #tpu.memory_space<hbm>>
        %dma_wait3A_311 = arith.constant 0 : i32
        %dma_wait3A_312 = arith.constant 0 : i32
        %dma_wait3A_313 = tpu.memref_slice %arg7[%select_n3A_236, %dma_wait3A_311, %dma_wait3A_312] : memref<2x4x80xi32, #tpu.memory_space<vmem>> -> memref<1x4x80xi32, #tpu.memory_space<vmem>>
        %dma_wait3A_314 = tpu.memref_squeeze %dma_wait3A_313 : memref<1x4x80xi32, #tpu.memory_space<vmem>> -> memref<4x80xi32, #tpu.memory_space<vmem>>
        %dma_wait3A_315 = arith.constant 0 : i32
        %dma_wait3A_316 = arith.constant 0 : i32
        %dma_wait3A_317 = tpu.memref_slice %arg4[%arg0, %arg1, %add3A_302, %dma_wait3A_315, %dma_wait3A_316] : memref<2x16x32x4x80xi32, #tpu.memory_space<hbm>> -> memref<1x1x1x4x80xi32, #tpu.memory_space<hbm>>
        %dma_wait3A_318 = tpu.memref_squeeze %dma_wait3A_317 : memref<1x1x1x4x80xi32, #tpu.memory_space<hbm>> -> memref<4x80xi32, #tpu.memory_space<hbm>>
        tpu.wait_dma2 semaphore(%arg23 : memref<!tpu.dma_semaphore, #tpu.memory_space<semaphore_mem>>) src(%dma_wait3A_318 : memref<4x80xi32, #tpu.memory_space<hbm>>) dst(%dma_wait3A_314 : memref<4x80xi32, #tpu.memory_space<vmem>>)
        %dma_start3A_319 = arith.constant 0 : i32
        %dma_start3A_320 = arith.constant 0 : i32
        %dma_start3A_321 = tpu.memref_slice %arg6[%select_n3A_236, %dma_start3A_319, %dma_start3A_320] : memref<2x4x80xi32, #tpu.memory_space<vmem>> -> memref<1x1x80xi32, #tpu.memory_space<vmem>>
        %dma_start3A_322 = tpu.memref_squeeze %dma_start3A_321 : memref<1x1x80xi32, #tpu.memory_space<vmem>> -> memref<80xi32, #tpu.memory_space<vmem>>
        %dma_start3A_323 = arith.constant 0 : i32
        %dma_start3A_324 = arith.constant 0 : i32
        %dma_start3A_325 = tpu.memref_slice %arg2[%dma_start3A_323, %dma_start3A_324] : memref<10000x128xf32, #tpu.memory_space<hbm>> -> memref<10000x128xf32, #tpu.memory_space<hbm>>
        tpu.enqueue_indirect_dma source(%dma_start3A_325 : memref<10000x128xf32, #tpu.memory_space<hbm>>) target(%arg8 : memref<80x128xf32, #tpu.memory_space<vmem>>) offsets(%dma_start3A_322 : memref<80xi32, #tpu.memory_space<vmem>>) semaphore(%arg14 : memref<!tpu.dma_semaphore, #tpu.memory_space<semaphore_mem>>)
        %dma_start3A_326 = arith.constant 1 : i32
        %dma_start3A_327 = arith.constant 0 : i32
        %dma_start3A_328 = tpu.memref_slice %arg6[%select_n3A_236, %dma_start3A_326, %dma_start3A_327] : memref<2x4x80xi32, #tpu.memory_space<vmem>> -> memref<1x1x80xi32, #tpu.memory_space<vmem>>
        %dma_start3A_329 = tpu.memref_squeeze %dma_start3A_328 : memref<1x1x80xi32, #tpu.memory_space<vmem>> -> memref<80xi32, #tpu.memory_space<vmem>>
        %dma_start3A_330 = arith.constant 0 : i32
        %dma_start3A_331 = arith.constant 0 : i32
        %dma_start3A_332 = tpu.memref_slice %arg2[%dma_start3A_330, %dma_start3A_331] : memref<10000x128xf32, #tpu.memory_space<hbm>> -> memref<10000x128xf32, #tpu.memory_space<hbm>>
        tpu.enqueue_indirect_dma source(%dma_start3A_332 : memref<10000x128xf32, #tpu.memory_space<hbm>>) target(%arg9 : memref<80x128xf32, #tpu.memory_space<vmem>>) offsets(%dma_start3A_329 : memref<80xi32, #tpu.memory_space<vmem>>) semaphore(%arg15 : memref<!tpu.dma_semaphore, #tpu.memory_space<semaphore_mem>>)
      } else {
      }
      %dma_wait3A_262 = arith.constant 2 : i32
      %dma_wait3A_263 = arith.constant 0 : i32
      %dma_wait3A_264 = tpu.memref_slice %arg6[%select_n3A_218, %dma_wait3A_262, %dma_wait3A_263] : memref<2x4x80xi32, #tpu.memory_space<vmem>> -> memref<1x1x80xi32, #tpu.memory_space<vmem>>
      %dma_wait3A_265 = tpu.memref_squeeze %dma_wait3A_264 : memref<1x1x80xi32, #tpu.memory_space<vmem>> -> memref<80xi32, #tpu.memory_space<vmem>>
      %dma_wait3A_266 = arith.constant 0 : i32
      %dma_wait3A_267 = arith.constant 0 : i32
      %dma_wait3A_268 = tpu.memref_slice %arg2[%dma_wait3A_266, %dma_wait3A_267] : memref<10000x128xf32, #tpu.memory_space<hbm>> -> memref<10000x128xf32, #tpu.memory_space<hbm>>
      tpu.wait_indirect_dma semaphore(%arg16 : memref<!tpu.dma_semaphore, #tpu.memory_space<semaphore_mem>>) src(%dma_wait3A_268 : memref<10000x128xf32, #tpu.memory_space<hbm>>) dst(%arg10 : memref<80x128xf32, #tpu.memory_space<vmem>>)
      %dma_wait3A_269 = arith.constant 3 : i32
      %dma_wait3A_270 = arith.constant 0 : i32
      %dma_wait3A_271 = tpu.memref_slice %arg6[%select_n3A_218, %dma_wait3A_269, %dma_wait3A_270] : memref<2x4x80xi32, #tpu.memory_space<vmem>> -> memref<1x1x80xi32, #tpu.memory_space<vmem>>
      %dma_wait3A_272 = tpu.memref_squeeze %dma_wait3A_271 : memref<1x1x80xi32, #tpu.memory_space<vmem>> -> memref<80xi32, #tpu.memory_space<vmem>>
      %dma_wait3A_273 = arith.constant 0 : i32
      %dma_wait3A_274 = arith.constant 0 : i32
      %dma_wait3A_275 = tpu.memref_slice %arg2[%dma_wait3A_273, %dma_wait3A_274] : memref<10000x128xf32, #tpu.memory_space<hbm>> -> memref<10000x128xf32, #tpu.memory_space<hbm>>
      tpu.wait_indirect_dma semaphore(%arg17 : memref<!tpu.dma_semaphore, #tpu.memory_space<semaphore_mem>>) src(%dma_wait3A_275 : memref<10000x128xf32, #tpu.memory_space<hbm>>) dst(%arg11 : memref<80x128xf32, #tpu.memory_space<vmem>>)
      %add3A_276 = arith.constant 1 : i32
      %add3A_277 = arith.addi %scan3A_209, %add3A_276 : i32
      %lt3A_278 = arith.constant 32 : i32
      %lt3A_279 = arith.cmpi slt, %add3A_277, %lt3A_278 : i32
      %convert_element_type3A_280 = arith.extui %lt3A_279 : i1 to i32
      %cond3A_281 = arith.constant 0 : i32
      %cond3A_282 = arith.cmpi ne, %convert_element_type3A_280, %cond3A_281 : i32
      scf.if %cond3A_282 {
        %dma_start3A_283 = arith.constant 2 : i32
        %dma_start3A_284 = arith.constant 0 : i32
        %dma_start3A_285 = tpu.memref_slice %arg6[%select_n3A_236, %dma_start3A_283, %dma_start3A_284] : memref<2x4x80xi32, #tpu.memory_space<vmem>> -> memref<1x1x80xi32, #tpu.memory_space<vmem>>
        %dma_start3A_286 = tpu.memref_squeeze %dma_start3A_285 : memref<1x1x80xi32, #tpu.memory_space<vmem>> -> memref<80xi32, #tpu.memory_space<vmem>>
        %dma_start3A_287 = arith.constant 0 : i32
        %dma_start3A_288 = arith.constant 0 : i32
        %dma_start3A_289 = tpu.memref_slice %arg2[%dma_start3A_287, %dma_start3A_288] : memref<10000x128xf32, #tpu.memory_space<hbm>> -> memref<10000x128xf32, #tpu.memory_space<hbm>>
        tpu.enqueue_indirect_dma source(%dma_start3A_289 : memref<10000x128xf32, #tpu.memory_space<hbm>>) target(%arg10 : memref<80x128xf32, #tpu.memory_space<vmem>>) offsets(%dma_start3A_286 : memref<80xi32, #tpu.memory_space<vmem>>) semaphore(%arg16 : memref<!tpu.dma_semaphore, #tpu.memory_space<semaphore_mem>>)
        %dma_start3A_290 = arith.constant 3 : i32
        %dma_start3A_291 = arith.constant 0 : i32
        %dma_start3A_292 = tpu.memref_slice %arg6[%select_n3A_236, %dma_start3A_290, %dma_start3A_291] : memref<2x4x80xi32, #tpu.memory_space<vmem>> -> memref<1x1x80xi32, #tpu.memory_space<vmem>>
        %dma_start3A_293 = tpu.memref_squeeze %dma_start3A_292 : memref<1x1x80xi32, #tpu.memory_space<vmem>> -> memref<80xi32, #tpu.memory_space<vmem>>
        %dma_start3A_294 = arith.constant 0 : i32
        %dma_start3A_295 = arith.constant 0 : i32
        %dma_start3A_296 = tpu.memref_slice %arg2[%dma_start3A_294, %dma_start3A_295] : memref<10000x128xf32, #tpu.memory_space<hbm>> -> memref<10000x128xf32, #tpu.memory_space<hbm>>
        tpu.enqueue_indirect_dma source(%dma_start3A_296 : memref<10000x128xf32, #tpu.memory_space<hbm>>) target(%arg11 : memref<80x128xf32, #tpu.memory_space<vmem>>) offsets(%dma_start3A_293 : memref<80xi32, #tpu.memory_space<vmem>>) semaphore(%arg17 : memref<!tpu.dma_semaphore, #tpu.memory_space<semaphore_mem>>)
      } else {
      }
    }
    %scan3A_203 = arith.constant 32 : i32
    %barrier3A_204 = arith.constant 0 : index
    tpu.barrier barrier_id(%barrier3A_204)
    %mul3A_205 = arith.constant 640 : i32
    %mul3A_206 = arith.muli %arg1, %mul3A_205 : i32
    %mul3A_207 = arith.constant 640 : i32
    %mul3A_208 = arith.muli %arg1, %mul3A_207 : i32
    "tpu.region"() ({
      %run_scoped3A_209 = tpu.sem_alloc : memref<!tpu.dma_semaphore, #tpu.memory_space<semaphore_mem>>
      %dma_start3A_210 = arith.constant 0 : i32
      %dma_start3A_211 = tpu.memref_slice %arg5[%arg0, %mul3A_208, %dma_start3A_210] : memref<2x10240x128xf32, #tpu.memory_space<hbm>> -> memref<1x640x128xf32, #tpu.memory_space<hbm>>
      %dma_start3A_212 = tpu.memref_squeeze %dma_start3A_211 : memref<1x640x128xf32, #tpu.memory_space<hbm>> -> memref<640x128xf32, #tpu.memory_space<hbm>>
      %dma_start3A_213 = arith.constant 0 : i32
      %dma_start3A_214 = tpu.memref_slice %arg13[%mul3A_206, %dma_start3A_213] : memref<10240x128xf32, #tpu.memory_space<vmem_shared>> -> memref<640x128xf32, #tpu.memory_space<vmem_shared>>
      tpu.enqueue_dma source(%dma_start3A_214 : memref<640x128xf32, #tpu.memory_space<vmem_shared>>) target(%dma_start3A_212 : memref<640x128xf32, #tpu.memory_space<hbm>>) target_semaphore(%run_scoped3A_209 : memref<!tpu.dma_semaphore, #tpu.memory_space<semaphore_mem>>)
      %dma_wait3A = arith.constant 0 : i32
      %dma_wait3A_215 = tpu.memref_slice %arg5[%arg0, %mul3A_208, %dma_wait3A] : memref<2x10240x128xf32, #tpu.memory_space<hbm>> -> memref<1x640x128xf32, #tpu.memory_space<hbm>>
      %dma_wait3A_216 = tpu.memref_squeeze %dma_wait3A_215 : memref<1x640x128xf32, #tpu.memory_space<hbm>> -> memref<640x128xf32, #tpu.memory_space<hbm>>
      %dma_wait3A_217 = arith.constant 0 : i32
      %dma_wait3A_218 = tpu.memref_slice %arg13[%mul3A_206, %dma_wait3A_217] : memref<10240x128xf32, #tpu.memory_space<vmem_shared>> -> memref<640x128xf32, #tpu.memory_space<vmem_shared>>
      tpu.wait_dma2 semaphore(%run_scoped3A_209 : memref<!tpu.dma_semaphore, #tpu.memory_space<semaphore_mem>>) src(%dma_wait3A_218 : memref<640x128xf32, #tpu.memory_space<vmem_shared>>) dst(%dma_wait3A_216 : memref<640x128xf32, #tpu.memory_space<hbm>>)
      tpu.yield
    }) : () -> ()
    return
  }
}

#map = affine_map<(d0, d1) -> (0, 0)>
#map1 = affine_map<(d0, d1) -> (0, 0, 0, 0, 0)>
#map2 = affine_map<(d0, d1) -> (0, 0, 0)>
module attributes {stable_mosaic.version = 14 : i64} {
  func.func @agg_kernel(%arg0: i32, %arg1: i32, %arg2: memref<10000x128xf32, #tpu.memory_space<hbm>>, %arg3: memref<2x16x32x4x80xi32, #tpu.memory_space<hbm>>, %arg4: memref<2x16x32x4x80xi32, #tpu.memory_space<hbm>>, %arg5: memref<2x10240x128xf32, #tpu.memory_space<hbm>>, %arg6: memref<2x4x80xi32, #tpu.memory_space<vmem>>, %arg7: memref<2x4x80xi32, #tpu.memory_space<vmem>>, %arg8: memref<80x128xf32, #tpu.memory_space<vmem>>, %arg9: memref<80x128xf32, #tpu.memory_space<vmem>>, %arg10: memref<80x128xf32, #tpu.memory_space<vmem>>, %arg11: memref<80x128xf32, #tpu.memory_space<vmem>>, %arg12: memref<16x128xf32, #tpu.memory_space<vmem>>, %arg13: memref<10240x128xf32, #tpu.memory_space<vmem_shared>>, %arg14: memref<!tpu.dma_semaphore, #tpu.memory_space<semaphore_mem>>, %arg15: memref<!tpu.dma_semaphore, #tpu.memory_space<semaphore_mem>>, %arg16: memref<!tpu.dma_semaphore, #tpu.memory_space<semaphore_mem>>, %arg17: memref<!tpu.dma_semaphore, #tpu.memory_space<semaphore_mem>>, %arg18: memref<!tpu.dma_semaphore, #tpu.memory_space<semaphore_mem>>, %arg19: memref<!tpu.dma_semaphore, #tpu.memory_space<semaphore_mem>>, %arg20: memref<!tpu.dma_semaphore, #tpu.memory_space<semaphore_mem>>, %arg21: memref<!tpu.dma_semaphore, #tpu.memory_space<semaphore_mem>>, %arg22: memref<!tpu.dma_semaphore, #tpu.memory_space<semaphore_mem>>, %arg23: memref<!tpu.dma_semaphore, #tpu.memory_space<semaphore_mem>>) attributes {dimension_semantics = [#tpu.dimension_semantics<core_parallel>, #tpu.dimension_semantics<subcore_parallel>], iteration_bounds = array<i64: 2, 16>, scalar_prefetch = 0 : i64, scratch_operands = 18 : i64, tpu.core_type = #tpu.core_type<sc_vector_subcore>, window_params = [{transform_indices = #map}, {transform_indices = #map1}, {transform_indices = #map1}, {transform_indices = #map2}]} {
    %run_scoped3A = arith.constant 0 : i32
    %run_scoped3A_0 = arith.constant 0 : i32
    "tpu.region"() ({
      %run_scoped3A_209 = tpu.sem_alloc : memref<!tpu.dma_semaphore, #tpu.memory_space<semaphore_mem>>
      %dma_start3A_210 = arith.constant 0 : i32
      %dma_start3A_211 = arith.constant 0 : i32
      %dma_start3A_212 = tpu.memref_slice %arg6[%run_scoped3A_0, %dma_start3A_210, %dma_start3A_211] : memref<2x4x80xi32, #tpu.memory_space<vmem>> -> memref<1x4x80xi32, #tpu.memory_space<vmem>>
      %dma_start3A_213 = tpu.memref_squeeze %dma_start3A_212 : memref<1x4x80xi32, #tpu.memory_space<vmem>> -> memref<4x80xi32, #tpu.memory_space<vmem>>
      %dma_start3A_214 = arith.constant 0 : i32
      %dma_start3A_215 = arith.constant 0 : i32
      %dma_start3A_216 = tpu.memref_slice %arg3[%arg0, %arg1, %run_scoped3A, %dma_start3A_214, %dma_start3A_215] : memref<2x16x32x4x80xi32, #tpu.memory_space<hbm>> -> memref<1x1x1x4x80xi32, #tpu.memory_space<hbm>>
      %dma_start3A_217 = tpu.memref_squeeze %dma_start3A_216 : memref<1x1x1x4x80xi32, #tpu.memory_space<hbm>> -> memref<4x80xi32, #tpu.memory_space<hbm>>
      %dma_start3A_218 = arith.constant 0 : i32
      %dma_start3A_219 = arith.constant 0 : i32
      %dma_start3A_220 = tpu.memref_slice %arg6[%run_scoped3A_0, %dma_start3A_218, %dma_start3A_219] : memref<2x4x80xi32, #tpu.memory_space<vmem>> -> memref<1x4x80xi32, #tpu.memory_space<vmem>>
      %dma_start3A_221 = tpu.memref_squeeze %dma_start3A_220 : memref<1x4x80xi32, #tpu.memory_space<vmem>> -> memref<4x80xi32, #tpu.memory_space<vmem>>
      %dma_start3A_222 = arith.constant 0 : i32
      %dma_start3A_223 = arith.constant 0 : i32
      %dma_start3A_224 = tpu.memref_slice %arg3[%arg0, %arg1, %run_scoped3A, %dma_start3A_222, %dma_start3A_223] : memref<2x16x32x4x80xi32, #tpu.memory_space<hbm>> -> memref<1x1x1x4x80xi32, #tpu.memory_space<hbm>>
      %dma_start3A_225 = tpu.memref_squeeze %dma_start3A_224 : memref<1x1x1x4x80xi32, #tpu.memory_space<hbm>> -> memref<4x80xi32, #tpu.memory_space<hbm>>
      tpu.enqueue_dma source(%dma_start3A_225 : memref<4x80xi32, #tpu.memory_space<hbm>>) target(%dma_start3A_221 : memref<4x80xi32, #tpu.memory_space<vmem>>) target_semaphore(%run_scoped3A_209 : memref<!tpu.dma_semaphore, #tpu.memory_space<semaphore_mem>>)
      %dma_wait3A = arith.constant 0 : i32
      %dma_wait3A_226 = arith.constant 0 : i32
      %dma_wait3A_227 = tpu.memref_slice %arg6[%run_scoped3A_0, %dma_wait3A, %dma_wait3A_226] : memref<2x4x80xi32, #tpu.memory_space<vmem>> -> memref<1x4x80xi32, #tpu.memory_space<vmem>>
      %dma_wait3A_228 = tpu.memref_squeeze %dma_wait3A_227 : memref<1x4x80xi32, #tpu.memory_space<vmem>> -> memref<4x80xi32, #tpu.memory_space<vmem>>
      %dma_wait3A_229 = arith.constant 0 : i32
      %dma_wait3A_230 = arith.constant 0 : i32
      %dma_wait3A_231 = tpu.memref_slice %arg3[%arg0, %arg1, %run_scoped3A, %dma_wait3A_229, %dma_wait3A_230] : memref<2x16x32x4x80xi32, #tpu.memory_space<hbm>> -> memref<1x1x1x4x80xi32, #tpu.memory_space<hbm>>
      %dma_wait3A_232 = tpu.memref_squeeze %dma_wait3A_231 : memref<1x1x1x4x80xi32, #tpu.memory_space<hbm>> -> memref<4x80xi32, #tpu.memory_space<hbm>>
      %dma_wait3A_233 = arith.constant 0 : i32
      %dma_wait3A_234 = arith.constant 0 : i32
      %dma_wait3A_235 = tpu.memref_slice %arg6[%run_scoped3A_0, %dma_wait3A_233, %dma_wait3A_234] : memref<2x4x80xi32, #tpu.memory_space<vmem>> -> memref<1x4x80xi32, #tpu.memory_space<vmem>>
      %dma_wait3A_236 = tpu.memref_squeeze %dma_wait3A_235 : memref<1x4x80xi32, #tpu.memory_space<vmem>> -> memref<4x80xi32, #tpu.memory_space<vmem>>
      %dma_wait3A_237 = arith.constant 0 : i32
      %dma_wait3A_238 = arith.constant 0 : i32
      %dma_wait3A_239 = tpu.memref_slice %arg3[%arg0, %arg1, %run_scoped3A, %dma_wait3A_237, %dma_wait3A_238] : memref<2x16x32x4x80xi32, #tpu.memory_space<hbm>> -> memref<1x1x1x4x80xi32, #tpu.memory_space<hbm>>
      %dma_wait3A_240 = tpu.memref_squeeze %dma_wait3A_239 : memref<1x1x1x4x80xi32, #tpu.memory_space<hbm>> -> memref<4x80xi32, #tpu.memory_space<hbm>>
      tpu.wait_dma2 semaphore(%run_scoped3A_209 : memref<!tpu.dma_semaphore, #tpu.memory_space<semaphore_mem>>) src(%dma_wait3A_240 : memref<4x80xi32, #tpu.memory_space<hbm>>) dst(%dma_wait3A_236 : memref<4x80xi32, #tpu.memory_space<vmem>>)
      tpu.yield
    }) : () -> ()
    %run_scoped3A_1 = arith.constant 0 : i32
    %run_scoped3A_2 = arith.constant 0 : i32
    "tpu.region"() ({
      %run_scoped3A_209 = tpu.sem_alloc : memref<!tpu.dma_semaphore, #tpu.memory_space<semaphore_mem>>
      %dma_start3A_210 = arith.constant 0 : i32
      %dma_start3A_211 = arith.constant 0 : i32
      %dma_start3A_212 = tpu.memref_slice %arg7[%run_scoped3A_2, %dma_start3A_210, %dma_start3A_211] : memref<2x4x80xi32, #tpu.memory_space<vmem>> -> memref<1x4x80xi32, #tpu.memory_space<vmem>>
      %dma_start3A_213 = tpu.memref_squeeze %dma_start3A_212 : memref<1x4x80xi32, #tpu.memory_space<vmem>> -> memref<4x80xi32, #tpu.memory_space<vmem>>
      %dma_start3A_214 = arith.constant 0 : i32
      %dma_start3A_215 = arith.constant 0 : i32
      %dma_start3A_216 = tpu.memref_slice %arg4[%arg0, %arg1, %run_scoped3A_1, %dma_start3A_214, %dma_start3A_215] : memref<2x16x32x4x80xi32, #tpu.memory_space<hbm>> -> memref<1x1x1x4x80xi32, #tpu.memory_space<hbm>>
      %dma_start3A_217 = tpu.memref_squeeze %dma_start3A_216 : memref<1x1x1x4x80xi32, #tpu.memory_space<hbm>> -> memref<4x80xi32, #tpu.memory_space<hbm>>
      %dma_start3A_218 = arith.constant 0 : i32
      %dma_start3A_219 = arith.constant 0 : i32
      %dma_start3A_220 = tpu.memref_slice %arg7[%run_scoped3A_2, %dma_start3A_218, %dma_start3A_219] : memref<2x4x80xi32, #tpu.memory_space<vmem>> -> memref<1x4x80xi32, #tpu.memory_space<vmem>>
      %dma_start3A_221 = tpu.memref_squeeze %dma_start3A_220 : memref<1x4x80xi32, #tpu.memory_space<vmem>> -> memref<4x80xi32, #tpu.memory_space<vmem>>
      %dma_start3A_222 = arith.constant 0 : i32
      %dma_start3A_223 = arith.constant 0 : i32
      %dma_start3A_224 = tpu.memref_slice %arg4[%arg0, %arg1, %run_scoped3A_1, %dma_start3A_222, %dma_start3A_223] : memref<2x16x32x4x80xi32, #tpu.memory_space<hbm>> -> memref<1x1x1x4x80xi32, #tpu.memory_space<hbm>>
      %dma_start3A_225 = tpu.memref_squeeze %dma_start3A_224 : memref<1x1x1x4x80xi32, #tpu.memory_space<hbm>> -> memref<4x80xi32, #tpu.memory_space<hbm>>
      tpu.enqueue_dma source(%dma_start3A_225 : memref<4x80xi32, #tpu.memory_space<hbm>>) target(%dma_start3A_221 : memref<4x80xi32, #tpu.memory_space<vmem>>) target_semaphore(%run_scoped3A_209 : memref<!tpu.dma_semaphore, #tpu.memory_space<semaphore_mem>>)
      %dma_wait3A = arith.constant 0 : i32
      %dma_wait3A_226 = arith.constant 0 : i32
      %dma_wait3A_227 = tpu.memref_slice %arg7[%run_scoped3A_2, %dma_wait3A, %dma_wait3A_226] : memref<2x4x80xi32, #tpu.memory_space<vmem>> -> memref<1x4x80xi32, #tpu.memory_space<vmem>>
      %dma_wait3A_228 = tpu.memref_squeeze %dma_wait3A_227 : memref<1x4x80xi32, #tpu.memory_space<vmem>> -> memref<4x80xi32, #tpu.memory_space<vmem>>
      %dma_wait3A_229 = arith.constant 0 : i32
      %dma_wait3A_230 = arith.constant 0 : i32
      %dma_wait3A_231 = tpu.memref_slice %arg4[%arg0, %arg1, %run_scoped3A_1, %dma_wait3A_229, %dma_wait3A_230] : memref<2x16x32x4x80xi32, #tpu.memory_space<hbm>> -> memref<1x1x1x4x80xi32, #tpu.memory_space<hbm>>
      %dma_wait3A_232 = tpu.memref_squeeze %dma_wait3A_231 : memref<1x1x1x4x80xi32, #tpu.memory_space<hbm>> -> memref<4x80xi32, #tpu.memory_space<hbm>>
      %dma_wait3A_233 = arith.constant 0 : i32
      %dma_wait3A_234 = arith.constant 0 : i32
      %dma_wait3A_235 = tpu.memref_slice %arg7[%run_scoped3A_2, %dma_wait3A_233, %dma_wait3A_234] : memref<2x4x80xi32, #tpu.memory_space<vmem>> -> memref<1x4x80xi32, #tpu.memory_space<vmem>>
      %dma_wait3A_236 = tpu.memref_squeeze %dma_wait3A_235 : memref<1x4x80xi32, #tpu.memory_space<vmem>> -> memref<4x80xi32, #tpu.memory_space<vmem>>
      %dma_wait3A_237 = arith.constant 0 : i32
      %dma_wait3A_238 = arith.constant 0 : i32
      %dma_wait3A_239 = tpu.memref_slice %arg4[%arg0, %arg1, %run_scoped3A_1, %dma_wait3A_237, %dma_wait3A_238] : memref<2x16x32x4x80xi32, #tpu.memory_space<hbm>> -> memref<1x1x1x4x80xi32, #tpu.memory_space<hbm>>
      %dma_wait3A_240 = tpu.memref_squeeze %dma_wait3A_239 : memref<1x1x1x4x80xi32, #tpu.memory_space<hbm>> -> memref<4x80xi32, #tpu.memory_space<hbm>>
      tpu.wait_dma2 semaphore(%run_scoped3A_209 : memref<!tpu.dma_semaphore, #tpu.memory_space<semaphore_mem>>) src(%dma_wait3A_240 : memref<4x80xi32, #tpu.memory_space<hbm>>) dst(%dma_wait3A_236 : memref<4x80xi32, #tpu.memory_space<vmem>>)
      tpu.yield
    }) : () -> ()
    %dma_start3A = arith.constant 0 : i32
    %dma_start3A_3 = arith.constant 0 : i32
    %dma_start3A_4 = arith.constant 0 : i32
    %dma_start3A_5 = tpu.memref_slice %arg6[%dma_start3A, %dma_start3A_3, %dma_start3A_4] : memref<2x4x80xi32, #tpu.memory_space<vmem>> -> memref<1x1x80xi32, #tpu.memory_space<vmem>>
    %dma_start3A_6 = tpu.memref_squeeze %dma_start3A_5 : memref<1x1x80xi32, #tpu.memory_space<vmem>> -> memref<80xi32, #tpu.memory_space<vmem>>
    %dma_start3A_7 = arith.constant 0 : i32
    %dma_start3A_8 = arith.constant 0 : i32
    %dma_start3A_9 = tpu.memref_slice %arg2[%dma_start3A_7, %dma_start3A_8] : memref<10000x128xf32, #tpu.memory_space<hbm>> -> memref<10000x128xf32, #tpu.memory_space<hbm>>
    tpu.enqueue_indirect_dma source(%dma_start3A_9 : memref<10000x128xf32, #tpu.memory_space<hbm>>) target(%arg8 : memref<80x128xf32, #tpu.memory_space<vmem>>) offsets(%dma_start3A_6 : memref<80xi32, #tpu.memory_space<vmem>>) semaphore(%arg14 : memref<!tpu.dma_semaphore, #tpu.memory_space<semaphore_mem>>)
    %dma_start3A_10 = arith.constant 0 : i32
    %dma_start3A_11 = arith.constant 1 : i32
    %dma_start3A_12 = arith.constant 0 : i32
    %dma_start3A_13 = tpu.memref_slice %arg6[%dma_start3A_10, %dma_start3A_11, %dma_start3A_12] : memref<2x4x80xi32, #tpu.memory_space<vmem>> -> memref<1x1x80xi32, #tpu.memory_space<vmem>>
    %dma_start3A_14 = tpu.memref_squeeze %dma_start3A_13 : memref<1x1x80xi32, #tpu.memory_space<vmem>> -> memref<80xi32, #tpu.memory_space<vmem>>
    %dma_start3A_15 = arith.constant 0 : i32
    %dma_start3A_16 = arith.constant 0 : i32
    %dma_start3A_17 = tpu.memref_slice %arg2[%dma_start3A_15, %dma_start3A_16] : memref<10000x128xf32, #tpu.memory_space<hbm>> -> memref<10000x128xf32, #tpu.memory_space<hbm>>
    tpu.enqueue_indirect_dma source(%dma_start3A_17 : memref<10000x128xf32, #tpu.memory_space<hbm>>) target(%arg9 : memref<80x128xf32, #tpu.memory_space<vmem>>) offsets(%dma_start3A_14 : memref<80xi32, #tpu.memory_space<vmem>>) semaphore(%arg15 : memref<!tpu.dma_semaphore, #tpu.memory_space<semaphore_mem>>)
    %dma_start3A_18 = arith.constant 0 : i32
    %dma_start3A_19 = arith.constant 2 : i32
    %dma_start3A_20 = arith.constant 0 : i32
    %dma_start3A_21 = tpu.memref_slice %arg6[%dma_start3A_18, %dma_start3A_19, %dma_start3A_20] : memref<2x4x80xi32, #tpu.memory_space<vmem>> -> memref<1x1x80xi32, #tpu.memory_space<vmem>>
    %dma_start3A_22 = tpu.memref_squeeze %dma_start3A_21 : memref<1x1x80xi32, #tpu.memory_space<vmem>> -> memref<80xi32, #tpu.memory_space<vmem>>
    %dma_start3A_23 = arith.constant 0 : i32
    %dma_start3A_24 = arith.constant 0 : i32
    %dma_start3A_25 = tpu.memref_slice %arg2[%dma_start3A_23, %dma_start3A_24] : memref<10000x128xf32, #tpu.memory_space<hbm>> -> memref<10000x128xf32, #tpu.memory_space<hbm>>
    tpu.enqueue_indirect_dma source(%dma_start3A_25 : memref<10000x128xf32, #tpu.memory_space<hbm>>) target(%arg10 : memref<80x128xf32, #tpu.memory_space<vmem>>) offsets(%dma_start3A_22 : memref<80xi32, #tpu.memory_space<vmem>>) semaphore(%arg16 : memref<!tpu.dma_semaphore, #tpu.memory_space<semaphore_mem>>)
    %dma_start3A_26 = arith.constant 0 : i32
    %dma_start3A_27 = arith.constant 3 : i32
    %dma_start3A_28 = arith.constant 0 : i32
    %dma_start3A_29 = tpu.memref_slice %arg6[%dma_start3A_26, %dma_start3A_27, %dma_start3A_28] : memref<2x4x80xi32, #tpu.memory_space<vmem>> -> memref<1x1x80xi32, #tpu.memory_space<vmem>>
    %dma_start3A_30 = tpu.memref_squeeze %dma_start3A_29 : memref<1x1x80xi32, #tpu.memory_space<vmem>> -> memref<80xi32, #tpu.memory_space<vmem>>
    %dma_start3A_31 = arith.constant 0 : i32
    %dma_start3A_32 = arith.constant 0 : i32
    %dma_start3A_33 = tpu.memref_slice %arg2[%dma_start3A_31, %dma_start3A_32] : memref<10000x128xf32, #tpu.memory_space<hbm>> -> memref<10000x128xf32, #tpu.memory_space<hbm>>
    tpu.enqueue_indirect_dma source(%dma_start3A_33 : memref<10000x128xf32, #tpu.memory_space<hbm>>) target(%arg11 : memref<80x128xf32, #tpu.memory_space<vmem>>) offsets(%dma_start3A_30 : memref<80xi32, #tpu.memory_space<vmem>>) semaphore(%arg17 : memref<!tpu.dma_semaphore, #tpu.memory_space<semaphore_mem>>)
    %broadcast_in_dim3A = arith.constant 0.000000e+00 : f32
    %broadcast_in_dim3A_34 = vector.broadcast %broadcast_in_dim3A : f32 to vector<16xf32>
    %scan3A = arith.constant 0 : i32
    %scan3A_35 = arith.constant 0 : i32
    %scan3A_36 = arith.constant 128 : i32
    %scan3A_37 = arith.addi %scan3A_35, %scan3A_36 : i32
    %scan3A_38 = arith.constant 1 : i32
    scf.for %scan3A_209 = %scan3A_35 to %scan3A_37 step %scan3A_38  : i32 {
      %jit3A = arith.constant 8 : i32
      %div3A = arith.divsi %scan3A_209, %jit3A : i32
      %sign3A = arith.constant 0 : i32
      %sign3A_210 = arith.cmpi sgt, %scan3A_209, %sign3A : i32
      %sign3A_211 = arith.extui %sign3A_210 : i1 to i32
      %sign3A_212 = arith.constant 0 : i32
      %sign3A_213 = arith.cmpi slt, %scan3A_209, %sign3A_212 : i32
      %sign3A_214 = arith.extui %sign3A_213 : i1 to i32
      %sign3A_215 = arith.subi %sign3A_211, %sign3A_214 : i32
      %sign3A_216 = arith.constant 0 : i32
      %sign3A_217 = arith.cmpi sgt, %jit3A, %sign3A_216 : i32
      %sign3A_218 = arith.extui %sign3A_217 : i1 to i32
      %sign3A_219 = arith.constant 0 : i32
      %sign3A_220 = arith.cmpi slt, %jit3A, %sign3A_219 : i32
      %sign3A_221 = arith.extui %sign3A_220 : i1 to i32
      %sign3A_222 = arith.subi %sign3A_218, %sign3A_221 : i32
      %ne3A = arith.cmpi ne, %sign3A_215, %sign3A_222 : i32
      %rem3A = arith.remsi %scan3A_209, %jit3A : i32
      %ne3A_223 = arith.constant 0 : i32
      %ne3A_224 = arith.cmpi ne, %rem3A, %ne3A_223 : i32
      %and3A = arith.andi %ne3A, %ne3A_224 : i1
      %sub3A = arith.constant 1 : i32
      %sub3A_225 = arith.subi %div3A, %sub3A : i32
      %select_n3A = arith.select %and3A, %sub3A_225, %div3A : i32
      %jit3A_226 = arith.constant 8 : i32
      %eq3A = arith.constant 0 : i32
      %eq3A_227 = arith.cmpi eq, %jit3A_226, %eq3A : i32
      %jit3A_228 = arith.constant 1 : i32
      %select_n3A_229 = arith.select %eq3A_227, %jit3A_228, %jit3A_226 : i32
      %rem3A_230 = arith.remsi %scan3A_209, %select_n3A_229 : i32
      %ne3A_231 = arith.constant 0 : i32
      %ne3A_232 = arith.cmpi ne, %rem3A_230, %ne3A_231 : i32
      %lt3A = arith.constant 0 : i32
      %lt3A_233 = arith.cmpi slt, %rem3A_230, %lt3A : i32
      %lt3A_234 = arith.constant 0 : i32
      %lt3A_235 = arith.cmpi slt, %select_n3A_229, %lt3A_234 : i32
      %ne3A_236 = arith.xori %lt3A_233, %lt3A_235 : i1
      %and3A_237 = arith.andi %ne3A_236, %ne3A_232 : i1
      %add3A_238 = arith.addi %rem3A_230, %select_n3A_229 : i32
      %select_n3A_239 = arith.select %and3A_237, %add3A_238, %rem3A_230 : i32
      %mul3A_240 = arith.constant 16 : i32
      %mul3A_241 = arith.muli %select_n3A_239, %mul3A_240 : i32
      %swap3A = arith.index_cast %select_n3A : i32 to index
      %swap3A_242 = arith.index_cast %mul3A_241 : i32 to index
      %swap3A_243 = tpu.vector_load %arg12[%swap3A, %swap3A_242] {strides = array<i32>} : memref<16x128xf32, #tpu.memory_space<vmem>>, vector<1x16xf32>,
      %swap3A_244 = vector.shape_cast %swap3A_243 : vector<1x16xf32> to vector<16xf32>
      %swap3A_245 = vector.shape_cast %broadcast_in_dim3A_34 : vector<16xf32> to vector<1x16xf32>
      tpu.vector_store %arg12[%swap3A, %swap3A_242], %swap3A_245 {strides = array<i32>} : memref<16x128xf32, #tpu.memory_space<vmem>>, vector<1x16xf32>,
    }
    %scan3A_39 = arith.constant 128 : i32
    %mul3A = arith.constant 640 : i32
    %mul3A_40 = arith.muli %arg1, %mul3A : i32
    %add3A = arith.constant 0 : i32
    %add3A_41 = arith.addi %mul3A_40, %add3A : i32
    "tpu.region"() ({
      %run_scoped3A_209 = tpu.sem_alloc : memref<!tpu.dma_semaphore, #tpu.memory_space<semaphore_mem>>
      %dma_start3A_210 = arith.constant 0 : i32
      %dma_start3A_211 = tpu.memref_slice %arg13[%add3A_41, %dma_start3A_210] : memref<10240x128xf32, #tpu.memory_space<vmem_shared>> -> memref<16x128xf32, #tpu.memory_space<vmem_shared>>
      %dma_start3A_212 = arith.constant 0 : i32
      %dma_start3A_213 = tpu.memref_slice %arg13[%add3A_41, %dma_start3A_212] : memref<10240x128xf32, #tpu.memory_space<vmem_shared>> -> memref<16x128xf32, #tpu.memory_space<vmem_shared>>
      tpu.enqueue_dma source(%arg12 : memref<16x128xf32, #tpu.memory_space<vmem>>) target(%dma_start3A_213 : memref<16x128xf32, #tpu.memory_space<vmem_shared>>) target_semaphore(%run_scoped3A_209 : memref<!tpu.dma_semaphore, #tpu.memory_space<semaphore_mem>>)
      %dma_wait3A = arith.constant 0 : i32
      %dma_wait3A_214 = tpu.memref_slice %arg13[%add3A_41, %dma_wait3A] : memref<10240x128xf32, #tpu.memory_space<vmem_shared>> -> memref<16x128xf32, #tpu.memory_space<vmem_shared>>
      %dma_wait3A_215 = arith.constant 0 : i32
      %dma_wait3A_216 = tpu.memref_slice %arg13[%add3A_41, %dma_wait3A_215] : memref<10240x128xf32, #tpu.memory_space<vmem_shared>> -> memref<16x128xf32, #tpu.memory_space<vmem_shared>>
      tpu.wait_dma2 semaphore(%run_scoped3A_209 : memref<!tpu.dma_semaphore, #tpu.memory_space<semaphore_mem>>) src(%arg12 : memref<16x128xf32, #tpu.memory_space<vmem>>) dst(%dma_wait3A_216 : memref<16x128xf32, #tpu.memory_space<vmem_shared>>)
      tpu.yield
    }) : () -> ()
    %mul3A_42 = arith.constant 640 : i32
    %mul3A_43 = arith.muli %arg1, %mul3A_42 : i32
    %add3A_44 = arith.constant 16 : i32
    %add3A_45 = arith.addi %mul3A_43, %add3A_44 : i32
    "tpu.region"() ({
      %run_scoped3A_209 = tpu.sem_alloc : memref<!tpu.dma_semaphore, #tpu.memory_space<semaphore_mem>>
      %dma_start3A_210 = arith.constant 0 : i32
      %dma_start3A_211 = tpu.memref_slice %arg13[%add3A_45, %dma_start3A_210] : memref<10240x128xf32, #tpu.memory_space<vmem_shared>> -> memref<16x128xf32, #tpu.memory_space<vmem_shared>>
      %dma_start3A_212 = arith.constant 0 : i32
      %dma_start3A_213 = tpu.memref_slice %arg13[%add3A_45, %dma_start3A_212] : memref<10240x128xf32, #tpu.memory_space<vmem_shared>> -> memref<16x128xf32, #tpu.memory_space<vmem_shared>>
      tpu.enqueue_dma source(%arg12 : memref<16x128xf32, #tpu.memory_space<vmem>>) target(%dma_start3A_213 : memref<16x128xf32, #tpu.memory_space<vmem_shared>>) target_semaphore(%run_scoped3A_209 : memref<!tpu.dma_semaphore, #tpu.memory_space<semaphore_mem>>)
      %dma_wait3A = arith.constant 0 : i32
      %dma_wait3A_214 = tpu.memref_slice %arg13[%add3A_45, %dma_wait3A] : memref<10240x128xf32, #tpu.memory_space<vmem_shared>> -> memref<16x128xf32, #tpu.memory_space<vmem_shared>>
      %dma_wait3A_215 = arith.constant 0 : i32
      %dma_wait3A_216 = tpu.memref_slice %arg13[%add3A_45, %dma_wait3A_215] : memref<10240x128xf32, #tpu.memory_space<vmem_shared>> -> memref<16x128xf32, #tpu.memory_space<vmem_shared>>
      tpu.wait_dma2 semaphore(%run_scoped3A_209 : memref<!tpu.dma_semaphore, #tpu.memory_space<semaphore_mem>>) src(%arg12 : memref<16x128xf32, #tpu.memory_space<vmem>>) dst(%dma_wait3A_216 : memref<16x128xf32, #tpu.memory_space<vmem_shared>>)
      tpu.yield
    }) : () -> ()
    %mul3A_46 = arith.constant 640 : i32
    %mul3A_47 = arith.muli %arg1, %mul3A_46 : i32
    %add3A_48 = arith.constant 32 : i32
    %add3A_49 = arith.addi %mul3A_47, %add3A_48 : i32
    "tpu.region"() ({
      %run_scoped3A_209 = tpu.sem_alloc : memref<!tpu.dma_semaphore, #tpu.memory_space<semaphore_mem>>
      %dma_start3A_210 = arith.constant 0 : i32
      %dma_start3A_211 = tpu.memref_slice %arg13[%add3A_49, %dma_start3A_210] : memref<10240x128xf32, #tpu.memory_space<vmem_shared>> -> memref<16x128xf32, #tpu.memory_space<vmem_shared>>
      %dma_start3A_212 = arith.constant 0 : i32
      %dma_start3A_213 = tpu.memref_slice %arg13[%add3A_49, %dma_start3A_212] : memref<10240x128xf32, #tpu.memory_space<vmem_shared>> -> memref<16x128xf32, #tpu.memory_space<vmem_shared>>
      tpu.enqueue_dma source(%arg12 : memref<16x128xf32, #tpu.memory_space<vmem>>) target(%dma_start3A_213 : memref<16x128xf32, #tpu.memory_space<vmem_shared>>) target_semaphore(%run_scoped3A_209 : memref<!tpu.dma_semaphore, #tpu.memory_space<semaphore_mem>>)
      %dma_wait3A = arith.constant 0 : i32
      %dma_wait3A_214 = tpu.memref_slice %arg13[%add3A_49, %dma_wait3A] : memref<10240x128xf32, #tpu.memory_space<vmem_shared>> -> memref<16x128xf32, #tpu.memory_space<vmem_shared>>
      %dma_wait3A_215 = arith.constant 0 : i32
      %dma_wait3A_216 = tpu.memref_slice %arg13[%add3A_49, %dma_wait3A_215] : memref<10240x128xf32, #tpu.memory_space<vmem_shared>> -> memref<16x128xf32, #tpu.memory_space<vmem_shared>>
      tpu.wait_dma2 semaphore(%run_scoped3A_209 : memref<!tpu.dma_semaphore, #tpu.memory_space<semaphore_mem>>) src(%arg12 : memref<16x128xf32, #tpu.memory_space<vmem>>) dst(%dma_wait3A_216 : memref<16x128xf32, #tpu.memory_space<vmem_shared>>)
      tpu.yield
    }) : () -> ()
    %mul3A_50 = arith.constant 640 : i32
    %mul3A_51 = arith.muli %arg1, %mul3A_50 : i32
    %add3A_52 = arith.constant 48 : i32
    %add3A_53 = arith.addi %mul3A_51, %add3A_52 : i32
    "tpu.region"() ({
      %run_scoped3A_209 = tpu.sem_alloc : memref<!tpu.dma_semaphore, #tpu.memory_space<semaphore_mem>>
      %dma_start3A_210 = arith.constant 0 : i32
      %dma_start3A_211 = tpu.memref_slice %arg13[%add3A_53, %dma_start3A_210] : memref<10240x128xf32, #tpu.memory_space<vmem_shared>> -> memref<16x128xf32, #tpu.memory_space<vmem_shared>>
      %dma_start3A_212 = arith.constant 0 : i32
      %dma_start3A_213 = tpu.memref_slice %arg13[%add3A_53, %dma_start3A_212] : memref<10240x128xf32, #tpu.memory_space<vmem_shared>> -> memref<16x128xf32, #tpu.memory_space<vmem_shared>>
      tpu.enqueue_dma source(%arg12 : memref<16x128xf32, #tpu.memory_space<vmem>>) target(%dma_start3A_213 : memref<16x128xf32, #tpu.memory_space<vmem_shared>>) target_semaphore(%run_scoped3A_209 : memref<!tpu.dma_semaphore, #tpu.memory_space<semaphore_mem>>)
      %dma_wait3A = arith.constant 0 : i32
      %dma_wait3A_214 = tpu.memref_slice %arg13[%add3A_53, %dma_wait3A] : memref<10240x128xf32, #tpu.memory_space<vmem_shared>> -> memref<16x128xf32, #tpu.memory_space<vmem_shared>>
      %dma_wait3A_215 = arith.constant 0 : i32
      %dma_wait3A_216 = tpu.memref_slice %arg13[%add3A_53, %dma_wait3A_215] : memref<10240x128xf32, #tpu.memory_space<vmem_shared>> -> memref<16x128xf32, #tpu.memory_space<vmem_shared>>
      tpu.wait_dma2 semaphore(%run_scoped3A_209 : memref<!tpu.dma_semaphore, #tpu.memory_space<semaphore_mem>>) src(%arg12 : memref<16x128xf32, #tpu.memory_space<vmem>>) dst(%dma_wait3A_216 : memref<16x128xf32, #tpu.memory_space<vmem_shared>>)
      tpu.yield
    }) : () -> ()
    %mul3A_54 = arith.constant 640 : i32
    %mul3A_55 = arith.muli %arg1, %mul3A_54 : i32
    %add3A_56 = arith.constant 64 : i32
    %add3A_57 = arith.addi %mul3A_55, %add3A_56 : i32
    "tpu.region"() ({
      %run_scoped3A_209 = tpu.sem_alloc : memref<!tpu.dma_semaphore, #tpu.memory_space<semaphore_mem>>
      %dma_start3A_210 = arith.constant 0 : i32
      %dma_start3A_211 = tpu.memref_slice %arg13[%add3A_57, %dma_start3A_210] : memref<10240x128xf32, #tpu.memory_space<vmem_shared>> -> memref<16x128xf32, #tpu.memory_space<vmem_shared>>
      %dma_start3A_212 = arith.constant 0 : i32
      %dma_start3A_213 = tpu.memref_slice %arg13[%add3A_57, %dma_start3A_212] : memref<10240x128xf32, #tpu.memory_space<vmem_shared>> -> memref<16x128xf32, #tpu.memory_space<vmem_shared>>
      tpu.enqueue_dma source(%arg12 : memref<16x128xf32, #tpu.memory_space<vmem>>) target(%dma_start3A_213 : memref<16x128xf32, #tpu.memory_space<vmem_shared>>) target_semaphore(%run_scoped3A_209 : memref<!tpu.dma_semaphore, #tpu.memory_space<semaphore_mem>>)
      %dma_wait3A = arith.constant 0 : i32
      %dma_wait3A_214 = tpu.memref_slice %arg13[%add3A_57, %dma_wait3A] : memref<10240x128xf32, #tpu.memory_space<vmem_shared>> -> memref<16x128xf32, #tpu.memory_space<vmem_shared>>
      %dma_wait3A_215 = arith.constant 0 : i32
      %dma_wait3A_216 = tpu.memref_slice %arg13[%add3A_57, %dma_wait3A_215] : memref<10240x128xf32, #tpu.memory_space<vmem_shared>> -> memref<16x128xf32, #tpu.memory_space<vmem_shared>>
      tpu.wait_dma2 semaphore(%run_scoped3A_209 : memref<!tpu.dma_semaphore, #tpu.memory_space<semaphore_mem>>) src(%arg12 : memref<16x128xf32, #tpu.memory_space<vmem>>) dst(%dma_wait3A_216 : memref<16x128xf32, #tpu.memory_space<vmem_shared>>)
      tpu.yield
    }) : () -> ()
    %mul3A_58 = arith.constant 640 : i32
    %mul3A_59 = arith.muli %arg1, %mul3A_58 : i32
    %add3A_60 = arith.constant 80 : i32
    %add3A_61 = arith.addi %mul3A_59, %add3A_60 : i32
    "tpu.region"() ({
      %run_scoped3A_209 = tpu.sem_alloc : memref<!tpu.dma_semaphore, #tpu.memory_space<semaphore_mem>>
      %dma_start3A_210 = arith.constant 0 : i32
      %dma_start3A_211 = tpu.memref_slice %arg13[%add3A_61, %dma_start3A_210] : memref<10240x128xf32, #tpu.memory_space<vmem_shared>> -> memref<16x128xf32, #tpu.memory_space<vmem_shared>>
      %dma_start3A_212 = arith.constant 0 : i32
      %dma_start3A_213 = tpu.memref_slice %arg13[%add3A_61, %dma_start3A_212] : memref<10240x128xf32, #tpu.memory_space<vmem_shared>> -> memref<16x128xf32, #tpu.memory_space<vmem_shared>>
      tpu.enqueue_dma source(%arg12 : memref<16x128xf32, #tpu.memory_space<vmem>>) target(%dma_start3A_213 : memref<16x128xf32, #tpu.memory_space<vmem_shared>>) target_semaphore(%run_scoped3A_209 : memref<!tpu.dma_semaphore, #tpu.memory_space<semaphore_mem>>)
      %dma_wait3A = arith.constant 0 : i32
      %dma_wait3A_214 = tpu.memref_slice %arg13[%add3A_61, %dma_wait3A] : memref<10240x128xf32, #tpu.memory_space<vmem_shared>> -> memref<16x128xf32, #tpu.memory_space<vmem_shared>>
      %dma_wait3A_215 = arith.constant 0 : i32
      %dma_wait3A_216 = tpu.memref_slice %arg13[%add3A_61, %dma_wait3A_215] : memref<10240x128xf32, #tpu.memory_space<vmem_shared>> -> memref<16x128xf32, #tpu.memory_space<vmem_shared>>
      tpu.wait_dma2 semaphore(%run_scoped3A_209 : memref<!tpu.dma_semaphore, #tpu.memory_space<semaphore_mem>>) src(%arg12 : memref<16x128xf32, #tpu.memory_space<vmem>>) dst(%dma_wait3A_216 : memref<16x128xf32, #tpu.memory_space<vmem_shared>>)
      tpu.yield
    }) : () -> ()
    %mul3A_62 = arith.constant 640 : i32
    %mul3A_63 = arith.muli %arg1, %mul3A_62 : i32
    %add3A_64 = arith.constant 96 : i32
    %add3A_65 = arith.addi %mul3A_63, %add3A_64 : i32
    "tpu.region"() ({
      %run_scoped3A_209 = tpu.sem_alloc : memref<!tpu.dma_semaphore, #tpu.memory_space<semaphore_mem>>
      %dma_start3A_210 = arith.constant 0 : i32
      %dma_start3A_211 = tpu.memref_slice %arg13[%add3A_65, %dma_start3A_210] : memref<10240x128xf32, #tpu.memory_space<vmem_shared>> -> memref<16x128xf32, #tpu.memory_space<vmem_shared>>
      %dma_start3A_212 = arith.constant 0 : i32
      %dma_start3A_213 = tpu.memref_slice %arg13[%add3A_65, %dma_start3A_212] : memref<10240x128xf32, #tpu.memory_space<vmem_shared>> -> memref<16x128xf32, #tpu.memory_space<vmem_shared>>
      tpu.enqueue_dma source(%arg12 : memref<16x128xf32, #tpu.memory_space<vmem>>) target(%dma_start3A_213 : memref<16x128xf32, #tpu.memory_space<vmem_shared>>) target_semaphore(%run_scoped3A_209 : memref<!tpu.dma_semaphore, #tpu.memory_space<semaphore_mem>>)
      %dma_wait3A = arith.constant 0 : i32
      %dma_wait3A_214 = tpu.memref_slice %arg13[%add3A_65, %dma_wait3A] : memref<10240x128xf32, #tpu.memory_space<vmem_shared>> -> memref<16x128xf32, #tpu.memory_space<vmem_shared>>
      %dma_wait3A_215 = arith.constant 0 : i32
      %dma_wait3A_216 = tpu.memref_slice %arg13[%add3A_65, %dma_wait3A_215] : memref<10240x128xf32, #tpu.memory_space<vmem_shared>> -> memref<16x128xf32, #tpu.memory_space<vmem_shared>>
      tpu.wait_dma2 semaphore(%run_scoped3A_209 : memref<!tpu.dma_semaphore, #tpu.memory_space<semaphore_mem>>) src(%arg12 : memref<16x128xf32, #tpu.memory_space<vmem>>) dst(%dma_wait3A_216 : memref<16x128xf32, #tpu.memory_space<vmem_shared>>)
      tpu.yield
    }) : () -> ()
    %mul3A_66 = arith.constant 640 : i32
    %mul3A_67 = arith.muli %arg1, %mul3A_66 : i32
    %add3A_68 = arith.constant 112 : i32
    %add3A_69 = arith.addi %mul3A_67, %add3A_68 : i32
    "tpu.region"() ({
      %run_scoped3A_209 = tpu.sem_alloc : memref<!tpu.dma_semaphore, #tpu.memory_space<semaphore_mem>>
      %dma_start3A_210 = arith.constant 0 : i32
      %dma_start3A_211 = tpu.memref_slice %arg13[%add3A_69, %dma_start3A_210] : memref<10240x128xf32, #tpu.memory_space<vmem_shared>> -> memref<16x128xf32, #tpu.memory_space<vmem_shared>>
      %dma_start3A_212 = arith.constant 0 : i32
      %dma_start3A_213 = tpu.memref_slice %arg13[%add3A_69, %dma_start3A_212] : memref<10240x128xf32, #tpu.memory_space<vmem_shared>> -> memref<16x128xf32, #tpu.memory_space<vmem_shared>>
      tpu.enqueue_dma source(%arg12 : memref<16x128xf32, #tpu.memory_space<vmem>>) target(%dma_start3A_213 : memref<16x128xf32, #tpu.memory_space<vmem_shared>>) target_semaphore(%run_scoped3A_209 : memref<!tpu.dma_semaphore, #tpu.memory_space<semaphore_mem>>)
      %dma_wait3A = arith.constant 0 : i32
      %dma_wait3A_214 = tpu.memref_slice %arg13[%add3A_69, %dma_wait3A] : memref<10240x128xf32, #tpu.memory_space<vmem_shared>> -> memref<16x128xf32, #tpu.memory_space<vmem_shared>>
      %dma_wait3A_215 = arith.constant 0 : i32
      %dma_wait3A_216 = tpu.memref_slice %arg13[%add3A_69, %dma_wait3A_215] : memref<10240x128xf32, #tpu.memory_space<vmem_shared>> -> memref<16x128xf32, #tpu.memory_space<vmem_shared>>
      tpu.wait_dma2 semaphore(%run_scoped3A_209 : memref<!tpu.dma_semaphore, #tpu.memory_space<semaphore_mem>>) src(%arg12 : memref<16x128xf32, #tpu.memory_space<vmem>>) dst(%dma_wait3A_216 : memref<16x128xf32, #tpu.memory_space<vmem_shared>>)
      tpu.yield
    }) : () -> ()
    %mul3A_70 = arith.constant 640 : i32
    %mul3A_71 = arith.muli %arg1, %mul3A_70 : i32
    %add3A_72 = arith.constant 128 : i32
    %add3A_73 = arith.addi %mul3A_71, %add3A_72 : i32
    "tpu.region"() ({
      %run_scoped3A_209 = tpu.sem_alloc : memref<!tpu.dma_semaphore, #tpu.memory_space<semaphore_mem>>
      %dma_start3A_210 = arith.constant 0 : i32
      %dma_start3A_211 = tpu.memref_slice %arg13[%add3A_73, %dma_start3A_210] : memref<10240x128xf32, #tpu.memory_space<vmem_shared>> -> memref<16x128xf32, #tpu.memory_space<vmem_shared>>
      %dma_start3A_212 = arith.constant 0 : i32
      %dma_start3A_213 = tpu.memref_slice %arg13[%add3A_73, %dma_start3A_212] : memref<10240x128xf32, #tpu.memory_space<vmem_shared>> -> memref<16x128xf32, #tpu.memory_space<vmem_shared>>
      tpu.enqueue_dma source(%arg12 : memref<16x128xf32, #tpu.memory_space<vmem>>) target(%dma_start3A_213 : memref<16x128xf32, #tpu.memory_space<vmem_shared>>) target_semaphore(%run_scoped3A_209 : memref<!tpu.dma_semaphore, #tpu.memory_space<semaphore_mem>>)
      %dma_wait3A = arith.constant 0 : i32
      %dma_wait3A_214 = tpu.memref_slice %arg13[%add3A_73, %dma_wait3A] : memref<10240x128xf32, #tpu.memory_space<vmem_shared>> -> memref<16x128xf32, #tpu.memory_space<vmem_shared>>
      %dma_wait3A_215 = arith.constant 0 : i32
      %dma_wait3A_216 = tpu.memref_slice %arg13[%add3A_73, %dma_wait3A_215] : memref<10240x128xf32, #tpu.memory_space<vmem_shared>> -> memref<16x128xf32, #tpu.memory_space<vmem_shared>>
      tpu.wait_dma2 semaphore(%run_scoped3A_209 : memref<!tpu.dma_semaphore, #tpu.memory_space<semaphore_mem>>) src(%arg12 : memref<16x128xf32, #tpu.memory_space<vmem>>) dst(%dma_wait3A_216 : memref<16x128xf32, #tpu.memory_space<vmem_shared>>)
      tpu.yield
    }) : () -> ()
    %mul3A_74 = arith.constant 640 : i32
    %mul3A_75 = arith.muli %arg1, %mul3A_74 : i32
    %add3A_76 = arith.constant 144 : i32
    %add3A_77 = arith.addi %mul3A_75, %add3A_76 : i32
    "tpu.region"() ({
      %run_scoped3A_209 = tpu.sem_alloc : memref<!tpu.dma_semaphore, #tpu.memory_space<semaphore_mem>>
      %dma_start3A_210 = arith.constant 0 : i32
      %dma_start3A_211 = tpu.memref_slice %arg13[%add3A_77, %dma_start3A_210] : memref<10240x128xf32, #tpu.memory_space<vmem_shared>> -> memref<16x128xf32, #tpu.memory_space<vmem_shared>>
      %dma_start3A_212 = arith.constant 0 : i32
      %dma_start3A_213 = tpu.memref_slice %arg13[%add3A_77, %dma_start3A_212] : memref<10240x128xf32, #tpu.memory_space<vmem_shared>> -> memref<16x128xf32, #tpu.memory_space<vmem_shared>>
      tpu.enqueue_dma source(%arg12 : memref<16x128xf32, #tpu.memory_space<vmem>>) target(%dma_start3A_213 : memref<16x128xf32, #tpu.memory_space<vmem_shared>>) target_semaphore(%run_scoped3A_209 : memref<!tpu.dma_semaphore, #tpu.memory_space<semaphore_mem>>)
      %dma_wait3A = arith.constant 0 : i32
      %dma_wait3A_214 = tpu.memref_slice %arg13[%add3A_77, %dma_wait3A] : memref<10240x128xf32, #tpu.memory_space<vmem_shared>> -> memref<16x128xf32, #tpu.memory_space<vmem_shared>>
      %dma_wait3A_215 = arith.constant 0 : i32
      %dma_wait3A_216 = tpu.memref_slice %arg13[%add3A_77, %dma_wait3A_215] : memref<10240x128xf32, #tpu.memory_space<vmem_shared>> -> memref<16x128xf32, #tpu.memory_space<vmem_shared>>
      tpu.wait_dma2 semaphore(%run_scoped3A_209 : memref<!tpu.dma_semaphore, #tpu.memory_space<semaphore_mem>>) src(%arg12 : memref<16x128xf32, #tpu.memory_space<vmem>>) dst(%dma_wait3A_216 : memref<16x128xf32, #tpu.memory_space<vmem_shared>>)
      tpu.yield
    }) : () -> ()
    %mul3A_78 = arith.constant 640 : i32
    %mul3A_79 = arith.muli %arg1, %mul3A_78 : i32
    %add3A_80 = arith.constant 160 : i32
    %add3A_81 = arith.addi %mul3A_79, %add3A_80 : i32
    "tpu.region"() ({
      %run_scoped3A_209 = tpu.sem_alloc : memref<!tpu.dma_semaphore, #tpu.memory_space<semaphore_mem>>
      %dma_start3A_210 = arith.constant 0 : i32
      %dma_start3A_211 = tpu.memref_slice %arg13[%add3A_81, %dma_start3A_210] : memref<10240x128xf32, #tpu.memory_space<vmem_shared>> -> memref<16x128xf32, #tpu.memory_space<vmem_shared>>
      %dma_start3A_212 = arith.constant 0 : i32
      %dma_start3A_213 = tpu.memref_slice %arg13[%add3A_81, %dma_start3A_212] : memref<10240x128xf32, #tpu.memory_space<vmem_shared>> -> memref<16x128xf32, #tpu.memory_space<vmem_shared>>
      tpu.enqueue_dma source(%arg12 : memref<16x128xf32, #tpu.memory_space<vmem>>) target(%dma_start3A_213 : memref<16x128xf32, #tpu.memory_space<vmem_shared>>) target_semaphore(%run_scoped3A_209 : memref<!tpu.dma_semaphore, #tpu.memory_space<semaphore_mem>>)
      %dma_wait3A = arith.constant 0 : i32
      %dma_wait3A_214 = tpu.memref_slice %arg13[%add3A_81, %dma_wait3A] : memref<10240x128xf32, #tpu.memory_space<vmem_shared>> -> memref<16x128xf32, #tpu.memory_space<vmem_shared>>
      %dma_wait3A_215 = arith.constant 0 : i32
      %dma_wait3A_216 = tpu.memref_slice %arg13[%add3A_81, %dma_wait3A_215] : memref<10240x128xf32, #tpu.memory_space<vmem_shared>> -> memref<16x128xf32, #tpu.memory_space<vmem_shared>>
      tpu.wait_dma2 semaphore(%run_scoped3A_209 : memref<!tpu.dma_semaphore, #tpu.memory_space<semaphore_mem>>) src(%arg12 : memref<16x128xf32, #tpu.memory_space<vmem>>) dst(%dma_wait3A_216 : memref<16x128xf32, #tpu.memory_space<vmem_shared>>)
      tpu.yield
    }) : () -> ()
    %mul3A_82 = arith.constant 640 : i32
    %mul3A_83 = arith.muli %arg1, %mul3A_82 : i32
    %add3A_84 = arith.constant 176 : i32
    %add3A_85 = arith.addi %mul3A_83, %add3A_84 : i32
    "tpu.region"() ({
      %run_scoped3A_209 = tpu.sem_alloc : memref<!tpu.dma_semaphore, #tpu.memory_space<semaphore_mem>>
      %dma_start3A_210 = arith.constant 0 : i32
      %dma_start3A_211 = tpu.memref_slice %arg13[%add3A_85, %dma_start3A_210] : memref<10240x128xf32, #tpu.memory_space<vmem_shared>> -> memref<16x128xf32, #tpu.memory_space<vmem_shared>>
      %dma_start3A_212 = arith.constant 0 : i32
      %dma_start3A_213 = tpu.memref_slice %arg13[%add3A_85, %dma_start3A_212] : memref<10240x128xf32, #tpu.memory_space<vmem_shared>> -> memref<16x128xf32, #tpu.memory_space<vmem_shared>>
      tpu.enqueue_dma source(%arg12 : memref<16x128xf32, #tpu.memory_space<vmem>>) target(%dma_start3A_213 : memref<16x128xf32, #tpu.memory_space<vmem_shared>>) target_semaphore(%run_scoped3A_209 : memref<!tpu.dma_semaphore, #tpu.memory_space<semaphore_mem>>)
      %dma_wait3A = arith.constant 0 : i32
      %dma_wait3A_214 = tpu.memref_slice %arg13[%add3A_85, %dma_wait3A] : memref<10240x128xf32, #tpu.memory_space<vmem_shared>> -> memref<16x128xf32, #tpu.memory_space<vmem_shared>>
      %dma_wait3A_215 = arith.constant 0 : i32
      %dma_wait3A_216 = tpu.memref_slice %arg13[%add3A_85, %dma_wait3A_215] : memref<10240x128xf32, #tpu.memory_space<vmem_shared>> -> memref<16x128xf32, #tpu.memory_space<vmem_shared>>
      tpu.wait_dma2 semaphore(%run_scoped3A_209 : memref<!tpu.dma_semaphore, #tpu.memory_space<semaphore_mem>>) src(%arg12 : memref<16x128xf32, #tpu.memory_space<vmem>>) dst(%dma_wait3A_216 : memref<16x128xf32, #tpu.memory_space<vmem_shared>>)
      tpu.yield
    }) : () -> ()
    %mul3A_86 = arith.constant 640 : i32
    %mul3A_87 = arith.muli %arg1, %mul3A_86 : i32
    %add3A_88 = arith.constant 192 : i32
    %add3A_89 = arith.addi %mul3A_87, %add3A_88 : i32
    "tpu.region"() ({
      %run_scoped3A_209 = tpu.sem_alloc : memref<!tpu.dma_semaphore, #tpu.memory_space<semaphore_mem>>
      %dma_start3A_210 = arith.constant 0 : i32
      %dma_start3A_211 = tpu.memref_slice %arg13[%add3A_89, %dma_start3A_210] : memref<10240x128xf32, #tpu.memory_space<vmem_shared>> -> memref<16x128xf32, #tpu.memory_space<vmem_shared>>
      %dma_start3A_212 = arith.constant 0 : i32
      %dma_start3A_213 = tpu.memref_slice %arg13[%add3A_89, %dma_start3A_212] : memref<10240x128xf32, #tpu.memory_space<vmem_shared>> -> memref<16x128xf32, #tpu.memory_space<vmem_shared>>
      tpu.enqueue_dma source(%arg12 : memref<16x128xf32, #tpu.memory_space<vmem>>) target(%dma_start3A_213 : memref<16x128xf32, #tpu.memory_space<vmem_shared>>) target_semaphore(%run_scoped3A_209 : memref<!tpu.dma_semaphore, #tpu.memory_space<semaphore_mem>>)
      %dma_wait3A = arith.constant 0 : i32
      %dma_wait3A_214 = tpu.memref_slice %arg13[%add3A_89, %dma_wait3A] : memref<10240x128xf32, #tpu.memory_space<vmem_shared>> -> memref<16x128xf32, #tpu.memory_space<vmem_shared>>
      %dma_wait3A_215 = arith.constant 0 : i32
      %dma_wait3A_216 = tpu.memref_slice %arg13[%add3A_89, %dma_wait3A_215] : memref<10240x128xf32, #tpu.memory_space<vmem_shared>> -> memref<16x128xf32, #tpu.memory_space<vmem_shared>>
      tpu.wait_dma2 semaphore(%run_scoped3A_209 : memref<!tpu.dma_semaphore, #tpu.memory_space<semaphore_mem>>) src(%arg12 : memref<16x128xf32, #tpu.memory_space<vmem>>) dst(%dma_wait3A_216 : memref<16x128xf32, #tpu.memory_space<vmem_shared>>)
      tpu.yield
    }) : () -> ()
    %mul3A_90 = arith.constant 640 : i32
    %mul3A_91 = arith.muli %arg1, %mul3A_90 : i32
    %add3A_92 = arith.constant 208 : i32
    %add3A_93 = arith.addi %mul3A_91, %add3A_92 : i32
    "tpu.region"() ({
      %run_scoped3A_209 = tpu.sem_alloc : memref<!tpu.dma_semaphore, #tpu.memory_space<semaphore_mem>>
      %dma_start3A_210 = arith.constant 0 : i32
      %dma_start3A_211 = tpu.memref_slice %arg13[%add3A_93, %dma_start3A_210] : memref<10240x128xf32, #tpu.memory_space<vmem_shared>> -> memref<16x128xf32, #tpu.memory_space<vmem_shared>>
      %dma_start3A_212 = arith.constant 0 : i32
      %dma_start3A_213 = tpu.memref_slice %arg13[%add3A_93, %dma_start3A_212] : memref<10240x128xf32, #tpu.memory_space<vmem_shared>> -> memref<16x128xf32, #tpu.memory_space<vmem_shared>>
      tpu.enqueue_dma source(%arg12 : memref<16x128xf32, #tpu.memory_space<vmem>>) target(%dma_start3A_213 : memref<16x128xf32, #tpu.memory_space<vmem_shared>>) target_semaphore(%run_scoped3A_209 : memref<!tpu.dma_semaphore, #tpu.memory_space<semaphore_mem>>)
      %dma_wait3A = arith.constant 0 : i32
      %dma_wait3A_214 = tpu.memref_slice %arg13[%add3A_93, %dma_wait3A] : memref<10240x128xf32, #tpu.memory_space<vmem_shared>> -> memref<16x128xf32, #tpu.memory_space<vmem_shared>>
      %dma_wait3A_215 = arith.constant 0 : i32
      %dma_wait3A_216 = tpu.memref_slice %arg13[%add3A_93, %dma_wait3A_215] : memref<10240x128xf32, #tpu.memory_space<vmem_shared>> -> memref<16x128xf32, #tpu.memory_space<vmem_shared>>
      tpu.wait_dma2 semaphore(%run_scoped3A_209 : memref<!tpu.dma_semaphore, #tpu.memory_space<semaphore_mem>>) src(%arg12 : memref<16x128xf32, #tpu.memory_space<vmem>>) dst(%dma_wait3A_216 : memref<16x128xf32, #tpu.memory_space<vmem_shared>>)
      tpu.yield
    }) : () -> ()
    %mul3A_94 = arith.constant 640 : i32
    %mul3A_95 = arith.muli %arg1, %mul3A_94 : i32
    %add3A_96 = arith.constant 224 : i32
    %add3A_97 = arith.addi %mul3A_95, %add3A_96 : i32
    "tpu.region"() ({
      %run_scoped3A_209 = tpu.sem_alloc : memref<!tpu.dma_semaphore, #tpu.memory_space<semaphore_mem>>
      %dma_start3A_210 = arith.constant 0 : i32
      %dma_start3A_211 = tpu.memref_slice %arg13[%add3A_97, %dma_start3A_210] : memref<10240x128xf32, #tpu.memory_space<vmem_shared>> -> memref<16x128xf32, #tpu.memory_space<vmem_shared>>
      %dma_start3A_212 = arith.constant 0 : i32
      %dma_start3A_213 = tpu.memref_slice %arg13[%add3A_97, %dma_start3A_212] : memref<10240x128xf32, #tpu.memory_space<vmem_shared>> -> memref<16x128xf32, #tpu.memory_space<vmem_shared>>
      tpu.enqueue_dma source(%arg12 : memref<16x128xf32, #tpu.memory_space<vmem>>) target(%dma_start3A_213 : memref<16x128xf32, #tpu.memory_space<vmem_shared>>) target_semaphore(%run_scoped3A_209 : memref<!tpu.dma_semaphore, #tpu.memory_space<semaphore_mem>>)
      %dma_wait3A = arith.constant 0 : i32
      %dma_wait3A_214 = tpu.memref_slice %arg13[%add3A_97, %dma_wait3A] : memref<10240x128xf32, #tpu.memory_space<vmem_shared>> -> memref<16x128xf32, #tpu.memory_space<vmem_shared>>
      %dma_wait3A_215 = arith.constant 0 : i32
      %dma_wait3A_216 = tpu.memref_slice %arg13[%add3A_97, %dma_wait3A_215] : memref<10240x128xf32, #tpu.memory_space<vmem_shared>> -> memref<16x128xf32, #tpu.memory_space<vmem_shared>>
      tpu.wait_dma2 semaphore(%run_scoped3A_209 : memref<!tpu.dma_semaphore, #tpu.memory_space<semaphore_mem>>) src(%arg12 : memref<16x128xf32, #tpu.memory_space<vmem>>) dst(%dma_wait3A_216 : memref<16x128xf32, #tpu.memory_space<vmem_shared>>)
      tpu.yield
    }) : () -> ()
    %mul3A_98 = arith.constant 640 : i32
    %mul3A_99 = arith.muli %arg1, %mul3A_98 : i32
    %add3A_100 = arith.constant 240 : i32
    %add3A_101 = arith.addi %mul3A_99, %add3A_100 : i32
    "tpu.region"() ({
      %run_scoped3A_209 = tpu.sem_alloc : memref<!tpu.dma_semaphore, #tpu.memory_space<semaphore_mem>>
      %dma_start3A_210 = arith.constant 0 : i32
      %dma_start3A_211 = tpu.memref_slice %arg13[%add3A_101, %dma_start3A_210] : memref<10240x128xf32, #tpu.memory_space<vmem_shared>> -> memref<16x128xf32, #tpu.memory_space<vmem_shared>>
      %dma_start3A_212 = arith.constant 0 : i32
      %dma_start3A_213 = tpu.memref_slice %arg13[%add3A_101, %dma_start3A_212] : memref<10240x128xf32, #tpu.memory_space<vmem_shared>> -> memref<16x128xf32, #tpu.memory_space<vmem_shared>>
      tpu.enqueue_dma source(%arg12 : memref<16x128xf32, #tpu.memory_space<vmem>>) target(%dma_start3A_213 : memref<16x128xf32, #tpu.memory_space<vmem_shared>>) target_semaphore(%run_scoped3A_209 : memref<!tpu.dma_semaphore, #tpu.memory_space<semaphore_mem>>)
      %dma_wait3A = arith.constant 0 : i32
      %dma_wait3A_214 = tpu.memref_slice %arg13[%add3A_101, %dma_wait3A] : memref<10240x128xf32, #tpu.memory_space<vmem_shared>> -> memref<16x128xf32, #tpu.memory_space<vmem_shared>>
      %dma_wait3A_215 = arith.constant 0 : i32
      %dma_wait3A_216 = tpu.memref_slice %arg13[%add3A_101, %dma_wait3A_215] : memref<10240x128xf32, #tpu.memory_space<vmem_shared>> -> memref<16x128xf32, #tpu.memory_space<vmem_shared>>
      tpu.wait_dma2 semaphore(%run_scoped3A_209 : memref<!tpu.dma_semaphore, #tpu.memory_space<semaphore_mem>>) src(%arg12 : memref<16x128xf32, #tpu.memory_space<vmem>>) dst(%dma_wait3A_216 : memref<16x128xf32, #tpu.memory_space<vmem_shared>>)
      tpu.yield
    }) : () -> ()
    %mul3A_102 = arith.constant 640 : i32
    %mul3A_103 = arith.muli %arg1, %mul3A_102 : i32
    %add3A_104 = arith.constant 256 : i32
    %add3A_105 = arith.addi %mul3A_103, %add3A_104 : i32
    "tpu.region"() ({
      %run_scoped3A_209 = tpu.sem_alloc : memref<!tpu.dma_semaphore, #tpu.memory_space<semaphore_mem>>
      %dma_start3A_210 = arith.constant 0 : i32
      %dma_start3A_211 = tpu.memref_slice %arg13[%add3A_105, %dma_start3A_210] : memref<10240x128xf32, #tpu.memory_space<vmem_shared>> -> memref<16x128xf32, #tpu.memory_space<vmem_shared>>
      %dma_start3A_212 = arith.constant 0 : i32
      %dma_start3A_213 = tpu.memref_slice %arg13[%add3A_105, %dma_start3A_212] : memref<10240x128xf32, #tpu.memory_space<vmem_shared>> -> memref<16x128xf32, #tpu.memory_space<vmem_shared>>
      tpu.enqueue_dma source(%arg12 : memref<16x128xf32, #tpu.memory_space<vmem>>) target(%dma_start3A_213 : memref<16x128xf32, #tpu.memory_space<vmem_shared>>) target_semaphore(%run_scoped3A_209 : memref<!tpu.dma_semaphore, #tpu.memory_space<semaphore_mem>>)
      %dma_wait3A = arith.constant 0 : i32
      %dma_wait3A_214 = tpu.memref_slice %arg13[%add3A_105, %dma_wait3A] : memref<10240x128xf32, #tpu.memory_space<vmem_shared>> -> memref<16x128xf32, #tpu.memory_space<vmem_shared>>
      %dma_wait3A_215 = arith.constant 0 : i32
      %dma_wait3A_216 = tpu.memref_slice %arg13[%add3A_105, %dma_wait3A_215] : memref<10240x128xf32, #tpu.memory_space<vmem_shared>> -> memref<16x128xf32, #tpu.memory_space<vmem_shared>>
      tpu.wait_dma2 semaphore(%run_scoped3A_209 : memref<!tpu.dma_semaphore, #tpu.memory_space<semaphore_mem>>) src(%arg12 : memref<16x128xf32, #tpu.memory_space<vmem>>) dst(%dma_wait3A_216 : memref<16x128xf32, #tpu.memory_space<vmem_shared>>)
      tpu.yield
    }) : () -> ()
    %mul3A_106 = arith.constant 640 : i32
    %mul3A_107 = arith.muli %arg1, %mul3A_106 : i32
    %add3A_108 = arith.constant 272 : i32
    %add3A_109 = arith.addi %mul3A_107, %add3A_108 : i32
    "tpu.region"() ({
      %run_scoped3A_209 = tpu.sem_alloc : memref<!tpu.dma_semaphore, #tpu.memory_space<semaphore_mem>>
      %dma_start3A_210 = arith.constant 0 : i32
      %dma_start3A_211 = tpu.memref_slice %arg13[%add3A_109, %dma_start3A_210] : memref<10240x128xf32, #tpu.memory_space<vmem_shared>> -> memref<16x128xf32, #tpu.memory_space<vmem_shared>>
      %dma_start3A_212 = arith.constant 0 : i32
      %dma_start3A_213 = tpu.memref_slice %arg13[%add3A_109, %dma_start3A_212] : memref<10240x128xf32, #tpu.memory_space<vmem_shared>> -> memref<16x128xf32, #tpu.memory_space<vmem_shared>>
      tpu.enqueue_dma source(%arg12 : memref<16x128xf32, #tpu.memory_space<vmem>>) target(%dma_start3A_213 : memref<16x128xf32, #tpu.memory_space<vmem_shared>>) target_semaphore(%run_scoped3A_209 : memref<!tpu.dma_semaphore, #tpu.memory_space<semaphore_mem>>)
      %dma_wait3A = arith.constant 0 : i32
      %dma_wait3A_214 = tpu.memref_slice %arg13[%add3A_109, %dma_wait3A] : memref<10240x128xf32, #tpu.memory_space<vmem_shared>> -> memref<16x128xf32, #tpu.memory_space<vmem_shared>>
      %dma_wait3A_215 = arith.constant 0 : i32
      %dma_wait3A_216 = tpu.memref_slice %arg13[%add3A_109, %dma_wait3A_215] : memref<10240x128xf32, #tpu.memory_space<vmem_shared>> -> memref<16x128xf32, #tpu.memory_space<vmem_shared>>
      tpu.wait_dma2 semaphore(%run_scoped3A_209 : memref<!tpu.dma_semaphore, #tpu.memory_space<semaphore_mem>>) src(%arg12 : memref<16x128xf32, #tpu.memory_space<vmem>>) dst(%dma_wait3A_216 : memref<16x128xf32, #tpu.memory_space<vmem_shared>>)
      tpu.yield
    }) : () -> ()
    %mul3A_110 = arith.constant 640 : i32
    %mul3A_111 = arith.muli %arg1, %mul3A_110 : i32
    %add3A_112 = arith.constant 288 : i32
    %add3A_113 = arith.addi %mul3A_111, %add3A_112 : i32
    "tpu.region"() ({
      %run_scoped3A_209 = tpu.sem_alloc : memref<!tpu.dma_semaphore, #tpu.memory_space<semaphore_mem>>
      %dma_start3A_210 = arith.constant 0 : i32
      %dma_start3A_211 = tpu.memref_slice %arg13[%add3A_113, %dma_start3A_210] : memref<10240x128xf32, #tpu.memory_space<vmem_shared>> -> memref<16x128xf32, #tpu.memory_space<vmem_shared>>
      %dma_start3A_212 = arith.constant 0 : i32
      %dma_start3A_213 = tpu.memref_slice %arg13[%add3A_113, %dma_start3A_212] : memref<10240x128xf32, #tpu.memory_space<vmem_shared>> -> memref<16x128xf32, #tpu.memory_space<vmem_shared>>
      tpu.enqueue_dma source(%arg12 : memref<16x128xf32, #tpu.memory_space<vmem>>) target(%dma_start3A_213 : memref<16x128xf32, #tpu.memory_space<vmem_shared>>) target_semaphore(%run_scoped3A_209 : memref<!tpu.dma_semaphore, #tpu.memory_space<semaphore_mem>>)
      %dma_wait3A = arith.constant 0 : i32
      %dma_wait3A_214 = tpu.memref_slice %arg13[%add3A_113, %dma_wait3A] : memref<10240x128xf32, #tpu.memory_space<vmem_shared>> -> memref<16x128xf32, #tpu.memory_space<vmem_shared>>
      %dma_wait3A_215 = arith.constant 0 : i32
      %dma_wait3A_216 = tpu.memref_slice %arg13[%add3A_113, %dma_wait3A_215] : memref<10240x128xf32, #tpu.memory_space<vmem_shared>> -> memref<16x128xf32, #tpu.memory_space<vmem_shared>>
      tpu.wait_dma2 semaphore(%run_scoped3A_209 : memref<!tpu.dma_semaphore, #tpu.memory_space<semaphore_mem>>) src(%arg12 : memref<16x128xf32, #tpu.memory_space<vmem>>) dst(%dma_wait3A_216 : memref<16x128xf32, #tpu.memory_space<vmem_shared>>)
      tpu.yield
    }) : () -> ()
    %mul3A_114 = arith.constant 640 : i32
    %mul3A_115 = arith.muli %arg1, %mul3A_114 : i32
    %add3A_116 = arith.constant 304 : i32
    %add3A_117 = arith.addi %mul3A_115, %add3A_116 : i32
    "tpu.region"() ({
      %run_scoped3A_209 = tpu.sem_alloc : memref<!tpu.dma_semaphore, #tpu.memory_space<semaphore_mem>>
      %dma_start3A_210 = arith.constant 0 : i32
      %dma_start3A_211 = tpu.memref_slice %arg13[%add3A_117, %dma_start3A_210] : memref<10240x128xf32, #tpu.memory_space<vmem_shared>> -> memref<16x128xf32, #tpu.memory_space<vmem_shared>>
      %dma_start3A_212 = arith.constant 0 : i32
      %dma_start3A_213 = tpu.memref_slice %arg13[%add3A_117, %dma_start3A_212] : memref<10240x128xf32, #tpu.memory_space<vmem_shared>> -> memref<16x128xf32, #tpu.memory_space<vmem_shared>>
      tpu.enqueue_dma source(%arg12 : memref<16x128xf32, #tpu.memory_space<vmem>>) target(%dma_start3A_213 : memref<16x128xf32, #tpu.memory_space<vmem_shared>>) target_semaphore(%run_scoped3A_209 : memref<!tpu.dma_semaphore, #tpu.memory_space<semaphore_mem>>)
      %dma_wait3A = arith.constant 0 : i32
      %dma_wait3A_214 = tpu.memref_slice %arg13[%add3A_117, %dma_wait3A] : memref<10240x128xf32, #tpu.memory_space<vmem_shared>> -> memref<16x128xf32, #tpu.memory_space<vmem_shared>>
      %dma_wait3A_215 = arith.constant 0 : i32
      %dma_wait3A_216 = tpu.memref_slice %arg13[%add3A_117, %dma_wait3A_215] : memref<10240x128xf32, #tpu.memory_space<vmem_shared>> -> memref<16x128xf32, #tpu.memory_space<vmem_shared>>
      tpu.wait_dma2 semaphore(%run_scoped3A_209 : memref<!tpu.dma_semaphore, #tpu.memory_space<semaphore_mem>>) src(%arg12 : memref<16x128xf32, #tpu.memory_space<vmem>>) dst(%dma_wait3A_216 : memref<16x128xf32, #tpu.memory_space<vmem_shared>>)
      tpu.yield
    }) : () -> ()
    %mul3A_118 = arith.constant 640 : i32
    %mul3A_119 = arith.muli %arg1, %mul3A_118 : i32
    %add3A_120 = arith.constant 320 : i32
    %add3A_121 = arith.addi %mul3A_119, %add3A_120 : i32
    "tpu.region"() ({
      %run_scoped3A_209 = tpu.sem_alloc : memref<!tpu.dma_semaphore, #tpu.memory_space<semaphore_mem>>
      %dma_start3A_210 = arith.constant 0 : i32
      %dma_start3A_211 = tpu.memref_slice %arg13[%add3A_121, %dma_start3A_210] : memref<10240x128xf32, #tpu.memory_space<vmem_shared>> -> memref<16x128xf32, #tpu.memory_space<vmem_shared>>
      %dma_start3A_212 = arith.constant 0 : i32
      %dma_start3A_213 = tpu.memref_slice %arg13[%add3A_121, %dma_start3A_212] : memref<10240x128xf32, #tpu.memory_space<vmem_shared>> -> memref<16x128xf32, #tpu.memory_space<vmem_shared>>
      tpu.enqueue_dma source(%arg12 : memref<16x128xf32, #tpu.memory_space<vmem>>) target(%dma_start3A_213 : memref<16x128xf32, #tpu.memory_space<vmem_shared>>) target_semaphore(%run_scoped3A_209 : memref<!tpu.dma_semaphore, #tpu.memory_space<semaphore_mem>>)
      %dma_wait3A = arith.constant 0 : i32
      %dma_wait3A_214 = tpu.memref_slice %arg13[%add3A_121, %dma_wait3A] : memref<10240x128xf32, #tpu.memory_space<vmem_shared>> -> memref<16x128xf32, #tpu.memory_space<vmem_shared>>
      %dma_wait3A_215 = arith.constant 0 : i32
      %dma_wait3A_216 = tpu.memref_slice %arg13[%add3A_121, %dma_wait3A_215] : memref<10240x128xf32, #tpu.memory_space<vmem_shared>> -> memref<16x128xf32, #tpu.memory_space<vmem_shared>>
      tpu.wait_dma2 semaphore(%run_scoped3A_209 : memref<!tpu.dma_semaphore, #tpu.memory_space<semaphore_mem>>) src(%arg12 : memref<16x128xf32, #tpu.memory_space<vmem>>) dst(%dma_wait3A_216 : memref<16x128xf32, #tpu.memory_space<vmem_shared>>)
      tpu.yield
    }) : () -> ()
    %mul3A_122 = arith.constant 640 : i32
    %mul3A_123 = arith.muli %arg1, %mul3A_122 : i32
    %add3A_124 = arith.constant 336 : i32
    %add3A_125 = arith.addi %mul3A_123, %add3A_124 : i32
    "tpu.region"() ({
      %run_scoped3A_209 = tpu.sem_alloc : memref<!tpu.dma_semaphore, #tpu.memory_space<semaphore_mem>>
      %dma_start3A_210 = arith.constant 0 : i32
      %dma_start3A_211 = tpu.memref_slice %arg13[%add3A_125, %dma_start3A_210] : memref<10240x128xf32, #tpu.memory_space<vmem_shared>> -> memref<16x128xf32, #tpu.memory_space<vmem_shared>>
      %dma_start3A_212 = arith.constant 0 : i32
      %dma_start3A_213 = tpu.memref_slice %arg13[%add3A_125, %dma_start3A_212] : memref<10240x128xf32, #tpu.memory_space<vmem_shared>> -> memref<16x128xf32, #tpu.memory_space<vmem_shared>>
      tpu.enqueue_dma source(%arg12 : memref<16x128xf32, #tpu.memory_space<vmem>>) target(%dma_start3A_213 : memref<16x128xf32, #tpu.memory_space<vmem_shared>>) target_semaphore(%run_scoped3A_209 : memref<!tpu.dma_semaphore, #tpu.memory_space<semaphore_mem>>)
      %dma_wait3A = arith.constant 0 : i32
      %dma_wait3A_214 = tpu.memref_slice %arg13[%add3A_125, %dma_wait3A] : memref<10240x128xf32, #tpu.memory_space<vmem_shared>> -> memref<16x128xf32, #tpu.memory_space<vmem_shared>>
      %dma_wait3A_215 = arith.constant 0 : i32
      %dma_wait3A_216 = tpu.memref_slice %arg13[%add3A_125, %dma_wait3A_215] : memref<10240x128xf32, #tpu.memory_space<vmem_shared>> -> memref<16x128xf32, #tpu.memory_space<vmem_shared>>
      tpu.wait_dma2 semaphore(%run_scoped3A_209 : memref<!tpu.dma_semaphore, #tpu.memory_space<semaphore_mem>>) src(%arg12 : memref<16x128xf32, #tpu.memory_space<vmem>>) dst(%dma_wait3A_216 : memref<16x128xf32, #tpu.memory_space<vmem_shared>>)
      tpu.yield
    }) : () -> ()
    %mul3A_126 = arith.constant 640 : i32
    %mul3A_127 = arith.muli %arg1, %mul3A_126 : i32
    %add3A_128 = arith.constant 352 : i32
    %add3A_129 = arith.addi %mul3A_127, %add3A_128 : i32
    "tpu.region"() ({
      %run_scoped3A_209 = tpu.sem_alloc : memref<!tpu.dma_semaphore, #tpu.memory_space<semaphore_mem>>
      %dma_start3A_210 = arith.constant 0 : i32
      %dma_start3A_211 = tpu.memref_slice %arg13[%add3A_129, %dma_start3A_210] : memref<10240x128xf32, #tpu.memory_space<vmem_shared>> -> memref<16x128xf32, #tpu.memory_space<vmem_shared>>
      %dma_start3A_212 = arith.constant 0 : i32
      %dma_start3A_213 = tpu.memref_slice %arg13[%add3A_129, %dma_start3A_212] : memref<10240x128xf32, #tpu.memory_space<vmem_shared>> -> memref<16x128xf32, #tpu.memory_space<vmem_shared>>
      tpu.enqueue_dma source(%arg12 : memref<16x128xf32, #tpu.memory_space<vmem>>) target(%dma_start3A_213 : memref<16x128xf32, #tpu.memory_space<vmem_shared>>) target_semaphore(%run_scoped3A_209 : memref<!tpu.dma_semaphore, #tpu.memory_space<semaphore_mem>>)
      %dma_wait3A = arith.constant 0 : i32
      %dma_wait3A_214 = tpu.memref_slice %arg13[%add3A_129, %dma_wait3A] : memref<10240x128xf32, #tpu.memory_space<vmem_shared>> -> memref<16x128xf32, #tpu.memory_space<vmem_shared>>
      %dma_wait3A_215 = arith.constant 0 : i32
      %dma_wait3A_216 = tpu.memref_slice %arg13[%add3A_129, %dma_wait3A_215] : memref<10240x128xf32, #tpu.memory_space<vmem_shared>> -> memref<16x128xf32, #tpu.memory_space<vmem_shared>>
      tpu.wait_dma2 semaphore(%run_scoped3A_209 : memref<!tpu.dma_semaphore, #tpu.memory_space<semaphore_mem>>) src(%arg12 : memref<16x128xf32, #tpu.memory_space<vmem>>) dst(%dma_wait3A_216 : memref<16x128xf32, #tpu.memory_space<vmem_shared>>)
      tpu.yield
    }) : () -> ()
    %mul3A_130 = arith.constant 640 : i32
    %mul3A_131 = arith.muli %arg1, %mul3A_130 : i32
    %add3A_132 = arith.constant 368 : i32
    %add3A_133 = arith.addi %mul3A_131, %add3A_132 : i32
    "tpu.region"() ({
      %run_scoped3A_209 = tpu.sem_alloc : memref<!tpu.dma_semaphore, #tpu.memory_space<semaphore_mem>>
      %dma_start3A_210 = arith.constant 0 : i32
      %dma_start3A_211 = tpu.memref_slice %arg13[%add3A_133, %dma_start3A_210] : memref<10240x128xf32, #tpu.memory_space<vmem_shared>> -> memref<16x128xf32, #tpu.memory_space<vmem_shared>>
      %dma_start3A_212 = arith.constant 0 : i32
      %dma_start3A_213 = tpu.memref_slice %arg13[%add3A_133, %dma_start3A_212] : memref<10240x128xf32, #tpu.memory_space<vmem_shared>> -> memref<16x128xf32, #tpu.memory_space<vmem_shared>>
      tpu.enqueue_dma source(%arg12 : memref<16x128xf32, #tpu.memory_space<vmem>>) target(%dma_start3A_213 : memref<16x128xf32, #tpu.memory_space<vmem_shared>>) target_semaphore(%run_scoped3A_209 : memref<!tpu.dma_semaphore, #tpu.memory_space<semaphore_mem>>)
      %dma_wait3A = arith.constant 0 : i32
      %dma_wait3A_214 = tpu.memref_slice %arg13[%add3A_133, %dma_wait3A] : memref<10240x128xf32, #tpu.memory_space<vmem_shared>> -> memref<16x128xf32, #tpu.memory_space<vmem_shared>>
      %dma_wait3A_215 = arith.constant 0 : i32
      %dma_wait3A_216 = tpu.memref_slice %arg13[%add3A_133, %dma_wait3A_215] : memref<10240x128xf32, #tpu.memory_space<vmem_shared>> -> memref<16x128xf32, #tpu.memory_space<vmem_shared>>
      tpu.wait_dma2 semaphore(%run_scoped3A_209 : memref<!tpu.dma_semaphore, #tpu.memory_space<semaphore_mem>>) src(%arg12 : memref<16x128xf32, #tpu.memory_space<vmem>>) dst(%dma_wait3A_216 : memref<16x128xf32, #tpu.memory_space<vmem_shared>>)
      tpu.yield
    }) : () -> ()
    %mul3A_134 = arith.constant 640 : i32
    %mul3A_135 = arith.muli %arg1, %mul3A_134 : i32
    %add3A_136 = arith.constant 384 : i32
    %add3A_137 = arith.addi %mul3A_135, %add3A_136 : i32
    "tpu.region"() ({
      %run_scoped3A_209 = tpu.sem_alloc : memref<!tpu.dma_semaphore, #tpu.memory_space<semaphore_mem>>
      %dma_start3A_210 = arith.constant 0 : i32
      %dma_start3A_211 = tpu.memref_slice %arg13[%add3A_137, %dma_start3A_210] : memref<10240x128xf32, #tpu.memory_space<vmem_shared>> -> memref<16x128xf32, #tpu.memory_space<vmem_shared>>
      %dma_start3A_212 = arith.constant 0 : i32
      %dma_start3A_213 = tpu.memref_slice %arg13[%add3A_137, %dma_start3A_212] : memref<10240x128xf32, #tpu.memory_space<vmem_shared>> -> memref<16x128xf32, #tpu.memory_space<vmem_shared>>
      tpu.enqueue_dma source(%arg12 : memref<16x128xf32, #tpu.memory_space<vmem>>) target(%dma_start3A_213 : memref<16x128xf32, #tpu.memory_space<vmem_shared>>) target_semaphore(%run_scoped3A_209 : memref<!tpu.dma_semaphore, #tpu.memory_space<semaphore_mem>>)
      %dma_wait3A = arith.constant 0 : i32
      %dma_wait3A_214 = tpu.memref_slice %arg13[%add3A_137, %dma_wait3A] : memref<10240x128xf32, #tpu.memory_space<vmem_shared>> -> memref<16x128xf32, #tpu.memory_space<vmem_shared>>
      %dma_wait3A_215 = arith.constant 0 : i32
      %dma_wait3A_216 = tpu.memref_slice %arg13[%add3A_137, %dma_wait3A_215] : memref<10240x128xf32, #tpu.memory_space<vmem_shared>> -> memref<16x128xf32, #tpu.memory_space<vmem_shared>>
      tpu.wait_dma2 semaphore(%run_scoped3A_209 : memref<!tpu.dma_semaphore, #tpu.memory_space<semaphore_mem>>) src(%arg12 : memref<16x128xf32, #tpu.memory_space<vmem>>) dst(%dma_wait3A_216 : memref<16x128xf32, #tpu.memory_space<vmem_shared>>)
      tpu.yield
    }) : () -> ()
    %mul3A_138 = arith.constant 640 : i32
    %mul3A_139 = arith.muli %arg1, %mul3A_138 : i32
    %add3A_140 = arith.constant 400 : i32
    %add3A_141 = arith.addi %mul3A_139, %add3A_140 : i32
    "tpu.region"() ({
      %run_scoped3A_209 = tpu.sem_alloc : memref<!tpu.dma_semaphore, #tpu.memory_space<semaphore_mem>>
      %dma_start3A_210 = arith.constant 0 : i32
      %dma_start3A_211 = tpu.memref_slice %arg13[%add3A_141, %dma_start3A_210] : memref<10240x128xf32, #tpu.memory_space<vmem_shared>> -> memref<16x128xf32, #tpu.memory_space<vmem_shared>>
      %dma_start3A_212 = arith.constant 0 : i32
      %dma_start3A_213 = tpu.memref_slice %arg13[%add3A_141, %dma_start3A_212] : memref<10240x128xf32, #tpu.memory_space<vmem_shared>> -> memref<16x128xf32, #tpu.memory_space<vmem_shared>>
      tpu.enqueue_dma source(%arg12 : memref<16x128xf32, #tpu.memory_space<vmem>>) target(%dma_start3A_213 : memref<16x128xf32, #tpu.memory_space<vmem_shared>>) target_semaphore(%run_scoped3A_209 : memref<!tpu.dma_semaphore, #tpu.memory_space<semaphore_mem>>)
      %dma_wait3A = arith.constant 0 : i32
      %dma_wait3A_214 = tpu.memref_slice %arg13[%add3A_141, %dma_wait3A] : memref<10240x128xf32, #tpu.memory_space<vmem_shared>> -> memref<16x128xf32, #tpu.memory_space<vmem_shared>>
      %dma_wait3A_215 = arith.constant 0 : i32
      %dma_wait3A_216 = tpu.memref_slice %arg13[%add3A_141, %dma_wait3A_215] : memref<10240x128xf32, #tpu.memory_space<vmem_shared>> -> memref<16x128xf32, #tpu.memory_space<vmem_shared>>
      tpu.wait_dma2 semaphore(%run_scoped3A_209 : memref<!tpu.dma_semaphore, #tpu.memory_space<semaphore_mem>>) src(%arg12 : memref<16x128xf32, #tpu.memory_space<vmem>>) dst(%dma_wait3A_216 : memref<16x128xf32, #tpu.memory_space<vmem_shared>>)
      tpu.yield
    }) : () -> ()
    %mul3A_142 = arith.constant 640 : i32
    %mul3A_143 = arith.muli %arg1, %mul3A_142 : i32
    %add3A_144 = arith.constant 416 : i32
    %add3A_145 = arith.addi %mul3A_143, %add3A_144 : i32
    "tpu.region"() ({
      %run_scoped3A_209 = tpu.sem_alloc : memref<!tpu.dma_semaphore, #tpu.memory_space<semaphore_mem>>
      %dma_start3A_210 = arith.constant 0 : i32
      %dma_start3A_211 = tpu.memref_slice %arg13[%add3A_145, %dma_start3A_210] : memref<10240x128xf32, #tpu.memory_space<vmem_shared>> -> memref<16x128xf32, #tpu.memory_space<vmem_shared>>
      %dma_start3A_212 = arith.constant 0 : i32
      %dma_start3A_213 = tpu.memref_slice %arg13[%add3A_145, %dma_start3A_212] : memref<10240x128xf32, #tpu.memory_space<vmem_shared>> -> memref<16x128xf32, #tpu.memory_space<vmem_shared>>
      tpu.enqueue_dma source(%arg12 : memref<16x128xf32, #tpu.memory_space<vmem>>) target(%dma_start3A_213 : memref<16x128xf32, #tpu.memory_space<vmem_shared>>) target_semaphore(%run_scoped3A_209 : memref<!tpu.dma_semaphore, #tpu.memory_space<semaphore_mem>>)
      %dma_wait3A = arith.constant 0 : i32
      %dma_wait3A_214 = tpu.memref_slice %arg13[%add3A_145, %dma_wait3A] : memref<10240x128xf32, #tpu.memory_space<vmem_shared>> -> memref<16x128xf32, #tpu.memory_space<vmem_shared>>
      %dma_wait3A_215 = arith.constant 0 : i32
      %dma_wait3A_216 = tpu.memref_slice %arg13[%add3A_145, %dma_wait3A_215] : memref<10240x128xf32, #tpu.memory_space<vmem_shared>> -> memref<16x128xf32, #tpu.memory_space<vmem_shared>>
      tpu.wait_dma2 semaphore(%run_scoped3A_209 : memref<!tpu.dma_semaphore, #tpu.memory_space<semaphore_mem>>) src(%arg12 : memref<16x128xf32, #tpu.memory_space<vmem>>) dst(%dma_wait3A_216 : memref<16x128xf32, #tpu.memory_space<vmem_shared>>)
      tpu.yield
    }) : () -> ()
    %mul3A_146 = arith.constant 640 : i32
    %mul3A_147 = arith.muli %arg1, %mul3A_146 : i32
    %add3A_148 = arith.constant 432 : i32
    %add3A_149 = arith.addi %mul3A_147, %add3A_148 : i32
    "tpu.region"() ({
      %run_scoped3A_209 = tpu.sem_alloc : memref<!tpu.dma_semaphore, #tpu.memory_space<semaphore_mem>>
      %dma_start3A_210 = arith.constant 0 : i32
      %dma_start3A_211 = tpu.memref_slice %arg13[%add3A_149, %dma_start3A_210] : memref<10240x128xf32, #tpu.memory_space<vmem_shared>> -> memref<16x128xf32, #tpu.memory_space<vmem_shared>>
      %dma_start3A_212 = arith.constant 0 : i32
      %dma_start3A_213 = tpu.memref_slice %arg13[%add3A_149, %dma_start3A_212] : memref<10240x128xf32, #tpu.memory_space<vmem_shared>> -> memref<16x128xf32, #tpu.memory_space<vmem_shared>>
      tpu.enqueue_dma source(%arg12 : memref<16x128xf32, #tpu.memory_space<vmem>>) target(%dma_start3A_213 : memref<16x128xf32, #tpu.memory_space<vmem_shared>>) target_semaphore(%run_scoped3A_209 : memref<!tpu.dma_semaphore, #tpu.memory_space<semaphore_mem>>)
      %dma_wait3A = arith.constant 0 : i32
      %dma_wait3A_214 = tpu.memref_slice %arg13[%add3A_149, %dma_wait3A] : memref<10240x128xf32, #tpu.memory_space<vmem_shared>> -> memref<16x128xf32, #tpu.memory_space<vmem_shared>>
      %dma_wait3A_215 = arith.constant 0 : i32
      %dma_wait3A_216 = tpu.memref_slice %arg13[%add3A_149, %dma_wait3A_215] : memref<10240x128xf32, #tpu.memory_space<vmem_shared>> -> memref<16x128xf32, #tpu.memory_space<vmem_shared>>
      tpu.wait_dma2 semaphore(%run_scoped3A_209 : memref<!tpu.dma_semaphore, #tpu.memory_space<semaphore_mem>>) src(%arg12 : memref<16x128xf32, #tpu.memory_space<vmem>>) dst(%dma_wait3A_216 : memref<16x128xf32, #tpu.memory_space<vmem_shared>>)
      tpu.yield
    }) : () -> ()
    %mul3A_150 = arith.constant 640 : i32
    %mul3A_151 = arith.muli %arg1, %mul3A_150 : i32
    %add3A_152 = arith.constant 448 : i32
    %add3A_153 = arith.addi %mul3A_151, %add3A_152 : i32
    "tpu.region"() ({
      %run_scoped3A_209 = tpu.sem_alloc : memref<!tpu.dma_semaphore, #tpu.memory_space<semaphore_mem>>
      %dma_start3A_210 = arith.constant 0 : i32
      %dma_start3A_211 = tpu.memref_slice %arg13[%add3A_153, %dma_start3A_210] : memref<10240x128xf32, #tpu.memory_space<vmem_shared>> -> memref<16x128xf32, #tpu.memory_space<vmem_shared>>
      %dma_start3A_212 = arith.constant 0 : i32
      %dma_start3A_213 = tpu.memref_slice %arg13[%add3A_153, %dma_start3A_212] : memref<10240x128xf32, #tpu.memory_space<vmem_shared>> -> memref<16x128xf32, #tpu.memory_space<vmem_shared>>
      tpu.enqueue_dma source(%arg12 : memref<16x128xf32, #tpu.memory_space<vmem>>) target(%dma_start3A_213 : memref<16x128xf32, #tpu.memory_space<vmem_shared>>) target_semaphore(%run_scoped3A_209 : memref<!tpu.dma_semaphore, #tpu.memory_space<semaphore_mem>>)
      %dma_wait3A = arith.constant 0 : i32
      %dma_wait3A_214 = tpu.memref_slice %arg13[%add3A_153, %dma_wait3A] : memref<10240x128xf32, #tpu.memory_space<vmem_shared>> -> memref<16x128xf32, #tpu.memory_space<vmem_shared>>
      %dma_wait3A_215 = arith.constant 0 : i32
      %dma_wait3A_216 = tpu.memref_slice %arg13[%add3A_153, %dma_wait3A_215] : memref<10240x128xf32, #tpu.memory_space<vmem_shared>> -> memref<16x128xf32, #tpu.memory_space<vmem_shared>>
      tpu.wait_dma2 semaphore(%run_scoped3A_209 : memref<!tpu.dma_semaphore, #tpu.memory_space<semaphore_mem>>) src(%arg12 : memref<16x128xf32, #tpu.memory_space<vmem>>) dst(%dma_wait3A_216 : memref<16x128xf32, #tpu.memory_space<vmem_shared>>)
      tpu.yield
    }) : () -> ()
    %mul3A_154 = arith.constant 640 : i32
    %mul3A_155 = arith.muli %arg1, %mul3A_154 : i32
    %add3A_156 = arith.constant 464 : i32
    %add3A_157 = arith.addi %mul3A_155, %add3A_156 : i32
    "tpu.region"() ({
      %run_scoped3A_209 = tpu.sem_alloc : memref<!tpu.dma_semaphore, #tpu.memory_space<semaphore_mem>>
      %dma_start3A_210 = arith.constant 0 : i32
      %dma_start3A_211 = tpu.memref_slice %arg13[%add3A_157, %dma_start3A_210] : memref<10240x128xf32, #tpu.memory_space<vmem_shared>> -> memref<16x128xf32, #tpu.memory_space<vmem_shared>>
      %dma_start3A_212 = arith.constant 0 : i32
      %dma_start3A_213 = tpu.memref_slice %arg13[%add3A_157, %dma_start3A_212] : memref<10240x128xf32, #tpu.memory_space<vmem_shared>> -> memref<16x128xf32, #tpu.memory_space<vmem_shared>>
      tpu.enqueue_dma source(%arg12 : memref<16x128xf32, #tpu.memory_space<vmem>>) target(%dma_start3A_213 : memref<16x128xf32, #tpu.memory_space<vmem_shared>>) target_semaphore(%run_scoped3A_209 : memref<!tpu.dma_semaphore, #tpu.memory_space<semaphore_mem>>)
      %dma_wait3A = arith.constant 0 : i32
      %dma_wait3A_214 = tpu.memref_slice %arg13[%add3A_157, %dma_wait3A] : memref<10240x128xf32, #tpu.memory_space<vmem_shared>> -> memref<16x128xf32, #tpu.memory_space<vmem_shared>>
      %dma_wait3A_215 = arith.constant 0 : i32
      %dma_wait3A_216 = tpu.memref_slice %arg13[%add3A_157, %dma_wait3A_215] : memref<10240x128xf32, #tpu.memory_space<vmem_shared>> -> memref<16x128xf32, #tpu.memory_space<vmem_shared>>
      tpu.wait_dma2 semaphore(%run_scoped3A_209 : memref<!tpu.dma_semaphore, #tpu.memory_space<semaphore_mem>>) src(%arg12 : memref<16x128xf32, #tpu.memory_space<vmem>>) dst(%dma_wait3A_216 : memref<16x128xf32, #tpu.memory_space<vmem_shared>>)
      tpu.yield
    }) : () -> ()
    %mul3A_158 = arith.constant 640 : i32
    %mul3A_159 = arith.muli %arg1, %mul3A_158 : i32
    %add3A_160 = arith.constant 480 : i32
    %add3A_161 = arith.addi %mul3A_159, %add3A_160 : i32
    "tpu.region"() ({
      %run_scoped3A_209 = tpu.sem_alloc : memref<!tpu.dma_semaphore, #tpu.memory_space<semaphore_mem>>
      %dma_start3A_210 = arith.constant 0 : i32
      %dma_start3A_211 = tpu.memref_slice %arg13[%add3A_161, %dma_start3A_210] : memref<10240x128xf32, #tpu.memory_space<vmem_shared>> -> memref<16x128xf32, #tpu.memory_space<vmem_shared>>
      %dma_start3A_212 = arith.constant 0 : i32
      %dma_start3A_213 = tpu.memref_slice %arg13[%add3A_161, %dma_start3A_212] : memref<10240x128xf32, #tpu.memory_space<vmem_shared>> -> memref<16x128xf32, #tpu.memory_space<vmem_shared>>
      tpu.enqueue_dma source(%arg12 : memref<16x128xf32, #tpu.memory_space<vmem>>) target(%dma_start3A_213 : memref<16x128xf32, #tpu.memory_space<vmem_shared>>) target_semaphore(%run_scoped3A_209 : memref<!tpu.dma_semaphore, #tpu.memory_space<semaphore_mem>>)
      %dma_wait3A = arith.constant 0 : i32
      %dma_wait3A_214 = tpu.memref_slice %arg13[%add3A_161, %dma_wait3A] : memref<10240x128xf32, #tpu.memory_space<vmem_shared>> -> memref<16x128xf32, #tpu.memory_space<vmem_shared>>
      %dma_wait3A_215 = arith.constant 0 : i32
      %dma_wait3A_216 = tpu.memref_slice %arg13[%add3A_161, %dma_wait3A_215] : memref<10240x128xf32, #tpu.memory_space<vmem_shared>> -> memref<16x128xf32, #tpu.memory_space<vmem_shared>>
      tpu.wait_dma2 semaphore(%run_scoped3A_209 : memref<!tpu.dma_semaphore, #tpu.memory_space<semaphore_mem>>) src(%arg12 : memref<16x128xf32, #tpu.memory_space<vmem>>) dst(%dma_wait3A_216 : memref<16x128xf32, #tpu.memory_space<vmem_shared>>)
      tpu.yield
    }) : () -> ()
    %mul3A_162 = arith.constant 640 : i32
    %mul3A_163 = arith.muli %arg1, %mul3A_162 : i32
    %add3A_164 = arith.constant 496 : i32
    %add3A_165 = arith.addi %mul3A_163, %add3A_164 : i32
    "tpu.region"() ({
      %run_scoped3A_209 = tpu.sem_alloc : memref<!tpu.dma_semaphore, #tpu.memory_space<semaphore_mem>>
      %dma_start3A_210 = arith.constant 0 : i32
      %dma_start3A_211 = tpu.memref_slice %arg13[%add3A_165, %dma_start3A_210] : memref<10240x128xf32, #tpu.memory_space<vmem_shared>> -> memref<16x128xf32, #tpu.memory_space<vmem_shared>>
      %dma_start3A_212 = arith.constant 0 : i32
      %dma_start3A_213 = tpu.memref_slice %arg13[%add3A_165, %dma_start3A_212] : memref<10240x128xf32, #tpu.memory_space<vmem_shared>> -> memref<16x128xf32, #tpu.memory_space<vmem_shared>>
      tpu.enqueue_dma source(%arg12 : memref<16x128xf32, #tpu.memory_space<vmem>>) target(%dma_start3A_213 : memref<16x128xf32, #tpu.memory_space<vmem_shared>>) target_semaphore(%run_scoped3A_209 : memref<!tpu.dma_semaphore, #tpu.memory_space<semaphore_mem>>)
      %dma_wait3A = arith.constant 0 : i32
      %dma_wait3A_214 = tpu.memref_slice %arg13[%add3A_165, %dma_wait3A] : memref<10240x128xf32, #tpu.memory_space<vmem_shared>> -> memref<16x128xf32, #tpu.memory_space<vmem_shared>>
      %dma_wait3A_215 = arith.constant 0 : i32
      %dma_wait3A_216 = tpu.memref_slice %arg13[%add3A_165, %dma_wait3A_215] : memref<10240x128xf32, #tpu.memory_space<vmem_shared>> -> memref<16x128xf32, #tpu.memory_space<vmem_shared>>
      tpu.wait_dma2 semaphore(%run_scoped3A_209 : memref<!tpu.dma_semaphore, #tpu.memory_space<semaphore_mem>>) src(%arg12 : memref<16x128xf32, #tpu.memory_space<vmem>>) dst(%dma_wait3A_216 : memref<16x128xf32, #tpu.memory_space<vmem_shared>>)
      tpu.yield
    }) : () -> ()
    %mul3A_166 = arith.constant 640 : i32
    %mul3A_167 = arith.muli %arg1, %mul3A_166 : i32
    %add3A_168 = arith.constant 512 : i32
    %add3A_169 = arith.addi %mul3A_167, %add3A_168 : i32
    "tpu.region"() ({
      %run_scoped3A_209 = tpu.sem_alloc : memref<!tpu.dma_semaphore, #tpu.memory_space<semaphore_mem>>
      %dma_start3A_210 = arith.constant 0 : i32
      %dma_start3A_211 = tpu.memref_slice %arg13[%add3A_169, %dma_start3A_210] : memref<10240x128xf32, #tpu.memory_space<vmem_shared>> -> memref<16x128xf32, #tpu.memory_space<vmem_shared>>
      %dma_start3A_212 = arith.constant 0 : i32
      %dma_start3A_213 = tpu.memref_slice %arg13[%add3A_169, %dma_start3A_212] : memref<10240x128xf32, #tpu.memory_space<vmem_shared>> -> memref<16x128xf32, #tpu.memory_space<vmem_shared>>
      tpu.enqueue_dma source(%arg12 : memref<16x128xf32, #tpu.memory_space<vmem>>) target(%dma_start3A_213 : memref<16x128xf32, #tpu.memory_space<vmem_shared>>) target_semaphore(%run_scoped3A_209 : memref<!tpu.dma_semaphore, #tpu.memory_space<semaphore_mem>>)
      %dma_wait3A = arith.constant 0 : i32
      %dma_wait3A_214 = tpu.memref_slice %arg13[%add3A_169, %dma_wait3A] : memref<10240x128xf32, #tpu.memory_space<vmem_shared>> -> memref<16x128xf32, #tpu.memory_space<vmem_shared>>
      %dma_wait3A_215 = arith.constant 0 : i32
      %dma_wait3A_216 = tpu.memref_slice %arg13[%add3A_169, %dma_wait3A_215] : memref<10240x128xf32, #tpu.memory_space<vmem_shared>> -> memref<16x128xf32, #tpu.memory_space<vmem_shared>>
      tpu.wait_dma2 semaphore(%run_scoped3A_209 : memref<!tpu.dma_semaphore, #tpu.memory_space<semaphore_mem>>) src(%arg12 : memref<16x128xf32, #tpu.memory_space<vmem>>) dst(%dma_wait3A_216 : memref<16x128xf32, #tpu.memory_space<vmem_shared>>)
      tpu.yield
    }) : () -> ()
    %mul3A_170 = arith.constant 640 : i32
    %mul3A_171 = arith.muli %arg1, %mul3A_170 : i32
    %add3A_172 = arith.constant 528 : i32
    %add3A_173 = arith.addi %mul3A_171, %add3A_172 : i32
    "tpu.region"() ({
      %run_scoped3A_209 = tpu.sem_alloc : memref<!tpu.dma_semaphore, #tpu.memory_space<semaphore_mem>>
      %dma_start3A_210 = arith.constant 0 : i32
      %dma_start3A_211 = tpu.memref_slice %arg13[%add3A_173, %dma_start3A_210] : memref<10240x128xf32, #tpu.memory_space<vmem_shared>> -> memref<16x128xf32, #tpu.memory_space<vmem_shared>>
      %dma_start3A_212 = arith.constant 0 : i32
      %dma_start3A_213 = tpu.memref_slice %arg13[%add3A_173, %dma_start3A_212] : memref<10240x128xf32, #tpu.memory_space<vmem_shared>> -> memref<16x128xf32, #tpu.memory_space<vmem_shared>>
      tpu.enqueue_dma source(%arg12 : memref<16x128xf32, #tpu.memory_space<vmem>>) target(%dma_start3A_213 : memref<16x128xf32, #tpu.memory_space<vmem_shared>>) target_semaphore(%run_scoped3A_209 : memref<!tpu.dma_semaphore, #tpu.memory_space<semaphore_mem>>)
      %dma_wait3A = arith.constant 0 : i32
      %dma_wait3A_214 = tpu.memref_slice %arg13[%add3A_173, %dma_wait3A] : memref<10240x128xf32, #tpu.memory_space<vmem_shared>> -> memref<16x128xf32, #tpu.memory_space<vmem_shared>>
      %dma_wait3A_215 = arith.constant 0 : i32
      %dma_wait3A_216 = tpu.memref_slice %arg13[%add3A_173, %dma_wait3A_215] : memref<10240x128xf32, #tpu.memory_space<vmem_shared>> -> memref<16x128xf32, #tpu.memory_space<vmem_shared>>
      tpu.wait_dma2 semaphore(%run_scoped3A_209 : memref<!tpu.dma_semaphore, #tpu.memory_space<semaphore_mem>>) src(%arg12 : memref<16x128xf32, #tpu.memory_space<vmem>>) dst(%dma_wait3A_216 : memref<16x128xf32, #tpu.memory_space<vmem_shared>>)
      tpu.yield
    }) : () -> ()
    %mul3A_174 = arith.constant 640 : i32
    %mul3A_175 = arith.muli %arg1, %mul3A_174 : i32
    %add3A_176 = arith.constant 544 : i32
    %add3A_177 = arith.addi %mul3A_175, %add3A_176 : i32
    "tpu.region"() ({
      %run_scoped3A_209 = tpu.sem_alloc : memref<!tpu.dma_semaphore, #tpu.memory_space<semaphore_mem>>
      %dma_start3A_210 = arith.constant 0 : i32
      %dma_start3A_211 = tpu.memref_slice %arg13[%add3A_177, %dma_start3A_210] : memref<10240x128xf32, #tpu.memory_space<vmem_shared>> -> memref<16x128xf32, #tpu.memory_space<vmem_shared>>
      %dma_start3A_212 = arith.constant 0 : i32
      %dma_start3A_213 = tpu.memref_slice %arg13[%add3A_177, %dma_start3A_212] : memref<10240x128xf32, #tpu.memory_space<vmem_shared>> -> memref<16x128xf32, #tpu.memory_space<vmem_shared>>
      tpu.enqueue_dma source(%arg12 : memref<16x128xf32, #tpu.memory_space<vmem>>) target(%dma_start3A_213 : memref<16x128xf32, #tpu.memory_space<vmem_shared>>) target_semaphore(%run_scoped3A_209 : memref<!tpu.dma_semaphore, #tpu.memory_space<semaphore_mem>>)
      %dma_wait3A = arith.constant 0 : i32
      %dma_wait3A_214 = tpu.memref_slice %arg13[%add3A_177, %dma_wait3A] : memref<10240x128xf32, #tpu.memory_space<vmem_shared>> -> memref<16x128xf32, #tpu.memory_space<vmem_shared>>
      %dma_wait3A_215 = arith.constant 0 : i32
      %dma_wait3A_216 = tpu.memref_slice %arg13[%add3A_177, %dma_wait3A_215] : memref<10240x128xf32, #tpu.memory_space<vmem_shared>> -> memref<16x128xf32, #tpu.memory_space<vmem_shared>>
      tpu.wait_dma2 semaphore(%run_scoped3A_209 : memref<!tpu.dma_semaphore, #tpu.memory_space<semaphore_mem>>) src(%arg12 : memref<16x128xf32, #tpu.memory_space<vmem>>) dst(%dma_wait3A_216 : memref<16x128xf32, #tpu.memory_space<vmem_shared>>)
      tpu.yield
    }) : () -> ()
    %mul3A_178 = arith.constant 640 : i32
    %mul3A_179 = arith.muli %arg1, %mul3A_178 : i32
    %add3A_180 = arith.constant 560 : i32
    %add3A_181 = arith.addi %mul3A_179, %add3A_180 : i32
    "tpu.region"() ({
      %run_scoped3A_209 = tpu.sem_alloc : memref<!tpu.dma_semaphore, #tpu.memory_space<semaphore_mem>>
      %dma_start3A_210 = arith.constant 0 : i32
      %dma_start3A_211 = tpu.memref_slice %arg13[%add3A_181, %dma_start3A_210] : memref<10240x128xf32, #tpu.memory_space<vmem_shared>> -> memref<16x128xf32, #tpu.memory_space<vmem_shared>>
      %dma_start3A_212 = arith.constant 0 : i32
      %dma_start3A_213 = tpu.memref_slice %arg13[%add3A_181, %dma_start3A_212] : memref<10240x128xf32, #tpu.memory_space<vmem_shared>> -> memref<16x128xf32, #tpu.memory_space<vmem_shared>>
      tpu.enqueue_dma source(%arg12 : memref<16x128xf32, #tpu.memory_space<vmem>>) target(%dma_start3A_213 : memref<16x128xf32, #tpu.memory_space<vmem_shared>>) target_semaphore(%run_scoped3A_209 : memref<!tpu.dma_semaphore, #tpu.memory_space<semaphore_mem>>)
      %dma_wait3A = arith.constant 0 : i32
      %dma_wait3A_214 = tpu.memref_slice %arg13[%add3A_181, %dma_wait3A] : memref<10240x128xf32, #tpu.memory_space<vmem_shared>> -> memref<16x128xf32, #tpu.memory_space<vmem_shared>>
      %dma_wait3A_215 = arith.constant 0 : i32
      %dma_wait3A_216 = tpu.memref_slice %arg13[%add3A_181, %dma_wait3A_215] : memref<10240x128xf32, #tpu.memory_space<vmem_shared>> -> memref<16x128xf32, #tpu.memory_space<vmem_shared>>
      tpu.wait_dma2 semaphore(%run_scoped3A_209 : memref<!tpu.dma_semaphore, #tpu.memory_space<semaphore_mem>>) src(%arg12 : memref<16x128xf32, #tpu.memory_space<vmem>>) dst(%dma_wait3A_216 : memref<16x128xf32, #tpu.memory_space<vmem_shared>>)
      tpu.yield
    }) : () -> ()
    %mul3A_182 = arith.constant 640 : i32
    %mul3A_183 = arith.muli %arg1, %mul3A_182 : i32
    %add3A_184 = arith.constant 576 : i32
    %add3A_185 = arith.addi %mul3A_183, %add3A_184 : i32
    "tpu.region"() ({
      %run_scoped3A_209 = tpu.sem_alloc : memref<!tpu.dma_semaphore, #tpu.memory_space<semaphore_mem>>
      %dma_start3A_210 = arith.constant 0 : i32
      %dma_start3A_211 = tpu.memref_slice %arg13[%add3A_185, %dma_start3A_210] : memref<10240x128xf32, #tpu.memory_space<vmem_shared>> -> memref<16x128xf32, #tpu.memory_space<vmem_shared>>
      %dma_start3A_212 = arith.constant 0 : i32
      %dma_start3A_213 = tpu.memref_slice %arg13[%add3A_185, %dma_start3A_212] : memref<10240x128xf32, #tpu.memory_space<vmem_shared>> -> memref<16x128xf32, #tpu.memory_space<vmem_shared>>
      tpu.enqueue_dma source(%arg12 : memref<16x128xf32, #tpu.memory_space<vmem>>) target(%dma_start3A_213 : memref<16x128xf32, #tpu.memory_space<vmem_shared>>) target_semaphore(%run_scoped3A_209 : memref<!tpu.dma_semaphore, #tpu.memory_space<semaphore_mem>>)
      %dma_wait3A = arith.constant 0 : i32
      %dma_wait3A_214 = tpu.memref_slice %arg13[%add3A_185, %dma_wait3A] : memref<10240x128xf32, #tpu.memory_space<vmem_shared>> -> memref<16x128xf32, #tpu.memory_space<vmem_shared>>
      %dma_wait3A_215 = arith.constant 0 : i32
      %dma_wait3A_216 = tpu.memref_slice %arg13[%add3A_185, %dma_wait3A_215] : memref<10240x128xf32, #tpu.memory_space<vmem_shared>> -> memref<16x128xf32, #tpu.memory_space<vmem_shared>>
      tpu.wait_dma2 semaphore(%run_scoped3A_209 : memref<!tpu.dma_semaphore, #tpu.memory_space<semaphore_mem>>) src(%arg12 : memref<16x128xf32, #tpu.memory_space<vmem>>) dst(%dma_wait3A_216 : memref<16x128xf32, #tpu.memory_space<vmem_shared>>)
      tpu.yield
    }) : () -> ()
    %mul3A_186 = arith.constant 640 : i32
    %mul3A_187 = arith.muli %arg1, %mul3A_186 : i32
    %add3A_188 = arith.constant 592 : i32
    %add3A_189 = arith.addi %mul3A_187, %add3A_188 : i32
    "tpu.region"() ({
      %run_scoped3A_209 = tpu.sem_alloc : memref<!tpu.dma_semaphore, #tpu.memory_space<semaphore_mem>>
      %dma_start3A_210 = arith.constant 0 : i32
      %dma_start3A_211 = tpu.memref_slice %arg13[%add3A_189, %dma_start3A_210] : memref<10240x128xf32, #tpu.memory_space<vmem_shared>> -> memref<16x128xf32, #tpu.memory_space<vmem_shared>>
      %dma_start3A_212 = arith.constant 0 : i32
      %dma_start3A_213 = tpu.memref_slice %arg13[%add3A_189, %dma_start3A_212] : memref<10240x128xf32, #tpu.memory_space<vmem_shared>> -> memref<16x128xf32, #tpu.memory_space<vmem_shared>>
      tpu.enqueue_dma source(%arg12 : memref<16x128xf32, #tpu.memory_space<vmem>>) target(%dma_start3A_213 : memref<16x128xf32, #tpu.memory_space<vmem_shared>>) target_semaphore(%run_scoped3A_209 : memref<!tpu.dma_semaphore, #tpu.memory_space<semaphore_mem>>)
      %dma_wait3A = arith.constant 0 : i32
      %dma_wait3A_214 = tpu.memref_slice %arg13[%add3A_189, %dma_wait3A] : memref<10240x128xf32, #tpu.memory_space<vmem_shared>> -> memref<16x128xf32, #tpu.memory_space<vmem_shared>>
      %dma_wait3A_215 = arith.constant 0 : i32
      %dma_wait3A_216 = tpu.memref_slice %arg13[%add3A_189, %dma_wait3A_215] : memref<10240x128xf32, #tpu.memory_space<vmem_shared>> -> memref<16x128xf32, #tpu.memory_space<vmem_shared>>
      tpu.wait_dma2 semaphore(%run_scoped3A_209 : memref<!tpu.dma_semaphore, #tpu.memory_space<semaphore_mem>>) src(%arg12 : memref<16x128xf32, #tpu.memory_space<vmem>>) dst(%dma_wait3A_216 : memref<16x128xf32, #tpu.memory_space<vmem_shared>>)
      tpu.yield
    }) : () -> ()
    %mul3A_190 = arith.constant 640 : i32
    %mul3A_191 = arith.muli %arg1, %mul3A_190 : i32
    %add3A_192 = arith.constant 608 : i32
    %add3A_193 = arith.addi %mul3A_191, %add3A_192 : i32
    "tpu.region"() ({
      %run_scoped3A_209 = tpu.sem_alloc : memref<!tpu.dma_semaphore, #tpu.memory_space<semaphore_mem>>
      %dma_start3A_210 = arith.constant 0 : i32
      %dma_start3A_211 = tpu.memref_slice %arg13[%add3A_193, %dma_start3A_210] : memref<10240x128xf32, #tpu.memory_space<vmem_shared>> -> memref<16x128xf32, #tpu.memory_space<vmem_shared>>
      %dma_start3A_212 = arith.constant 0 : i32
      %dma_start3A_213 = tpu.memref_slice %arg13[%add3A_193, %dma_start3A_212] : memref<10240x128xf32, #tpu.memory_space<vmem_shared>> -> memref<16x128xf32, #tpu.memory_space<vmem_shared>>
      tpu.enqueue_dma source(%arg12 : memref<16x128xf32, #tpu.memory_space<vmem>>) target(%dma_start3A_213 : memref<16x128xf32, #tpu.memory_space<vmem_shared>>) target_semaphore(%run_scoped3A_209 : memref<!tpu.dma_semaphore, #tpu.memory_space<semaphore_mem>>)
      %dma_wait3A = arith.constant 0 : i32
      %dma_wait3A_214 = tpu.memref_slice %arg13[%add3A_193, %dma_wait3A] : memref<10240x128xf32, #tpu.memory_space<vmem_shared>> -> memref<16x128xf32, #tpu.memory_space<vmem_shared>>
      %dma_wait3A_215 = arith.constant 0 : i32
      %dma_wait3A_216 = tpu.memref_slice %arg13[%add3A_193, %dma_wait3A_215] : memref<10240x128xf32, #tpu.memory_space<vmem_shared>> -> memref<16x128xf32, #tpu.memory_space<vmem_shared>>
      tpu.wait_dma2 semaphore(%run_scoped3A_209 : memref<!tpu.dma_semaphore, #tpu.memory_space<semaphore_mem>>) src(%arg12 : memref<16x128xf32, #tpu.memory_space<vmem>>) dst(%dma_wait3A_216 : memref<16x128xf32, #tpu.memory_space<vmem_shared>>)
      tpu.yield
    }) : () -> ()
    %mul3A_194 = arith.constant 640 : i32
    %mul3A_195 = arith.muli %arg1, %mul3A_194 : i32
    %add3A_196 = arith.constant 624 : i32
    %add3A_197 = arith.addi %mul3A_195, %add3A_196 : i32
    "tpu.region"() ({
      %run_scoped3A_209 = tpu.sem_alloc : memref<!tpu.dma_semaphore, #tpu.memory_space<semaphore_mem>>
      %dma_start3A_210 = arith.constant 0 : i32
      %dma_start3A_211 = tpu.memref_slice %arg13[%add3A_197, %dma_start3A_210] : memref<10240x128xf32, #tpu.memory_space<vmem_shared>> -> memref<16x128xf32, #tpu.memory_space<vmem_shared>>
      %dma_start3A_212 = arith.constant 0 : i32
      %dma_start3A_213 = tpu.memref_slice %arg13[%add3A_197, %dma_start3A_212] : memref<10240x128xf32, #tpu.memory_space<vmem_shared>> -> memref<16x128xf32, #tpu.memory_space<vmem_shared>>
      tpu.enqueue_dma source(%arg12 : memref<16x128xf32, #tpu.memory_space<vmem>>) target(%dma_start3A_213 : memref<16x128xf32, #tpu.memory_space<vmem_shared>>) target_semaphore(%run_scoped3A_209 : memref<!tpu.dma_semaphore, #tpu.memory_space<semaphore_mem>>)
      %dma_wait3A = arith.constant 0 : i32
      %dma_wait3A_214 = tpu.memref_slice %arg13[%add3A_197, %dma_wait3A] : memref<10240x128xf32, #tpu.memory_space<vmem_shared>> -> memref<16x128xf32, #tpu.memory_space<vmem_shared>>
      %dma_wait3A_215 = arith.constant 0 : i32
      %dma_wait3A_216 = tpu.memref_slice %arg13[%add3A_197, %dma_wait3A_215] : memref<10240x128xf32, #tpu.memory_space<vmem_shared>> -> memref<16x128xf32, #tpu.memory_space<vmem_shared>>
      tpu.wait_dma2 semaphore(%run_scoped3A_209 : memref<!tpu.dma_semaphore, #tpu.memory_space<semaphore_mem>>) src(%arg12 : memref<16x128xf32, #tpu.memory_space<vmem>>) dst(%dma_wait3A_216 : memref<16x128xf32, #tpu.memory_space<vmem_shared>>)
      tpu.yield
    }) : () -> ()
    %barrier3A = arith.constant 0 : index
    tpu.barrier barrier_id(%barrier3A)
    %scan3A_198 = arith.constant 0 : i32
    %scan3A_199 = arith.constant 0 : i32
    %scan3A_200 = arith.constant 32 : i32
    %scan3A_201 = arith.addi %scan3A_199, %scan3A_200 : i32
    %scan3A_202 = arith.constant 1 : i32
    scf.for %scan3A_209 = %scan3A_199 to %scan3A_201 step %scan3A_202  : i32 {
      %jit3A = arith.constant 2 : i32
      %eq3A = arith.constant 0 : i32
      %eq3A_210 = arith.cmpi eq, %jit3A, %eq3A : i32
      %jit3A_211 = arith.constant 1 : i32
      %select_n3A = arith.select %eq3A_210, %jit3A_211, %jit3A : i32
      %rem3A = arith.remsi %scan3A_209, %select_n3A : i32
      %ne3A = arith.constant 0 : i32
      %ne3A_212 = arith.cmpi ne, %rem3A, %ne3A : i32
      %lt3A = arith.constant 0 : i32
      %lt3A_213 = arith.cmpi slt, %rem3A, %lt3A : i32
      %lt3A_214 = arith.constant 0 : i32
      %lt3A_215 = arith.cmpi slt, %select_n3A, %lt3A_214 : i32
      %ne3A_216 = arith.xori %lt3A_213, %lt3A_215 : i1
      %and3A = arith.andi %ne3A_216, %ne3A_212 : i1
      %add3A_217 = arith.addi %rem3A, %select_n3A : i32
      %select_n3A_218 = arith.select %and3A, %add3A_217, %rem3A : i32
      %add3A_219 = arith.constant 1 : i32
      %add3A_220 = arith.addi %scan3A_209, %add3A_219 : i32
      %jit3A_221 = arith.constant 2 : i32
      %eq3A_222 = arith.constant 0 : i32
      %eq3A_223 = arith.cmpi eq, %jit3A_221, %eq3A_222 : i32
      %jit3A_224 = arith.constant 1 : i32
      %select_n3A_225 = arith.select %eq3A_223, %jit3A_224, %jit3A_221 : i32
      %rem3A_226 = arith.remsi %add3A_220, %select_n3A_225 : i32
      %ne3A_227 = arith.constant 0 : i32
      %ne3A_228 = arith.cmpi ne, %rem3A_226, %ne3A_227 : i32
      %lt3A_229 = arith.constant 0 : i32
      %lt3A_230 = arith.cmpi slt, %rem3A_226, %lt3A_229 : i32
      %lt3A_231 = arith.constant 0 : i32
      %lt3A_232 = arith.cmpi slt, %select_n3A_225, %lt3A_231 : i32
      %ne3A_233 = arith.xori %lt3A_230, %lt3A_232 : i1
      %and3A_234 = arith.andi %ne3A_233, %ne3A_228 : i1
      %add3A_235 = arith.addi %rem3A_226, %select_n3A_225 : i32
      %select_n3A_236 = arith.select %and3A_234, %add3A_235, %rem3A_226 : i32
      %add3A_237 = arith.constant 1 : i32
      %add3A_238 = arith.addi %scan3A_209, %add3A_237 : i32
      %lt3A_239 = arith.constant 32 : i32
      %lt3A_240 = arith.cmpi slt, %add3A_238, %lt3A_239 : i32
      %convert_element_type3A = arith.extui %lt3A_240 : i1 to i32
      %cond3A = arith.constant 0 : i32
      %cond3A_241 = arith.cmpi ne, %convert_element_type3A, %cond3A : i32
      scf.if %cond3A_241 {
        %add3A_283 = arith.constant 1 : i32
        %add3A_284 = arith.addi %scan3A_209, %add3A_283 : i32
        %dma_start3A_285 = arith.constant 0 : i32
        %dma_start3A_286 = arith.constant 0 : i32
        %dma_start3A_287 = tpu.memref_slice %arg6[%select_n3A_236, %dma_start3A_285, %dma_start3A_286] : memref<2x4x80xi32, #tpu.memory_space<vmem>> -> memref<1x4x80xi32, #tpu.memory_space<vmem>>
        %dma_start3A_288 = tpu.memref_squeeze %dma_start3A_287 : memref<1x4x80xi32, #tpu.memory_space<vmem>> -> memref<4x80xi32, #tpu.memory_space<vmem>>
        %dma_start3A_289 = arith.constant 0 : i32
        %dma_start3A_290 = arith.constant 0 : i32
        %dma_start3A_291 = tpu.memref_slice %arg3[%arg0, %arg1, %add3A_284, %dma_start3A_289, %dma_start3A_290] : memref<2x16x32x4x80xi32, #tpu.memory_space<hbm>> -> memref<1x1x1x4x80xi32, #tpu.memory_space<hbm>>
        %dma_start3A_292 = tpu.memref_squeeze %dma_start3A_291 : memref<1x1x1x4x80xi32, #tpu.memory_space<hbm>> -> memref<4x80xi32, #tpu.memory_space<hbm>>
        %dma_start3A_293 = arith.constant 0 : i32
        %dma_start3A_294 = arith.constant 0 : i32
        %dma_start3A_295 = tpu.memref_slice %arg6[%select_n3A_236, %dma_start3A_293, %dma_start3A_294] : memref<2x4x80xi32, #tpu.memory_space<vmem>> -> memref<1x4x80xi32, #tpu.memory_space<vmem>>
        %dma_start3A_296 = tpu.memref_squeeze %dma_start3A_295 : memref<1x4x80xi32, #tpu.memory_space<vmem>> -> memref<4x80xi32, #tpu.memory_space<vmem>>
        %dma_start3A_297 = arith.constant 0 : i32
        %dma_start3A_298 = arith.constant 0 : i32
        %dma_start3A_299 = tpu.memref_slice %arg3[%arg0, %arg1, %add3A_284, %dma_start3A_297, %dma_start3A_298] : memref<2x16x32x4x80xi32, #tpu.memory_space<hbm>> -> memref<1x1x1x4x80xi32, #tpu.memory_space<hbm>>
        %dma_start3A_300 = tpu.memref_squeeze %dma_start3A_299 : memref<1x1x1x4x80xi32, #tpu.memory_space<hbm>> -> memref<4x80xi32, #tpu.memory_space<hbm>>
        tpu.enqueue_dma source(%dma_start3A_300 : memref<4x80xi32, #tpu.memory_space<hbm>>) target(%dma_start3A_296 : memref<4x80xi32, #tpu.memory_space<vmem>>) target_semaphore(%arg22 : memref<!tpu.dma_semaphore, #tpu.memory_space<semaphore_mem>>)
        %add3A_301 = arith.constant 1 : i32
        %add3A_302 = arith.addi %scan3A_209, %add3A_301 : i32
        %dma_start3A_303 = arith.constant 0 : i32
        %dma_start3A_304 = arith.constant 0 : i32
        %dma_start3A_305 = tpu.memref_slice %arg7[%select_n3A_236, %dma_start3A_303, %dma_start3A_304] : memref<2x4x80xi32, #tpu.memory_space<vmem>> -> memref<1x4x80xi32, #tpu.memory_space<vmem>>
        %dma_start3A_306 = tpu.memref_squeeze %dma_start3A_305 : memref<1x4x80xi32, #tpu.memory_space<vmem>> -> memref<4x80xi32, #tpu.memory_space<vmem>>
        %dma_start3A_307 = arith.constant 0 : i32
        %dma_start3A_308 = arith.constant 0 : i32
        %dma_start3A_309 = tpu.memref_slice %arg4[%arg0, %arg1, %add3A_302, %dma_start3A_307, %dma_start3A_308] : memref<2x16x32x4x80xi32, #tpu.memory_space<hbm>> -> memref<1x1x1x4x80xi32, #tpu.memory_space<hbm>>
        %dma_start3A_310 = tpu.memref_squeeze %dma_start3A_309 : memref<1x1x1x4x80xi32, #tpu.memory_space<hbm>> -> memref<4x80xi32, #tpu.memory_space<hbm>>
        %dma_start3A_311 = arith.constant 0 : i32
        %dma_start3A_312 = arith.constant 0 : i32
        %dma_start3A_313 = tpu.memref_slice %arg7[%select_n3A_236, %dma_start3A_311, %dma_start3A_312] : memref<2x4x80xi32, #tpu.memory_space<vmem>> -> memref<1x4x80xi32, #tpu.memory_space<vmem>>
        %dma_start3A_314 = tpu.memref_squeeze %dma_start3A_313 : memref<1x4x80xi32, #tpu.memory_space<vmem>> -> memref<4x80xi32, #tpu.memory_space<vmem>>
        %dma_start3A_315 = arith.constant 0 : i32
        %dma_start3A_316 = arith.constant 0 : i32
        %dma_start3A_317 = tpu.memref_slice %arg4[%arg0, %arg1, %add3A_302, %dma_start3A_315, %dma_start3A_316] : memref<2x16x32x4x80xi32, #tpu.memory_space<hbm>> -> memref<1x1x1x4x80xi32, #tpu.memory_space<hbm>>
        %dma_start3A_318 = tpu.memref_squeeze %dma_start3A_317 : memref<1x1x1x4x80xi32, #tpu.memory_space<hbm>> -> memref<4x80xi32, #tpu.memory_space<hbm>>
        tpu.enqueue_dma source(%dma_start3A_318 : memref<4x80xi32, #tpu.memory_space<hbm>>) target(%dma_start3A_314 : memref<4x80xi32, #tpu.memory_space<vmem>>) target_semaphore(%arg23 : memref<!tpu.dma_semaphore, #tpu.memory_space<semaphore_mem>>)
      } else {
      }
      %dma_wait3A = arith.constant 0 : i32
      %dma_wait3A_242 = arith.constant 0 : i32
      %dma_wait3A_243 = tpu.memref_slice %arg6[%select_n3A_218, %dma_wait3A, %dma_wait3A_242] : memref<2x4x80xi32, #tpu.memory_space<vmem>> -> memref<1x1x80xi32, #tpu.memory_space<vmem>>
      %dma_wait3A_244 = tpu.memref_squeeze %dma_wait3A_243 : memref<1x1x80xi32, #tpu.memory_space<vmem>> -> memref<80xi32, #tpu.memory_space<vmem>>
      %dma_wait3A_245 = arith.constant 0 : i32
      %dma_wait3A_246 = arith.constant 0 : i32
      %dma_wait3A_247 = tpu.memref_slice %arg2[%dma_wait3A_245, %dma_wait3A_246] : memref<10000x128xf32, #tpu.memory_space<hbm>> -> memref<10000x128xf32, #tpu.memory_space<hbm>>
      tpu.wait_indirect_dma semaphore(%arg14 : memref<!tpu.dma_semaphore, #tpu.memory_space<semaphore_mem>>) src(%dma_wait3A_247 : memref<10000x128xf32, #tpu.memory_space<hbm>>) dst(%arg8 : memref<80x128xf32, #tpu.memory_space<vmem>>)
      %dma_wait3A_248 = arith.constant 1 : i32
      %dma_wait3A_249 = arith.constant 0 : i32
      %dma_wait3A_250 = tpu.memref_slice %arg6[%select_n3A_218, %dma_wait3A_248, %dma_wait3A_249] : memref<2x4x80xi32, #tpu.memory_space<vmem>> -> memref<1x1x80xi32, #tpu.memory_space<vmem>>
      %dma_wait3A_251 = tpu.memref_squeeze %dma_wait3A_250 : memref<1x1x80xi32, #tpu.memory_space<vmem>> -> memref<80xi32, #tpu.memory_space<vmem>>
      %dma_wait3A_252 = arith.constant 0 : i32
      %dma_wait3A_253 = arith.constant 0 : i32
      %dma_wait3A_254 = tpu.memref_slice %arg2[%dma_wait3A_252, %dma_wait3A_253] : memref<10000x128xf32, #tpu.memory_space<hbm>> -> memref<10000x128xf32, #tpu.memory_space<hbm>>
      tpu.wait_indirect_dma semaphore(%arg15 : memref<!tpu.dma_semaphore, #tpu.memory_space<semaphore_mem>>) src(%dma_wait3A_254 : memref<10000x128xf32, #tpu.memory_space<hbm>>) dst(%arg9 : memref<80x128xf32, #tpu.memory_space<vmem>>)
      %add3A_255 = arith.constant 1 : i32
      %add3A_256 = arith.addi %scan3A_209, %add3A_255 : i32
      %lt3A_257 = arith.constant 32 : i32
      %lt3A_258 = arith.cmpi slt, %add3A_256, %lt3A_257 : i32
      %convert_element_type3A_259 = arith.extui %lt3A_258 : i1 to i32
      %cond3A_260 = arith.constant 0 : i32
      %cond3A_261 = arith.cmpi ne, %convert_element_type3A_259, %cond3A_260 : i32
      scf.if %cond3A_261 {
        %add3A_283 = arith.constant 1 : i32
        %add3A_284 = arith.addi %scan3A_209, %add3A_283 : i32
        %dma_wait3A_285 = arith.constant 0 : i32
        %dma_wait3A_286 = arith.constant 0 : i32
        %dma_wait3A_287 = tpu.memref_slice %arg6[%select_n3A_236, %dma_wait3A_285, %dma_wait3A_286] : memref<2x4x80xi32, #tpu.memory_space<vmem>> -> memref<1x4x80xi32, #tpu.memory_space<vmem>>
        %dma_wait3A_288 = tpu.memref_squeeze %dma_wait3A_287 : memref<1x4x80xi32, #tpu.memory_space<vmem>> -> memref<4x80xi32, #tpu.memory_space<vmem>>
        %dma_wait3A_289 = arith.constant 0 : i32
        %dma_wait3A_290 = arith.constant 0 : i32
        %dma_wait3A_291 = tpu.memref_slice %arg3[%arg0, %arg1, %add3A_284, %dma_wait3A_289, %dma_wait3A_290] : memref<2x16x32x4x80xi32, #tpu.memory_space<hbm>> -> memref<1x1x1x4x80xi32, #tpu.memory_space<hbm>>
        %dma_wait3A_292 = tpu.memref_squeeze %dma_wait3A_291 : memref<1x1x1x4x80xi32, #tpu.memory_space<hbm>> -> memref<4x80xi32, #tpu.memory_space<hbm>>
        %dma_wait3A_293 = arith.constant 0 : i32
        %dma_wait3A_294 = arith.constant 0 : i32
        %dma_wait3A_295 = tpu.memref_slice %arg6[%select_n3A_236, %dma_wait3A_293, %dma_wait3A_294] : memref<2x4x80xi32, #tpu.memory_space<vmem>> -> memref<1x4x80xi32, #tpu.memory_space<vmem>>
        %dma_wait3A_296 = tpu.memref_squeeze %dma_wait3A_295 : memref<1x4x80xi32, #tpu.memory_space<vmem>> -> memref<4x80xi32, #tpu.memory_space<vmem>>
        %dma_wait3A_297 = arith.constant 0 : i32
        %dma_wait3A_298 = arith.constant 0 : i32
        %dma_wait3A_299 = tpu.memref_slice %arg3[%arg0, %arg1, %add3A_284, %dma_wait3A_297, %dma_wait3A_298] : memref<2x16x32x4x80xi32, #tpu.memory_space<hbm>> -> memref<1x1x1x4x80xi32, #tpu.memory_space<hbm>>
        %dma_wait3A_300 = tpu.memref_squeeze %dma_wait3A_299 : memref<1x1x1x4x80xi32, #tpu.memory_space<hbm>> -> memref<4x80xi32, #tpu.memory_space<hbm>>
        tpu.wait_dma2 semaphore(%arg22 : memref<!tpu.dma_semaphore, #tpu.memory_space<semaphore_mem>>) src(%dma_wait3A_300 : memref<4x80xi32, #tpu.memory_space<hbm>>) dst(%dma_wait3A_296 : memref<4x80xi32, #tpu.memory_space<vmem>>)
        %add3A_301 = arith.constant 1 : i32
        %add3A_302 = arith.addi %scan3A_209, %add3A_301 : i32
        %dma_wait3A_303 = arith.constant 0 : i32
        %dma_wait3A_304 = arith.constant 0 : i32
        %dma_wait3A_305 = tpu.memref_slice %arg7[%select_n3A_236, %dma_wait3A_303, %dma_wait3A_304] : memref<2x4x80xi32, #tpu.memory_space<vmem>> -> memref<1x4x80xi32, #tpu.memory_space<vmem>>
        %dma_wait3A_306 = tpu.memref_squeeze %dma_wait3A_305 : memref<1x4x80xi32, #tpu.memory_space<vmem>> -> memref<4x80xi32, #tpu.memory_space<vmem>>
        %dma_wait3A_307 = arith.constant 0 : i32
        %dma_wait3A_308 = arith.constant 0 : i32
        %dma_wait3A_309 = tpu.memref_slice %arg4[%arg0, %arg1, %add3A_302, %dma_wait3A_307, %dma_wait3A_308] : memref<2x16x32x4x80xi32, #tpu.memory_space<hbm>> -> memref<1x1x1x4x80xi32, #tpu.memory_space<hbm>>
        %dma_wait3A_310 = tpu.memref_squeeze %dma_wait3A_309 : memref<1x1x1x4x80xi32, #tpu.memory_space<hbm>> -> memref<4x80xi32, #tpu.memory_space<hbm>>
        %dma_wait3A_311 = arith.constant 0 : i32
        %dma_wait3A_312 = arith.constant 0 : i32
        %dma_wait3A_313 = tpu.memref_slice %arg7[%select_n3A_236, %dma_wait3A_311, %dma_wait3A_312] : memref<2x4x80xi32, #tpu.memory_space<vmem>> -> memref<1x4x80xi32, #tpu.memory_space<vmem>>
        %dma_wait3A_314 = tpu.memref_squeeze %dma_wait3A_313 : memref<1x4x80xi32, #tpu.memory_space<vmem>> -> memref<4x80xi32, #tpu.memory_space<vmem>>
        %dma_wait3A_315 = arith.constant 0 : i32
        %dma_wait3A_316 = arith.constant 0 : i32
        %dma_wait3A_317 = tpu.memref_slice %arg4[%arg0, %arg1, %add3A_302, %dma_wait3A_315, %dma_wait3A_316] : memref<2x16x32x4x80xi32, #tpu.memory_space<hbm>> -> memref<1x1x1x4x80xi32, #tpu.memory_space<hbm>>
        %dma_wait3A_318 = tpu.memref_squeeze %dma_wait3A_317 : memref<1x1x1x4x80xi32, #tpu.memory_space<hbm>> -> memref<4x80xi32, #tpu.memory_space<hbm>>
        tpu.wait_dma2 semaphore(%arg23 : memref<!tpu.dma_semaphore, #tpu.memory_space<semaphore_mem>>) src(%dma_wait3A_318 : memref<4x80xi32, #tpu.memory_space<hbm>>) dst(%dma_wait3A_314 : memref<4x80xi32, #tpu.memory_space<vmem>>)
        %dma_start3A_319 = arith.constant 0 : i32
        %dma_start3A_320 = arith.constant 0 : i32
        %dma_start3A_321 = tpu.memref_slice %arg6[%select_n3A_236, %dma_start3A_319, %dma_start3A_320] : memref<2x4x80xi32, #tpu.memory_space<vmem>> -> memref<1x1x80xi32, #tpu.memory_space<vmem>>
        %dma_start3A_322 = tpu.memref_squeeze %dma_start3A_321 : memref<1x1x80xi32, #tpu.memory_space<vmem>> -> memref<80xi32, #tpu.memory_space<vmem>>
        %dma_start3A_323 = arith.constant 0 : i32
        %dma_start3A_324 = arith.constant 0 : i32
        %dma_start3A_325 = tpu.memref_slice %arg2[%dma_start3A_323, %dma_start3A_324] : memref<10000x128xf32, #tpu.memory_space<hbm>> -> memref<10000x128xf32, #tpu.memory_space<hbm>>
        tpu.enqueue_indirect_dma source(%dma_start3A_325 : memref<10000x128xf32, #tpu.memory_space<hbm>>) target(%arg8 : memref<80x128xf32, #tpu.memory_space<vmem>>) offsets(%dma_start3A_322 : memref<80xi32, #tpu.memory_space<vmem>>) semaphore(%arg14 : memref<!tpu.dma_semaphore, #tpu.memory_space<semaphore_mem>>)
        %dma_start3A_326 = arith.constant 1 : i32
        %dma_start3A_327 = arith.constant 0 : i32
        %dma_start3A_328 = tpu.memref_slice %arg6[%select_n3A_236, %dma_start3A_326, %dma_start3A_327] : memref<2x4x80xi32, #tpu.memory_space<vmem>> -> memref<1x1x80xi32, #tpu.memory_space<vmem>>
        %dma_start3A_329 = tpu.memref_squeeze %dma_start3A_328 : memref<1x1x80xi32, #tpu.memory_space<vmem>> -> memref<80xi32, #tpu.memory_space<vmem>>
        %dma_start3A_330 = arith.constant 0 : i32
        %dma_start3A_331 = arith.constant 0 : i32
        %dma_start3A_332 = tpu.memref_slice %arg2[%dma_start3A_330, %dma_start3A_331] : memref<10000x128xf32, #tpu.memory_space<hbm>> -> memref<10000x128xf32, #tpu.memory_space<hbm>>
        tpu.enqueue_indirect_dma source(%dma_start3A_332 : memref<10000x128xf32, #tpu.memory_space<hbm>>) target(%arg9 : memref<80x128xf32, #tpu.memory_space<vmem>>) offsets(%dma_start3A_329 : memref<80xi32, #tpu.memory_space<vmem>>) semaphore(%arg15 : memref<!tpu.dma_semaphore, #tpu.memory_space<semaphore_mem>>)
      } else {
      }
      %dma_wait3A_262 = arith.constant 2 : i32
      %dma_wait3A_263 = arith.constant 0 : i32
      %dma_wait3A_264 = tpu.memref_slice %arg6[%select_n3A_218, %dma_wait3A_262, %dma_wait3A_263] : memref<2x4x80xi32, #tpu.memory_space<vmem>> -> memref<1x1x80xi32, #tpu.memory_space<vmem>>
      %dma_wait3A_265 = tpu.memref_squeeze %dma_wait3A_264 : memref<1x1x80xi32, #tpu.memory_space<vmem>> -> memref<80xi32, #tpu.memory_space<vmem>>
      %dma_wait3A_266 = arith.constant 0 : i32
      %dma_wait3A_267 = arith.constant 0 : i32
      %dma_wait3A_268 = tpu.memref_slice %arg2[%dma_wait3A_266, %dma_wait3A_267] : memref<10000x128xf32, #tpu.memory_space<hbm>> -> memref<10000x128xf32, #tpu.memory_space<hbm>>
      tpu.wait_indirect_dma semaphore(%arg16 : memref<!tpu.dma_semaphore, #tpu.memory_space<semaphore_mem>>) src(%dma_wait3A_268 : memref<10000x128xf32, #tpu.memory_space<hbm>>) dst(%arg10 : memref<80x128xf32, #tpu.memory_space<vmem>>)
      %dma_wait3A_269 = arith.constant 3 : i32
      %dma_wait3A_270 = arith.constant 0 : i32
      %dma_wait3A_271 = tpu.memref_slice %arg6[%select_n3A_218, %dma_wait3A_269, %dma_wait3A_270] : memref<2x4x80xi32, #tpu.memory_space<vmem>> -> memref<1x1x80xi32, #tpu.memory_space<vmem>>
      %dma_wait3A_272 = tpu.memref_squeeze %dma_wait3A_271 : memref<1x1x80xi32, #tpu.memory_space<vmem>> -> memref<80xi32, #tpu.memory_space<vmem>>
      %dma_wait3A_273 = arith.constant 0 : i32
      %dma_wait3A_274 = arith.constant 0 : i32
      %dma_wait3A_275 = tpu.memref_slice %arg2[%dma_wait3A_273, %dma_wait3A_274] : memref<10000x128xf32, #tpu.memory_space<hbm>> -> memref<10000x128xf32, #tpu.memory_space<hbm>>
      tpu.wait_indirect_dma semaphore(%arg17 : memref<!tpu.dma_semaphore, #tpu.memory_space<semaphore_mem>>) src(%dma_wait3A_275 : memref<10000x128xf32, #tpu.memory_space<hbm>>) dst(%arg11 : memref<80x128xf32, #tpu.memory_space<vmem>>)
      %add3A_276 = arith.constant 1 : i32
      %add3A_277 = arith.addi %scan3A_209, %add3A_276 : i32
      %lt3A_278 = arith.constant 32 : i32
      %lt3A_279 = arith.cmpi slt, %add3A_277, %lt3A_278 : i32
      %convert_element_type3A_280 = arith.extui %lt3A_279 : i1 to i32
      %cond3A_281 = arith.constant 0 : i32
      %cond3A_282 = arith.cmpi ne, %convert_element_type3A_280, %cond3A_281 : i32
      scf.if %cond3A_282 {
        %dma_start3A_283 = arith.constant 2 : i32
        %dma_start3A_284 = arith.constant 0 : i32
        %dma_start3A_285 = tpu.memref_slice %arg6[%select_n3A_236, %dma_start3A_283, %dma_start3A_284] : memref<2x4x80xi32, #tpu.memory_space<vmem>> -> memref<1x1x80xi32, #tpu.memory_space<vmem>>
        %dma_start3A_286 = tpu.memref_squeeze %dma_start3A_285 : memref<1x1x80xi32, #tpu.memory_space<vmem>> -> memref<80xi32, #tpu.memory_space<vmem>>
        %dma_start3A_287 = arith.constant 0 : i32
        %dma_start3A_288 = arith.constant 0 : i32
        %dma_start3A_289 = tpu.memref_slice %arg2[%dma_start3A_287, %dma_start3A_288] : memref<10000x128xf32, #tpu.memory_space<hbm>> -> memref<10000x128xf32, #tpu.memory_space<hbm>>
        tpu.enqueue_indirect_dma source(%dma_start3A_289 : memref<10000x128xf32, #tpu.memory_space<hbm>>) target(%arg10 : memref<80x128xf32, #tpu.memory_space<vmem>>) offsets(%dma_start3A_286 : memref<80xi32, #tpu.memory_space<vmem>>) semaphore(%arg16 : memref<!tpu.dma_semaphore, #tpu.memory_space<semaphore_mem>>)
        %dma_start3A_290 = arith.constant 3 : i32
        %dma_start3A_291 = arith.constant 0 : i32
        %dma_start3A_292 = tpu.memref_slice %arg6[%select_n3A_236, %dma_start3A_290, %dma_start3A_291] : memref<2x4x80xi32, #tpu.memory_space<vmem>> -> memref<1x1x80xi32, #tpu.memory_space<vmem>>
        %dma_start3A_293 = tpu.memref_squeeze %dma_start3A_292 : memref<1x1x80xi32, #tpu.memory_space<vmem>> -> memref<80xi32, #tpu.memory_space<vmem>>
        %dma_start3A_294 = arith.constant 0 : i32
        %dma_start3A_295 = arith.constant 0 : i32
        %dma_start3A_296 = tpu.memref_slice %arg2[%dma_start3A_294, %dma_start3A_295] : memref<10000x128xf32, #tpu.memory_space<hbm>> -> memref<10000x128xf32, #tpu.memory_space<hbm>>
        tpu.enqueue_indirect_dma source(%dma_start3A_296 : memref<10000x128xf32, #tpu.memory_space<hbm>>) target(%arg11 : memref<80x128xf32, #tpu.memory_space<vmem>>) offsets(%dma_start3A_293 : memref<80xi32, #tpu.memory_space<vmem>>) semaphore(%arg17 : memref<!tpu.dma_semaphore, #tpu.memory_space<semaphore_mem>>)
      } else {
      }
    }
    %scan3A_203 = arith.constant 32 : i32
    %barrier3A_204 = arith.constant 0 : index
    tpu.barrier barrier_id(%barrier3A_204)
    %mul3A_205 = arith.constant 640 : i32
    %mul3A_206 = arith.muli %arg1, %mul3A_205 : i32
    %mul3A_207 = arith.constant 640 : i32
    %mul3A_208 = arith.muli %arg1, %mul3A_207 : i32
    "tpu.region"() ({
      %run_scoped3A_209 = tpu.sem_alloc : memref<!tpu.dma_semaphore, #tpu.memory_space<semaphore_mem>>
      %dma_start3A_210 = arith.constant 0 : i32
      %dma_start3A_211 = tpu.memref_slice %arg5[%arg0, %mul3A_208, %dma_start3A_210] : memref<2x10240x128xf32, #tpu.memory_space<hbm>> -> memref<1x640x128xf32, #tpu.memory_space<hbm>>
      %dma_start3A_212 = tpu.memref_squeeze %dma_start3A_211 : memref<1x640x128xf32, #tpu.memory_space<hbm>> -> memref<640x128xf32, #tpu.memory_space<hbm>>
      %dma_start3A_213 = arith.constant 0 : i32
      %dma_start3A_214 = tpu.memref_slice %arg13[%mul3A_206, %dma_start3A_213] : memref<10240x128xf32, #tpu.memory_space<vmem_shared>> -> memref<640x128xf32, #tpu.memory_space<vmem_shared>>
      tpu.enqueue_dma source(%dma_start3A_214 : memref<640x128xf32, #tpu.memory_space<vmem_shared>>) target(%dma_start3A_212 : memref<640x128xf32, #tpu.memory_space<hbm>>) target_semaphore(%run_scoped3A_209 : memref<!tpu.dma_semaphore, #tpu.memory_space<semaphore_mem>>)
      %dma_wait3A = arith.constant 0 : i32
      %dma_wait3A_215 = tpu.memref_slice %arg5[%arg0, %mul3A_208, %dma_wait3A] : memref<2x10240x128xf32, #tpu.memory_space<hbm>> -> memref<1x640x128xf32, #tpu.memory_space<hbm>>
      %dma_wait3A_216 = tpu.memref_squeeze %dma_wait3A_215 : memref<1x640x128xf32, #tpu.memory_space<hbm>> -> memref<640x128xf32, #tpu.memory_space<hbm>>
      %dma_wait3A_217 = arith.constant 0 : i32
      %dma_wait3A_218 = tpu.memref_slice %arg13[%mul3A_206, %dma_wait3A_217] : memref<10240x128xf32, #tpu.memory_space<vmem_shared>> -> memref<640x128xf32, #tpu.memory_space<vmem_shared>>
      tpu.wait_dma2 semaphore(%run_scoped3A_209 : memref<!tpu.dma_semaphore, #tpu.memory_space<semaphore_mem>>) src(%dma_wait3A_218 : memref<640x128xf32, #tpu.memory_space<vmem_shared>>) dst(%dma_wait3A_216 : memref<640x128xf32, #tpu.memory_space<hbm>>)
      tpu.yield
    }) : () -> ()
    return
  }
}

#map = affine_map<(d0, d1) -> (0, 0)>
#map1 = affine_map<(d0, d1) -> (0, 0, 0, 0, 0)>
#map2 = affine_map<(d0, d1) -> (0, 0, 0)>
module attributes {stable_mosaic.version = 14 : i64} {
  func.func @agg_kernel(%arg0: i32, %arg1: i32, %arg2: memref<10000x128xf32, #tpu.memory_space<hbm>>, %arg3: memref<2x16x32x4x80xi32, #tpu.memory_space<hbm>>, %arg4: memref<2x16x32x4x80xi32, #tpu.memory_space<hbm>>, %arg5: memref<2x10240x128xf32, #tpu.memory_space<hbm>>, %arg6: memref<2x4x80xi32, #tpu.memory_space<vmem>>, %arg7: memref<2x4x80xi32, #tpu.memory_space<vmem>>, %arg8: memref<80x128xf32, #tpu.memory_space<vmem>>, %arg9: memref<80x128xf32, #tpu.memory_space<vmem>>, %arg10: memref<80x128xf32, #tpu.memory_space<vmem>>, %arg11: memref<80x128xf32, #tpu.memory_space<vmem>>, %arg12: memref<16x128xf32, #tpu.memory_space<vmem>>, %arg13: memref<10240x128xf32, #tpu.memory_space<vmem_shared>>, %arg14: memref<!tpu.dma_semaphore, #tpu.memory_space<semaphore_mem>>, %arg15: memref<!tpu.dma_semaphore, #tpu.memory_space<semaphore_mem>>, %arg16: memref<!tpu.dma_semaphore, #tpu.memory_space<semaphore_mem>>, %arg17: memref<!tpu.dma_semaphore, #tpu.memory_space<semaphore_mem>>, %arg18: memref<!tpu.dma_semaphore, #tpu.memory_space<semaphore_mem>>, %arg19: memref<!tpu.dma_semaphore, #tpu.memory_space<semaphore_mem>>, %arg20: memref<!tpu.dma_semaphore, #tpu.memory_space<semaphore_mem>>, %arg21: memref<!tpu.dma_semaphore, #tpu.memory_space<semaphore_mem>>, %arg22: memref<!tpu.dma_semaphore, #tpu.memory_space<semaphore_mem>>, %arg23: memref<!tpu.dma_semaphore, #tpu.memory_space<semaphore_mem>>) attributes {dimension_semantics = [#tpu.dimension_semantics<core_parallel>, #tpu.dimension_semantics<subcore_parallel>], iteration_bounds = array<i64: 2, 16>, scalar_prefetch = 0 : i64, scratch_operands = 18 : i64, tpu.core_type = #tpu.core_type<sc_vector_subcore>, window_params = [{transform_indices = #map}, {transform_indices = #map1}, {transform_indices = #map1}, {transform_indices = #map2}]} {
    %run_scoped3A = arith.constant 0 : i32
    %run_scoped3A_0 = arith.constant 0 : i32
    "tpu.region"() ({
      %run_scoped3A_209 = tpu.sem_alloc : memref<!tpu.dma_semaphore, #tpu.memory_space<semaphore_mem>>
      %dma_start3A_210 = arith.constant 0 : i32
      %dma_start3A_211 = arith.constant 0 : i32
      %dma_start3A_212 = tpu.memref_slice %arg6[%run_scoped3A_0, %dma_start3A_210, %dma_start3A_211] : memref<2x4x80xi32, #tpu.memory_space<vmem>> -> memref<1x4x80xi32, #tpu.memory_space<vmem>>
      %dma_start3A_213 = tpu.memref_squeeze %dma_start3A_212 : memref<1x4x80xi32, #tpu.memory_space<vmem>> -> memref<4x80xi32, #tpu.memory_space<vmem>>
      %dma_start3A_214 = arith.constant 0 : i32
      %dma_start3A_215 = arith.constant 0 : i32
      %dma_start3A_216 = tpu.memref_slice %arg3[%arg0, %arg1, %run_scoped3A, %dma_start3A_214, %dma_start3A_215] : memref<2x16x32x4x80xi32, #tpu.memory_space<hbm>> -> memref<1x1x1x4x80xi32, #tpu.memory_space<hbm>>
      %dma_start3A_217 = tpu.memref_squeeze %dma_start3A_216 : memref<1x1x1x4x80xi32, #tpu.memory_space<hbm>> -> memref<4x80xi32, #tpu.memory_space<hbm>>
      %dma_start3A_218 = arith.constant 0 : i32
      %dma_start3A_219 = arith.constant 0 : i32
      %dma_start3A_220 = tpu.memref_slice %arg6[%run_scoped3A_0, %dma_start3A_218, %dma_start3A_219] : memref<2x4x80xi32, #tpu.memory_space<vmem>> -> memref<1x4x80xi32, #tpu.memory_space<vmem>>
      %dma_start3A_221 = tpu.memref_squeeze %dma_start3A_220 : memref<1x4x80xi32, #tpu.memory_space<vmem>> -> memref<4x80xi32, #tpu.memory_space<vmem>>
      %dma_start3A_222 = arith.constant 0 : i32
      %dma_start3A_223 = arith.constant 0 : i32
      %dma_start3A_224 = tpu.memref_slice %arg3[%arg0, %arg1, %run_scoped3A, %dma_start3A_222, %dma_start3A_223] : memref<2x16x32x4x80xi32, #tpu.memory_space<hbm>> -> memref<1x1x1x4x80xi32, #tpu.memory_space<hbm>>
      %dma_start3A_225 = tpu.memref_squeeze %dma_start3A_224 : memref<1x1x1x4x80xi32, #tpu.memory_space<hbm>> -> memref<4x80xi32, #tpu.memory_space<hbm>>
      tpu.enqueue_dma source(%dma_start3A_225 : memref<4x80xi32, #tpu.memory_space<hbm>>) target(%dma_start3A_221 : memref<4x80xi32, #tpu.memory_space<vmem>>) target_semaphore(%run_scoped3A_209 : memref<!tpu.dma_semaphore, #tpu.memory_space<semaphore_mem>>)
      %dma_wait3A = arith.constant 0 : i32
      %dma_wait3A_226 = arith.constant 0 : i32
      %dma_wait3A_227 = tpu.memref_slice %arg6[%run_scoped3A_0, %dma_wait3A, %dma_wait3A_226] : memref<2x4x80xi32, #tpu.memory_space<vmem>> -> memref<1x4x80xi32, #tpu.memory_space<vmem>>
      %dma_wait3A_228 = tpu.memref_squeeze %dma_wait3A_227 : memref<1x4x80xi32, #tpu.memory_space<vmem>> -> memref<4x80xi32, #tpu.memory_space<vmem>>
      %dma_wait3A_229 = arith.constant 0 : i32
      %dma_wait3A_230 = arith.constant 0 : i32
      %dma_wait3A_231 = tpu.memref_slice %arg3[%arg0, %arg1, %run_scoped3A, %dma_wait3A_229, %dma_wait3A_230] : memref<2x16x32x4x80xi32, #tpu.memory_space<hbm>> -> memref<1x1x1x4x80xi32, #tpu.memory_space<hbm>>
      %dma_wait3A_232 = tpu.memref_squeeze %dma_wait3A_231 : memref<1x1x1x4x80xi32, #tpu.memory_space<hbm>> -> memref<4x80xi32, #tpu.memory_space<hbm>>
      %dma_wait3A_233 = arith.constant 0 : i32
      %dma_wait3A_234 = arith.constant 0 : i32
      %dma_wait3A_235 = tpu.memref_slice %arg6[%run_scoped3A_0, %dma_wait3A_233, %dma_wait3A_234] : memref<2x4x80xi32, #tpu.memory_space<vmem>> -> memref<1x4x80xi32, #tpu.memory_space<vmem>>
      %dma_wait3A_236 = tpu.memref_squeeze %dma_wait3A_235 : memref<1x4x80xi32, #tpu.memory_space<vmem>> -> memref<4x80xi32, #tpu.memory_space<vmem>>
      %dma_wait3A_237 = arith.constant 0 : i32
      %dma_wait3A_238 = arith.constant 0 : i32
      %dma_wait3A_239 = tpu.memref_slice %arg3[%arg0, %arg1, %run_scoped3A, %dma_wait3A_237, %dma_wait3A_238] : memref<2x16x32x4x80xi32, #tpu.memory_space<hbm>> -> memref<1x1x1x4x80xi32, #tpu.memory_space<hbm>>
      %dma_wait3A_240 = tpu.memref_squeeze %dma_wait3A_239 : memref<1x1x1x4x80xi32, #tpu.memory_space<hbm>> -> memref<4x80xi32, #tpu.memory_space<hbm>>
      tpu.wait_dma2 semaphore(%run_scoped3A_209 : memref<!tpu.dma_semaphore, #tpu.memory_space<semaphore_mem>>) src(%dma_wait3A_240 : memref<4x80xi32, #tpu.memory_space<hbm>>) dst(%dma_wait3A_236 : memref<4x80xi32, #tpu.memory_space<vmem>>)
      tpu.yield
    }) : () -> ()
    %run_scoped3A_1 = arith.constant 0 : i32
    %run_scoped3A_2 = arith.constant 0 : i32
    "tpu.region"() ({
      %run_scoped3A_209 = tpu.sem_alloc : memref<!tpu.dma_semaphore, #tpu.memory_space<semaphore_mem>>
      %dma_start3A_210 = arith.constant 0 : i32
      %dma_start3A_211 = arith.constant 0 : i32
      %dma_start3A_212 = tpu.memref_slice %arg7[%run_scoped3A_2, %dma_start3A_210, %dma_start3A_211] : memref<2x4x80xi32, #tpu.memory_space<vmem>> -> memref<1x4x80xi32, #tpu.memory_space<vmem>>
      %dma_start3A_213 = tpu.memref_squeeze %dma_start3A_212 : memref<1x4x80xi32, #tpu.memory_space<vmem>> -> memref<4x80xi32, #tpu.memory_space<vmem>>
      %dma_start3A_214 = arith.constant 0 : i32
      %dma_start3A_215 = arith.constant 0 : i32
      %dma_start3A_216 = tpu.memref_slice %arg4[%arg0, %arg1, %run_scoped3A_1, %dma_start3A_214, %dma_start3A_215] : memref<2x16x32x4x80xi32, #tpu.memory_space<hbm>> -> memref<1x1x1x4x80xi32, #tpu.memory_space<hbm>>
      %dma_start3A_217 = tpu.memref_squeeze %dma_start3A_216 : memref<1x1x1x4x80xi32, #tpu.memory_space<hbm>> -> memref<4x80xi32, #tpu.memory_space<hbm>>
      %dma_start3A_218 = arith.constant 0 : i32
      %dma_start3A_219 = arith.constant 0 : i32
      %dma_start3A_220 = tpu.memref_slice %arg7[%run_scoped3A_2, %dma_start3A_218, %dma_start3A_219] : memref<2x4x80xi32, #tpu.memory_space<vmem>> -> memref<1x4x80xi32, #tpu.memory_space<vmem>>
      %dma_start3A_221 = tpu.memref_squeeze %dma_start3A_220 : memref<1x4x80xi32, #tpu.memory_space<vmem>> -> memref<4x80xi32, #tpu.memory_space<vmem>>
      %dma_start3A_222 = arith.constant 0 : i32
      %dma_start3A_223 = arith.constant 0 : i32
      %dma_start3A_224 = tpu.memref_slice %arg4[%arg0, %arg1, %run_scoped3A_1, %dma_start3A_222, %dma_start3A_223] : memref<2x16x32x4x80xi32, #tpu.memory_space<hbm>> -> memref<1x1x1x4x80xi32, #tpu.memory_space<hbm>>
      %dma_start3A_225 = tpu.memref_squeeze %dma_start3A_224 : memref<1x1x1x4x80xi32, #tpu.memory_space<hbm>> -> memref<4x80xi32, #tpu.memory_space<hbm>>
      tpu.enqueue_dma source(%dma_start3A_225 : memref<4x80xi32, #tpu.memory_space<hbm>>) target(%dma_start3A_221 : memref<4x80xi32, #tpu.memory_space<vmem>>) target_semaphore(%run_scoped3A_209 : memref<!tpu.dma_semaphore, #tpu.memory_space<semaphore_mem>>)
      %dma_wait3A = arith.constant 0 : i32
      %dma_wait3A_226 = arith.constant 0 : i32
      %dma_wait3A_227 = tpu.memref_slice %arg7[%run_scoped3A_2, %dma_wait3A, %dma_wait3A_226] : memref<2x4x80xi32, #tpu.memory_space<vmem>> -> memref<1x4x80xi32, #tpu.memory_space<vmem>>
      %dma_wait3A_228 = tpu.memref_squeeze %dma_wait3A_227 : memref<1x4x80xi32, #tpu.memory_space<vmem>> -> memref<4x80xi32, #tpu.memory_space<vmem>>
      %dma_wait3A_229 = arith.constant 0 : i32
      %dma_wait3A_230 = arith.constant 0 : i32
      %dma_wait3A_231 = tpu.memref_slice %arg4[%arg0, %arg1, %run_scoped3A_1, %dma_wait3A_229, %dma_wait3A_230] : memref<2x16x32x4x80xi32, #tpu.memory_space<hbm>> -> memref<1x1x1x4x80xi32, #tpu.memory_space<hbm>>
      %dma_wait3A_232 = tpu.memref_squeeze %dma_wait3A_231 : memref<1x1x1x4x80xi32, #tpu.memory_space<hbm>> -> memref<4x80xi32, #tpu.memory_space<hbm>>
      %dma_wait3A_233 = arith.constant 0 : i32
      %dma_wait3A_234 = arith.constant 0 : i32
      %dma_wait3A_235 = tpu.memref_slice %arg7[%run_scoped3A_2, %dma_wait3A_233, %dma_wait3A_234] : memref<2x4x80xi32, #tpu.memory_space<vmem>> -> memref<1x4x80xi32, #tpu.memory_space<vmem>>
      %dma_wait3A_236 = tpu.memref_squeeze %dma_wait3A_235 : memref<1x4x80xi32, #tpu.memory_space<vmem>> -> memref<4x80xi32, #tpu.memory_space<vmem>>
      %dma_wait3A_237 = arith.constant 0 : i32
      %dma_wait3A_238 = arith.constant 0 : i32
      %dma_wait3A_239 = tpu.memref_slice %arg4[%arg0, %arg1, %run_scoped3A_1, %dma_wait3A_237, %dma_wait3A_238] : memref<2x16x32x4x80xi32, #tpu.memory_space<hbm>> -> memref<1x1x1x4x80xi32, #tpu.memory_space<hbm>>
      %dma_wait3A_240 = tpu.memref_squeeze %dma_wait3A_239 : memref<1x1x1x4x80xi32, #tpu.memory_space<hbm>> -> memref<4x80xi32, #tpu.memory_space<hbm>>
      tpu.wait_dma2 semaphore(%run_scoped3A_209 : memref<!tpu.dma_semaphore, #tpu.memory_space<semaphore_mem>>) src(%dma_wait3A_240 : memref<4x80xi32, #tpu.memory_space<hbm>>) dst(%dma_wait3A_236 : memref<4x80xi32, #tpu.memory_space<vmem>>)
      tpu.yield
    }) : () -> ()
    %dma_start3A = arith.constant 0 : i32
    %dma_start3A_3 = arith.constant 0 : i32
    %dma_start3A_4 = arith.constant 0 : i32
    %dma_start3A_5 = tpu.memref_slice %arg6[%dma_start3A, %dma_start3A_3, %dma_start3A_4] : memref<2x4x80xi32, #tpu.memory_space<vmem>> -> memref<1x1x80xi32, #tpu.memory_space<vmem>>
    %dma_start3A_6 = tpu.memref_squeeze %dma_start3A_5 : memref<1x1x80xi32, #tpu.memory_space<vmem>> -> memref<80xi32, #tpu.memory_space<vmem>>
    %dma_start3A_7 = arith.constant 0 : i32
    %dma_start3A_8 = arith.constant 0 : i32
    %dma_start3A_9 = tpu.memref_slice %arg2[%dma_start3A_7, %dma_start3A_8] : memref<10000x128xf32, #tpu.memory_space<hbm>> -> memref<10000x128xf32, #tpu.memory_space<hbm>>
    tpu.enqueue_indirect_dma source(%dma_start3A_9 : memref<10000x128xf32, #tpu.memory_space<hbm>>) target(%arg8 : memref<80x128xf32, #tpu.memory_space<vmem>>) offsets(%dma_start3A_6 : memref<80xi32, #tpu.memory_space<vmem>>) semaphore(%arg14 : memref<!tpu.dma_semaphore, #tpu.memory_space<semaphore_mem>>)
    %dma_start3A_10 = arith.constant 0 : i32
    %dma_start3A_11 = arith.constant 1 : i32
    %dma_start3A_12 = arith.constant 0 : i32
    %dma_start3A_13 = tpu.memref_slice %arg6[%dma_start3A_10, %dma_start3A_11, %dma_start3A_12] : memref<2x4x80xi32, #tpu.memory_space<vmem>> -> memref<1x1x80xi32, #tpu.memory_space<vmem>>
    %dma_start3A_14 = tpu.memref_squeeze %dma_start3A_13 : memref<1x1x80xi32, #tpu.memory_space<vmem>> -> memref<80xi32, #tpu.memory_space<vmem>>
    %dma_start3A_15 = arith.constant 0 : i32
    %dma_start3A_16 = arith.constant 0 : i32
    %dma_start3A_17 = tpu.memref_slice %arg2[%dma_start3A_15, %dma_start3A_16] : memref<10000x128xf32, #tpu.memory_space<hbm>> -> memref<10000x128xf32, #tpu.memory_space<hbm>>
    tpu.enqueue_indirect_dma source(%dma_start3A_17 : memref<10000x128xf32, #tpu.memory_space<hbm>>) target(%arg9 : memref<80x128xf32, #tpu.memory_space<vmem>>) offsets(%dma_start3A_14 : memref<80xi32, #tpu.memory_space<vmem>>) semaphore(%arg15 : memref<!tpu.dma_semaphore, #tpu.memory_space<semaphore_mem>>)
    %dma_start3A_18 = arith.constant 0 : i32
    %dma_start3A_19 = arith.constant 2 : i32
    %dma_start3A_20 = arith.constant 0 : i32
    %dma_start3A_21 = tpu.memref_slice %arg6[%dma_start3A_18, %dma_start3A_19, %dma_start3A_20] : memref<2x4x80xi32, #tpu.memory_space<vmem>> -> memref<1x1x80xi32, #tpu.memory_space<vmem>>
    %dma_start3A_22 = tpu.memref_squeeze %dma_start3A_21 : memref<1x1x80xi32, #tpu.memory_space<vmem>> -> memref<80xi32, #tpu.memory_space<vmem>>
    %dma_start3A_23 = arith.constant 0 : i32
    %dma_start3A_24 = arith.constant 0 : i32
    %dma_start3A_25 = tpu.memref_slice %arg2[%dma_start3A_23, %dma_start3A_24] : memref<10000x128xf32, #tpu.memory_space<hbm>> -> memref<10000x128xf32, #tpu.memory_space<hbm>>
    tpu.enqueue_indirect_dma source(%dma_start3A_25 : memref<10000x128xf32, #tpu.memory_space<hbm>>) target(%arg10 : memref<80x128xf32, #tpu.memory_space<vmem>>) offsets(%dma_start3A_22 : memref<80xi32, #tpu.memory_space<vmem>>) semaphore(%arg16 : memref<!tpu.dma_semaphore, #tpu.memory_space<semaphore_mem>>)
    %dma_start3A_26 = arith.constant 0 : i32
    %dma_start3A_27 = arith.constant 3 : i32
    %dma_start3A_28 = arith.constant 0 : i32
    %dma_start3A_29 = tpu.memref_slice %arg6[%dma_start3A_26, %dma_start3A_27, %dma_start3A_28] : memref<2x4x80xi32, #tpu.memory_space<vmem>> -> memref<1x1x80xi32, #tpu.memory_space<vmem>>
    %dma_start3A_30 = tpu.memref_squeeze %dma_start3A_29 : memref<1x1x80xi32, #tpu.memory_space<vmem>> -> memref<80xi32, #tpu.memory_space<vmem>>
    %dma_start3A_31 = arith.constant 0 : i32
    %dma_start3A_32 = arith.constant 0 : i32
    %dma_start3A_33 = tpu.memref_slice %arg2[%dma_start3A_31, %dma_start3A_32] : memref<10000x128xf32, #tpu.memory_space<hbm>> -> memref<10000x128xf32, #tpu.memory_space<hbm>>
    tpu.enqueue_indirect_dma source(%dma_start3A_33 : memref<10000x128xf32, #tpu.memory_space<hbm>>) target(%arg11 : memref<80x128xf32, #tpu.memory_space<vmem>>) offsets(%dma_start3A_30 : memref<80xi32, #tpu.memory_space<vmem>>) semaphore(%arg17 : memref<!tpu.dma_semaphore, #tpu.memory_space<semaphore_mem>>)
    %broadcast_in_dim3A = arith.constant 0.000000e+00 : f32
    %broadcast_in_dim3A_34 = vector.broadcast %broadcast_in_dim3A : f32 to vector<16xf32>
    %scan3A = arith.constant 0 : i32
    %scan3A_35 = arith.constant 0 : i32
    %scan3A_36 = arith.constant 128 : i32
    %scan3A_37 = arith.addi %scan3A_35, %scan3A_36 : i32
    %scan3A_38 = arith.constant 1 : i32
    scf.for %scan3A_209 = %scan3A_35 to %scan3A_37 step %scan3A_38  : i32 {
      %jit3A = arith.constant 8 : i32
      %div3A = arith.divsi %scan3A_209, %jit3A : i32
      %sign3A = arith.constant 0 : i32
      %sign3A_210 = arith.cmpi sgt, %scan3A_209, %sign3A : i32
      %sign3A_211 = arith.extui %sign3A_210 : i1 to i32
      %sign3A_212 = arith.constant 0 : i32
      %sign3A_213 = arith.cmpi slt, %scan3A_209, %sign3A_212 : i32
      %sign3A_214 = arith.extui %sign3A_213 : i1 to i32
      %sign3A_215 = arith.subi %sign3A_211, %sign3A_214 : i32
      %sign3A_216 = arith.constant 0 : i32
      %sign3A_217 = arith.cmpi sgt, %jit3A, %sign3A_216 : i32
      %sign3A_218 = arith.extui %sign3A_217 : i1 to i32
      %sign3A_219 = arith.constant 0 : i32
      %sign3A_220 = arith.cmpi slt, %jit3A, %sign3A_219 : i32
      %sign3A_221 = arith.extui %sign3A_220 : i1 to i32
      %sign3A_222 = arith.subi %sign3A_218, %sign3A_221 : i32
      %ne3A = arith.cmpi ne, %sign3A_215, %sign3A_222 : i32
      %rem3A = arith.remsi %scan3A_209, %jit3A : i32
      %ne3A_223 = arith.constant 0 : i32
      %ne3A_224 = arith.cmpi ne, %rem3A, %ne3A_223 : i32
      %and3A = arith.andi %ne3A, %ne3A_224 : i1
      %sub3A = arith.constant 1 : i32
      %sub3A_225 = arith.subi %div3A, %sub3A : i32
      %select_n3A = arith.select %and3A, %sub3A_225, %div3A : i32
      %jit3A_226 = arith.constant 8 : i32
      %eq3A = arith.constant 0 : i32
      %eq3A_227 = arith.cmpi eq, %jit3A_226, %eq3A : i32
      %jit3A_228 = arith.constant 1 : i32
      %select_n3A_229 = arith.select %eq3A_227, %jit3A_228, %jit3A_226 : i32
      %rem3A_230 = arith.remsi %scan3A_209, %select_n3A_229 : i32
      %ne3A_231 = arith.constant 0 : i32
      %ne3A_232 = arith.cmpi ne, %rem3A_230, %ne3A_231 : i32
      %lt3A = arith.constant 0 : i32
      %lt3A_233 = arith.cmpi slt, %rem3A_230, %lt3A : i32
      %lt3A_234 = arith.constant 0 : i32
      %lt3A_235 = arith.cmpi slt, %select_n3A_229, %lt3A_234 : i32
      %ne3A_236 = arith.xori %lt3A_233, %lt3A_235 : i1
      %and3A_237 = arith.andi %ne3A_236, %ne3A_232 : i1
      %add3A_238 = arith.addi %rem3A_230, %select_n3A_229 : i32
      %select_n3A_239 = arith.select %and3A_237, %add3A_238, %rem3A_230 : i32
      %mul3A_240 = arith.constant 16 : i32
      %mul3A_241 = arith.muli %select_n3A_239, %mul3A_240 : i32
      %swap3A = arith.index_cast %select_n3A : i32 to index
      %swap3A_242 = arith.index_cast %mul3A_241 : i32 to index
      %swap3A_243 = tpu.vector_load %arg12[%swap3A, %swap3A_242] {strides = array<i32>} : memref<16x128xf32, #tpu.memory_space<vmem>>, vector<1x16xf32>,
      %swap3A_244 = vector.shape_cast %swap3A_243 : vector<1x16xf32> to vector<16xf32>
      %swap3A_245 = vector.shape_cast %broadcast_in_dim3A_34 : vector<16xf32> to vector<1x16xf32>
      tpu.vector_store %arg12[%swap3A, %swap3A_242], %swap3A_245 {strides = array<i32>} : memref<16x128xf32, #tpu.memory_space<vmem>>, vector<1x16xf32>,
    }
    %scan3A_39 = arith.constant 128 : i32
    %mul3A = arith.constant 640 : i32
    %mul3A_40 = arith.muli %arg1, %mul3A : i32
    %add3A = arith.constant 0 : i32
    %add3A_41 = arith.addi %mul3A_40, %add3A : i32
    "tpu.region"() ({
      %run_scoped3A_209 = tpu.sem_alloc : memref<!tpu.dma_semaphore, #tpu.memory_space<semaphore_mem>>
      %dma_start3A_210 = arith.constant 0 : i32
      %dma_start3A_211 = tpu.memref_slice %arg13[%add3A_41, %dma_start3A_210] : memref<10240x128xf32, #tpu.memory_space<vmem_shared>> -> memref<16x128xf32, #tpu.memory_space<vmem_shared>>
      %dma_start3A_212 = arith.constant 0 : i32
      %dma_start3A_213 = tpu.memref_slice %arg13[%add3A_41, %dma_start3A_212] : memref<10240x128xf32, #tpu.memory_space<vmem_shared>> -> memref<16x128xf32, #tpu.memory_space<vmem_shared>>
      tpu.enqueue_dma source(%arg12 : memref<16x128xf32, #tpu.memory_space<vmem>>) target(%dma_start3A_213 : memref<16x128xf32, #tpu.memory_space<vmem_shared>>) target_semaphore(%run_scoped3A_209 : memref<!tpu.dma_semaphore, #tpu.memory_space<semaphore_mem>>)
      %dma_wait3A = arith.constant 0 : i32
      %dma_wait3A_214 = tpu.memref_slice %arg13[%add3A_41, %dma_wait3A] : memref<10240x128xf32, #tpu.memory_space<vmem_shared>> -> memref<16x128xf32, #tpu.memory_space<vmem_shared>>
      %dma_wait3A_215 = arith.constant 0 : i32
      %dma_wait3A_216 = tpu.memref_slice %arg13[%add3A_41, %dma_wait3A_215] : memref<10240x128xf32, #tpu.memory_space<vmem_shared>> -> memref<16x128xf32, #tpu.memory_space<vmem_shared>>
      tpu.wait_dma2 semaphore(%run_scoped3A_209 : memref<!tpu.dma_semaphore, #tpu.memory_space<semaphore_mem>>) src(%arg12 : memref<16x128xf32, #tpu.memory_space<vmem>>) dst(%dma_wait3A_216 : memref<16x128xf32, #tpu.memory_space<vmem_shared>>)
      tpu.yield
    }) : () -> ()
    %mul3A_42 = arith.constant 640 : i32
    %mul3A_43 = arith.muli %arg1, %mul3A_42 : i32
    %add3A_44 = arith.constant 16 : i32
    %add3A_45 = arith.addi %mul3A_43, %add3A_44 : i32
    "tpu.region"() ({
      %run_scoped3A_209 = tpu.sem_alloc : memref<!tpu.dma_semaphore, #tpu.memory_space<semaphore_mem>>
      %dma_start3A_210 = arith.constant 0 : i32
      %dma_start3A_211 = tpu.memref_slice %arg13[%add3A_45, %dma_start3A_210] : memref<10240x128xf32, #tpu.memory_space<vmem_shared>> -> memref<16x128xf32, #tpu.memory_space<vmem_shared>>
      %dma_start3A_212 = arith.constant 0 : i32
      %dma_start3A_213 = tpu.memref_slice %arg13[%add3A_45, %dma_start3A_212] : memref<10240x128xf32, #tpu.memory_space<vmem_shared>> -> memref<16x128xf32, #tpu.memory_space<vmem_shared>>
      tpu.enqueue_dma source(%arg12 : memref<16x128xf32, #tpu.memory_space<vmem>>) target(%dma_start3A_213 : memref<16x128xf32, #tpu.memory_space<vmem_shared>>) target_semaphore(%run_scoped3A_209 : memref<!tpu.dma_semaphore, #tpu.memory_space<semaphore_mem>>)
      %dma_wait3A = arith.constant 0 : i32
      %dma_wait3A_214 = tpu.memref_slice %arg13[%add3A_45, %dma_wait3A] : memref<10240x128xf32, #tpu.memory_space<vmem_shared>> -> memref<16x128xf32, #tpu.memory_space<vmem_shared>>
      %dma_wait3A_215 = arith.constant 0 : i32
      %dma_wait3A_216 = tpu.memref_slice %arg13[%add3A_45, %dma_wait3A_215] : memref<10240x128xf32, #tpu.memory_space<vmem_shared>> -> memref<16x128xf32, #tpu.memory_space<vmem_shared>>
      tpu.wait_dma2 semaphore(%run_scoped3A_209 : memref<!tpu.dma_semaphore, #tpu.memory_space<semaphore_mem>>) src(%arg12 : memref<16x128xf32, #tpu.memory_space<vmem>>) dst(%dma_wait3A_216 : memref<16x128xf32, #tpu.memory_space<vmem_shared>>)
      tpu.yield
    }) : () -> ()
    %mul3A_46 = arith.constant 640 : i32
    %mul3A_47 = arith.muli %arg1, %mul3A_46 : i32
    %add3A_48 = arith.constant 32 : i32
    %add3A_49 = arith.addi %mul3A_47, %add3A_48 : i32
    "tpu.region"() ({
      %run_scoped3A_209 = tpu.sem_alloc : memref<!tpu.dma_semaphore, #tpu.memory_space<semaphore_mem>>
      %dma_start3A_210 = arith.constant 0 : i32
      %dma_start3A_211 = tpu.memref_slice %arg13[%add3A_49, %dma_start3A_210] : memref<10240x128xf32, #tpu.memory_space<vmem_shared>> -> memref<16x128xf32, #tpu.memory_space<vmem_shared>>
      %dma_start3A_212 = arith.constant 0 : i32
      %dma_start3A_213 = tpu.memref_slice %arg13[%add3A_49, %dma_start3A_212] : memref<10240x128xf32, #tpu.memory_space<vmem_shared>> -> memref<16x128xf32, #tpu.memory_space<vmem_shared>>
      tpu.enqueue_dma source(%arg12 : memref<16x128xf32, #tpu.memory_space<vmem>>) target(%dma_start3A_213 : memref<16x128xf32, #tpu.memory_space<vmem_shared>>) target_semaphore(%run_scoped3A_209 : memref<!tpu.dma_semaphore, #tpu.memory_space<semaphore_mem>>)
      %dma_wait3A = arith.constant 0 : i32
      %dma_wait3A_214 = tpu.memref_slice %arg13[%add3A_49, %dma_wait3A] : memref<10240x128xf32, #tpu.memory_space<vmem_shared>> -> memref<16x128xf32, #tpu.memory_space<vmem_shared>>
      %dma_wait3A_215 = arith.constant 0 : i32
      %dma_wait3A_216 = tpu.memref_slice %arg13[%add3A_49, %dma_wait3A_215] : memref<10240x128xf32, #tpu.memory_space<vmem_shared>> -> memref<16x128xf32, #tpu.memory_space<vmem_shared>>
      tpu.wait_dma2 semaphore(%run_scoped3A_209 : memref<!tpu.dma_semaphore, #tpu.memory_space<semaphore_mem>>) src(%arg12 : memref<16x128xf32, #tpu.memory_space<vmem>>) dst(%dma_wait3A_216 : memref<16x128xf32, #tpu.memory_space<vmem_shared>>)
      tpu.yield
    }) : () -> ()
    %mul3A_50 = arith.constant 640 : i32
    %mul3A_51 = arith.muli %arg1, %mul3A_50 : i32
    %add3A_52 = arith.constant 48 : i32
    %add3A_53 = arith.addi %mul3A_51, %add3A_52 : i32
    "tpu.region"() ({
      %run_scoped3A_209 = tpu.sem_alloc : memref<!tpu.dma_semaphore, #tpu.memory_space<semaphore_mem>>
      %dma_start3A_210 = arith.constant 0 : i32
      %dma_start3A_211 = tpu.memref_slice %arg13[%add3A_53, %dma_start3A_210] : memref<10240x128xf32, #tpu.memory_space<vmem_shared>> -> memref<16x128xf32, #tpu.memory_space<vmem_shared>>
      %dma_start3A_212 = arith.constant 0 : i32
      %dma_start3A_213 = tpu.memref_slice %arg13[%add3A_53, %dma_start3A_212] : memref<10240x128xf32, #tpu.memory_space<vmem_shared>> -> memref<16x128xf32, #tpu.memory_space<vmem_shared>>
      tpu.enqueue_dma source(%arg12 : memref<16x128xf32, #tpu.memory_space<vmem>>) target(%dma_start3A_213 : memref<16x128xf32, #tpu.memory_space<vmem_shared>>) target_semaphore(%run_scoped3A_209 : memref<!tpu.dma_semaphore, #tpu.memory_space<semaphore_mem>>)
      %dma_wait3A = arith.constant 0 : i32
      %dma_wait3A_214 = tpu.memref_slice %arg13[%add3A_53, %dma_wait3A] : memref<10240x128xf32, #tpu.memory_space<vmem_shared>> -> memref<16x128xf32, #tpu.memory_space<vmem_shared>>
      %dma_wait3A_215 = arith.constant 0 : i32
      %dma_wait3A_216 = tpu.memref_slice %arg13[%add3A_53, %dma_wait3A_215] : memref<10240x128xf32, #tpu.memory_space<vmem_shared>> -> memref<16x128xf32, #tpu.memory_space<vmem_shared>>
      tpu.wait_dma2 semaphore(%run_scoped3A_209 : memref<!tpu.dma_semaphore, #tpu.memory_space<semaphore_mem>>) src(%arg12 : memref<16x128xf32, #tpu.memory_space<vmem>>) dst(%dma_wait3A_216 : memref<16x128xf32, #tpu.memory_space<vmem_shared>>)
      tpu.yield
    }) : () -> ()
    %mul3A_54 = arith.constant 640 : i32
    %mul3A_55 = arith.muli %arg1, %mul3A_54 : i32
    %add3A_56 = arith.constant 64 : i32
    %add3A_57 = arith.addi %mul3A_55, %add3A_56 : i32
    "tpu.region"() ({
      %run_scoped3A_209 = tpu.sem_alloc : memref<!tpu.dma_semaphore, #tpu.memory_space<semaphore_mem>>
      %dma_start3A_210 = arith.constant 0 : i32
      %dma_start3A_211 = tpu.memref_slice %arg13[%add3A_57, %dma_start3A_210] : memref<10240x128xf32, #tpu.memory_space<vmem_shared>> -> memref<16x128xf32, #tpu.memory_space<vmem_shared>>
      %dma_start3A_212 = arith.constant 0 : i32
      %dma_start3A_213 = tpu.memref_slice %arg13[%add3A_57, %dma_start3A_212] : memref<10240x128xf32, #tpu.memory_space<vmem_shared>> -> memref<16x128xf32, #tpu.memory_space<vmem_shared>>
      tpu.enqueue_dma source(%arg12 : memref<16x128xf32, #tpu.memory_space<vmem>>) target(%dma_start3A_213 : memref<16x128xf32, #tpu.memory_space<vmem_shared>>) target_semaphore(%run_scoped3A_209 : memref<!tpu.dma_semaphore, #tpu.memory_space<semaphore_mem>>)
      %dma_wait3A = arith.constant 0 : i32
      %dma_wait3A_214 = tpu.memref_slice %arg13[%add3A_57, %dma_wait3A] : memref<10240x128xf32, #tpu.memory_space<vmem_shared>> -> memref<16x128xf32, #tpu.memory_space<vmem_shared>>
      %dma_wait3A_215 = arith.constant 0 : i32
      %dma_wait3A_216 = tpu.memref_slice %arg13[%add3A_57, %dma_wait3A_215] : memref<10240x128xf32, #tpu.memory_space<vmem_shared>> -> memref<16x128xf32, #tpu.memory_space<vmem_shared>>
      tpu.wait_dma2 semaphore(%run_scoped3A_209 : memref<!tpu.dma_semaphore, #tpu.memory_space<semaphore_mem>>) src(%arg12 : memref<16x128xf32, #tpu.memory_space<vmem>>) dst(%dma_wait3A_216 : memref<16x128xf32, #tpu.memory_space<vmem_shared>>)
      tpu.yield
    }) : () -> ()
    %mul3A_58 = arith.constant 640 : i32
    %mul3A_59 = arith.muli %arg1, %mul3A_58 : i32
    %add3A_60 = arith.constant 80 : i32
    %add3A_61 = arith.addi %mul3A_59, %add3A_60 : i32
    "tpu.region"() ({
      %run_scoped3A_209 = tpu.sem_alloc : memref<!tpu.dma_semaphore, #tpu.memory_space<semaphore_mem>>
      %dma_start3A_210 = arith.constant 0 : i32
      %dma_start3A_211 = tpu.memref_slice %arg13[%add3A_61, %dma_start3A_210] : memref<10240x128xf32, #tpu.memory_space<vmem_shared>> -> memref<16x128xf32, #tpu.memory_space<vmem_shared>>
      %dma_start3A_212 = arith.constant 0 : i32
      %dma_start3A_213 = tpu.memref_slice %arg13[%add3A_61, %dma_start3A_212] : memref<10240x128xf32, #tpu.memory_space<vmem_shared>> -> memref<16x128xf32, #tpu.memory_space<vmem_shared>>
      tpu.enqueue_dma source(%arg12 : memref<16x128xf32, #tpu.memory_space<vmem>>) target(%dma_start3A_213 : memref<16x128xf32, #tpu.memory_space<vmem_shared>>) target_semaphore(%run_scoped3A_209 : memref<!tpu.dma_semaphore, #tpu.memory_space<semaphore_mem>>)
      %dma_wait3A = arith.constant 0 : i32
      %dma_wait3A_214 = tpu.memref_slice %arg13[%add3A_61, %dma_wait3A] : memref<10240x128xf32, #tpu.memory_space<vmem_shared>> -> memref<16x128xf32, #tpu.memory_space<vmem_shared>>
      %dma_wait3A_215 = arith.constant 0 : i32
      %dma_wait3A_216 = tpu.memref_slice %arg13[%add3A_61, %dma_wait3A_215] : memref<10240x128xf32, #tpu.memory_space<vmem_shared>> -> memref<16x128xf32, #tpu.memory_space<vmem_shared>>
      tpu.wait_dma2 semaphore(%run_scoped3A_209 : memref<!tpu.dma_semaphore, #tpu.memory_space<semaphore_mem>>) src(%arg12 : memref<16x128xf32, #tpu.memory_space<vmem>>) dst(%dma_wait3A_216 : memref<16x128xf32, #tpu.memory_space<vmem_shared>>)
      tpu.yield
    }) : () -> ()
    %mul3A_62 = arith.constant 640 : i32
    %mul3A_63 = arith.muli %arg1, %mul3A_62 : i32
    %add3A_64 = arith.constant 96 : i32
    %add3A_65 = arith.addi %mul3A_63, %add3A_64 : i32
    "tpu.region"() ({
      %run_scoped3A_209 = tpu.sem_alloc : memref<!tpu.dma_semaphore, #tpu.memory_space<semaphore_mem>>
      %dma_start3A_210 = arith.constant 0 : i32
      %dma_start3A_211 = tpu.memref_slice %arg13[%add3A_65, %dma_start3A_210] : memref<10240x128xf32, #tpu.memory_space<vmem_shared>> -> memref<16x128xf32, #tpu.memory_space<vmem_shared>>
      %dma_start3A_212 = arith.constant 0 : i32
      %dma_start3A_213 = tpu.memref_slice %arg13[%add3A_65, %dma_start3A_212] : memref<10240x128xf32, #tpu.memory_space<vmem_shared>> -> memref<16x128xf32, #tpu.memory_space<vmem_shared>>
      tpu.enqueue_dma source(%arg12 : memref<16x128xf32, #tpu.memory_space<vmem>>) target(%dma_start3A_213 : memref<16x128xf32, #tpu.memory_space<vmem_shared>>) target_semaphore(%run_scoped3A_209 : memref<!tpu.dma_semaphore, #tpu.memory_space<semaphore_mem>>)
      %dma_wait3A = arith.constant 0 : i32
      %dma_wait3A_214 = tpu.memref_slice %arg13[%add3A_65, %dma_wait3A] : memref<10240x128xf32, #tpu.memory_space<vmem_shared>> -> memref<16x128xf32, #tpu.memory_space<vmem_shared>>
      %dma_wait3A_215 = arith.constant 0 : i32
      %dma_wait3A_216 = tpu.memref_slice %arg13[%add3A_65, %dma_wait3A_215] : memref<10240x128xf32, #tpu.memory_space<vmem_shared>> -> memref<16x128xf32, #tpu.memory_space<vmem_shared>>
      tpu.wait_dma2 semaphore(%run_scoped3A_209 : memref<!tpu.dma_semaphore, #tpu.memory_space<semaphore_mem>>) src(%arg12 : memref<16x128xf32, #tpu.memory_space<vmem>>) dst(%dma_wait3A_216 : memref<16x128xf32, #tpu.memory_space<vmem_shared>>)
      tpu.yield
    }) : () -> ()
    %mul3A_66 = arith.constant 640 : i32
    %mul3A_67 = arith.muli %arg1, %mul3A_66 : i32
    %add3A_68 = arith.constant 112 : i32
    %add3A_69 = arith.addi %mul3A_67, %add3A_68 : i32
    "tpu.region"() ({
      %run_scoped3A_209 = tpu.sem_alloc : memref<!tpu.dma_semaphore, #tpu.memory_space<semaphore_mem>>
      %dma_start3A_210 = arith.constant 0 : i32
      %dma_start3A_211 = tpu.memref_slice %arg13[%add3A_69, %dma_start3A_210] : memref<10240x128xf32, #tpu.memory_space<vmem_shared>> -> memref<16x128xf32, #tpu.memory_space<vmem_shared>>
      %dma_start3A_212 = arith.constant 0 : i32
      %dma_start3A_213 = tpu.memref_slice %arg13[%add3A_69, %dma_start3A_212] : memref<10240x128xf32, #tpu.memory_space<vmem_shared>> -> memref<16x128xf32, #tpu.memory_space<vmem_shared>>
      tpu.enqueue_dma source(%arg12 : memref<16x128xf32, #tpu.memory_space<vmem>>) target(%dma_start3A_213 : memref<16x128xf32, #tpu.memory_space<vmem_shared>>) target_semaphore(%run_scoped3A_209 : memref<!tpu.dma_semaphore, #tpu.memory_space<semaphore_mem>>)
      %dma_wait3A = arith.constant 0 : i32
      %dma_wait3A_214 = tpu.memref_slice %arg13[%add3A_69, %dma_wait3A] : memref<10240x128xf32, #tpu.memory_space<vmem_shared>> -> memref<16x128xf32, #tpu.memory_space<vmem_shared>>
      %dma_wait3A_215 = arith.constant 0 : i32
      %dma_wait3A_216 = tpu.memref_slice %arg13[%add3A_69, %dma_wait3A_215] : memref<10240x128xf32, #tpu.memory_space<vmem_shared>> -> memref<16x128xf32, #tpu.memory_space<vmem_shared>>
      tpu.wait_dma2 semaphore(%run_scoped3A_209 : memref<!tpu.dma_semaphore, #tpu.memory_space<semaphore_mem>>) src(%arg12 : memref<16x128xf32, #tpu.memory_space<vmem>>) dst(%dma_wait3A_216 : memref<16x128xf32, #tpu.memory_space<vmem_shared>>)
      tpu.yield
    }) : () -> ()
    %mul3A_70 = arith.constant 640 : i32
    %mul3A_71 = arith.muli %arg1, %mul3A_70 : i32
    %add3A_72 = arith.constant 128 : i32
    %add3A_73 = arith.addi %mul3A_71, %add3A_72 : i32
    "tpu.region"() ({
      %run_scoped3A_209 = tpu.sem_alloc : memref<!tpu.dma_semaphore, #tpu.memory_space<semaphore_mem>>
      %dma_start3A_210 = arith.constant 0 : i32
      %dma_start3A_211 = tpu.memref_slice %arg13[%add3A_73, %dma_start3A_210] : memref<10240x128xf32, #tpu.memory_space<vmem_shared>> -> memref<16x128xf32, #tpu.memory_space<vmem_shared>>
      %dma_start3A_212 = arith.constant 0 : i32
      %dma_start3A_213 = tpu.memref_slice %arg13[%add3A_73, %dma_start3A_212] : memref<10240x128xf32, #tpu.memory_space<vmem_shared>> -> memref<16x128xf32, #tpu.memory_space<vmem_shared>>
      tpu.enqueue_dma source(%arg12 : memref<16x128xf32, #tpu.memory_space<vmem>>) target(%dma_start3A_213 : memref<16x128xf32, #tpu.memory_space<vmem_shared>>) target_semaphore(%run_scoped3A_209 : memref<!tpu.dma_semaphore, #tpu.memory_space<semaphore_mem>>)
      %dma_wait3A = arith.constant 0 : i32
      %dma_wait3A_214 = tpu.memref_slice %arg13[%add3A_73, %dma_wait3A] : memref<10240x128xf32, #tpu.memory_space<vmem_shared>> -> memref<16x128xf32, #tpu.memory_space<vmem_shared>>
      %dma_wait3A_215 = arith.constant 0 : i32
      %dma_wait3A_216 = tpu.memref_slice %arg13[%add3A_73, %dma_wait3A_215] : memref<10240x128xf32, #tpu.memory_space<vmem_shared>> -> memref<16x128xf32, #tpu.memory_space<vmem_shared>>
      tpu.wait_dma2 semaphore(%run_scoped3A_209 : memref<!tpu.dma_semaphore, #tpu.memory_space<semaphore_mem>>) src(%arg12 : memref<16x128xf32, #tpu.memory_space<vmem>>) dst(%dma_wait3A_216 : memref<16x128xf32, #tpu.memory_space<vmem_shared>>)
      tpu.yield
    }) : () -> ()
    %mul3A_74 = arith.constant 640 : i32
    %mul3A_75 = arith.muli %arg1, %mul3A_74 : i32
    %add3A_76 = arith.constant 144 : i32
    %add3A_77 = arith.addi %mul3A_75, %add3A_76 : i32
    "tpu.region"() ({
      %run_scoped3A_209 = tpu.sem_alloc : memref<!tpu.dma_semaphore, #tpu.memory_space<semaphore_mem>>
      %dma_start3A_210 = arith.constant 0 : i32
      %dma_start3A_211 = tpu.memref_slice %arg13[%add3A_77, %dma_start3A_210] : memref<10240x128xf32, #tpu.memory_space<vmem_shared>> -> memref<16x128xf32, #tpu.memory_space<vmem_shared>>
      %dma_start3A_212 = arith.constant 0 : i32
      %dma_start3A_213 = tpu.memref_slice %arg13[%add3A_77, %dma_start3A_212] : memref<10240x128xf32, #tpu.memory_space<vmem_shared>> -> memref<16x128xf32, #tpu.memory_space<vmem_shared>>
      tpu.enqueue_dma source(%arg12 : memref<16x128xf32, #tpu.memory_space<vmem>>) target(%dma_start3A_213 : memref<16x128xf32, #tpu.memory_space<vmem_shared>>) target_semaphore(%run_scoped3A_209 : memref<!tpu.dma_semaphore, #tpu.memory_space<semaphore_mem>>)
      %dma_wait3A = arith.constant 0 : i32
      %dma_wait3A_214 = tpu.memref_slice %arg13[%add3A_77, %dma_wait3A] : memref<10240x128xf32, #tpu.memory_space<vmem_shared>> -> memref<16x128xf32, #tpu.memory_space<vmem_shared>>
      %dma_wait3A_215 = arith.constant 0 : i32
      %dma_wait3A_216 = tpu.memref_slice %arg13[%add3A_77, %dma_wait3A_215] : memref<10240x128xf32, #tpu.memory_space<vmem_shared>> -> memref<16x128xf32, #tpu.memory_space<vmem_shared>>
      tpu.wait_dma2 semaphore(%run_scoped3A_209 : memref<!tpu.dma_semaphore, #tpu.memory_space<semaphore_mem>>) src(%arg12 : memref<16x128xf32, #tpu.memory_space<vmem>>) dst(%dma_wait3A_216 : memref<16x128xf32, #tpu.memory_space<vmem_shared>>)
      tpu.yield
    }) : () -> ()
    %mul3A_78 = arith.constant 640 : i32
    %mul3A_79 = arith.muli %arg1, %mul3A_78 : i32
    %add3A_80 = arith.constant 160 : i32
    %add3A_81 = arith.addi %mul3A_79, %add3A_80 : i32
    "tpu.region"() ({
      %run_scoped3A_209 = tpu.sem_alloc : memref<!tpu.dma_semaphore, #tpu.memory_space<semaphore_mem>>
      %dma_start3A_210 = arith.constant 0 : i32
      %dma_start3A_211 = tpu.memref_slice %arg13[%add3A_81, %dma_start3A_210] : memref<10240x128xf32, #tpu.memory_space<vmem_shared>> -> memref<16x128xf32, #tpu.memory_space<vmem_shared>>
      %dma_start3A_212 = arith.constant 0 : i32
      %dma_start3A_213 = tpu.memref_slice %arg13[%add3A_81, %dma_start3A_212] : memref<10240x128xf32, #tpu.memory_space<vmem_shared>> -> memref<16x128xf32, #tpu.memory_space<vmem_shared>>
      tpu.enqueue_dma source(%arg12 : memref<16x128xf32, #tpu.memory_space<vmem>>) target(%dma_start3A_213 : memref<16x128xf32, #tpu.memory_space<vmem_shared>>) target_semaphore(%run_scoped3A_209 : memref<!tpu.dma_semaphore, #tpu.memory_space<semaphore_mem>>)
      %dma_wait3A = arith.constant 0 : i32
      %dma_wait3A_214 = tpu.memref_slice %arg13[%add3A_81, %dma_wait3A] : memref<10240x128xf32, #tpu.memory_space<vmem_shared>> -> memref<16x128xf32, #tpu.memory_space<vmem_shared>>
      %dma_wait3A_215 = arith.constant 0 : i32
      %dma_wait3A_216 = tpu.memref_slice %arg13[%add3A_81, %dma_wait3A_215] : memref<10240x128xf32, #tpu.memory_space<vmem_shared>> -> memref<16x128xf32, #tpu.memory_space<vmem_shared>>
      tpu.wait_dma2 semaphore(%run_scoped3A_209 : memref<!tpu.dma_semaphore, #tpu.memory_space<semaphore_mem>>) src(%arg12 : memref<16x128xf32, #tpu.memory_space<vmem>>) dst(%dma_wait3A_216 : memref<16x128xf32, #tpu.memory_space<vmem_shared>>)
      tpu.yield
    }) : () -> ()
    %mul3A_82 = arith.constant 640 : i32
    %mul3A_83 = arith.muli %arg1, %mul3A_82 : i32
    %add3A_84 = arith.constant 176 : i32
    %add3A_85 = arith.addi %mul3A_83, %add3A_84 : i32
    "tpu.region"() ({
      %run_scoped3A_209 = tpu.sem_alloc : memref<!tpu.dma_semaphore, #tpu.memory_space<semaphore_mem>>
      %dma_start3A_210 = arith.constant 0 : i32
      %dma_start3A_211 = tpu.memref_slice %arg13[%add3A_85, %dma_start3A_210] : memref<10240x128xf32, #tpu.memory_space<vmem_shared>> -> memref<16x128xf32, #tpu.memory_space<vmem_shared>>
      %dma_start3A_212 = arith.constant 0 : i32
      %dma_start3A_213 = tpu.memref_slice %arg13[%add3A_85, %dma_start3A_212] : memref<10240x128xf32, #tpu.memory_space<vmem_shared>> -> memref<16x128xf32, #tpu.memory_space<vmem_shared>>
      tpu.enqueue_dma source(%arg12 : memref<16x128xf32, #tpu.memory_space<vmem>>) target(%dma_start3A_213 : memref<16x128xf32, #tpu.memory_space<vmem_shared>>) target_semaphore(%run_scoped3A_209 : memref<!tpu.dma_semaphore, #tpu.memory_space<semaphore_mem>>)
      %dma_wait3A = arith.constant 0 : i32
      %dma_wait3A_214 = tpu.memref_slice %arg13[%add3A_85, %dma_wait3A] : memref<10240x128xf32, #tpu.memory_space<vmem_shared>> -> memref<16x128xf32, #tpu.memory_space<vmem_shared>>
      %dma_wait3A_215 = arith.constant 0 : i32
      %dma_wait3A_216 = tpu.memref_slice %arg13[%add3A_85, %dma_wait3A_215] : memref<10240x128xf32, #tpu.memory_space<vmem_shared>> -> memref<16x128xf32, #tpu.memory_space<vmem_shared>>
      tpu.wait_dma2 semaphore(%run_scoped3A_209 : memref<!tpu.dma_semaphore, #tpu.memory_space<semaphore_mem>>) src(%arg12 : memref<16x128xf32, #tpu.memory_space<vmem>>) dst(%dma_wait3A_216 : memref<16x128xf32, #tpu.memory_space<vmem_shared>>)
      tpu.yield
    }) : () -> ()
    %mul3A_86 = arith.constant 640 : i32
    %mul3A_87 = arith.muli %arg1, %mul3A_86 : i32
    %add3A_88 = arith.constant 192 : i32
    %add3A_89 = arith.addi %mul3A_87, %add3A_88 : i32
    "tpu.region"() ({
      %run_scoped3A_209 = tpu.sem_alloc : memref<!tpu.dma_semaphore, #tpu.memory_space<semaphore_mem>>
      %dma_start3A_210 = arith.constant 0 : i32
      %dma_start3A_211 = tpu.memref_slice %arg13[%add3A_89, %dma_start3A_210] : memref<10240x128xf32, #tpu.memory_space<vmem_shared>> -> memref<16x128xf32, #tpu.memory_space<vmem_shared>>
      %dma_start3A_212 = arith.constant 0 : i32
      %dma_start3A_213 = tpu.memref_slice %arg13[%add3A_89, %dma_start3A_212] : memref<10240x128xf32, #tpu.memory_space<vmem_shared>> -> memref<16x128xf32, #tpu.memory_space<vmem_shared>>
      tpu.enqueue_dma source(%arg12 : memref<16x128xf32, #tpu.memory_space<vmem>>) target(%dma_start3A_213 : memref<16x128xf32, #tpu.memory_space<vmem_shared>>) target_semaphore(%run_scoped3A_209 : memref<!tpu.dma_semaphore, #tpu.memory_space<semaphore_mem>>)
      %dma_wait3A = arith.constant 0 : i32
      %dma_wait3A_214 = tpu.memref_slice %arg13[%add3A_89, %dma_wait3A] : memref<10240x128xf32, #tpu.memory_space<vmem_shared>> -> memref<16x128xf32, #tpu.memory_space<vmem_shared>>
      %dma_wait3A_215 = arith.constant 0 : i32
      %dma_wait3A_216 = tpu.memref_slice %arg13[%add3A_89, %dma_wait3A_215] : memref<10240x128xf32, #tpu.memory_space<vmem_shared>> -> memref<16x128xf32, #tpu.memory_space<vmem_shared>>
      tpu.wait_dma2 semaphore(%run_scoped3A_209 : memref<!tpu.dma_semaphore, #tpu.memory_space<semaphore_mem>>) src(%arg12 : memref<16x128xf32, #tpu.memory_space<vmem>>) dst(%dma_wait3A_216 : memref<16x128xf32, #tpu.memory_space<vmem_shared>>)
      tpu.yield
    }) : () -> ()
    %mul3A_90 = arith.constant 640 : i32
    %mul3A_91 = arith.muli %arg1, %mul3A_90 : i32
    %add3A_92 = arith.constant 208 : i32
    %add3A_93 = arith.addi %mul3A_91, %add3A_92 : i32
    "tpu.region"() ({
      %run_scoped3A_209 = tpu.sem_alloc : memref<!tpu.dma_semaphore, #tpu.memory_space<semaphore_mem>>
      %dma_start3A_210 = arith.constant 0 : i32
      %dma_start3A_211 = tpu.memref_slice %arg13[%add3A_93, %dma_start3A_210] : memref<10240x128xf32, #tpu.memory_space<vmem_shared>> -> memref<16x128xf32, #tpu.memory_space<vmem_shared>>
      %dma_start3A_212 = arith.constant 0 : i32
      %dma_start3A_213 = tpu.memref_slice %arg13[%add3A_93, %dma_start3A_212] : memref<10240x128xf32, #tpu.memory_space<vmem_shared>> -> memref<16x128xf32, #tpu.memory_space<vmem_shared>>
      tpu.enqueue_dma source(%arg12 : memref<16x128xf32, #tpu.memory_space<vmem>>) target(%dma_start3A_213 : memref<16x128xf32, #tpu.memory_space<vmem_shared>>) target_semaphore(%run_scoped3A_209 : memref<!tpu.dma_semaphore, #tpu.memory_space<semaphore_mem>>)
      %dma_wait3A = arith.constant 0 : i32
      %dma_wait3A_214 = tpu.memref_slice %arg13[%add3A_93, %dma_wait3A] : memref<10240x128xf32, #tpu.memory_space<vmem_shared>> -> memref<16x128xf32, #tpu.memory_space<vmem_shared>>
      %dma_wait3A_215 = arith.constant 0 : i32
      %dma_wait3A_216 = tpu.memref_slice %arg13[%add3A_93, %dma_wait3A_215] : memref<10240x128xf32, #tpu.memory_space<vmem_shared>> -> memref<16x128xf32, #tpu.memory_space<vmem_shared>>
      tpu.wait_dma2 semaphore(%run_scoped3A_209 : memref<!tpu.dma_semaphore, #tpu.memory_space<semaphore_mem>>) src(%arg12 : memref<16x128xf32, #tpu.memory_space<vmem>>) dst(%dma_wait3A_216 : memref<16x128xf32, #tpu.memory_space<vmem_shared>>)
      tpu.yield
    }) : () -> ()
    %mul3A_94 = arith.constant 640 : i32
    %mul3A_95 = arith.muli %arg1, %mul3A_94 : i32
    %add3A_96 = arith.constant 224 : i32
    %add3A_97 = arith.addi %mul3A_95, %add3A_96 : i32
    "tpu.region"() ({
      %run_scoped3A_209 = tpu.sem_alloc : memref<!tpu.dma_semaphore, #tpu.memory_space<semaphore_mem>>
      %dma_start3A_210 = arith.constant 0 : i32
      %dma_start3A_211 = tpu.memref_slice %arg13[%add3A_97, %dma_start3A_210] : memref<10240x128xf32, #tpu.memory_space<vmem_shared>> -> memref<16x128xf32, #tpu.memory_space<vmem_shared>>
      %dma_start3A_212 = arith.constant 0 : i32
      %dma_start3A_213 = tpu.memref_slice %arg13[%add3A_97, %dma_start3A_212] : memref<10240x128xf32, #tpu.memory_space<vmem_shared>> -> memref<16x128xf32, #tpu.memory_space<vmem_shared>>
      tpu.enqueue_dma source(%arg12 : memref<16x128xf32, #tpu.memory_space<vmem>>) target(%dma_start3A_213 : memref<16x128xf32, #tpu.memory_space<vmem_shared>>) target_semaphore(%run_scoped3A_209 : memref<!tpu.dma_semaphore, #tpu.memory_space<semaphore_mem>>)
      %dma_wait3A = arith.constant 0 : i32
      %dma_wait3A_214 = tpu.memref_slice %arg13[%add3A_97, %dma_wait3A] : memref<10240x128xf32, #tpu.memory_space<vmem_shared>> -> memref<16x128xf32, #tpu.memory_space<vmem_shared>>
      %dma_wait3A_215 = arith.constant 0 : i32
      %dma_wait3A_216 = tpu.memref_slice %arg13[%add3A_97, %dma_wait3A_215] : memref<10240x128xf32, #tpu.memory_space<vmem_shared>> -> memref<16x128xf32, #tpu.memory_space<vmem_shared>>
      tpu.wait_dma2 semaphore(%run_scoped3A_209 : memref<!tpu.dma_semaphore, #tpu.memory_space<semaphore_mem>>) src(%arg12 : memref<16x128xf32, #tpu.memory_space<vmem>>) dst(%dma_wait3A_216 : memref<16x128xf32, #tpu.memory_space<vmem_shared>>)
      tpu.yield
    }) : () -> ()
    %mul3A_98 = arith.constant 640 : i32
    %mul3A_99 = arith.muli %arg1, %mul3A_98 : i32
    %add3A_100 = arith.constant 240 : i32
    %add3A_101 = arith.addi %mul3A_99, %add3A_100 : i32
    "tpu.region"() ({
      %run_scoped3A_209 = tpu.sem_alloc : memref<!tpu.dma_semaphore, #tpu.memory_space<semaphore_mem>>
      %dma_start3A_210 = arith.constant 0 : i32
      %dma_start3A_211 = tpu.memref_slice %arg13[%add3A_101, %dma_start3A_210] : memref<10240x128xf32, #tpu.memory_space<vmem_shared>> -> memref<16x128xf32, #tpu.memory_space<vmem_shared>>
      %dma_start3A_212 = arith.constant 0 : i32
      %dma_start3A_213 = tpu.memref_slice %arg13[%add3A_101, %dma_start3A_212] : memref<10240x128xf32, #tpu.memory_space<vmem_shared>> -> memref<16x128xf32, #tpu.memory_space<vmem_shared>>
      tpu.enqueue_dma source(%arg12 : memref<16x128xf32, #tpu.memory_space<vmem>>) target(%dma_start3A_213 : memref<16x128xf32, #tpu.memory_space<vmem_shared>>) target_semaphore(%run_scoped3A_209 : memref<!tpu.dma_semaphore, #tpu.memory_space<semaphore_mem>>)
      %dma_wait3A = arith.constant 0 : i32
      %dma_wait3A_214 = tpu.memref_slice %arg13[%add3A_101, %dma_wait3A] : memref<10240x128xf32, #tpu.memory_space<vmem_shared>> -> memref<16x128xf32, #tpu.memory_space<vmem_shared>>
      %dma_wait3A_215 = arith.constant 0 : i32
      %dma_wait3A_216 = tpu.memref_slice %arg13[%add3A_101, %dma_wait3A_215] : memref<10240x128xf32, #tpu.memory_space<vmem_shared>> -> memref<16x128xf32, #tpu.memory_space<vmem_shared>>
      tpu.wait_dma2 semaphore(%run_scoped3A_209 : memref<!tpu.dma_semaphore, #tpu.memory_space<semaphore_mem>>) src(%arg12 : memref<16x128xf32, #tpu.memory_space<vmem>>) dst(%dma_wait3A_216 : memref<16x128xf32, #tpu.memory_space<vmem_shared>>)
      tpu.yield
    }) : () -> ()
    %mul3A_102 = arith.constant 640 : i32
    %mul3A_103 = arith.muli %arg1, %mul3A_102 : i32
    %add3A_104 = arith.constant 256 : i32
    %add3A_105 = arith.addi %mul3A_103, %add3A_104 : i32
    "tpu.region"() ({
      %run_scoped3A_209 = tpu.sem_alloc : memref<!tpu.dma_semaphore, #tpu.memory_space<semaphore_mem>>
      %dma_start3A_210 = arith.constant 0 : i32
      %dma_start3A_211 = tpu.memref_slice %arg13[%add3A_105, %dma_start3A_210] : memref<10240x128xf32, #tpu.memory_space<vmem_shared>> -> memref<16x128xf32, #tpu.memory_space<vmem_shared>>
      %dma_start3A_212 = arith.constant 0 : i32
      %dma_start3A_213 = tpu.memref_slice %arg13[%add3A_105, %dma_start3A_212] : memref<10240x128xf32, #tpu.memory_space<vmem_shared>> -> memref<16x128xf32, #tpu.memory_space<vmem_shared>>
      tpu.enqueue_dma source(%arg12 : memref<16x128xf32, #tpu.memory_space<vmem>>) target(%dma_start3A_213 : memref<16x128xf32, #tpu.memory_space<vmem_shared>>) target_semaphore(%run_scoped3A_209 : memref<!tpu.dma_semaphore, #tpu.memory_space<semaphore_mem>>)
      %dma_wait3A = arith.constant 0 : i32
      %dma_wait3A_214 = tpu.memref_slice %arg13[%add3A_105, %dma_wait3A] : memref<10240x128xf32, #tpu.memory_space<vmem_shared>> -> memref<16x128xf32, #tpu.memory_space<vmem_shared>>
      %dma_wait3A_215 = arith.constant 0 : i32
      %dma_wait3A_216 = tpu.memref_slice %arg13[%add3A_105, %dma_wait3A_215] : memref<10240x128xf32, #tpu.memory_space<vmem_shared>> -> memref<16x128xf32, #tpu.memory_space<vmem_shared>>
      tpu.wait_dma2 semaphore(%run_scoped3A_209 : memref<!tpu.dma_semaphore, #tpu.memory_space<semaphore_mem>>) src(%arg12 : memref<16x128xf32, #tpu.memory_space<vmem>>) dst(%dma_wait3A_216 : memref<16x128xf32, #tpu.memory_space<vmem_shared>>)
      tpu.yield
    }) : () -> ()
    %mul3A_106 = arith.constant 640 : i32
    %mul3A_107 = arith.muli %arg1, %mul3A_106 : i32
    %add3A_108 = arith.constant 272 : i32
    %add3A_109 = arith.addi %mul3A_107, %add3A_108 : i32
    "tpu.region"() ({
      %run_scoped3A_209 = tpu.sem_alloc : memref<!tpu.dma_semaphore, #tpu.memory_space<semaphore_mem>>
      %dma_start3A_210 = arith.constant 0 : i32
      %dma_start3A_211 = tpu.memref_slice %arg13[%add3A_109, %dma_start3A_210] : memref<10240x128xf32, #tpu.memory_space<vmem_shared>> -> memref<16x128xf32, #tpu.memory_space<vmem_shared>>
      %dma_start3A_212 = arith.constant 0 : i32
      %dma_start3A_213 = tpu.memref_slice %arg13[%add3A_109, %dma_start3A_212] : memref<10240x128xf32, #tpu.memory_space<vmem_shared>> -> memref<16x128xf32, #tpu.memory_space<vmem_shared>>
      tpu.enqueue_dma source(%arg12 : memref<16x128xf32, #tpu.memory_space<vmem>>) target(%dma_start3A_213 : memref<16x128xf32, #tpu.memory_space<vmem_shared>>) target_semaphore(%run_scoped3A_209 : memref<!tpu.dma_semaphore, #tpu.memory_space<semaphore_mem>>)
      %dma_wait3A = arith.constant 0 : i32
      %dma_wait3A_214 = tpu.memref_slice %arg13[%add3A_109, %dma_wait3A] : memref<10240x128xf32, #tpu.memory_space<vmem_shared>> -> memref<16x128xf32, #tpu.memory_space<vmem_shared>>
      %dma_wait3A_215 = arith.constant 0 : i32
      %dma_wait3A_216 = tpu.memref_slice %arg13[%add3A_109, %dma_wait3A_215] : memref<10240x128xf32, #tpu.memory_space<vmem_shared>> -> memref<16x128xf32, #tpu.memory_space<vmem_shared>>
      tpu.wait_dma2 semaphore(%run_scoped3A_209 : memref<!tpu.dma_semaphore, #tpu.memory_space<semaphore_mem>>) src(%arg12 : memref<16x128xf32, #tpu.memory_space<vmem>>) dst(%dma_wait3A_216 : memref<16x128xf32, #tpu.memory_space<vmem_shared>>)
      tpu.yield
    }) : () -> ()
    %mul3A_110 = arith.constant 640 : i32
    %mul3A_111 = arith.muli %arg1, %mul3A_110 : i32
    %add3A_112 = arith.constant 288 : i32
    %add3A_113 = arith.addi %mul3A_111, %add3A_112 : i32
    "tpu.region"() ({
      %run_scoped3A_209 = tpu.sem_alloc : memref<!tpu.dma_semaphore, #tpu.memory_space<semaphore_mem>>
      %dma_start3A_210 = arith.constant 0 : i32
      %dma_start3A_211 = tpu.memref_slice %arg13[%add3A_113, %dma_start3A_210] : memref<10240x128xf32, #tpu.memory_space<vmem_shared>> -> memref<16x128xf32, #tpu.memory_space<vmem_shared>>
      %dma_start3A_212 = arith.constant 0 : i32
      %dma_start3A_213 = tpu.memref_slice %arg13[%add3A_113, %dma_start3A_212] : memref<10240x128xf32, #tpu.memory_space<vmem_shared>> -> memref<16x128xf32, #tpu.memory_space<vmem_shared>>
      tpu.enqueue_dma source(%arg12 : memref<16x128xf32, #tpu.memory_space<vmem>>) target(%dma_start3A_213 : memref<16x128xf32, #tpu.memory_space<vmem_shared>>) target_semaphore(%run_scoped3A_209 : memref<!tpu.dma_semaphore, #tpu.memory_space<semaphore_mem>>)
      %dma_wait3A = arith.constant 0 : i32
      %dma_wait3A_214 = tpu.memref_slice %arg13[%add3A_113, %dma_wait3A] : memref<10240x128xf32, #tpu.memory_space<vmem_shared>> -> memref<16x128xf32, #tpu.memory_space<vmem_shared>>
      %dma_wait3A_215 = arith.constant 0 : i32
      %dma_wait3A_216 = tpu.memref_slice %arg13[%add3A_113, %dma_wait3A_215] : memref<10240x128xf32, #tpu.memory_space<vmem_shared>> -> memref<16x128xf32, #tpu.memory_space<vmem_shared>>
      tpu.wait_dma2 semaphore(%run_scoped3A_209 : memref<!tpu.dma_semaphore, #tpu.memory_space<semaphore_mem>>) src(%arg12 : memref<16x128xf32, #tpu.memory_space<vmem>>) dst(%dma_wait3A_216 : memref<16x128xf32, #tpu.memory_space<vmem_shared>>)
      tpu.yield
    }) : () -> ()
    %mul3A_114 = arith.constant 640 : i32
    %mul3A_115 = arith.muli %arg1, %mul3A_114 : i32
    %add3A_116 = arith.constant 304 : i32
    %add3A_117 = arith.addi %mul3A_115, %add3A_116 : i32
    "tpu.region"() ({
      %run_scoped3A_209 = tpu.sem_alloc : memref<!tpu.dma_semaphore, #tpu.memory_space<semaphore_mem>>
      %dma_start3A_210 = arith.constant 0 : i32
      %dma_start3A_211 = tpu.memref_slice %arg13[%add3A_117, %dma_start3A_210] : memref<10240x128xf32, #tpu.memory_space<vmem_shared>> -> memref<16x128xf32, #tpu.memory_space<vmem_shared>>
      %dma_start3A_212 = arith.constant 0 : i32
      %dma_start3A_213 = tpu.memref_slice %arg13[%add3A_117, %dma_start3A_212] : memref<10240x128xf32, #tpu.memory_space<vmem_shared>> -> memref<16x128xf32, #tpu.memory_space<vmem_shared>>
      tpu.enqueue_dma source(%arg12 : memref<16x128xf32, #tpu.memory_space<vmem>>) target(%dma_start3A_213 : memref<16x128xf32, #tpu.memory_space<vmem_shared>>) target_semaphore(%run_scoped3A_209 : memref<!tpu.dma_semaphore, #tpu.memory_space<semaphore_mem>>)
      %dma_wait3A = arith.constant 0 : i32
      %dma_wait3A_214 = tpu.memref_slice %arg13[%add3A_117, %dma_wait3A] : memref<10240x128xf32, #tpu.memory_space<vmem_shared>> -> memref<16x128xf32, #tpu.memory_space<vmem_shared>>
      %dma_wait3A_215 = arith.constant 0 : i32
      %dma_wait3A_216 = tpu.memref_slice %arg13[%add3A_117, %dma_wait3A_215] : memref<10240x128xf32, #tpu.memory_space<vmem_shared>> -> memref<16x128xf32, #tpu.memory_space<vmem_shared>>
      tpu.wait_dma2 semaphore(%run_scoped3A_209 : memref<!tpu.dma_semaphore, #tpu.memory_space<semaphore_mem>>) src(%arg12 : memref<16x128xf32, #tpu.memory_space<vmem>>) dst(%dma_wait3A_216 : memref<16x128xf32, #tpu.memory_space<vmem_shared>>)
      tpu.yield
    }) : () -> ()
    %mul3A_118 = arith.constant 640 : i32
    %mul3A_119 = arith.muli %arg1, %mul3A_118 : i32
    %add3A_120 = arith.constant 320 : i32
    %add3A_121 = arith.addi %mul3A_119, %add3A_120 : i32
    "tpu.region"() ({
      %run_scoped3A_209 = tpu.sem_alloc : memref<!tpu.dma_semaphore, #tpu.memory_space<semaphore_mem>>
      %dma_start3A_210 = arith.constant 0 : i32
      %dma_start3A_211 = tpu.memref_slice %arg13[%add3A_121, %dma_start3A_210] : memref<10240x128xf32, #tpu.memory_space<vmem_shared>> -> memref<16x128xf32, #tpu.memory_space<vmem_shared>>
      %dma_start3A_212 = arith.constant 0 : i32
      %dma_start3A_213 = tpu.memref_slice %arg13[%add3A_121, %dma_start3A_212] : memref<10240x128xf32, #tpu.memory_space<vmem_shared>> -> memref<16x128xf32, #tpu.memory_space<vmem_shared>>
      tpu.enqueue_dma source(%arg12 : memref<16x128xf32, #tpu.memory_space<vmem>>) target(%dma_start3A_213 : memref<16x128xf32, #tpu.memory_space<vmem_shared>>) target_semaphore(%run_scoped3A_209 : memref<!tpu.dma_semaphore, #tpu.memory_space<semaphore_mem>>)
      %dma_wait3A = arith.constant 0 : i32
      %dma_wait3A_214 = tpu.memref_slice %arg13[%add3A_121, %dma_wait3A] : memref<10240x128xf32, #tpu.memory_space<vmem_shared>> -> memref<16x128xf32, #tpu.memory_space<vmem_shared>>
      %dma_wait3A_215 = arith.constant 0 : i32
      %dma_wait3A_216 = tpu.memref_slice %arg13[%add3A_121, %dma_wait3A_215] : memref<10240x128xf32, #tpu.memory_space<vmem_shared>> -> memref<16x128xf32, #tpu.memory_space<vmem_shared>>
      tpu.wait_dma2 semaphore(%run_scoped3A_209 : memref<!tpu.dma_semaphore, #tpu.memory_space<semaphore_mem>>) src(%arg12 : memref<16x128xf32, #tpu.memory_space<vmem>>) dst(%dma_wait3A_216 : memref<16x128xf32, #tpu.memory_space<vmem_shared>>)
      tpu.yield
    }) : () -> ()
    %mul3A_122 = arith.constant 640 : i32
    %mul3A_123 = arith.muli %arg1, %mul3A_122 : i32
    %add3A_124 = arith.constant 336 : i32
    %add3A_125 = arith.addi %mul3A_123, %add3A_124 : i32
    "tpu.region"() ({
      %run_scoped3A_209 = tpu.sem_alloc : memref<!tpu.dma_semaphore, #tpu.memory_space<semaphore_mem>>
      %dma_start3A_210 = arith.constant 0 : i32
      %dma_start3A_211 = tpu.memref_slice %arg13[%add3A_125, %dma_start3A_210] : memref<10240x128xf32, #tpu.memory_space<vmem_shared>> -> memref<16x128xf32, #tpu.memory_space<vmem_shared>>
      %dma_start3A_212 = arith.constant 0 : i32
      %dma_start3A_213 = tpu.memref_slice %arg13[%add3A_125, %dma_start3A_212] : memref<10240x128xf32, #tpu.memory_space<vmem_shared>> -> memref<16x128xf32, #tpu.memory_space<vmem_shared>>
      tpu.enqueue_dma source(%arg12 : memref<16x128xf32, #tpu.memory_space<vmem>>) target(%dma_start3A_213 : memref<16x128xf32, #tpu.memory_space<vmem_shared>>) target_semaphore(%run_scoped3A_209 : memref<!tpu.dma_semaphore, #tpu.memory_space<semaphore_mem>>)
      %dma_wait3A = arith.constant 0 : i32
      %dma_wait3A_214 = tpu.memref_slice %arg13[%add3A_125, %dma_wait3A] : memref<10240x128xf32, #tpu.memory_space<vmem_shared>> -> memref<16x128xf32, #tpu.memory_space<vmem_shared>>
      %dma_wait3A_215 = arith.constant 0 : i32
      %dma_wait3A_216 = tpu.memref_slice %arg13[%add3A_125, %dma_wait3A_215] : memref<10240x128xf32, #tpu.memory_space<vmem_shared>> -> memref<16x128xf32, #tpu.memory_space<vmem_shared>>
      tpu.wait_dma2 semaphore(%run_scoped3A_209 : memref<!tpu.dma_semaphore, #tpu.memory_space<semaphore_mem>>) src(%arg12 : memref<16x128xf32, #tpu.memory_space<vmem>>) dst(%dma_wait3A_216 : memref<16x128xf32, #tpu.memory_space<vmem_shared>>)
      tpu.yield
    }) : () -> ()
    %mul3A_126 = arith.constant 640 : i32
    %mul3A_127 = arith.muli %arg1, %mul3A_126 : i32
    %add3A_128 = arith.constant 352 : i32
    %add3A_129 = arith.addi %mul3A_127, %add3A_128 : i32
    "tpu.region"() ({
      %run_scoped3A_209 = tpu.sem_alloc : memref<!tpu.dma_semaphore, #tpu.memory_space<semaphore_mem>>
      %dma_start3A_210 = arith.constant 0 : i32
      %dma_start3A_211 = tpu.memref_slice %arg13[%add3A_129, %dma_start3A_210] : memref<10240x128xf32, #tpu.memory_space<vmem_shared>> -> memref<16x128xf32, #tpu.memory_space<vmem_shared>>
      %dma_start3A_212 = arith.constant 0 : i32
      %dma_start3A_213 = tpu.memref_slice %arg13[%add3A_129, %dma_start3A_212] : memref<10240x128xf32, #tpu.memory_space<vmem_shared>> -> memref<16x128xf32, #tpu.memory_space<vmem_shared>>
      tpu.enqueue_dma source(%arg12 : memref<16x128xf32, #tpu.memory_space<vmem>>) target(%dma_start3A_213 : memref<16x128xf32, #tpu.memory_space<vmem_shared>>) target_semaphore(%run_scoped3A_209 : memref<!tpu.dma_semaphore, #tpu.memory_space<semaphore_mem>>)
      %dma_wait3A = arith.constant 0 : i32
      %dma_wait3A_214 = tpu.memref_slice %arg13[%add3A_129, %dma_wait3A] : memref<10240x128xf32, #tpu.memory_space<vmem_shared>> -> memref<16x128xf32, #tpu.memory_space<vmem_shared>>
      %dma_wait3A_215 = arith.constant 0 : i32
      %dma_wait3A_216 = tpu.memref_slice %arg13[%add3A_129, %dma_wait3A_215] : memref<10240x128xf32, #tpu.memory_space<vmem_shared>> -> memref<16x128xf32, #tpu.memory_space<vmem_shared>>
      tpu.wait_dma2 semaphore(%run_scoped3A_209 : memref<!tpu.dma_semaphore, #tpu.memory_space<semaphore_mem>>) src(%arg12 : memref<16x128xf32, #tpu.memory_space<vmem>>) dst(%dma_wait3A_216 : memref<16x128xf32, #tpu.memory_space<vmem_shared>>)
      tpu.yield
    }) : () -> ()
    %mul3A_130 = arith.constant 640 : i32
    %mul3A_131 = arith.muli %arg1, %mul3A_130 : i32
    %add3A_132 = arith.constant 368 : i32
    %add3A_133 = arith.addi %mul3A_131, %add3A_132 : i32
    "tpu.region"() ({
      %run_scoped3A_209 = tpu.sem_alloc : memref<!tpu.dma_semaphore, #tpu.memory_space<semaphore_mem>>
      %dma_start3A_210 = arith.constant 0 : i32
      %dma_start3A_211 = tpu.memref_slice %arg13[%add3A_133, %dma_start3A_210] : memref<10240x128xf32, #tpu.memory_space<vmem_shared>> -> memref<16x128xf32, #tpu.memory_space<vmem_shared>>
      %dma_start3A_212 = arith.constant 0 : i32
      %dma_start3A_213 = tpu.memref_slice %arg13[%add3A_133, %dma_start3A_212] : memref<10240x128xf32, #tpu.memory_space<vmem_shared>> -> memref<16x128xf32, #tpu.memory_space<vmem_shared>>
      tpu.enqueue_dma source(%arg12 : memref<16x128xf32, #tpu.memory_space<vmem>>) target(%dma_start3A_213 : memref<16x128xf32, #tpu.memory_space<vmem_shared>>) target_semaphore(%run_scoped3A_209 : memref<!tpu.dma_semaphore, #tpu.memory_space<semaphore_mem>>)
      %dma_wait3A = arith.constant 0 : i32
      %dma_wait3A_214 = tpu.memref_slice %arg13[%add3A_133, %dma_wait3A] : memref<10240x128xf32, #tpu.memory_space<vmem_shared>> -> memref<16x128xf32, #tpu.memory_space<vmem_shared>>
      %dma_wait3A_215 = arith.constant 0 : i32
      %dma_wait3A_216 = tpu.memref_slice %arg13[%add3A_133, %dma_wait3A_215] : memref<10240x128xf32, #tpu.memory_space<vmem_shared>> -> memref<16x128xf32, #tpu.memory_space<vmem_shared>>
      tpu.wait_dma2 semaphore(%run_scoped3A_209 : memref<!tpu.dma_semaphore, #tpu.memory_space<semaphore_mem>>) src(%arg12 : memref<16x128xf32, #tpu.memory_space<vmem>>) dst(%dma_wait3A_216 : memref<16x128xf32, #tpu.memory_space<vmem_shared>>)
      tpu.yield
    }) : () -> ()
    %mul3A_134 = arith.constant 640 : i32
    %mul3A_135 = arith.muli %arg1, %mul3A_134 : i32
    %add3A_136 = arith.constant 384 : i32
    %add3A_137 = arith.addi %mul3A_135, %add3A_136 : i32
    "tpu.region"() ({
      %run_scoped3A_209 = tpu.sem_alloc : memref<!tpu.dma_semaphore, #tpu.memory_space<semaphore_mem>>
      %dma_start3A_210 = arith.constant 0 : i32
      %dma_start3A_211 = tpu.memref_slice %arg13[%add3A_137, %dma_start3A_210] : memref<10240x128xf32, #tpu.memory_space<vmem_shared>> -> memref<16x128xf32, #tpu.memory_space<vmem_shared>>
      %dma_start3A_212 = arith.constant 0 : i32
      %dma_start3A_213 = tpu.memref_slice %arg13[%add3A_137, %dma_start3A_212] : memref<10240x128xf32, #tpu.memory_space<vmem_shared>> -> memref<16x128xf32, #tpu.memory_space<vmem_shared>>
      tpu.enqueue_dma source(%arg12 : memref<16x128xf32, #tpu.memory_space<vmem>>) target(%dma_start3A_213 : memref<16x128xf32, #tpu.memory_space<vmem_shared>>) target_semaphore(%run_scoped3A_209 : memref<!tpu.dma_semaphore, #tpu.memory_space<semaphore_mem>>)
      %dma_wait3A = arith.constant 0 : i32
      %dma_wait3A_214 = tpu.memref_slice %arg13[%add3A_137, %dma_wait3A] : memref<10240x128xf32, #tpu.memory_space<vmem_shared>> -> memref<16x128xf32, #tpu.memory_space<vmem_shared>>
      %dma_wait3A_215 = arith.constant 0 : i32
      %dma_wait3A_216 = tpu.memref_slice %arg13[%add3A_137, %dma_wait3A_215] : memref<10240x128xf32, #tpu.memory_space<vmem_shared>> -> memref<16x128xf32, #tpu.memory_space<vmem_shared>>
      tpu.wait_dma2 semaphore(%run_scoped3A_209 : memref<!tpu.dma_semaphore, #tpu.memory_space<semaphore_mem>>) src(%arg12 : memref<16x128xf32, #tpu.memory_space<vmem>>) dst(%dma_wait3A_216 : memref<16x128xf32, #tpu.memory_space<vmem_shared>>)
      tpu.yield
    }) : () -> ()
    %mul3A_138 = arith.constant 640 : i32
    %mul3A_139 = arith.muli %arg1, %mul3A_138 : i32
    %add3A_140 = arith.constant 400 : i32
    %add3A_141 = arith.addi %mul3A_139, %add3A_140 : i32
    "tpu.region"() ({
      %run_scoped3A_209 = tpu.sem_alloc : memref<!tpu.dma_semaphore, #tpu.memory_space<semaphore_mem>>
      %dma_start3A_210 = arith.constant 0 : i32
      %dma_start3A_211 = tpu.memref_slice %arg13[%add3A_141, %dma_start3A_210] : memref<10240x128xf32, #tpu.memory_space<vmem_shared>> -> memref<16x128xf32, #tpu.memory_space<vmem_shared>>
      %dma_start3A_212 = arith.constant 0 : i32
      %dma_start3A_213 = tpu.memref_slice %arg13[%add3A_141, %dma_start3A_212] : memref<10240x128xf32, #tpu.memory_space<vmem_shared>> -> memref<16x128xf32, #tpu.memory_space<vmem_shared>>
      tpu.enqueue_dma source(%arg12 : memref<16x128xf32, #tpu.memory_space<vmem>>) target(%dma_start3A_213 : memref<16x128xf32, #tpu.memory_space<vmem_shared>>) target_semaphore(%run_scoped3A_209 : memref<!tpu.dma_semaphore, #tpu.memory_space<semaphore_mem>>)
      %dma_wait3A = arith.constant 0 : i32
      %dma_wait3A_214 = tpu.memref_slice %arg13[%add3A_141, %dma_wait3A] : memref<10240x128xf32, #tpu.memory_space<vmem_shared>> -> memref<16x128xf32, #tpu.memory_space<vmem_shared>>
      %dma_wait3A_215 = arith.constant 0 : i32
      %dma_wait3A_216 = tpu.memref_slice %arg13[%add3A_141, %dma_wait3A_215] : memref<10240x128xf32, #tpu.memory_space<vmem_shared>> -> memref<16x128xf32, #tpu.memory_space<vmem_shared>>
      tpu.wait_dma2 semaphore(%run_scoped3A_209 : memref<!tpu.dma_semaphore, #tpu.memory_space<semaphore_mem>>) src(%arg12 : memref<16x128xf32, #tpu.memory_space<vmem>>) dst(%dma_wait3A_216 : memref<16x128xf32, #tpu.memory_space<vmem_shared>>)
      tpu.yield
    }) : () -> ()
    %mul3A_142 = arith.constant 640 : i32
    %mul3A_143 = arith.muli %arg1, %mul3A_142 : i32
    %add3A_144 = arith.constant 416 : i32
    %add3A_145 = arith.addi %mul3A_143, %add3A_144 : i32
    "tpu.region"() ({
      %run_scoped3A_209 = tpu.sem_alloc : memref<!tpu.dma_semaphore, #tpu.memory_space<semaphore_mem>>
      %dma_start3A_210 = arith.constant 0 : i32
      %dma_start3A_211 = tpu.memref_slice %arg13[%add3A_145, %dma_start3A_210] : memref<10240x128xf32, #tpu.memory_space<vmem_shared>> -> memref<16x128xf32, #tpu.memory_space<vmem_shared>>
      %dma_start3A_212 = arith.constant 0 : i32
      %dma_start3A_213 = tpu.memref_slice %arg13[%add3A_145, %dma_start3A_212] : memref<10240x128xf32, #tpu.memory_space<vmem_shared>> -> memref<16x128xf32, #tpu.memory_space<vmem_shared>>
      tpu.enqueue_dma source(%arg12 : memref<16x128xf32, #tpu.memory_space<vmem>>) target(%dma_start3A_213 : memref<16x128xf32, #tpu.memory_space<vmem_shared>>) target_semaphore(%run_scoped3A_209 : memref<!tpu.dma_semaphore, #tpu.memory_space<semaphore_mem>>)
      %dma_wait3A = arith.constant 0 : i32
      %dma_wait3A_214 = tpu.memref_slice %arg13[%add3A_145, %dma_wait3A] : memref<10240x128xf32, #tpu.memory_space<vmem_shared>> -> memref<16x128xf32, #tpu.memory_space<vmem_shared>>
      %dma_wait3A_215 = arith.constant 0 : i32
      %dma_wait3A_216 = tpu.memref_slice %arg13[%add3A_145, %dma_wait3A_215] : memref<10240x128xf32, #tpu.memory_space<vmem_shared>> -> memref<16x128xf32, #tpu.memory_space<vmem_shared>>
      tpu.wait_dma2 semaphore(%run_scoped3A_209 : memref<!tpu.dma_semaphore, #tpu.memory_space<semaphore_mem>>) src(%arg12 : memref<16x128xf32, #tpu.memory_space<vmem>>) dst(%dma_wait3A_216 : memref<16x128xf32, #tpu.memory_space<vmem_shared>>)
      tpu.yield
    }) : () -> ()
    %mul3A_146 = arith.constant 640 : i32
    %mul3A_147 = arith.muli %arg1, %mul3A_146 : i32
    %add3A_148 = arith.constant 432 : i32
    %add3A_149 = arith.addi %mul3A_147, %add3A_148 : i32
    "tpu.region"() ({
      %run_scoped3A_209 = tpu.sem_alloc : memref<!tpu.dma_semaphore, #tpu.memory_space<semaphore_mem>>
      %dma_start3A_210 = arith.constant 0 : i32
      %dma_start3A_211 = tpu.memref_slice %arg13[%add3A_149, %dma_start3A_210] : memref<10240x128xf32, #tpu.memory_space<vmem_shared>> -> memref<16x128xf32, #tpu.memory_space<vmem_shared>>
      %dma_start3A_212 = arith.constant 0 : i32
      %dma_start3A_213 = tpu.memref_slice %arg13[%add3A_149, %dma_start3A_212] : memref<10240x128xf32, #tpu.memory_space<vmem_shared>> -> memref<16x128xf32, #tpu.memory_space<vmem_shared>>
      tpu.enqueue_dma source(%arg12 : memref<16x128xf32, #tpu.memory_space<vmem>>) target(%dma_start3A_213 : memref<16x128xf32, #tpu.memory_space<vmem_shared>>) target_semaphore(%run_scoped3A_209 : memref<!tpu.dma_semaphore, #tpu.memory_space<semaphore_mem>>)
      %dma_wait3A = arith.constant 0 : i32
      %dma_wait3A_214 = tpu.memref_slice %arg13[%add3A_149, %dma_wait3A] : memref<10240x128xf32, #tpu.memory_space<vmem_shared>> -> memref<16x128xf32, #tpu.memory_space<vmem_shared>>
      %dma_wait3A_215 = arith.constant 0 : i32
      %dma_wait3A_216 = tpu.memref_slice %arg13[%add3A_149, %dma_wait3A_215] : memref<10240x128xf32, #tpu.memory_space<vmem_shared>> -> memref<16x128xf32, #tpu.memory_space<vmem_shared>>
      tpu.wait_dma2 semaphore(%run_scoped3A_209 : memref<!tpu.dma_semaphore, #tpu.memory_space<semaphore_mem>>) src(%arg12 : memref<16x128xf32, #tpu.memory_space<vmem>>) dst(%dma_wait3A_216 : memref<16x128xf32, #tpu.memory_space<vmem_shared>>)
      tpu.yield
    }) : () -> ()
    %mul3A_150 = arith.constant 640 : i32
    %mul3A_151 = arith.muli %arg1, %mul3A_150 : i32
    %add3A_152 = arith.constant 448 : i32
    %add3A_153 = arith.addi %mul3A_151, %add3A_152 : i32
    "tpu.region"() ({
      %run_scoped3A_209 = tpu.sem_alloc : memref<!tpu.dma_semaphore, #tpu.memory_space<semaphore_mem>>
      %dma_start3A_210 = arith.constant 0 : i32
      %dma_start3A_211 = tpu.memref_slice %arg13[%add3A_153, %dma_start3A_210] : memref<10240x128xf32, #tpu.memory_space<vmem_shared>> -> memref<16x128xf32, #tpu.memory_space<vmem_shared>>
      %dma_start3A_212 = arith.constant 0 : i32
      %dma_start3A_213 = tpu.memref_slice %arg13[%add3A_153, %dma_start3A_212] : memref<10240x128xf32, #tpu.memory_space<vmem_shared>> -> memref<16x128xf32, #tpu.memory_space<vmem_shared>>
      tpu.enqueue_dma source(%arg12 : memref<16x128xf32, #tpu.memory_space<vmem>>) target(%dma_start3A_213 : memref<16x128xf32, #tpu.memory_space<vmem_shared>>) target_semaphore(%run_scoped3A_209 : memref<!tpu.dma_semaphore, #tpu.memory_space<semaphore_mem>>)
      %dma_wait3A = arith.constant 0 : i32
      %dma_wait3A_214 = tpu.memref_slice %arg13[%add3A_153, %dma_wait3A] : memref<10240x128xf32, #tpu.memory_space<vmem_shared>> -> memref<16x128xf32, #tpu.memory_space<vmem_shared>>
      %dma_wait3A_215 = arith.constant 0 : i32
      %dma_wait3A_216 = tpu.memref_slice %arg13[%add3A_153, %dma_wait3A_215] : memref<10240x128xf32, #tpu.memory_space<vmem_shared>> -> memref<16x128xf32, #tpu.memory_space<vmem_shared>>
      tpu.wait_dma2 semaphore(%run_scoped3A_209 : memref<!tpu.dma_semaphore, #tpu.memory_space<semaphore_mem>>) src(%arg12 : memref<16x128xf32, #tpu.memory_space<vmem>>) dst(%dma_wait3A_216 : memref<16x128xf32, #tpu.memory_space<vmem_shared>>)
      tpu.yield
    }) : () -> ()
    %mul3A_154 = arith.constant 640 : i32
    %mul3A_155 = arith.muli %arg1, %mul3A_154 : i32
    %add3A_156 = arith.constant 464 : i32
    %add3A_157 = arith.addi %mul3A_155, %add3A_156 : i32
    "tpu.region"() ({
      %run_scoped3A_209 = tpu.sem_alloc : memref<!tpu.dma_semaphore, #tpu.memory_space<semaphore_mem>>
      %dma_start3A_210 = arith.constant 0 : i32
      %dma_start3A_211 = tpu.memref_slice %arg13[%add3A_157, %dma_start3A_210] : memref<10240x128xf32, #tpu.memory_space<vmem_shared>> -> memref<16x128xf32, #tpu.memory_space<vmem_shared>>
      %dma_start3A_212 = arith.constant 0 : i32
      %dma_start3A_213 = tpu.memref_slice %arg13[%add3A_157, %dma_start3A_212] : memref<10240x128xf32, #tpu.memory_space<vmem_shared>> -> memref<16x128xf32, #tpu.memory_space<vmem_shared>>
      tpu.enqueue_dma source(%arg12 : memref<16x128xf32, #tpu.memory_space<vmem>>) target(%dma_start3A_213 : memref<16x128xf32, #tpu.memory_space<vmem_shared>>) target_semaphore(%run_scoped3A_209 : memref<!tpu.dma_semaphore, #tpu.memory_space<semaphore_mem>>)
      %dma_wait3A = arith.constant 0 : i32
      %dma_wait3A_214 = tpu.memref_slice %arg13[%add3A_157, %dma_wait3A] : memref<10240x128xf32, #tpu.memory_space<vmem_shared>> -> memref<16x128xf32, #tpu.memory_space<vmem_shared>>
      %dma_wait3A_215 = arith.constant 0 : i32
      %dma_wait3A_216 = tpu.memref_slice %arg13[%add3A_157, %dma_wait3A_215] : memref<10240x128xf32, #tpu.memory_space<vmem_shared>> -> memref<16x128xf32, #tpu.memory_space<vmem_shared>>
      tpu.wait_dma2 semaphore(%run_scoped3A_209 : memref<!tpu.dma_semaphore, #tpu.memory_space<semaphore_mem>>) src(%arg12 : memref<16x128xf32, #tpu.memory_space<vmem>>) dst(%dma_wait3A_216 : memref<16x128xf32, #tpu.memory_space<vmem_shared>>)
      tpu.yield
    }) : () -> ()
    %mul3A_158 = arith.constant 640 : i32
    %mul3A_159 = arith.muli %arg1, %mul3A_158 : i32
    %add3A_160 = arith.constant 480 : i32
    %add3A_161 = arith.addi %mul3A_159, %add3A_160 : i32
    "tpu.region"() ({
      %run_scoped3A_209 = tpu.sem_alloc : memref<!tpu.dma_semaphore, #tpu.memory_space<semaphore_mem>>
      %dma_start3A_210 = arith.constant 0 : i32
      %dma_start3A_211 = tpu.memref_slice %arg13[%add3A_161, %dma_start3A_210] : memref<10240x128xf32, #tpu.memory_space<vmem_shared>> -> memref<16x128xf32, #tpu.memory_space<vmem_shared>>
      %dma_start3A_212 = arith.constant 0 : i32
      %dma_start3A_213 = tpu.memref_slice %arg13[%add3A_161, %dma_start3A_212] : memref<10240x128xf32, #tpu.memory_space<vmem_shared>> -> memref<16x128xf32, #tpu.memory_space<vmem_shared>>
      tpu.enqueue_dma source(%arg12 : memref<16x128xf32, #tpu.memory_space<vmem>>) target(%dma_start3A_213 : memref<16x128xf32, #tpu.memory_space<vmem_shared>>) target_semaphore(%run_scoped3A_209 : memref<!tpu.dma_semaphore, #tpu.memory_space<semaphore_mem>>)
      %dma_wait3A = arith.constant 0 : i32
      %dma_wait3A_214 = tpu.memref_slice %arg13[%add3A_161, %dma_wait3A] : memref<10240x128xf32, #tpu.memory_space<vmem_shared>> -> memref<16x128xf32, #tpu.memory_space<vmem_shared>>
      %dma_wait3A_215 = arith.constant 0 : i32
      %dma_wait3A_216 = tpu.memref_slice %arg13[%add3A_161, %dma_wait3A_215] : memref<10240x128xf32, #tpu.memory_space<vmem_shared>> -> memref<16x128xf32, #tpu.memory_space<vmem_shared>>
      tpu.wait_dma2 semaphore(%run_scoped3A_209 : memref<!tpu.dma_semaphore, #tpu.memory_space<semaphore_mem>>) src(%arg12 : memref<16x128xf32, #tpu.memory_space<vmem>>) dst(%dma_wait3A_216 : memref<16x128xf32, #tpu.memory_space<vmem_shared>>)
      tpu.yield
    }) : () -> ()
    %mul3A_162 = arith.constant 640 : i32
    %mul3A_163 = arith.muli %arg1, %mul3A_162 : i32
    %add3A_164 = arith.constant 496 : i32
    %add3A_165 = arith.addi %mul3A_163, %add3A_164 : i32
    "tpu.region"() ({
      %run_scoped3A_209 = tpu.sem_alloc : memref<!tpu.dma_semaphore, #tpu.memory_space<semaphore_mem>>
      %dma_start3A_210 = arith.constant 0 : i32
      %dma_start3A_211 = tpu.memref_slice %arg13[%add3A_165, %dma_start3A_210] : memref<10240x128xf32, #tpu.memory_space<vmem_shared>> -> memref<16x128xf32, #tpu.memory_space<vmem_shared>>
      %dma_start3A_212 = arith.constant 0 : i32
      %dma_start3A_213 = tpu.memref_slice %arg13[%add3A_165, %dma_start3A_212] : memref<10240x128xf32, #tpu.memory_space<vmem_shared>> -> memref<16x128xf32, #tpu.memory_space<vmem_shared>>
      tpu.enqueue_dma source(%arg12 : memref<16x128xf32, #tpu.memory_space<vmem>>) target(%dma_start3A_213 : memref<16x128xf32, #tpu.memory_space<vmem_shared>>) target_semaphore(%run_scoped3A_209 : memref<!tpu.dma_semaphore, #tpu.memory_space<semaphore_mem>>)
      %dma_wait3A = arith.constant 0 : i32
      %dma_wait3A_214 = tpu.memref_slice %arg13[%add3A_165, %dma_wait3A] : memref<10240x128xf32, #tpu.memory_space<vmem_shared>> -> memref<16x128xf32, #tpu.memory_space<vmem_shared>>
      %dma_wait3A_215 = arith.constant 0 : i32
      %dma_wait3A_216 = tpu.memref_slice %arg13[%add3A_165, %dma_wait3A_215] : memref<10240x128xf32, #tpu.memory_space<vmem_shared>> -> memref<16x128xf32, #tpu.memory_space<vmem_shared>>
      tpu.wait_dma2 semaphore(%run_scoped3A_209 : memref<!tpu.dma_semaphore, #tpu.memory_space<semaphore_mem>>) src(%arg12 : memref<16x128xf32, #tpu.memory_space<vmem>>) dst(%dma_wait3A_216 : memref<16x128xf32, #tpu.memory_space<vmem_shared>>)
      tpu.yield
    }) : () -> ()
    %mul3A_166 = arith.constant 640 : i32
    %mul3A_167 = arith.muli %arg1, %mul3A_166 : i32
    %add3A_168 = arith.constant 512 : i32
    %add3A_169 = arith.addi %mul3A_167, %add3A_168 : i32
    "tpu.region"() ({
      %run_scoped3A_209 = tpu.sem_alloc : memref<!tpu.dma_semaphore, #tpu.memory_space<semaphore_mem>>
      %dma_start3A_210 = arith.constant 0 : i32
      %dma_start3A_211 = tpu.memref_slice %arg13[%add3A_169, %dma_start3A_210] : memref<10240x128xf32, #tpu.memory_space<vmem_shared>> -> memref<16x128xf32, #tpu.memory_space<vmem_shared>>
      %dma_start3A_212 = arith.constant 0 : i32
      %dma_start3A_213 = tpu.memref_slice %arg13[%add3A_169, %dma_start3A_212] : memref<10240x128xf32, #tpu.memory_space<vmem_shared>> -> memref<16x128xf32, #tpu.memory_space<vmem_shared>>
      tpu.enqueue_dma source(%arg12 : memref<16x128xf32, #tpu.memory_space<vmem>>) target(%dma_start3A_213 : memref<16x128xf32, #tpu.memory_space<vmem_shared>>) target_semaphore(%run_scoped3A_209 : memref<!tpu.dma_semaphore, #tpu.memory_space<semaphore_mem>>)
      %dma_wait3A = arith.constant 0 : i32
      %dma_wait3A_214 = tpu.memref_slice %arg13[%add3A_169, %dma_wait3A] : memref<10240x128xf32, #tpu.memory_space<vmem_shared>> -> memref<16x128xf32, #tpu.memory_space<vmem_shared>>
      %dma_wait3A_215 = arith.constant 0 : i32
      %dma_wait3A_216 = tpu.memref_slice %arg13[%add3A_169, %dma_wait3A_215] : memref<10240x128xf32, #tpu.memory_space<vmem_shared>> -> memref<16x128xf32, #tpu.memory_space<vmem_shared>>
      tpu.wait_dma2 semaphore(%run_scoped3A_209 : memref<!tpu.dma_semaphore, #tpu.memory_space<semaphore_mem>>) src(%arg12 : memref<16x128xf32, #tpu.memory_space<vmem>>) dst(%dma_wait3A_216 : memref<16x128xf32, #tpu.memory_space<vmem_shared>>)
      tpu.yield
    }) : () -> ()
    %mul3A_170 = arith.constant 640 : i32
    %mul3A_171 = arith.muli %arg1, %mul3A_170 : i32
    %add3A_172 = arith.constant 528 : i32
    %add3A_173 = arith.addi %mul3A_171, %add3A_172 : i32
    "tpu.region"() ({
      %run_scoped3A_209 = tpu.sem_alloc : memref<!tpu.dma_semaphore, #tpu.memory_space<semaphore_mem>>
      %dma_start3A_210 = arith.constant 0 : i32
      %dma_start3A_211 = tpu.memref_slice %arg13[%add3A_173, %dma_start3A_210] : memref<10240x128xf32, #tpu.memory_space<vmem_shared>> -> memref<16x128xf32, #tpu.memory_space<vmem_shared>>
      %dma_start3A_212 = arith.constant 0 : i32
      %dma_start3A_213 = tpu.memref_slice %arg13[%add3A_173, %dma_start3A_212] : memref<10240x128xf32, #tpu.memory_space<vmem_shared>> -> memref<16x128xf32, #tpu.memory_space<vmem_shared>>
      tpu.enqueue_dma source(%arg12 : memref<16x128xf32, #tpu.memory_space<vmem>>) target(%dma_start3A_213 : memref<16x128xf32, #tpu.memory_space<vmem_shared>>) target_semaphore(%run_scoped3A_209 : memref<!tpu.dma_semaphore, #tpu.memory_space<semaphore_mem>>)
      %dma_wait3A = arith.constant 0 : i32
      %dma_wait3A_214 = tpu.memref_slice %arg13[%add3A_173, %dma_wait3A] : memref<10240x128xf32, #tpu.memory_space<vmem_shared>> -> memref<16x128xf32, #tpu.memory_space<vmem_shared>>
      %dma_wait3A_215 = arith.constant 0 : i32
      %dma_wait3A_216 = tpu.memref_slice %arg13[%add3A_173, %dma_wait3A_215] : memref<10240x128xf32, #tpu.memory_space<vmem_shared>> -> memref<16x128xf32, #tpu.memory_space<vmem_shared>>
      tpu.wait_dma2 semaphore(%run_scoped3A_209 : memref<!tpu.dma_semaphore, #tpu.memory_space<semaphore_mem>>) src(%arg12 : memref<16x128xf32, #tpu.memory_space<vmem>>) dst(%dma_wait3A_216 : memref<16x128xf32, #tpu.memory_space<vmem_shared>>)
      tpu.yield
    }) : () -> ()
    %mul3A_174 = arith.constant 640 : i32
    %mul3A_175 = arith.muli %arg1, %mul3A_174 : i32
    %add3A_176 = arith.constant 544 : i32
    %add3A_177 = arith.addi %mul3A_175, %add3A_176 : i32
    "tpu.region"() ({
      %run_scoped3A_209 = tpu.sem_alloc : memref<!tpu.dma_semaphore, #tpu.memory_space<semaphore_mem>>
      %dma_start3A_210 = arith.constant 0 : i32
      %dma_start3A_211 = tpu.memref_slice %arg13[%add3A_177, %dma_start3A_210] : memref<10240x128xf32, #tpu.memory_space<vmem_shared>> -> memref<16x128xf32, #tpu.memory_space<vmem_shared>>
      %dma_start3A_212 = arith.constant 0 : i32
      %dma_start3A_213 = tpu.memref_slice %arg13[%add3A_177, %dma_start3A_212] : memref<10240x128xf32, #tpu.memory_space<vmem_shared>> -> memref<16x128xf32, #tpu.memory_space<vmem_shared>>
      tpu.enqueue_dma source(%arg12 : memref<16x128xf32, #tpu.memory_space<vmem>>) target(%dma_start3A_213 : memref<16x128xf32, #tpu.memory_space<vmem_shared>>) target_semaphore(%run_scoped3A_209 : memref<!tpu.dma_semaphore, #tpu.memory_space<semaphore_mem>>)
      %dma_wait3A = arith.constant 0 : i32
      %dma_wait3A_214 = tpu.memref_slice %arg13[%add3A_177, %dma_wait3A] : memref<10240x128xf32, #tpu.memory_space<vmem_shared>> -> memref<16x128xf32, #tpu.memory_space<vmem_shared>>
      %dma_wait3A_215 = arith.constant 0 : i32
      %dma_wait3A_216 = tpu.memref_slice %arg13[%add3A_177, %dma_wait3A_215] : memref<10240x128xf32, #tpu.memory_space<vmem_shared>> -> memref<16x128xf32, #tpu.memory_space<vmem_shared>>
      tpu.wait_dma2 semaphore(%run_scoped3A_209 : memref<!tpu.dma_semaphore, #tpu.memory_space<semaphore_mem>>) src(%arg12 : memref<16x128xf32, #tpu.memory_space<vmem>>) dst(%dma_wait3A_216 : memref<16x128xf32, #tpu.memory_space<vmem_shared>>)
      tpu.yield
    }) : () -> ()
    %mul3A_178 = arith.constant 640 : i32
    %mul3A_179 = arith.muli %arg1, %mul3A_178 : i32
    %add3A_180 = arith.constant 560 : i32
    %add3A_181 = arith.addi %mul3A_179, %add3A_180 : i32
    "tpu.region"() ({
      %run_scoped3A_209 = tpu.sem_alloc : memref<!tpu.dma_semaphore, #tpu.memory_space<semaphore_mem>>
      %dma_start3A_210 = arith.constant 0 : i32
      %dma_start3A_211 = tpu.memref_slice %arg13[%add3A_181, %dma_start3A_210] : memref<10240x128xf32, #tpu.memory_space<vmem_shared>> -> memref<16x128xf32, #tpu.memory_space<vmem_shared>>
      %dma_start3A_212 = arith.constant 0 : i32
      %dma_start3A_213 = tpu.memref_slice %arg13[%add3A_181, %dma_start3A_212] : memref<10240x128xf32, #tpu.memory_space<vmem_shared>> -> memref<16x128xf32, #tpu.memory_space<vmem_shared>>
      tpu.enqueue_dma source(%arg12 : memref<16x128xf32, #tpu.memory_space<vmem>>) target(%dma_start3A_213 : memref<16x128xf32, #tpu.memory_space<vmem_shared>>) target_semaphore(%run_scoped3A_209 : memref<!tpu.dma_semaphore, #tpu.memory_space<semaphore_mem>>)
      %dma_wait3A = arith.constant 0 : i32
      %dma_wait3A_214 = tpu.memref_slice %arg13[%add3A_181, %dma_wait3A] : memref<10240x128xf32, #tpu.memory_space<vmem_shared>> -> memref<16x128xf32, #tpu.memory_space<vmem_shared>>
      %dma_wait3A_215 = arith.constant 0 : i32
      %dma_wait3A_216 = tpu.memref_slice %arg13[%add3A_181, %dma_wait3A_215] : memref<10240x128xf32, #tpu.memory_space<vmem_shared>> -> memref<16x128xf32, #tpu.memory_space<vmem_shared>>
      tpu.wait_dma2 semaphore(%run_scoped3A_209 : memref<!tpu.dma_semaphore, #tpu.memory_space<semaphore_mem>>) src(%arg12 : memref<16x128xf32, #tpu.memory_space<vmem>>) dst(%dma_wait3A_216 : memref<16x128xf32, #tpu.memory_space<vmem_shared>>)
      tpu.yield
    }) : () -> ()
    %mul3A_182 = arith.constant 640 : i32
    %mul3A_183 = arith.muli %arg1, %mul3A_182 : i32
    %add3A_184 = arith.constant 576 : i32
    %add3A_185 = arith.addi %mul3A_183, %add3A_184 : i32
    "tpu.region"() ({
      %run_scoped3A_209 = tpu.sem_alloc : memref<!tpu.dma_semaphore, #tpu.memory_space<semaphore_mem>>
      %dma_start3A_210 = arith.constant 0 : i32
      %dma_start3A_211 = tpu.memref_slice %arg13[%add3A_185, %dma_start3A_210] : memref<10240x128xf32, #tpu.memory_space<vmem_shared>> -> memref<16x128xf32, #tpu.memory_space<vmem_shared>>
      %dma_start3A_212 = arith.constant 0 : i32
      %dma_start3A_213 = tpu.memref_slice %arg13[%add3A_185, %dma_start3A_212] : memref<10240x128xf32, #tpu.memory_space<vmem_shared>> -> memref<16x128xf32, #tpu.memory_space<vmem_shared>>
      tpu.enqueue_dma source(%arg12 : memref<16x128xf32, #tpu.memory_space<vmem>>) target(%dma_start3A_213 : memref<16x128xf32, #tpu.memory_space<vmem_shared>>) target_semaphore(%run_scoped3A_209 : memref<!tpu.dma_semaphore, #tpu.memory_space<semaphore_mem>>)
      %dma_wait3A = arith.constant 0 : i32
      %dma_wait3A_214 = tpu.memref_slice %arg13[%add3A_185, %dma_wait3A] : memref<10240x128xf32, #tpu.memory_space<vmem_shared>> -> memref<16x128xf32, #tpu.memory_space<vmem_shared>>
      %dma_wait3A_215 = arith.constant 0 : i32
      %dma_wait3A_216 = tpu.memref_slice %arg13[%add3A_185, %dma_wait3A_215] : memref<10240x128xf32, #tpu.memory_space<vmem_shared>> -> memref<16x128xf32, #tpu.memory_space<vmem_shared>>
      tpu.wait_dma2 semaphore(%run_scoped3A_209 : memref<!tpu.dma_semaphore, #tpu.memory_space<semaphore_mem>>) src(%arg12 : memref<16x128xf32, #tpu.memory_space<vmem>>) dst(%dma_wait3A_216 : memref<16x128xf32, #tpu.memory_space<vmem_shared>>)
      tpu.yield
    }) : () -> ()
    %mul3A_186 = arith.constant 640 : i32
    %mul3A_187 = arith.muli %arg1, %mul3A_186 : i32
    %add3A_188 = arith.constant 592 : i32
    %add3A_189 = arith.addi %mul3A_187, %add3A_188 : i32
    "tpu.region"() ({
      %run_scoped3A_209 = tpu.sem_alloc : memref<!tpu.dma_semaphore, #tpu.memory_space<semaphore_mem>>
      %dma_start3A_210 = arith.constant 0 : i32
      %dma_start3A_211 = tpu.memref_slice %arg13[%add3A_189, %dma_start3A_210] : memref<10240x128xf32, #tpu.memory_space<vmem_shared>> -> memref<16x128xf32, #tpu.memory_space<vmem_shared>>
      %dma_start3A_212 = arith.constant 0 : i32
      %dma_start3A_213 = tpu.memref_slice %arg13[%add3A_189, %dma_start3A_212] : memref<10240x128xf32, #tpu.memory_space<vmem_shared>> -> memref<16x128xf32, #tpu.memory_space<vmem_shared>>
      tpu.enqueue_dma source(%arg12 : memref<16x128xf32, #tpu.memory_space<vmem>>) target(%dma_start3A_213 : memref<16x128xf32, #tpu.memory_space<vmem_shared>>) target_semaphore(%run_scoped3A_209 : memref<!tpu.dma_semaphore, #tpu.memory_space<semaphore_mem>>)
      %dma_wait3A = arith.constant 0 : i32
      %dma_wait3A_214 = tpu.memref_slice %arg13[%add3A_189, %dma_wait3A] : memref<10240x128xf32, #tpu.memory_space<vmem_shared>> -> memref<16x128xf32, #tpu.memory_space<vmem_shared>>
      %dma_wait3A_215 = arith.constant 0 : i32
      %dma_wait3A_216 = tpu.memref_slice %arg13[%add3A_189, %dma_wait3A_215] : memref<10240x128xf32, #tpu.memory_space<vmem_shared>> -> memref<16x128xf32, #tpu.memory_space<vmem_shared>>
      tpu.wait_dma2 semaphore(%run_scoped3A_209 : memref<!tpu.dma_semaphore, #tpu.memory_space<semaphore_mem>>) src(%arg12 : memref<16x128xf32, #tpu.memory_space<vmem>>) dst(%dma_wait3A_216 : memref<16x128xf32, #tpu.memory_space<vmem_shared>>)
      tpu.yield
    }) : () -> ()
    %mul3A_190 = arith.constant 640 : i32
    %mul3A_191 = arith.muli %arg1, %mul3A_190 : i32
    %add3A_192 = arith.constant 608 : i32
    %add3A_193 = arith.addi %mul3A_191, %add3A_192 : i32
    "tpu.region"() ({
      %run_scoped3A_209 = tpu.sem_alloc : memref<!tpu.dma_semaphore, #tpu.memory_space<semaphore_mem>>
      %dma_start3A_210 = arith.constant 0 : i32
      %dma_start3A_211 = tpu.memref_slice %arg13[%add3A_193, %dma_start3A_210] : memref<10240x128xf32, #tpu.memory_space<vmem_shared>> -> memref<16x128xf32, #tpu.memory_space<vmem_shared>>
      %dma_start3A_212 = arith.constant 0 : i32
      %dma_start3A_213 = tpu.memref_slice %arg13[%add3A_193, %dma_start3A_212] : memref<10240x128xf32, #tpu.memory_space<vmem_shared>> -> memref<16x128xf32, #tpu.memory_space<vmem_shared>>
      tpu.enqueue_dma source(%arg12 : memref<16x128xf32, #tpu.memory_space<vmem>>) target(%dma_start3A_213 : memref<16x128xf32, #tpu.memory_space<vmem_shared>>) target_semaphore(%run_scoped3A_209 : memref<!tpu.dma_semaphore, #tpu.memory_space<semaphore_mem>>)
      %dma_wait3A = arith.constant 0 : i32
      %dma_wait3A_214 = tpu.memref_slice %arg13[%add3A_193, %dma_wait3A] : memref<10240x128xf32, #tpu.memory_space<vmem_shared>> -> memref<16x128xf32, #tpu.memory_space<vmem_shared>>
      %dma_wait3A_215 = arith.constant 0 : i32
      %dma_wait3A_216 = tpu.memref_slice %arg13[%add3A_193, %dma_wait3A_215] : memref<10240x128xf32, #tpu.memory_space<vmem_shared>> -> memref<16x128xf32, #tpu.memory_space<vmem_shared>>
      tpu.wait_dma2 semaphore(%run_scoped3A_209 : memref<!tpu.dma_semaphore, #tpu.memory_space<semaphore_mem>>) src(%arg12 : memref<16x128xf32, #tpu.memory_space<vmem>>) dst(%dma_wait3A_216 : memref<16x128xf32, #tpu.memory_space<vmem_shared>>)
      tpu.yield
    }) : () -> ()
    %mul3A_194 = arith.constant 640 : i32
    %mul3A_195 = arith.muli %arg1, %mul3A_194 : i32
    %add3A_196 = arith.constant 624 : i32
    %add3A_197 = arith.addi %mul3A_195, %add3A_196 : i32
    "tpu.region"() ({
      %run_scoped3A_209 = tpu.sem_alloc : memref<!tpu.dma_semaphore, #tpu.memory_space<semaphore_mem>>
      %dma_start3A_210 = arith.constant 0 : i32
      %dma_start3A_211 = tpu.memref_slice %arg13[%add3A_197, %dma_start3A_210] : memref<10240x128xf32, #tpu.memory_space<vmem_shared>> -> memref<16x128xf32, #tpu.memory_space<vmem_shared>>
      %dma_start3A_212 = arith.constant 0 : i32
      %dma_start3A_213 = tpu.memref_slice %arg13[%add3A_197, %dma_start3A_212] : memref<10240x128xf32, #tpu.memory_space<vmem_shared>> -> memref<16x128xf32, #tpu.memory_space<vmem_shared>>
      tpu.enqueue_dma source(%arg12 : memref<16x128xf32, #tpu.memory_space<vmem>>) target(%dma_start3A_213 : memref<16x128xf32, #tpu.memory_space<vmem_shared>>) target_semaphore(%run_scoped3A_209 : memref<!tpu.dma_semaphore, #tpu.memory_space<semaphore_mem>>)
      %dma_wait3A = arith.constant 0 : i32
      %dma_wait3A_214 = tpu.memref_slice %arg13[%add3A_197, %dma_wait3A] : memref<10240x128xf32, #tpu.memory_space<vmem_shared>> -> memref<16x128xf32, #tpu.memory_space<vmem_shared>>
      %dma_wait3A_215 = arith.constant 0 : i32
      %dma_wait3A_216 = tpu.memref_slice %arg13[%add3A_197, %dma_wait3A_215] : memref<10240x128xf32, #tpu.memory_space<vmem_shared>> -> memref<16x128xf32, #tpu.memory_space<vmem_shared>>
      tpu.wait_dma2 semaphore(%run_scoped3A_209 : memref<!tpu.dma_semaphore, #tpu.memory_space<semaphore_mem>>) src(%arg12 : memref<16x128xf32, #tpu.memory_space<vmem>>) dst(%dma_wait3A_216 : memref<16x128xf32, #tpu.memory_space<vmem_shared>>)
      tpu.yield
    }) : () -> ()
    %barrier3A = arith.constant 0 : index
    tpu.barrier barrier_id(%barrier3A)
    %scan3A_198 = arith.constant 0 : i32
    %scan3A_199 = arith.constant 0 : i32
    %scan3A_200 = arith.constant 32 : i32
    %scan3A_201 = arith.addi %scan3A_199, %scan3A_200 : i32
    %scan3A_202 = arith.constant 1 : i32
    scf.for %scan3A_209 = %scan3A_199 to %scan3A_201 step %scan3A_202  : i32 {
      %jit3A = arith.constant 2 : i32
      %eq3A = arith.constant 0 : i32
      %eq3A_210 = arith.cmpi eq, %jit3A, %eq3A : i32
      %jit3A_211 = arith.constant 1 : i32
      %select_n3A = arith.select %eq3A_210, %jit3A_211, %jit3A : i32
      %rem3A = arith.remsi %scan3A_209, %select_n3A : i32
      %ne3A = arith.constant 0 : i32
      %ne3A_212 = arith.cmpi ne, %rem3A, %ne3A : i32
      %lt3A = arith.constant 0 : i32
      %lt3A_213 = arith.cmpi slt, %rem3A, %lt3A : i32
      %lt3A_214 = arith.constant 0 : i32
      %lt3A_215 = arith.cmpi slt, %select_n3A, %lt3A_214 : i32
      %ne3A_216 = arith.xori %lt3A_213, %lt3A_215 : i1
      %and3A = arith.andi %ne3A_216, %ne3A_212 : i1
      %add3A_217 = arith.addi %rem3A, %select_n3A : i32
      %select_n3A_218 = arith.select %and3A, %add3A_217, %rem3A : i32
      %add3A_219 = arith.constant 1 : i32
      %add3A_220 = arith.addi %scan3A_209, %add3A_219 : i32
      %jit3A_221 = arith.constant 2 : i32
      %eq3A_222 = arith.constant 0 : i32
      %eq3A_223 = arith.cmpi eq, %jit3A_221, %eq3A_222 : i32
      %jit3A_224 = arith.constant 1 : i32
      %select_n3A_225 = arith.select %eq3A_223, %jit3A_224, %jit3A_221 : i32
      %rem3A_226 = arith.remsi %add3A_220, %select_n3A_225 : i32
      %ne3A_227 = arith.constant 0 : i32
      %ne3A_228 = arith.cmpi ne, %rem3A_226, %ne3A_227 : i32
      %lt3A_229 = arith.constant 0 : i32
      %lt3A_230 = arith.cmpi slt, %rem3A_226, %lt3A_229 : i32
      %lt3A_231 = arith.constant 0 : i32
      %lt3A_232 = arith.cmpi slt, %select_n3A_225, %lt3A_231 : i32
      %ne3A_233 = arith.xori %lt3A_230, %lt3A_232 : i1
      %and3A_234 = arith.andi %ne3A_233, %ne3A_228 : i1
      %add3A_235 = arith.addi %rem3A_226, %select_n3A_225 : i32
      %select_n3A_236 = arith.select %and3A_234, %add3A_235, %rem3A_226 : i32
      %add3A_237 = arith.constant 1 : i32
      %add3A_238 = arith.addi %scan3A_209, %add3A_237 : i32
      %lt3A_239 = arith.constant 32 : i32
      %lt3A_240 = arith.cmpi slt, %add3A_238, %lt3A_239 : i32
      %convert_element_type3A = arith.extui %lt3A_240 : i1 to i32
      %cond3A = arith.constant 0 : i32
      %cond3A_241 = arith.cmpi ne, %convert_element_type3A, %cond3A : i32
      scf.if %cond3A_241 {
        %add3A_283 = arith.constant 1 : i32
        %add3A_284 = arith.addi %scan3A_209, %add3A_283 : i32
        %dma_start3A_285 = arith.constant 0 : i32
        %dma_start3A_286 = arith.constant 0 : i32
        %dma_start3A_287 = tpu.memref_slice %arg6[%select_n3A_236, %dma_start3A_285, %dma_start3A_286] : memref<2x4x80xi32, #tpu.memory_space<vmem>> -> memref<1x4x80xi32, #tpu.memory_space<vmem>>
        %dma_start3A_288 = tpu.memref_squeeze %dma_start3A_287 : memref<1x4x80xi32, #tpu.memory_space<vmem>> -> memref<4x80xi32, #tpu.memory_space<vmem>>
        %dma_start3A_289 = arith.constant 0 : i32
        %dma_start3A_290 = arith.constant 0 : i32
        %dma_start3A_291 = tpu.memref_slice %arg3[%arg0, %arg1, %add3A_284, %dma_start3A_289, %dma_start3A_290] : memref<2x16x32x4x80xi32, #tpu.memory_space<hbm>> -> memref<1x1x1x4x80xi32, #tpu.memory_space<hbm>>
        %dma_start3A_292 = tpu.memref_squeeze %dma_start3A_291 : memref<1x1x1x4x80xi32, #tpu.memory_space<hbm>> -> memref<4x80xi32, #tpu.memory_space<hbm>>
        %dma_start3A_293 = arith.constant 0 : i32
        %dma_start3A_294 = arith.constant 0 : i32
        %dma_start3A_295 = tpu.memref_slice %arg6[%select_n3A_236, %dma_start3A_293, %dma_start3A_294] : memref<2x4x80xi32, #tpu.memory_space<vmem>> -> memref<1x4x80xi32, #tpu.memory_space<vmem>>
        %dma_start3A_296 = tpu.memref_squeeze %dma_start3A_295 : memref<1x4x80xi32, #tpu.memory_space<vmem>> -> memref<4x80xi32, #tpu.memory_space<vmem>>
        %dma_start3A_297 = arith.constant 0 : i32
        %dma_start3A_298 = arith.constant 0 : i32
        %dma_start3A_299 = tpu.memref_slice %arg3[%arg0, %arg1, %add3A_284, %dma_start3A_297, %dma_start3A_298] : memref<2x16x32x4x80xi32, #tpu.memory_space<hbm>> -> memref<1x1x1x4x80xi32, #tpu.memory_space<hbm>>
        %dma_start3A_300 = tpu.memref_squeeze %dma_start3A_299 : memref<1x1x1x4x80xi32, #tpu.memory_space<hbm>> -> memref<4x80xi32, #tpu.memory_space<hbm>>
        tpu.enqueue_dma source(%dma_start3A_300 : memref<4x80xi32, #tpu.memory_space<hbm>>) target(%dma_start3A_296 : memref<4x80xi32, #tpu.memory_space<vmem>>) target_semaphore(%arg22 : memref<!tpu.dma_semaphore, #tpu.memory_space<semaphore_mem>>)
        %add3A_301 = arith.constant 1 : i32
        %add3A_302 = arith.addi %scan3A_209, %add3A_301 : i32
        %dma_start3A_303 = arith.constant 0 : i32
        %dma_start3A_304 = arith.constant 0 : i32
        %dma_start3A_305 = tpu.memref_slice %arg7[%select_n3A_236, %dma_start3A_303, %dma_start3A_304] : memref<2x4x80xi32, #tpu.memory_space<vmem>> -> memref<1x4x80xi32, #tpu.memory_space<vmem>>
        %dma_start3A_306 = tpu.memref_squeeze %dma_start3A_305 : memref<1x4x80xi32, #tpu.memory_space<vmem>> -> memref<4x80xi32, #tpu.memory_space<vmem>>
        %dma_start3A_307 = arith.constant 0 : i32
        %dma_start3A_308 = arith.constant 0 : i32
        %dma_start3A_309 = tpu.memref_slice %arg4[%arg0, %arg1, %add3A_302, %dma_start3A_307, %dma_start3A_308] : memref<2x16x32x4x80xi32, #tpu.memory_space<hbm>> -> memref<1x1x1x4x80xi32, #tpu.memory_space<hbm>>
        %dma_start3A_310 = tpu.memref_squeeze %dma_start3A_309 : memref<1x1x1x4x80xi32, #tpu.memory_space<hbm>> -> memref<4x80xi32, #tpu.memory_space<hbm>>
        %dma_start3A_311 = arith.constant 0 : i32
        %dma_start3A_312 = arith.constant 0 : i32
        %dma_start3A_313 = tpu.memref_slice %arg7[%select_n3A_236, %dma_start3A_311, %dma_start3A_312] : memref<2x4x80xi32, #tpu.memory_space<vmem>> -> memref<1x4x80xi32, #tpu.memory_space<vmem>>
        %dma_start3A_314 = tpu.memref_squeeze %dma_start3A_313 : memref<1x4x80xi32, #tpu.memory_space<vmem>> -> memref<4x80xi32, #tpu.memory_space<vmem>>
        %dma_start3A_315 = arith.constant 0 : i32
        %dma_start3A_316 = arith.constant 0 : i32
        %dma_start3A_317 = tpu.memref_slice %arg4[%arg0, %arg1, %add3A_302, %dma_start3A_315, %dma_start3A_316] : memref<2x16x32x4x80xi32, #tpu.memory_space<hbm>> -> memref<1x1x1x4x80xi32, #tpu.memory_space<hbm>>
        %dma_start3A_318 = tpu.memref_squeeze %dma_start3A_317 : memref<1x1x1x4x80xi32, #tpu.memory_space<hbm>> -> memref<4x80xi32, #tpu.memory_space<hbm>>
        tpu.enqueue_dma source(%dma_start3A_318 : memref<4x80xi32, #tpu.memory_space<hbm>>) target(%dma_start3A_314 : memref<4x80xi32, #tpu.memory_space<vmem>>) target_semaphore(%arg23 : memref<!tpu.dma_semaphore, #tpu.memory_space<semaphore_mem>>)
      } else {
      }
      %dma_wait3A = arith.constant 0 : i32
      %dma_wait3A_242 = arith.constant 0 : i32
      %dma_wait3A_243 = tpu.memref_slice %arg6[%select_n3A_218, %dma_wait3A, %dma_wait3A_242] : memref<2x4x80xi32, #tpu.memory_space<vmem>> -> memref<1x1x80xi32, #tpu.memory_space<vmem>>
      %dma_wait3A_244 = tpu.memref_squeeze %dma_wait3A_243 : memref<1x1x80xi32, #tpu.memory_space<vmem>> -> memref<80xi32, #tpu.memory_space<vmem>>
      %dma_wait3A_245 = arith.constant 0 : i32
      %dma_wait3A_246 = arith.constant 0 : i32
      %dma_wait3A_247 = tpu.memref_slice %arg2[%dma_wait3A_245, %dma_wait3A_246] : memref<10000x128xf32, #tpu.memory_space<hbm>> -> memref<10000x128xf32, #tpu.memory_space<hbm>>
      tpu.wait_indirect_dma semaphore(%arg14 : memref<!tpu.dma_semaphore, #tpu.memory_space<semaphore_mem>>) src(%dma_wait3A_247 : memref<10000x128xf32, #tpu.memory_space<hbm>>) dst(%arg8 : memref<80x128xf32, #tpu.memory_space<vmem>>)
      %dma_wait3A_248 = arith.constant 1 : i32
      %dma_wait3A_249 = arith.constant 0 : i32
      %dma_wait3A_250 = tpu.memref_slice %arg6[%select_n3A_218, %dma_wait3A_248, %dma_wait3A_249] : memref<2x4x80xi32, #tpu.memory_space<vmem>> -> memref<1x1x80xi32, #tpu.memory_space<vmem>>
      %dma_wait3A_251 = tpu.memref_squeeze %dma_wait3A_250 : memref<1x1x80xi32, #tpu.memory_space<vmem>> -> memref<80xi32, #tpu.memory_space<vmem>>
      %dma_wait3A_252 = arith.constant 0 : i32
      %dma_wait3A_253 = arith.constant 0 : i32
      %dma_wait3A_254 = tpu.memref_slice %arg2[%dma_wait3A_252, %dma_wait3A_253] : memref<10000x128xf32, #tpu.memory_space<hbm>> -> memref<10000x128xf32, #tpu.memory_space<hbm>>
      tpu.wait_indirect_dma semaphore(%arg15 : memref<!tpu.dma_semaphore, #tpu.memory_space<semaphore_mem>>) src(%dma_wait3A_254 : memref<10000x128xf32, #tpu.memory_space<hbm>>) dst(%arg9 : memref<80x128xf32, #tpu.memory_space<vmem>>)
      %add3A_255 = arith.constant 1 : i32
      %add3A_256 = arith.addi %scan3A_209, %add3A_255 : i32
      %lt3A_257 = arith.constant 32 : i32
      %lt3A_258 = arith.cmpi slt, %add3A_256, %lt3A_257 : i32
      %convert_element_type3A_259 = arith.extui %lt3A_258 : i1 to i32
      %cond3A_260 = arith.constant 0 : i32
      %cond3A_261 = arith.cmpi ne, %convert_element_type3A_259, %cond3A_260 : i32
      scf.if %cond3A_261 {
        %add3A_283 = arith.constant 1 : i32
        %add3A_284 = arith.addi %scan3A_209, %add3A_283 : i32
        %dma_wait3A_285 = arith.constant 0 : i32
        %dma_wait3A_286 = arith.constant 0 : i32
        %dma_wait3A_287 = tpu.memref_slice %arg6[%select_n3A_236, %dma_wait3A_285, %dma_wait3A_286] : memref<2x4x80xi32, #tpu.memory_space<vmem>> -> memref<1x4x80xi32, #tpu.memory_space<vmem>>
        %dma_wait3A_288 = tpu.memref_squeeze %dma_wait3A_287 : memref<1x4x80xi32, #tpu.memory_space<vmem>> -> memref<4x80xi32, #tpu.memory_space<vmem>>
        %dma_wait3A_289 = arith.constant 0 : i32
        %dma_wait3A_290 = arith.constant 0 : i32
        %dma_wait3A_291 = tpu.memref_slice %arg3[%arg0, %arg1, %add3A_284, %dma_wait3A_289, %dma_wait3A_290] : memref<2x16x32x4x80xi32, #tpu.memory_space<hbm>> -> memref<1x1x1x4x80xi32, #tpu.memory_space<hbm>>
        %dma_wait3A_292 = tpu.memref_squeeze %dma_wait3A_291 : memref<1x1x1x4x80xi32, #tpu.memory_space<hbm>> -> memref<4x80xi32, #tpu.memory_space<hbm>>
        %dma_wait3A_293 = arith.constant 0 : i32
        %dma_wait3A_294 = arith.constant 0 : i32
        %dma_wait3A_295 = tpu.memref_slice %arg6[%select_n3A_236, %dma_wait3A_293, %dma_wait3A_294] : memref<2x4x80xi32, #tpu.memory_space<vmem>> -> memref<1x4x80xi32, #tpu.memory_space<vmem>>
        %dma_wait3A_296 = tpu.memref_squeeze %dma_wait3A_295 : memref<1x4x80xi32, #tpu.memory_space<vmem>> -> memref<4x80xi32, #tpu.memory_space<vmem>>
        %dma_wait3A_297 = arith.constant 0 : i32
        %dma_wait3A_298 = arith.constant 0 : i32
        %dma_wait3A_299 = tpu.memref_slice %arg3[%arg0, %arg1, %add3A_284, %dma_wait3A_297, %dma_wait3A_298] : memref<2x16x32x4x80xi32, #tpu.memory_space<hbm>> -> memref<1x1x1x4x80xi32, #tpu.memory_space<hbm>>
        %dma_wait3A_300 = tpu.memref_squeeze %dma_wait3A_299 : memref<1x1x1x4x80xi32, #tpu.memory_space<hbm>> -> memref<4x80xi32, #tpu.memory_space<hbm>>
        tpu.wait_dma2 semaphore(%arg22 : memref<!tpu.dma_semaphore, #tpu.memory_space<semaphore_mem>>) src(%dma_wait3A_300 : memref<4x80xi32, #tpu.memory_space<hbm>>) dst(%dma_wait3A_296 : memref<4x80xi32, #tpu.memory_space<vmem>>)
        %add3A_301 = arith.constant 1 : i32
        %add3A_302 = arith.addi %scan3A_209, %add3A_301 : i32
        %dma_wait3A_303 = arith.constant 0 : i32
        %dma_wait3A_304 = arith.constant 0 : i32
        %dma_wait3A_305 = tpu.memref_slice %arg7[%select_n3A_236, %dma_wait3A_303, %dma_wait3A_304] : memref<2x4x80xi32, #tpu.memory_space<vmem>> -> memref<1x4x80xi32, #tpu.memory_space<vmem>>
        %dma_wait3A_306 = tpu.memref_squeeze %dma_wait3A_305 : memref<1x4x80xi32, #tpu.memory_space<vmem>> -> memref<4x80xi32, #tpu.memory_space<vmem>>
        %dma_wait3A_307 = arith.constant 0 : i32
        %dma_wait3A_308 = arith.constant 0 : i32
        %dma_wait3A_309 = tpu.memref_slice %arg4[%arg0, %arg1, %add3A_302, %dma_wait3A_307, %dma_wait3A_308] : memref<2x16x32x4x80xi32, #tpu.memory_space<hbm>> -> memref<1x1x1x4x80xi32, #tpu.memory_space<hbm>>
        %dma_wait3A_310 = tpu.memref_squeeze %dma_wait3A_309 : memref<1x1x1x4x80xi32, #tpu.memory_space<hbm>> -> memref<4x80xi32, #tpu.memory_space<hbm>>
        %dma_wait3A_311 = arith.constant 0 : i32
        %dma_wait3A_312 = arith.constant 0 : i32
        %dma_wait3A_313 = tpu.memref_slice %arg7[%select_n3A_236, %dma_wait3A_311, %dma_wait3A_312] : memref<2x4x80xi32, #tpu.memory_space<vmem>> -> memref<1x4x80xi32, #tpu.memory_space<vmem>>
        %dma_wait3A_314 = tpu.memref_squeeze %dma_wait3A_313 : memref<1x4x80xi32, #tpu.memory_space<vmem>> -> memref<4x80xi32, #tpu.memory_space<vmem>>
        %dma_wait3A_315 = arith.constant 0 : i32
        %dma_wait3A_316 = arith.constant 0 : i32
        %dma_wait3A_317 = tpu.memref_slice %arg4[%arg0, %arg1, %add3A_302, %dma_wait3A_315, %dma_wait3A_316] : memref<2x16x32x4x80xi32, #tpu.memory_space<hbm>> -> memref<1x1x1x4x80xi32, #tpu.memory_space<hbm>>
        %dma_wait3A_318 = tpu.memref_squeeze %dma_wait3A_317 : memref<1x1x1x4x80xi32, #tpu.memory_space<hbm>> -> memref<4x80xi32, #tpu.memory_space<hbm>>
        tpu.wait_dma2 semaphore(%arg23 : memref<!tpu.dma_semaphore, #tpu.memory_space<semaphore_mem>>) src(%dma_wait3A_318 : memref<4x80xi32, #tpu.memory_space<hbm>>) dst(%dma_wait3A_314 : memref<4x80xi32, #tpu.memory_space<vmem>>)
        %dma_start3A_319 = arith.constant 0 : i32
        %dma_start3A_320 = arith.constant 0 : i32
        %dma_start3A_321 = tpu.memref_slice %arg6[%select_n3A_236, %dma_start3A_319, %dma_start3A_320] : memref<2x4x80xi32, #tpu.memory_space<vmem>> -> memref<1x1x80xi32, #tpu.memory_space<vmem>>
        %dma_start3A_322 = tpu.memref_squeeze %dma_start3A_321 : memref<1x1x80xi32, #tpu.memory_space<vmem>> -> memref<80xi32, #tpu.memory_space<vmem>>
        %dma_start3A_323 = arith.constant 0 : i32
        %dma_start3A_324 = arith.constant 0 : i32
        %dma_start3A_325 = tpu.memref_slice %arg2[%dma_start3A_323, %dma_start3A_324] : memref<10000x128xf32, #tpu.memory_space<hbm>> -> memref<10000x128xf32, #tpu.memory_space<hbm>>
        tpu.enqueue_indirect_dma source(%dma_start3A_325 : memref<10000x128xf32, #tpu.memory_space<hbm>>) target(%arg8 : memref<80x128xf32, #tpu.memory_space<vmem>>) offsets(%dma_start3A_322 : memref<80xi32, #tpu.memory_space<vmem>>) semaphore(%arg14 : memref<!tpu.dma_semaphore, #tpu.memory_space<semaphore_mem>>)
        %dma_start3A_326 = arith.constant 1 : i32
        %dma_start3A_327 = arith.constant 0 : i32
        %dma_start3A_328 = tpu.memref_slice %arg6[%select_n3A_236, %dma_start3A_326, %dma_start3A_327] : memref<2x4x80xi32, #tpu.memory_space<vmem>> -> memref<1x1x80xi32, #tpu.memory_space<vmem>>
        %dma_start3A_329 = tpu.memref_squeeze %dma_start3A_328 : memref<1x1x80xi32, #tpu.memory_space<vmem>> -> memref<80xi32, #tpu.memory_space<vmem>>
        %dma_start3A_330 = arith.constant 0 : i32
        %dma_start3A_331 = arith.constant 0 : i32
        %dma_start3A_332 = tpu.memref_slice %arg2[%dma_start3A_330, %dma_start3A_331] : memref<10000x128xf32, #tpu.memory_space<hbm>> -> memref<10000x128xf32, #tpu.memory_space<hbm>>
        tpu.enqueue_indirect_dma source(%dma_start3A_332 : memref<10000x128xf32, #tpu.memory_space<hbm>>) target(%arg9 : memref<80x128xf32, #tpu.memory_space<vmem>>) offsets(%dma_start3A_329 : memref<80xi32, #tpu.memory_space<vmem>>) semaphore(%arg15 : memref<!tpu.dma_semaphore, #tpu.memory_space<semaphore_mem>>)
      } else {
      }
      %dma_wait3A_262 = arith.constant 2 : i32
      %dma_wait3A_263 = arith.constant 0 : i32
      %dma_wait3A_264 = tpu.memref_slice %arg6[%select_n3A_218, %dma_wait3A_262, %dma_wait3A_263] : memref<2x4x80xi32, #tpu.memory_space<vmem>> -> memref<1x1x80xi32, #tpu.memory_space<vmem>>
      %dma_wait3A_265 = tpu.memref_squeeze %dma_wait3A_264 : memref<1x1x80xi32, #tpu.memory_space<vmem>> -> memref<80xi32, #tpu.memory_space<vmem>>
      %dma_wait3A_266 = arith.constant 0 : i32
      %dma_wait3A_267 = arith.constant 0 : i32
      %dma_wait3A_268 = tpu.memref_slice %arg2[%dma_wait3A_266, %dma_wait3A_267] : memref<10000x128xf32, #tpu.memory_space<hbm>> -> memref<10000x128xf32, #tpu.memory_space<hbm>>
      tpu.wait_indirect_dma semaphore(%arg16 : memref<!tpu.dma_semaphore, #tpu.memory_space<semaphore_mem>>) src(%dma_wait3A_268 : memref<10000x128xf32, #tpu.memory_space<hbm>>) dst(%arg10 : memref<80x128xf32, #tpu.memory_space<vmem>>)
      %dma_wait3A_269 = arith.constant 3 : i32
      %dma_wait3A_270 = arith.constant 0 : i32
      %dma_wait3A_271 = tpu.memref_slice %arg6[%select_n3A_218, %dma_wait3A_269, %dma_wait3A_270] : memref<2x4x80xi32, #tpu.memory_space<vmem>> -> memref<1x1x80xi32, #tpu.memory_space<vmem>>
      %dma_wait3A_272 = tpu.memref_squeeze %dma_wait3A_271 : memref<1x1x80xi32, #tpu.memory_space<vmem>> -> memref<80xi32, #tpu.memory_space<vmem>>
      %dma_wait3A_273 = arith.constant 0 : i32
      %dma_wait3A_274 = arith.constant 0 : i32
      %dma_wait3A_275 = tpu.memref_slice %arg2[%dma_wait3A_273, %dma_wait3A_274] : memref<10000x128xf32, #tpu.memory_space<hbm>> -> memref<10000x128xf32, #tpu.memory_space<hbm>>
      tpu.wait_indirect_dma semaphore(%arg17 : memref<!tpu.dma_semaphore, #tpu.memory_space<semaphore_mem>>) src(%dma_wait3A_275 : memref<10000x128xf32, #tpu.memory_space<hbm>>) dst(%arg11 : memref<80x128xf32, #tpu.memory_space<vmem>>)
      %add3A_276 = arith.constant 1 : i32
      %add3A_277 = arith.addi %scan3A_209, %add3A_276 : i32
      %lt3A_278 = arith.constant 32 : i32
      %lt3A_279 = arith.cmpi slt, %add3A_277, %lt3A_278 : i32
      %convert_element_type3A_280 = arith.extui %lt3A_279 : i1 to i32
      %cond3A_281 = arith.constant 0 : i32
      %cond3A_282 = arith.cmpi ne, %convert_element_type3A_280, %cond3A_281 : i32
      scf.if %cond3A_282 {
        %dma_start3A_283 = arith.constant 2 : i32
        %dma_start3A_284 = arith.constant 0 : i32
        %dma_start3A_285 = tpu.memref_slice %arg6[%select_n3A_236, %dma_start3A_283, %dma_start3A_284] : memref<2x4x80xi32, #tpu.memory_space<vmem>> -> memref<1x1x80xi32, #tpu.memory_space<vmem>>
        %dma_start3A_286 = tpu.memref_squeeze %dma_start3A_285 : memref<1x1x80xi32, #tpu.memory_space<vmem>> -> memref<80xi32, #tpu.memory_space<vmem>>
        %dma_start3A_287 = arith.constant 0 : i32
        %dma_start3A_288 = arith.constant 0 : i32
        %dma_start3A_289 = tpu.memref_slice %arg2[%dma_start3A_287, %dma_start3A_288] : memref<10000x128xf32, #tpu.memory_space<hbm>> -> memref<10000x128xf32, #tpu.memory_space<hbm>>
        tpu.enqueue_indirect_dma source(%dma_start3A_289 : memref<10000x128xf32, #tpu.memory_space<hbm>>) target(%arg10 : memref<80x128xf32, #tpu.memory_space<vmem>>) offsets(%dma_start3A_286 : memref<80xi32, #tpu.memory_space<vmem>>) semaphore(%arg16 : memref<!tpu.dma_semaphore, #tpu.memory_space<semaphore_mem>>)
        %dma_start3A_290 = arith.constant 3 : i32
        %dma_start3A_291 = arith.constant 0 : i32
        %dma_start3A_292 = tpu.memref_slice %arg6[%select_n3A_236, %dma_start3A_290, %dma_start3A_291] : memref<2x4x80xi32, #tpu.memory_space<vmem>> -> memref<1x1x80xi32, #tpu.memory_space<vmem>>
        %dma_start3A_293 = tpu.memref_squeeze %dma_start3A_292 : memref<1x1x80xi32, #tpu.memory_space<vmem>> -> memref<80xi32, #tpu.memory_space<vmem>>
        %dma_start3A_294 = arith.constant 0 : i32
        %dma_start3A_295 = arith.constant 0 : i32
        %dma_start3A_296 = tpu.memref_slice %arg2[%dma_start3A_294, %dma_start3A_295] : memref<10000x128xf32, #tpu.memory_space<hbm>> -> memref<10000x128xf32, #tpu.memory_space<hbm>>
        tpu.enqueue_indirect_dma source(%dma_start3A_296 : memref<10000x128xf32, #tpu.memory_space<hbm>>) target(%arg11 : memref<80x128xf32, #tpu.memory_space<vmem>>) offsets(%dma_start3A_293 : memref<80xi32, #tpu.memory_space<vmem>>) semaphore(%arg17 : memref<!tpu.dma_semaphore, #tpu.memory_space<semaphore_mem>>)
      } else {
      }
    }
    %scan3A_203 = arith.constant 32 : i32
    %barrier3A_204 = arith.constant 0 : index
    tpu.barrier barrier_id(%barrier3A_204)
    %mul3A_205 = arith.constant 640 : i32
    %mul3A_206 = arith.muli %arg1, %mul3A_205 : i32
    %mul3A_207 = arith.constant 640 : i32
    %mul3A_208 = arith.muli %arg1, %mul3A_207 : i32
    "tpu.region"() ({
      %run_scoped3A_209 = tpu.sem_alloc : memref<!tpu.dma_semaphore, #tpu.memory_space<semaphore_mem>>
      %dma_start3A_210 = arith.constant 0 : i32
      %dma_start3A_211 = tpu.memref_slice %arg5[%arg0, %mul3A_208, %dma_start3A_210] : memref<2x10240x128xf32, #tpu.memory_space<hbm>> -> memref<1x640x128xf32, #tpu.memory_space<hbm>>
      %dma_start3A_212 = tpu.memref_squeeze %dma_start3A_211 : memref<1x640x128xf32, #tpu.memory_space<hbm>> -> memref<640x128xf32, #tpu.memory_space<hbm>>
      %dma_start3A_213 = arith.constant 0 : i32
      %dma_start3A_214 = tpu.memref_slice %arg13[%mul3A_206, %dma_start3A_213] : memref<10240x128xf32, #tpu.memory_space<vmem_shared>> -> memref<640x128xf32, #tpu.memory_space<vmem_shared>>
      tpu.enqueue_dma source(%dma_start3A_214 : memref<640x128xf32, #tpu.memory_space<vmem_shared>>) target(%dma_start3A_212 : memref<640x128xf32, #tpu.memory_space<hbm>>) target_semaphore(%run_scoped3A_209 : memref<!tpu.dma_semaphore, #tpu.memory_space<semaphore_mem>>)
      %dma_wait3A = arith.constant 0 : i32
      %dma_wait3A_215 = tpu.memref_slice %arg5[%arg0, %mul3A_208, %dma_wait3A] : memref<2x10240x128xf32, #tpu.memory_space<hbm>> -> memref<1x640x128xf32, #tpu.memory_space<hbm>>
      %dma_wait3A_216 = tpu.memref_squeeze %dma_wait3A_215 : memref<1x640x128xf32, #tpu.memory_space<hbm>> -> memref<640x128xf32, #tpu.memory_space<hbm>>
      %dma_wait3A_217 = arith.constant 0 : i32
      %dma_wait3A_218 = tpu.memref_slice %arg13[%mul3A_206, %dma_wait3A_217] : memref<10240x128xf32, #tpu.memory_space<vmem_shared>> -> memref<640x128xf32, #tpu.memory_space<vmem_shared>>
      tpu.wait_dma2 semaphore(%run_scoped3A_209 : memref<!tpu.dma_semaphore, #tpu.memory_space<semaphore_mem>>) src(%dma_wait3A_218 : memref<640x128xf32, #tpu.memory_space<vmem_shared>>) dst(%dma_wait3A_216 : memref<640x128xf32, #tpu.memory_space<hbm>>)
      tpu.yield
    }) : () -> ()
    return
  }
}

module attributes {stable_mosaic.version = 14 : i64} {
  func.func @body(%arg0: i32, %arg1: memref<1x1xf32, #tpu.memory_space<smem>>, %arg2: memref<2000x128xf32, #tpu.memory_space<vmem>>, %arg3: memref<1x2000x128xf32, #tpu.memory_space<vmem>>, %arg4: memref<1x2000x128xf32, #tpu.memory_space<vmem>>, %arg5: memref<128x128xf32, #tpu.memory_space<vmem>>, %arg6: memref<1x128xf32, #tpu.memory_space<vmem>>, %arg7: memref<1x128xf32, #tpu.memory_space<vmem>>, %arg8: memref<1x128xf32, #tpu.memory_space<vmem>>, %arg9: memref<128x128xf32, #tpu.memory_space<vmem>>, %arg10: memref<1x128xf32, #tpu.memory_space<vmem>>, %arg11: memref<2000x128xf32, #tpu.memory_space<vmem>>) attributes {dimension_semantics = [#tpu.dimension_semantics<arbitrary>], iteration_bounds = array<i64: 5>, scalar_prefetch = 0 : i64, scratch_operands = 0 : i64, tpu.core_type = #tpu.core_type<tc>, window_params = [{transform_indices = @transform_0, window_bounds = array<i64: 1, 1>}, {transform_indices = @transform_1, window_bounds = array<i64: 2000, 128>}, {transform_indices = @transform_2, window_bounds = array<i64: 1, 2000, 128>}, {transform_indices = @transform_3, window_bounds = array<i64: 1, 2000, 128>}, {pipeline_mode = #tpu.pipeline_mode<synchronous>, transform_indices = @transform_4, window_bounds = array<i64: 128, 128>}, {pipeline_mode = #tpu.pipeline_mode<synchronous>, transform_indices = @transform_5, window_bounds = array<i64: 1, 128>}, {pipeline_mode = #tpu.pipeline_mode<synchronous>, transform_indices = @transform_6, window_bounds = array<i64: 1, 128>}, {pipeline_mode = #tpu.pipeline_mode<synchronous>, transform_indices = @transform_7, window_bounds = array<i64: 1, 128>}, {pipeline_mode = #tpu.pipeline_mode<synchronous>, transform_indices = @transform_8, window_bounds = array<i64: 128, 128>}, {pipeline_mode = #tpu.pipeline_mode<synchronous>, transform_indices = @transform_9, window_bounds = array<i64: 1, 128>}, {transform_indices = @transform_10, window_bounds = array<i64: 2000, 128>}]} {
    %get3A = arith.constant 0 : index
    %get3A_0 = arith.constant 0 : index
    %get3A_1 = memref.load %arg1[%get3A, %get3A_0] : memref<1x1xf32, #tpu.memory_space<smem>>
    %add3A = arith.constant 1.000000e+00 : f32
    %add3A_2 = arith.addf %add3A, %get3A_1 : f32
    %get3A_3 = arith.constant 0 : index
    %get3A_4 = arith.constant 0 : index
    %get3A_5 = vector.load %arg2[%get3A_3, %get3A_4] : memref<2000x128xf32, #tpu.memory_space<vmem>>, vector<2000x128xf32>
    %mul3A = vector.broadcast %add3A_2 : f32 to vector<2000x128xf32>
    %mul3A_6 = arith.mulf %get3A_5, %mul3A : vector<2000x128xf32>
    %get3A_7 = arith.constant 0 : index
    %get3A_8 = arith.constant 0 : index
    %get3A_9 = arith.constant 0 : index
    %get3A_10 = vector.load %arg3[%get3A_7, %get3A_8, %get3A_9] : memref<1x2000x128xf32, #tpu.memory_space<vmem>>, vector<1x2000x128xf32>
    %get3A_11 = vector.shape_cast %get3A_10 : vector<1x2000x128xf32> to vector<2000x128xf32>
    %add3A_12 = arith.addf %mul3A_6, %get3A_11 : vector<2000x128xf32>
    %get3A_13 = arith.constant 0 : index
    %get3A_14 = arith.constant 0 : index
    %get3A_15 = arith.constant 0 : index
    %get3A_16 = vector.load %arg4[%get3A_13, %get3A_14, %get3A_15] : memref<1x2000x128xf32, #tpu.memory_space<vmem>>, vector<1x2000x128xf32>
    %get3A_17 = vector.shape_cast %get3A_16 : vector<1x2000x128xf32> to vector<2000x128xf32>
    %add3A_18 = arith.addf %add3A_12, %get3A_17 : vector<2000x128xf32>
    %get3A_19 = arith.constant 0 : index
    %get3A_20 = arith.constant 0 : index
    %get3A_21 = vector.load %arg7[%get3A_19, %get3A_20] : memref<1x128xf32, #tpu.memory_space<vmem>>, vector<1x128xf32>
    %mul3A_22 = arith.constant 0.999994993 : f32
    %mul3A_23 = vector.broadcast %mul3A_22 : f32 to vector<1x128xf32>
    %mul3A_24 = arith.mulf %get3A_21, %mul3A_23 : vector<1x128xf32>
    %get3A_25 = arith.constant 0 : index
    %get3A_26 = arith.constant 0 : index
    %get3A_27 = vector.load %arg5[%get3A_25, %get3A_26] : memref<128x128xf32, #tpu.memory_space<vmem>>, vector<128x128xf32>
    %mul3A_28 = vector.broadcast %mul3A_24 : vector<1x128xf32> to vector<128x128xf32>
    %mul3A_29 = arith.mulf %get3A_27, %mul3A_28 : vector<128x128xf32>
    %get3A_30 = arith.constant 0 : index
    %get3A_31 = arith.constant 0 : index
    %get3A_32 = vector.load %arg6[%get3A_30, %get3A_31] : memref<1x128xf32, #tpu.memory_space<vmem>>, vector<1x128xf32>
    %mul3A_33 = arith.mulf %get3A_32, %mul3A_24 : vector<1x128xf32>
    %get3A_34 = arith.constant 0 : index
    %get3A_35 = arith.constant 0 : index
    %get3A_36 = vector.load %arg8[%get3A_34, %get3A_35] : memref<1x128xf32, #tpu.memory_space<vmem>>, vector<1x128xf32>
    %add3A_37 = arith.addf %mul3A_33, %get3A_36 : vector<1x128xf32>
    %dot_general3A = arith.constant dense<0.000000e+00> : vector<2000x128xf32>
    %dot_general3A_38 = tpu.matmul %add3A_18, %mul3A_29, %dot_general3A {dimension_numbers = #tpu.dot_dimension_numbers<[1], [0], [0], [1], [0, 0, 1, 1], [], []>, precision = #tpu.contract_precision<fp32>, transpose_lhs_hint = false} : vector<2000x128xf32>, vector<128x128xf32>, vector<2000x128xf32> -> vector<2000x128xf32>
    %add3A_39 = vector.broadcast %add3A_37 : vector<1x128xf32> to vector<2000x128xf32>
    %add3A_40 = arith.addf %dot_general3A_38, %add3A_39 : vector<2000x128xf32>
    %max3A = arith.constant 0.000000e+00 : f32
    %max3A_41 = vector.broadcast %max3A : f32 to vector<2000x128xf32>
    %max3A_42 = arith.maximumf %add3A_40, %max3A_41 : vector<2000x128xf32>
    %get3A_43 = arith.constant 0 : index
    %get3A_44 = arith.constant 0 : index
    %get3A_45 = vector.load %arg9[%get3A_43, %get3A_44] : memref<128x128xf32, #tpu.memory_space<vmem>>, vector<128x128xf32>
    %dot_general3A_46 = arith.constant dense<0.000000e+00> : vector<2000x128xf32>
    %dot_general3A_47 = tpu.matmul %max3A_42, %get3A_45, %dot_general3A_46 {dimension_numbers = #tpu.dot_dimension_numbers<[1], [0], [0], [1], [0, 0, 1, 1], [], []>, precision = #tpu.contract_precision<fp32>, transpose_lhs_hint = false} : vector<2000x128xf32>, vector<128x128xf32>, vector<2000x128xf32> -> vector<2000x128xf32>
    %get3A_48 = arith.constant 0 : index
    %get3A_49 = arith.constant 0 : index
    %get3A_50 = vector.load %arg10[%get3A_48, %get3A_49] : memref<1x128xf32, #tpu.memory_space<vmem>>, vector<1x128xf32>
    %add3A_51 = vector.broadcast %get3A_50 : vector<1x128xf32> to vector<2000x128xf32>
    %add3A_52 = arith.addf %dot_general3A_47, %add3A_51 : vector<2000x128xf32>
    %max3A_53 = arith.constant 0.000000e+00 : f32
    %max3A_54 = vector.broadcast %max3A_53 : f32 to vector<2000x128xf32>
    %max3A_55 = arith.maximumf %add3A_52, %max3A_54 : vector<2000x128xf32>
    %swap3A = arith.constant 0 : index
    %swap3A_56 = arith.constant 0 : index
    %swap3A_57 = vector.load %arg11[%swap3A, %swap3A_56] : memref<2000x128xf32, #tpu.memory_space<vmem>>, vector<2000x128xf32>
    tpu.vector_store %arg11[%swap3A, %swap3A_56], %max3A_55 {strides = array<i32>} : memref<2000x128xf32, #tpu.memory_space<vmem>>, vector<2000x128xf32>,
    return
  }
  func.func @transform_0(%arg0: i32) -> (i32, i32) {
    %c0_i32 = arith.constant 0 : i32
    %c0_i32_0 = arith.constant 0 : i32
    %c0_i32_1 = arith.constant 0 : i32
    return %c0_i32, %c0_i32_0 : i32, i32
  }
  func.func @transform_1(%arg0: i32) -> (i32, i32) {
    %c0_i32 = arith.constant 0 : i32
    %c0_i32_0 = arith.constant 0 : i32
    return %arg0, %c0_i32 : i32, i32
  }
  func.func @transform_2(%arg0: i32) -> (i32, i32, i32) {
    %c0_i32 = arith.constant 0 : i32
    %c0_i32_0 = arith.constant 0 : i32
    %c0_i32_1 = arith.constant 0 : i32
    return %c0_i32, %arg0, %c0_i32_0 : i32, i32, i32
  }
  func.func @transform_3(%arg0: i32) -> (i32, i32, i32) {
    %c1_i32 = arith.constant 1 : i32
    %c0_i32 = arith.constant 0 : i32
    %c0_i32_0 = arith.constant 0 : i32
    return %c1_i32, %arg0, %c0_i32 : i32, i32, i32
  }
  func.func @transform_4(%arg0: i32) -> (i32, i32) {
    %c0_i32 = arith.constant 0 : i32
    %c0_i32_0 = arith.constant 0 : i32
    %c0_i32_1 = arith.constant 0 : i32
    return %c0_i32, %c0_i32_0 : i32, i32
  }
  func.func @transform_5(%arg0: i32) -> (i32, i32) {
    %c0_i32 = arith.constant 0 : i32
    %c0_i32_0 = arith.constant 0 : i32
    %c0_i32_1 = arith.constant 0 : i32
    return %c0_i32, %c0_i32_0 : i32, i32
  }
  func.func @transform_6(%arg0: i32) -> (i32, i32) {
    %c0_i32 = arith.constant 0 : i32
    %c0_i32_0 = arith.constant 0 : i32
    %c0_i32_1 = arith.constant 0 : i32
    return %c0_i32, %c0_i32_0 : i32, i32
  }
  func.func @transform_7(%arg0: i32) -> (i32, i32) {
    %c0_i32 = arith.constant 0 : i32
    %c0_i32_0 = arith.constant 0 : i32
    %c0_i32_1 = arith.constant 0 : i32
    return %c0_i32, %c0_i32_0 : i32, i32
  }
  func.func @transform_8(%arg0: i32) -> (i32, i32) {
    %c0_i32 = arith.constant 0 : i32
    %c0_i32_0 = arith.constant 0 : i32
    %c0_i32_1 = arith.constant 0 : i32
    return %c0_i32, %c0_i32_0 : i32, i32
  }
  func.func @transform_9(%arg0: i32) -> (i32, i32) {
    %c0_i32 = arith.constant 0 : i32
    %c0_i32_0 = arith.constant 0 : i32
    %c0_i32_1 = arith.constant 0 : i32
    return %c0_i32, %c0_i32_0 : i32, i32
  }
  func.func @transform_10(%arg0: i32) -> (i32, i32) {
    %c0_i32 = arith.constant 0 : i32
    %c0_i32_0 = arith.constant 0 : i32
    return %arg0, %c0_i32 : i32, i32
  }
}

module attributes {stable_mosaic.version = 14 : i64} {
  func.func @body(%arg0: i32, %arg1: memref<1x1xf32, #tpu.memory_space<smem>>, %arg2: memref<2000x128xf32, #tpu.memory_space<vmem>>, %arg3: memref<1x2000x128xf32, #tpu.memory_space<vmem>>, %arg4: memref<1x2000x128xf32, #tpu.memory_space<vmem>>, %arg5: memref<128x128xf32, #tpu.memory_space<vmem>>, %arg6: memref<1x128xf32, #tpu.memory_space<vmem>>, %arg7: memref<1x128xf32, #tpu.memory_space<vmem>>, %arg8: memref<1x128xf32, #tpu.memory_space<vmem>>, %arg9: memref<128x128xf32, #tpu.memory_space<vmem>>, %arg10: memref<1x128xf32, #tpu.memory_space<vmem>>, %arg11: memref<2000x128xf32, #tpu.memory_space<vmem>>) attributes {dimension_semantics = [#tpu.dimension_semantics<arbitrary>], iteration_bounds = array<i64: 5>, scalar_prefetch = 0 : i64, scratch_operands = 0 : i64, tpu.core_type = #tpu.core_type<tc>, window_params = [{transform_indices = @transform_0, window_bounds = array<i64: 1, 1>}, {transform_indices = @transform_1, window_bounds = array<i64: 2000, 128>}, {transform_indices = @transform_2, window_bounds = array<i64: 1, 2000, 128>}, {transform_indices = @transform_3, window_bounds = array<i64: 1, 2000, 128>}, {pipeline_mode = #tpu.pipeline_mode<synchronous>, transform_indices = @transform_4, window_bounds = array<i64: 128, 128>}, {pipeline_mode = #tpu.pipeline_mode<synchronous>, transform_indices = @transform_5, window_bounds = array<i64: 1, 128>}, {pipeline_mode = #tpu.pipeline_mode<synchronous>, transform_indices = @transform_6, window_bounds = array<i64: 1, 128>}, {pipeline_mode = #tpu.pipeline_mode<synchronous>, transform_indices = @transform_7, window_bounds = array<i64: 1, 128>}, {pipeline_mode = #tpu.pipeline_mode<synchronous>, transform_indices = @transform_8, window_bounds = array<i64: 128, 128>}, {pipeline_mode = #tpu.pipeline_mode<synchronous>, transform_indices = @transform_9, window_bounds = array<i64: 1, 128>}, {transform_indices = @transform_10, window_bounds = array<i64: 2000, 128>}]} {
    %get3A = arith.constant 0 : index
    %get3A_0 = arith.constant 0 : index
    %get3A_1 = memref.load %arg1[%get3A, %get3A_0] : memref<1x1xf32, #tpu.memory_space<smem>>
    %add3A = arith.constant 1.000000e+00 : f32
    %add3A_2 = arith.addf %add3A, %get3A_1 : f32
    %get3A_3 = arith.constant 0 : index
    %get3A_4 = arith.constant 0 : index
    %get3A_5 = vector.load %arg2[%get3A_3, %get3A_4] : memref<2000x128xf32, #tpu.memory_space<vmem>>, vector<2000x128xf32>
    %mul3A = vector.broadcast %add3A_2 : f32 to vector<2000x128xf32>
    %mul3A_6 = arith.mulf %get3A_5, %mul3A : vector<2000x128xf32>
    %get3A_7 = arith.constant 0 : index
    %get3A_8 = arith.constant 0 : index
    %get3A_9 = arith.constant 0 : index
    %get3A_10 = vector.load %arg3[%get3A_7, %get3A_8, %get3A_9] : memref<1x2000x128xf32, #tpu.memory_space<vmem>>, vector<1x2000x128xf32>
    %get3A_11 = vector.shape_cast %get3A_10 : vector<1x2000x128xf32> to vector<2000x128xf32>
    %add3A_12 = arith.addf %mul3A_6, %get3A_11 : vector<2000x128xf32>
    %get3A_13 = arith.constant 0 : index
    %get3A_14 = arith.constant 0 : index
    %get3A_15 = arith.constant 0 : index
    %get3A_16 = vector.load %arg4[%get3A_13, %get3A_14, %get3A_15] : memref<1x2000x128xf32, #tpu.memory_space<vmem>>, vector<1x2000x128xf32>
    %get3A_17 = vector.shape_cast %get3A_16 : vector<1x2000x128xf32> to vector<2000x128xf32>
    %add3A_18 = arith.addf %add3A_12, %get3A_17 : vector<2000x128xf32>
    %get3A_19 = arith.constant 0 : index
    %get3A_20 = arith.constant 0 : index
    %get3A_21 = vector.load %arg7[%get3A_19, %get3A_20] : memref<1x128xf32, #tpu.memory_space<vmem>>, vector<1x128xf32>
    %mul3A_22 = arith.constant 0.999994993 : f32
    %mul3A_23 = vector.broadcast %mul3A_22 : f32 to vector<1x128xf32>
    %mul3A_24 = arith.mulf %get3A_21, %mul3A_23 : vector<1x128xf32>
    %get3A_25 = arith.constant 0 : index
    %get3A_26 = arith.constant 0 : index
    %get3A_27 = vector.load %arg5[%get3A_25, %get3A_26] : memref<128x128xf32, #tpu.memory_space<vmem>>, vector<128x128xf32>
    %mul3A_28 = vector.broadcast %mul3A_24 : vector<1x128xf32> to vector<128x128xf32>
    %mul3A_29 = arith.mulf %get3A_27, %mul3A_28 : vector<128x128xf32>
    %get3A_30 = arith.constant 0 : index
    %get3A_31 = arith.constant 0 : index
    %get3A_32 = vector.load %arg6[%get3A_30, %get3A_31] : memref<1x128xf32, #tpu.memory_space<vmem>>, vector<1x128xf32>
    %mul3A_33 = arith.mulf %get3A_32, %mul3A_24 : vector<1x128xf32>
    %get3A_34 = arith.constant 0 : index
    %get3A_35 = arith.constant 0 : index
    %get3A_36 = vector.load %arg8[%get3A_34, %get3A_35] : memref<1x128xf32, #tpu.memory_space<vmem>>, vector<1x128xf32>
    %add3A_37 = arith.addf %mul3A_33, %get3A_36 : vector<1x128xf32>
    %dot_general3A = arith.constant dense<0.000000e+00> : vector<2000x128xf32>
    %dot_general3A_38 = tpu.matmul %add3A_18, %mul3A_29, %dot_general3A {dimension_numbers = #tpu.dot_dimension_numbers<[1], [0], [0], [1], [0, 0, 1, 1], [], []>, precision = #tpu.contract_precision<fp32>, transpose_lhs_hint = false} : vector<2000x128xf32>, vector<128x128xf32>, vector<2000x128xf32> -> vector<2000x128xf32>
    %add3A_39 = vector.broadcast %add3A_37 : vector<1x128xf32> to vector<2000x128xf32>
    %add3A_40 = arith.addf %dot_general3A_38, %add3A_39 : vector<2000x128xf32>
    %max3A = arith.constant 0.000000e+00 : f32
    %max3A_41 = vector.broadcast %max3A : f32 to vector<2000x128xf32>
    %max3A_42 = arith.maximumf %add3A_40, %max3A_41 : vector<2000x128xf32>
    %get3A_43 = arith.constant 0 : index
    %get3A_44 = arith.constant 0 : index
    %get3A_45 = vector.load %arg9[%get3A_43, %get3A_44] : memref<128x128xf32, #tpu.memory_space<vmem>>, vector<128x128xf32>
    %dot_general3A_46 = arith.constant dense<0.000000e+00> : vector<2000x128xf32>
    %dot_general3A_47 = tpu.matmul %max3A_42, %get3A_45, %dot_general3A_46 {dimension_numbers = #tpu.dot_dimension_numbers<[1], [0], [0], [1], [0, 0, 1, 1], [], []>, precision = #tpu.contract_precision<fp32>, transpose_lhs_hint = false} : vector<2000x128xf32>, vector<128x128xf32>, vector<2000x128xf32> -> vector<2000x128xf32>
    %get3A_48 = arith.constant 0 : index
    %get3A_49 = arith.constant 0 : index
    %get3A_50 = vector.load %arg10[%get3A_48, %get3A_49] : memref<1x128xf32, #tpu.memory_space<vmem>>, vector<1x128xf32>
    %add3A_51 = vector.broadcast %get3A_50 : vector<1x128xf32> to vector<2000x128xf32>
    %add3A_52 = arith.addf %dot_general3A_47, %add3A_51 : vector<2000x128xf32>
    %swap3A = arith.constant 0 : index
    %swap3A_53 = arith.constant 0 : index
    %swap3A_54 = vector.load %arg11[%swap3A, %swap3A_53] : memref<2000x128xf32, #tpu.memory_space<vmem>>, vector<2000x128xf32>
    tpu.vector_store %arg11[%swap3A, %swap3A_53], %add3A_52 {strides = array<i32>} : memref<2000x128xf32, #tpu.memory_space<vmem>>, vector<2000x128xf32>,
    return
  }
  func.func @transform_0(%arg0: i32) -> (i32, i32) {
    %c0_i32 = arith.constant 0 : i32
    %c0_i32_0 = arith.constant 0 : i32
    %c0_i32_1 = arith.constant 0 : i32
    return %c0_i32, %c0_i32_0 : i32, i32
  }
  func.func @transform_1(%arg0: i32) -> (i32, i32) {
    %c0_i32 = arith.constant 0 : i32
    %c0_i32_0 = arith.constant 0 : i32
    return %arg0, %c0_i32 : i32, i32
  }
  func.func @transform_2(%arg0: i32) -> (i32, i32, i32) {
    %c0_i32 = arith.constant 0 : i32
    %c0_i32_0 = arith.constant 0 : i32
    %c0_i32_1 = arith.constant 0 : i32
    return %c0_i32, %arg0, %c0_i32_0 : i32, i32, i32
  }
  func.func @transform_3(%arg0: i32) -> (i32, i32, i32) {
    %c1_i32 = arith.constant 1 : i32
    %c0_i32 = arith.constant 0 : i32
    %c0_i32_0 = arith.constant 0 : i32
    return %c1_i32, %arg0, %c0_i32 : i32, i32, i32
  }
  func.func @transform_4(%arg0: i32) -> (i32, i32) {
    %c0_i32 = arith.constant 0 : i32
    %c0_i32_0 = arith.constant 0 : i32
    %c0_i32_1 = arith.constant 0 : i32
    return %c0_i32, %c0_i32_0 : i32, i32
  }
  func.func @transform_5(%arg0: i32) -> (i32, i32) {
    %c0_i32 = arith.constant 0 : i32
    %c0_i32_0 = arith.constant 0 : i32
    %c0_i32_1 = arith.constant 0 : i32
    return %c0_i32, %c0_i32_0 : i32, i32
  }
  func.func @transform_6(%arg0: i32) -> (i32, i32) {
    %c0_i32 = arith.constant 0 : i32
    %c0_i32_0 = arith.constant 0 : i32
    %c0_i32_1 = arith.constant 0 : i32
    return %c0_i32, %c0_i32_0 : i32, i32
  }
  func.func @transform_7(%arg0: i32) -> (i32, i32) {
    %c0_i32 = arith.constant 0 : i32
    %c0_i32_0 = arith.constant 0 : i32
    %c0_i32_1 = arith.constant 0 : i32
    return %c0_i32, %c0_i32_0 : i32, i32
  }
  func.func @transform_8(%arg0: i32) -> (i32, i32) {
    %c0_i32 = arith.constant 0 : i32
    %c0_i32_0 = arith.constant 0 : i32
    %c0_i32_1 = arith.constant 0 : i32
    return %c0_i32, %c0_i32_0 : i32, i32
  }
  func.func @transform_9(%arg0: i32) -> (i32, i32) {
    %c0_i32 = arith.constant 0 : i32
    %c0_i32_0 = arith.constant 0 : i32
    %c0_i32_1 = arith.constant 0 : i32
    return %c0_i32, %c0_i32_0 : i32, i32
  }
  func.func @transform_10(%arg0: i32) -> (i32, i32) {
    %c0_i32 = arith.constant 0 : i32
    %c0_i32_0 = arith.constant 0 : i32
    return %arg0, %c0_i32 : i32, i32
  }
}

</mosaic_0001>

<sc_bundles>
// kernel: kernel.11.cloned.1.call-start
scs
__scs_entry_jumppad:
0x0: {  	(pc) =	sbr.rel $0x88, $3  }
0x1: {  	(tag) =	ssettag $0x0;
	lr =	simm.s32 $0x1  }
0x2: {  	[smem:$0x3F8A] =	sst lr;
	_ =	strace $0xD0000000  }
0x3: {  	_ = 	snop  }
0x4: {  	_ = 	snop  }
0x5: {  	_ = 	snop  }
0x6: {  	_ = 	snop  }
0x7: {  	_ = 	snop  }
__scs_overlays_trampoline_lowered:
0x8: {  	[smem:$0x3F99] =	sst s0  }
0x9: {  	[smem:$0x3F9A] =	sst s1  }
0xa: {  	[smem:$0x3F9B] =	sst s2  }
0xb: {  	[smem:$0x3F9C] =	sst s3  }
0xc: {  	[smem:$0x3F9D] =	sst s4  }
0xd: {  	[smem:$0x3F9E] =	sst s5  }
0xe: {  	[smem:$0x3F9F] =	sst s6  }
0xf: {  	[smem:$0x3FA0] =	sst s7  }
0x10: {  	[smem:$0x3FA1] =	sst s8  }
0x11: {  	[smem:$0x3FA2] =	sst s9;
	s0 =	simm.s32 @!p0 $0x0  }
0x12: {  	s1 =	sld [smem:$0x3F88];
	s0 =	simm.s32 @p0 $0x1  }
0x13: {  	[smem:$0x3FA3] =	sst s0;
	s0 =	simm.s32 @!p1 $0x0  }
0x14: {  	s2 =	sld [smem:$0x3F87];
	s0 =	simm.s32 @p1 $0x1  }
0x15: {  	[smem:$0x3FA4] =	sst s0;
	s0 =	simm.s32 @!p2 $0x0  }
0x16: {  	s3 =	sld [smem:$0x3FDB];
	s0 =	simm.s32 @p2 $0x1  }
0x17: {  	s4 =	simm.s32 $0x1BF5;
	[smem:$0x3FA6] =	sst s0  }
0x18: {  	s0 =	sld [smem:$0x3F89];
	_ =	swait.ge [sflag:s4], $0x0  }
0x19: {  	s7 =	sld [smem:$0x3F8A]  }
0x1a: {  	s8 =	sadd.s32 $0xFFFFE003, lr  }
0x1b: {  	s9 =	sadd.s32 $0xFFFFFEF7, lr;
	s5 =	simm.s32 $0xFFFFFFFF;
	p2 =	slt.u32 s8, $0xFFFFF086  }
0x1c: {  	p1 =	slt.u32 s9, $0xF7A;
	s5 =	simm.s32 @!p2 $0x0  }
0x1d: {  	s5 =	simm.s32 @p1 $0x1;
	p0 =	seq.s32 s7, s2  }
0x1e: {  	s7 =	smul.u32 @!p0 $0xF7A, s2;
	p2 =	seq.s32 @!p0 s5, $0x0  }
0x1f: {  	s9 =	smul.u32 $0xF7A, s1;
	s8 =	simm.s32 @!p0 $0x1BF5;
	p2 =	por !p2, p0  }
0x20: {  	[sflag:s8] =	ssyncset.s32 @!p0 $0xFFFFF086;
	s6 =	sadd.s32 @!p0 s3, s7;
	s7 =	simm.s32 @!p0 $0x108  }
0x21: {  	s3 =	sadd.s32 s3, s9;
	s6 =	sadd.s32 @!p0 $0x88, s6;
	s7 =	simm.s32 @p2 $0x1082  }
0x22: {  	[simem:s7], [sflag:s8] =	dma.local @!p0 [hbm:s6], $0xF7A  }
0x23: {  	s9 =	sor.u32 $0xD0000000, s2;
	s6 =	simm.s32 $0x108;
	_ =	swait.ge @!p0 [sflag:s8], $0x0  }
0x24: {  	s3 =	sadd.s32 $0x88, s3;
	s6 =	simm.s32 @!p1 $0x1082;
	[sflag:s4] =	ssyncset.s32 $0xFFFFF086  }
0x25: {  	[simem:s6], [sflag:s4] =	dma.local [hbm:s3], $0xF7A  }
0x26: {  	[smem:$0x3F8A] =	sst s1;
	(tag) =	ssettag s2;
	_ =	strace s9  }
0x27: {  	s1 =	sld [smem:$0x3F9A]  }
0x28: {  	s2 =	sld [smem:$0x3F9B]  }
0x29: {  	s4 =	sld [smem:$0x3F9D]  }
0x2a: {  	p0 =	seq.s32 s5, $0x0;
	s5 =	sld [smem:$0x3F9E]  }
0x2b: {  	s6 =	sld [smem:$0x3F9F]  }
0x2c: {  	s7 =	sld [smem:$0x3FA0]  }
0x2d: {  	s3 =	simm.s32 $0x108;
	s8 =	sld [smem:$0x3FA1]  }
0x2e: {  	s3 =	simm.s32 @!p0 $0x1082;
	s9 =	sld [smem:$0x3FA2]  }
0x2f: {  	lr =	sadd.s32 s0, s3;
	s0 =	sld [smem:$0x3F99]  }
0x30: {  	s3 =	sld [smem:$0x3F9C]  }
0x31: {  	[smem:$0x3FA5] =	sst s10  }
0x32: {  	s10 =	sld [smem:$0x3FA3];
	_ =	sdelay $0x3  }
0x33: {  	p0 =	seq.s32 s10, $0x1;
	s10 =	sld [smem:$0x3FA5];
	_ =	sdelay $0x3  }
0x34: {  	[smem:$0x3FA5] =	sst s10  }
0x35: {  	s10 =	sld [smem:$0x3FA4];
	_ =	sdelay $0x3  }
0x36: {  	p1 =	seq.s32 s10, $0x1;
	s10 =	sld [smem:$0x3FA5];
	_ =	sdelay $0x3  }
0x37: {  	[smem:$0x3FA5] =	sst s10  }
0x38: {  	s10 =	sld [smem:$0x3FA6]  }
0x39: {  	_ = 	snop;
	(pc) =	sbr.ind lr, $3  }
0x3a: {  	_ = 	snop  }
0x3b: {  	_ = 	snop  }
0x3c: {  	p2 =	seq.s32 s10, $0x1;
	s10 =	sld [smem:$0x3FA5]  }
0x3d: {  	_ =	shalt  }
0x3e: {  	_ =	shalt  }
0x3f: {  	_ =	shalt  }
0x40: {  	_ =	shalt  }
0x41: {  	_ =	shalt  }
0x42: {  	_ =	shalt  }
0x43: {  	_ =	shalt  }
0x44: {  	_ =	shalt  }
0x45: {  	_ =	shalt  }
0x46: {  	_ =	shalt  }
0x47: {  	_ =	shalt  }
0x48: {  	_ =	shalt  }
0x49: {  	_ =	shalt  }
0x4a: {  	_ =	shalt  }
0x4b: {  	_ =	shalt  }
0x4c: {  	_ =	shalt  }
0x4d: {  	_ =	shalt  }
0x4e: {  	_ =	shalt  }
0x4f: {  	_ =	shalt  }
0x50: {  	_ =	shalt  }
0x51: {  	_ =	shalt  }
0x52: {  	_ =	shalt  }
0x53: {  	_ =	shalt  }
0x54: {  	_ =	shalt  }
0x55: {  	_ =	shalt  }
0x56: {  	_ =	shalt  }
0x57: {  	_ =	shalt  }
0x58: {  	_ =	shalt  }
0x59: {  	_ =	shalt  }
0x5a: {  	_ =	shalt  }
0x5b: {  	_ =	shalt  }
0x5c: {  	_ =	shalt  }
0x5d: {  	_ =	shalt  }
0x5e: {  	_ =	shalt  }
0x5f: {  	_ =	shalt  }
0x60: {  	_ =	shalt  }
0x61: {  	_ =	shalt  }
0x62: {  	_ =	shalt  }
0x63: {  	_ =	shalt  }
0x64: {  	_ =	shalt  }
0x65: {  	_ =	shalt  }
0x66: {  	_ =	shalt  }
0x67: {  	_ =	shalt  }
0x68: {  	_ =	shalt  }
0x69: {  	_ =	shalt  }
0x6a: {  	_ =	shalt  }
0x6b: {  	_ =	shalt  }
0x6c: {  	_ =	shalt  }
0x6d: {  	_ =	shalt  }
0x6e: {  	_ =	shalt  }
0x6f: {  	_ =	shalt  }
0x70: {  	_ =	shalt  }
0x71: {  	_ =	shalt  }
0x72: {  	_ =	shalt  }
0x73: {  	_ =	shalt  }
0x74: {  	_ =	shalt  }
0x75: {  	_ =	shalt  }
0x76: {  	_ =	shalt  }
0x77: {  	_ =	shalt  }
0x78: {  	_ =	shalt  }
0x79: {  	_ =	shalt  }
0x7a: {  	_ =	shalt  }
0x7b: {  	_ =	shalt  }
0x7c: {  	_ =	shalt  }
0x7d: {  	_ =	shalt  }
0x7e: {  	_ =	shalt  }
0x7f: {  	_ =	shalt  }
0x80: {  	_ =	shalt  }
0x81: {  	_ =	shalt  }
0x82: {  	_ =	shalt  }
0x83: {  	_ =	shalt  }
0x84: {  	_ =	shalt  }
0x85: {  	_ =	shalt  }
0x86: {  	_ =	shalt  }
0x87: {  	_ =	shalt  }
.Lfunc_end0:
.L_simem_size_0:
called_computation.1_lowered:
.L_overlay_start_0:
0x88: {  	s2 =	sld [smem:$0x3FD9]  }
0x89: {  	s3 =	sld [smem:$0x3FFE];
	_ =	sdelay $0x1  }
0x8a: {  	s1 =	srdreg.scid  }
0x8b: {  	s0 =	sand.u32 $0x1, s1  }
0x8c: {  	s17 =	sshll.u32 s0, $0xA;
	s2 =	sadd.s32 s3, s2  }
0x8d: {  	s2 =	sadd.s32 s2, s17  }
0x8e: {  	[smem:$0x3FB1] =	sst s2  }
0x8f: {  	_ = 	snop  }
0x90: {  	s2 =	sld [smem:$0x3FD0];
	(tm) =	ssettm $0x1  }
0x91: {  	s18 =	sld [smem:$0x3FFB];
	_ =	sdelay $0x3  }
0x92: {  	_ =	strace s18  }
0x93: {  	s3 =	sld [smem:$0x3FFC];
	_ =	sdelay $0x3  }
0x94: {  	_ =	strace s3  }
0x95: {  	s3 =	sld [smem:$0x3FFD];
	_ =	sdelay $0x3  }
0x96: {  	_ =	strace s3  }
0x97: {  	_ =	strace $0x8FFFFFFF  }
0x98: {  	s19 =	sld [smem:$0x3FDB];
	_ =	sdelay $0x1  }
0x99: {  	s4 =	simm.s32 $_scs_section_size  }
0x9a: {  	s5 =	simm.s32 $_size__tile_overlayer_lowered;
	s6 =	simm.s32 $_tile_overlayer_lowered  }
0x9b: {  	s22 =	simm.s32 $0x1BFF;
	s21 =	sshll.u32 s6, $0x1;
	s3 =	sadd.s32 s4, s19  }
0x9c: {  	s7 =	simm.s32 $0x0;
	s20 =	sshll.u32 s5, $0x1;
	s5 =	sadd.s32 s21, s3  }
0x9d: {  	[timem:s7], [sflag:s22] =	dma.local [hbm:s5], s20  }
0x9e: {  	_ =	swait.ge [sflag:s22], s20  }
0x9f: {  	s4 =	ssub.s32 $0x0, s20;
	[sflag:s22] =	ssyncset.done $0x0  }
0xa0: {  	[sflag:s22] =	ssyncadd.s32 s4;
	_ =	sdelay $0x1  }
0xa1: {  	s23 =	simm.s32 $0x1B8B  }
0xa2: {  	_ =	swait.ge [sflag:s23], $0x1  }
0xa3: {  	[sflag:s23] =	ssyncset.done $0x0  }
0xa4: {  	s25 =	simm.s32 $0x1B8E;
	s24 =	sld [smem:$0x3FFE];
	[sflag:s23] =	ssyncadd.s32 $0xFFFFFFFF  }
0xa5: {  	s26 =	simm.s32 $execute0_lowered;
	[smem:$0x3FD2] =	sst s25  }
0xa6: {  	s5 =	sshll.u32 s26, $0x1;
	_ =	strace $0x80000049;
	[dreg:$0x1] =	wrdreg $0xFFFFFFFF  }
0xa7: {  	s28 =	simm.s32 $_size_execute0_lowered;
	s3 =	sadd.s32 s3, s5;
	[dreg:$0x0] =	wrdreg $0x0  }
0xa8: {  	s5 =	sshll.u32 s28, $0x1;
	[dreg:$0x2] =	wrdreg s3  }
0xa9: {  	[dreg:$0x3] =	wrdreg s5  }
0xaa: {  	[dreg:$0x4] =	wrdreg $0xC0  }
0xab: {  	_ =	task [dreg:s7], $0x5FFFF  }
0xac: {  	[dreg:$0x1] =	wrdreg $0xFFFFFFFF  }
0xad: {  	[dreg:$0x0] =	wrdreg $0x60  }
0xae: {  	[dreg:$0x2] =	wrdreg s2  }
0xaf: {  	[dreg:$0x3] =	wrdreg s24  }
0xb0: {  	[dreg:$0x4] =	wrdreg $0xB0000  }
0xb1: {  	[dreg:$0x5] =	wrdreg $0x9  }
0xb2: {  	_ =	task.clear_ibuf [dreg:s7], $0x6FFFF;
	_ =	strace $0x90000049  }
0xb3: {  	s29 =	simm.s32 $0x9;
	_ =	strace $0x8000004B  }
0xb4: {  	_ =	swait.ge [sflag:s29], $0x1  }
0xb5: {  	[sflag:s29] =	ssyncadd.s32 $0xFFFFFFFF  }
0xb6: {  	_ =	strace $0x9000004B  }
0xb7: {  	_ =	sfence  }
0xb8: {  	s30 =	sld [smem:$0x0];
	_ =	sdelay $0x2  }
0xb9: {  	s31 =	sshll.u32 s1, $0xD;
	s1 =	sshrl.u32 s1, $0x2  }
0xba: {  	s3 =	sand.u32 $0x4000, s31;
	s1 =	sadd.s32 s1, s30  }
0xbb: {  	s0 =	sor.u32 s3, s0;
	s1 =	sshll.u32 s1, $0x11  }
0xbc: {  	s0 =	sor.u32 s1, s0  }
0xbd: {  	s0 =	sadd.s32 $0x8F2B, s0  }
0xbe: {  	[sflag:s0] =	ssyncadd.remote.s32 $0x1  }
0xbf: {  	_ =	sfence.sel $0xFFFF  }
0xc0: {  	[dreg:$0x0] =	wrdreg $0xFFFFFFFF;
	(pc) =	sbr.abs _section_cstart, $3  }
0xc1: {  	[dreg:$0x1] =	wrdreg $0xFFFFFFFF  }
0xc2: {  	_ =	task.clear_ibuf [dreg:s7], $0x2FFFF;
	_ =	strace $0x9FFFFFFF  }
0xc3: {  	(tm) =	ssettm $0x7FFFFFFF  }
tec
execute0_lowered:
.L_overlay_start_1:
0x0: {  	(tag) =	ssettag $0x1  }
0x1: {  	s0 =	rddreg [dreg:$0x0]  }
0x2: {  	s1 =	rddreg [dreg:$0x1]  }
0x3: {  	s2 =	srdreg.scid;
	s4 =	rddreg [dreg:$0x2]  }
0x4: {  	s10 =	stileid.u32;
	s3 =	simm.s32 $0x0;
	s2 =	sand.u32 $0x1, s2  }
0x5: {  	s6 =	smul.u32 $0x14000, s10;
	[smem:$0x7FF] =	sst s3;
	s9 =	sshll.u32 s10, $0xE  }
0x6: {  	s5 =	smul.u32 $0x140000, s2;
	s25 =	ssub.s32 $0x2, s2;
	s2 =	sshll.u32 s2, $0x12  }
0x7: {  	s7 =	sadd.s32 $0x4000, s1;
	s10 =	smul.u32 $0x50000, s10;
	s2 =	sor.u32 s9, s2  }
0x8: {  	s8 =	sadd.s32 $0x14000, s1;
	_ =	strace $0x8000004A;
	s9 =	sshrl.u32 s2, $0x3  }
0x9: {  	s11 =	sshrl.u32 s10, $0x2;
	s5 =	sadd.s32 s6, s5;
	s6 =	sadd.s32 s8, s9  }
0xa: {  	s12 =	sadd.s32 s7, s9;
	[dreg:$0x5] =	wrdreg s6;
	s6 =	sadd.s32 s11, s4  }
0xb: {  	[dreg:$0x4] =	wrdreg s12;
	s4 =	sadd.s32 $0x800, s6  }
0xc: {  	s13 =	sadd.s32 $0x1000, s6;
	[dreg:$0x6] =	wrdreg s4  }
0xd: {  	s14 =	sadd.s32 $0x1800, s6;
	[dreg:$0x7] =	wrdreg s13  }
0xe: {  	s15 =	sadd.s32 $0x2000, s6;
	[dreg:$0x8] =	wrdreg s14  }
0xf: {  	s16 =	sadd.s32 $0x2800, s6;
	[dreg:$0x9] =	wrdreg s15  }
0x10: {  	s17 =	sadd.s32 $0x3000, s6;
	[dreg:$0xa] =	wrdreg s16  }
0x11: {  	s18 =	sadd.s32 $0x3800, s6;
	[dreg:$0xb] =	wrdreg s17  }
0x12: {  	s19 =	sadd.s32 $0x4000, s6;
	[dreg:$0xc] =	wrdreg s18  }
0x13: {  	s20 =	sadd.s32 $0x4800, s6;
	[dreg:$0xd] =	wrdreg s19  }
0x14: {  	s21 =	sadd.s32 $0x5000, s6;
	[dreg:$0xe] =	wrdreg s20  }
0x15: {  	s26 =	sshrl.u32 s25, $0x1;
	s22 =	sadd.s32 $0x5800, s6;
	[dreg:$0xf] =	wrdreg s21  }
0x16: {  	s5 =	sshrl.u32 s5, $0x3;
	s23 =	sadd.s32 $0x6000, s6;
	[dreg:$0x10] =	wrdreg s22  }
0x17: {  	s1 =	sadd.s32 s5, s1;
	s24 =	sadd.s32 $0x6800, s6;
	[dreg:$0x11] =	wrdreg s23  }
0x18: {  	s5 =	ssub.s32 s25, s26;
	s25 =	sadd.s32 $0x7000, s6;
	[dreg:$0x12] =	wrdreg s24  }
0x19: {  	s26 =	sadd.s32 $0x7800, s6;
	[dreg:$0x13] =	wrdreg s25  }
0x1a: {  	s1 =	sadd.s32 $0x24000, s1;
	[dreg:$0x14] =	wrdreg s26  }
0x1b: {  	s9 =	sadd.s32 $0x9800, s6;
	[dreg:$0x15] =	wrdreg s1  }
0x1c: {  	s10 =	sadd.s32 $0xA000, s6;
	[dreg:$0x1a] =	wrdreg s9  }
0x1d: {  	s11 =	sadd.s32 $0xA800, s6;
	[dreg:$0x1b] =	wrdreg s10  }
0x1e: {  	s12 =	sadd.s32 $0xB000, s6;
	[dreg:$0x1c] =	wrdreg s11  }
0x1f: {  	s2 =	sor.u32 $0x200, s2;
	s4 =	smax.u32 s5, $0x1;
	[dreg:$0x1d] =	wrdreg s12  }
0x20: {  	s2 =	sshrl.u32 s2, $0x3;
	s5 =	sadd.s32 $0x8000, s6;
	[dreg:$0x16] =	wrdreg s4  }
0x21: {  	s22 =	sadd.s32 s2, s7;
	s7 =	sadd.s32 $0x8800, s6;
	[dreg:$0x17] =	wrdreg s5  }
0x22: {  	s21 =	sadd.s32 s2, s8;
	s8 =	sadd.s32 $0x9000, s6;
	[dreg:$0x18] =	wrdreg s7  }
0x23: {  	s13 =	sadd.s32 $0xB800, s6;
	[dreg:$0x19] =	wrdreg s8  }
0x24: {  	s14 =	sadd.s32 $0xC000, s6;
	[dreg:$0x1e] =	wrdreg s13  }
0x25: {  	s15 =	sadd.s32 $0xC800, s6;
	[dreg:$0x1f] =	wrdreg s14  }
0x26: {  	s16 =	sadd.s32 $0xD000, s6;
	[smem:$0x7F4] =	sst s15  }
0x27: {  	s17 =	sadd.s32 $0xD800, s6;
	[smem:$0x7F5] =	sst s16  }
0x28: {  	s18 =	sadd.s32 $0xE000, s6;
	[smem:$0x7F6] =	sst s17  }
0x29: {  	s19 =	sadd.s32 $0xE800, s6;
	[smem:$0x7F7] =	sst s18  }
0x2a: {  	s28 =	simm.s32 $0x3000;
	s20 =	sadd.s32 $0xF000, s6;
	[smem:$0x7F8] =	sst s19  }
0x2b: {  	s29 =	simm.s32 $0x5800;
	s23 =	sadd.s32 $0xF800, s6;
	[smem:$0x7F9] =	sst s20  }
0x2c: {  	s30 =	simm.s32 $0x8000;
	s24 =	sadd.s32 $0x10000, s6;
	[smem:$0x7FA] =	sst s23  }
0x2d: {  	s31 =	simm.s32 $0xA800;
	s25 =	sadd.s32 $0x10800, s6;
	[smem:$0x7FB] =	sst s24  }
0x2e: {  	s26 =	sadd.s32 $0x11000, s6;
	s1 =	simm.s32 $0x1;
	[smem:$0x7FC] =	sst s25  }
0x2f: {  	s2 =	simm.s32 $0x2;
	s9 =	simm.s32 $0x0;
	[smem:$0x7FD] =	sst s26  }
0x30: {  	s17 =	sadd.s32 $0x11800, s6;
	s18 =	sadd.s32 $0x12000, s6;
	s19 =	sadd.s32 $0x12800, s6  }
0x31: {  	s20 =	sadd.s32 $0x13000, s6;
	s23 =	sadd.s32 $0x13800, s6;
	s24 =	simm.s32 $0x7  }
0x32: {  	s25 =	simm.s32 $0x50;
	s26 =	simm.s32 $0x800;
	s4 =	simm.s32 $0x5  }
0x33: {  	v0 =	vimm.f32 $0.0e+00;
	s5 =	simm.s32 $0x6;
	s7 =	simm.s32 $0x3;
	s8 =	simm.s32 $0x4  }
.LBB2_1:
0x34: {  	s10 =	rddreg [dreg:$0x4]  }
0x35: {  	[tilespmem:s3], [sflag:$0x7] =	stream.linear.gather [hbm4b:s10+s3], $0x200, $0x38;
	[tilespmem:$0x1F000] =	vst v63  }
0x36: {  	_ =	swait.ge [sflag:s24], $0x200  }
0x37: {  	[sflag:s24] =	ssyncset.done $0x0  }
0x38: {  	s11 =	simm.s32 $0x400;
	s16 =	rddreg [dreg:$0x5];
	[sflag:s24] =	ssyncadd.s32 $0xFFFFFE00  }
0x39: {  	[tilespmem:s11], [sflag:$0x7] =	stream.linear.gather [hbm4b:s16+s3], $0x200, $0x38;
	[tilespmem:$0x1F000] =	vst v63  }
0x3a: {  	_ =	swait.ge [sflag:s24], $0x200  }
0x3b: {  	[sflag:s24] =	ssyncset.done $0x0  }
0x3c: {  	[sflag:s24] =	ssyncadd.s32 $0xFFFFFE00  }
0x3d: {  	[tilespmem:s26], [sflag:$0x1] =	stream.indirect.gather [hbm4b:s0+s25], $0x80, s3, s25, $0xb8;
	[tilespmem:$0x1F000] =	vst v63  }
0x3e: {  	s12 =	simm.s32 $0x80;
	s13 =	simm.s32 $0x100;
	s15 =	sand.u32 $0x1E00, s3  }
0x3f: {  	[tilespmem:s28], [sflag:$0x2] =	stream.indirect.gather [hbm4b:s0+s25], $0x80, s12, s25, $0xb8;
	[tilespmem:$0x1F000] =	vst v63  }
0x40: {  	s14 =	simm.s32 $0x180;
	s16 =	sand.u32 $0x70, s3;
	s12 =	sshrl.u32 s15, $0x2  }
0x41: {  	[tilespmem:s29], [sflag:$0x3] =	stream.indirect.gather [hbm4b:s0+s25], $0x80, s13, s25, $0xb8;
	[tilespmem:$0x1F000] =	vst v63  }
0x42: {  	s10 =	simm.s32 $0x40;
	s11 =	simm.s32 $0x0;
	s12 =	sor.u32 s16, s12  }
0x43: {  	[tilespmem:s30], [sflag:$0x4] =	stream.indirect.gather [hbm4b:s0+s25], $0x80, s14, s25, $0xb8;
	[tilespmem:$0x1F000] =	vst v63  }
.LBB2_2:
0x44: {  	p0 =	sne.s32 s10, $0x1FC0  }
0x45: {  	[tilespmem:s12+$0xA800] =	vst v0;
	s11 =	sadd.s32 $0x10, s11;
	s12 =	smov.u32 s10;
	s10 =	sadd.s32 $0x40, s10  }
.Ltmp0:
0x46: {  	(pc) =	sbr.rel @p0 .LBB2_2-.Ltmp0, $4  }
0x47: {  	_ = 	snop  }
0x48: {  	s12 =	sand.u32 $0x1E00, s12  }
0x49: {  	s13 =	sand.u32 $0x70, s11;
	s12 =	sshrl.u32 s12, $0x2  }
0x4a: {  	s12 =	sor.u32 s13, s12  }
0x4b: {  	[tilespmem:s12+$0xA800] =	vst v0  }
0x4c: {  	[spmem:s6] =	stream.linear.scatter [tilespmem:s31], [sflag:$0x7], $0x800, $0x38;
	[tilespmem:$0x1F000] =	vst v63  }
0x4d: {  	_ =	swait.ge [sflag:s24], $0x800  }
0x4e: {  	[sflag:s24] =	ssyncset.done $0x0  }
0x4f: {  	s10 =	rddreg [dreg:$0x6];
	[sflag:s24] =	ssyncadd.s32 $0xFFFFF800  }
0x50: {  	[spmem:s10] =	stream.linear.scatter [tilespmem:s31], [sflag:$0x7], $0x800, $0x38;
	[tilespmem:$0x1F000] =	vst v63  }
0x51: {  	_ =	swait.ge [sflag:s24], $0x800  }
0x52: {  	[sflag:s24] =	ssyncset.done $0x0  }
0x53: {  	s11 =	rddreg [dreg:$0x7];
	[sflag:s24] =	ssyncadd.s32 $0xFFFFF800  }
0x54: {  	[spmem:s11] =	stream.linear.scatter [tilespmem:s31], [sflag:$0x7], $0x800, $0x38;
	[tilespmem:$0x1F000] =	vst v63  }
0x55: {  	_ =	swait.ge [sflag:s24], $0x800  }
0x56: {  	[sflag:s24] =	ssyncset.done $0x0  }
0x57: {  	s12 =	rddreg [dreg:$0x8];
	[sflag:s24] =	ssyncadd.s32 $0xFFFFF800  }
0x58: {  	[spmem:s12] =	stream.linear.scatter [tilespmem:s31], [sflag:$0x7], $0x800, $0x38;
	[tilespmem:$0x1F000] =	vst v63  }
0x59: {  	_ =	swait.ge [sflag:s24], $0x800  }
0x5a: {  	[sflag:s24] =	ssyncset.done $0x0  }
0x5b: {  	s13 =	rddreg [dreg:$0x9];
	[sflag:s24] =	ssyncadd.s32 $0xFFFFF800  }
0x5c: {  	[spmem:s13] =	stream.linear.scatter [tilespmem:s31], [sflag:$0x7], $0x800, $0x38;
	[tilespmem:$0x1F000] =	vst v63  }
0x5d: {  	_ =	swait.ge [sflag:s24], $0x800  }
0x5e: {  	[sflag:s24] =	ssyncset.done $0x0  }
0x5f: {  	s14 =	rddreg [dreg:$0xa];
	[sflag:s24] =	ssyncadd.s32 $0xFFFFF800  }
0x60: {  	[spmem:s14] =	stream.linear.scatter [tilespmem:s31], [sflag:$0x7], $0x800, $0x38;
	[tilespmem:$0x1F000] =	vst v63  }
0x61: {  	_ =	swait.ge [sflag:s24], $0x800  }
0x62: {  	[sflag:s24] =	ssyncset.done $0x0  }
0x63: {  	s15 =	rddreg [dreg:$0xb];
	[sflag:s24] =	ssyncadd.s32 $0xFFFFF800  }
0x64: {  	[spmem:s15] =	stream.linear.scatter [tilespmem:s31], [sflag:$0x7], $0x800, $0x38;
	[tilespmem:$0x1F000] =	vst v63  }
0x65: {  	_ =	swait.ge [sflag:s24], $0x800  }
0x66: {  	[sflag:s24] =	ssyncset.done $0x0  }
0x67: {  	s16 =	rddreg [dreg:$0xc];
	[sflag:s24] =	ssyncadd.s32 $0xFFFFF800  }
0x68: {  	[spmem:s16] =	stream.linear.scatter [tilespmem:s31], [sflag:$0x7], $0x800, $0x38;
	[tilespmem:$0x1F000] =	vst v63  }
0x69: {  	_ =	swait.ge [sflag:s24], $0x800  }
0x6a: {  	[sflag:s24] =	ssyncset.done $0x0  }
0x6b: {  	s11 =	rddreg [dreg:$0xd];
	[sflag:s24] =	ssyncadd.s32 $0xFFFFF800  }
0x6c: {  	[spmem:s11] =	stream.linear.scatter [tilespmem:s31], [sflag:$0x7], $0x800, $0x38;
	[tilespmem:$0x1F000] =	vst v63  }
0x6d: {  	_ =	swait.ge [sflag:s24], $0x800  }
0x6e: {  	[sflag:s24] =	ssyncset.done $0x0  }
0x6f: {  	s12 =	rddreg [dreg:$0xe];
	[sflag:s24] =	ssyncadd.s32 $0xFFFFF800  }
0x70: {  	[spmem:s12] =	stream.linear.scatter [tilespmem:s31], [sflag:$0x7], $0x800, $0x38;
	[tilespmem:$0x1F000] =	vst v63  }
0x71: {  	_ =	swait.ge [sflag:s24], $0x800  }
0x72: {  	[sflag:s24] =	ssyncset.done $0x0  }
0x73: {  	s13 =	rddreg [dreg:$0xf];
	[sflag:s24] =	ssyncadd.s32 $0xFFFFF800  }
0x74: {  	[spmem:s13] =	stream.linear.scatter [tilespmem:s31], [sflag:$0x7], $0x800, $0x38;
	[tilespmem:$0x1F000] =	vst v63  }
0x75: {  	_ =	swait.ge [sflag:s24], $0x800  }
0x76: {  	[sflag:s24] =	ssyncset.done $0x0  }
0x77: {  	s14 =	rddreg [dreg:$0x10];
	[sflag:s24] =	ssyncadd.s32 $0xFFFFF800  }
0x78: {  	[spmem:s14] =	stream.linear.scatter [tilespmem:s31], [sflag:$0x7], $0x800, $0x38;
	[tilespmem:$0x1F000] =	vst v63  }
0x79: {  	_ =	swait.ge [sflag:s24], $0x800  }
0x7a: {  	[sflag:s24] =	ssyncset.done $0x0  }
0x7b: {  	s15 =	rddreg [dreg:$0x11];
	[sflag:s24] =	ssyncadd.s32 $0xFFFFF800  }
0x7c: {  	[spmem:s15] =	stream.linear.scatter [tilespmem:s31], [sflag:$0x7], $0x800, $0x38;
	[tilespmem:$0x1F000] =	vst v63  }
0x7d: {  	_ =	swait.ge [sflag:s24], $0x800  }
0x7e: {  	[sflag:s24] =	ssyncset.done $0x0  }
0x7f: {  	s16 =	rddreg [dreg:$0x12];
	[sflag:s24] =	ssyncadd.s32 $0xFFFFF800  }
0x80: {  	[spmem:s16] =	stream.linear.scatter [tilespmem:s31], [sflag:$0x7], $0x800, $0x38;
	[tilespmem:$0x1F000] =	vst v63  }
0x81: {  	_ =	swait.ge [sflag:s24], $0x800  }
0x82: {  	[sflag:s24] =	ssyncset.done $0x0  }
0x83: {  	s11 =	rddreg [dreg:$0x13];
	[sflag:s24] =	ssyncadd.s32 $0xFFFFF800  }
0x84: {  	[spmem:s11] =	stream.linear.scatter [tilespmem:s31], [sflag:$0x7], $0x800, $0x38;
	[tilespmem:$0x1F000] =	vst v63  }
0x85: {  	_ =	swait.ge [sflag:s24], $0x800  }
0x86: {  	[sflag:s24] =	ssyncset.done $0x0  }
0x87: {  	s12 =	rddreg [dreg:$0x14];
	[sflag:s24] =	ssyncadd.s32 $0xFFFFF800  }
0x88: {  	[spmem:s12] =	stream.linear.scatter [tilespmem:s31], [sflag:$0x7], $0x800, $0x38;
	[tilespmem:$0x1F000] =	vst v63  }
0x89: {  	_ =	swait.ge [sflag:s24], $0x800  }
0x8a: {  	[sflag:s24] =	ssyncset.done $0x0  }
0x8b: {  	s13 =	rddreg [dreg:$0x17];
	[sflag:s24] =	ssyncadd.s32 $0xFFFFF800  }
0x8c: {  	[spmem:s13] =	stream.linear.scatter [tilespmem:s31], [sflag:$0x7], $0x800, $0x38;
	[tilespmem:$0x1F000] =	vst v63  }
0x8d: {  	_ =	swait.ge [sflag:s24], $0x800  }
0x8e: {  	[sflag:s24] =	ssyncset.done $0x0  }
0x8f: {  	s14 =	rddreg [dreg:$0x18];
	[sflag:s24] =	ssyncadd.s32 $0xFFFFF800  }
0x90: {  	[spmem:s14] =	stream.linear.scatter [tilespmem:s31], [sflag:$0x7], $0x800, $0x38;
	[tilespmem:$0x1F000] =	vst v63  }
0x91: {  	_ =	swait.ge [sflag:s24], $0x800  }
0x92: {  	[sflag:s24] =	ssyncset.done $0x0  }
0x93: {  	s15 =	rddreg [dreg:$0x19];
	[sflag:s24] =	ssyncadd.s32 $0xFFFFF800  }
0x94: {  	[spmem:s15] =	stream.linear.scatter [tilespmem:s31], [sflag:$0x7], $0x800, $0x38;
	[tilespmem:$0x1F000] =	vst v63  }
0x95: {  	_ =	swait.ge [sflag:s24], $0x800  }
0x96: {  	[sflag:s24] =	ssyncset.done $0x0  }
0x97: {  	s16 =	rddreg [dreg:$0x1a];
	[sflag:s24] =	ssyncadd.s32 $0xFFFFF800  }
0x98: {  	[spmem:s16] =	stream.linear.scatter [tilespmem:s31], [sflag:$0x7], $0x800, $0x38;
	[tilespmem:$0x1F000] =	vst v63  }
0x99: {  	_ =	swait.ge [sflag:s24], $0x800  }
0x9a: {  	[sflag:s24] =	ssyncset.done $0x0  }
0x9b: {  	s11 =	rddreg [dreg:$0x1b];
	[sflag:s24] =	ssyncadd.s32 $0xFFFFF800  }
0x9c: {  	[spmem:s11] =	stream.linear.scatter [tilespmem:s31], [sflag:$0x7], $0x800, $0x38;
	[tilespmem:$0x1F000] =	vst v63  }
0x9d: {  	_ =	swait.ge [sflag:s24], $0x800  }
0x9e: {  	[sflag:s24] =	ssyncset.done $0x0  }
0x9f: {  	s12 =	rddreg [dreg:$0x1c];
	[sflag:s24] =	ssyncadd.s32 $0xFFFFF800  }
0xa0: {  	[spmem:s12] =	stream.linear.scatter [tilespmem:s31], [sflag:$0x7], $0x800, $0x38;
	[tilespmem:$0x1F000] =	vst v63  }
0xa1: {  	_ =	swait.ge [sflag:s24], $0x800  }
0xa2: {  	[sflag:s24] =	ssyncset.done $0x0  }
0xa3: {  	s13 =	rddreg [dreg:$0x1d];
	[sflag:s24] =	ssyncadd.s32 $0xFFFFF800  }
0xa4: {  	[spmem:s13] =	stream.linear.scatter [tilespmem:s31], [sflag:$0x7], $0x800, $0x38;
	[tilespmem:$0x1F000] =	vst v63  }
0xa5: {  	_ =	swait.ge [sflag:s24], $0x800  }
0xa6: {  	[sflag:s24] =	ssyncset.done $0x0  }
0xa7: {  	s14 =	rddreg [dreg:$0x1e];
	[sflag:s24] =	ssyncadd.s32 $0xFFFFF800  }
0xa8: {  	[spmem:s14] =	stream.linear.scatter [tilespmem:s31], [sflag:$0x7], $0x800, $0x38;
	[tilespmem:$0x1F000] =	vst v63  }
0xa9: {  	_ =	swait.ge [sflag:s24], $0x800  }
0xaa: {  	[sflag:s24] =	ssyncset.done $0x0  }
0xab: {  	s15 =	rddreg [dreg:$0x1f];
	[sflag:s24] =	ssyncadd.s32 $0xFFFFF800  }
0xac: {  	[spmem:s15] =	stream.linear.scatter [tilespmem:s31], [sflag:$0x7], $0x800, $0x38;
	[tilespmem:$0x1F000] =	vst v63  }
0xad: {  	_ =	swait.ge [sflag:s24], $0x800  }
0xae: {  	s16 =	sld [smem:$0x7F4]  }
0xaf: {  	[sflag:s24] =	ssyncset.done $0x0  }
0xb0: {  	[sflag:s24] =	ssyncadd.s32 $0xFFFFF800  }
0xb1: {  	[spmem:s16] =	stream.linear.scatter [tilespmem:s31], [sflag:$0x7], $0x800, $0x38;
	[tilespmem:$0x1F000] =	vst v63  }
0xb2: {  	_ =	swait.ge [sflag:s24], $0x800  }
0xb3: {  	s11 =	sld [smem:$0x7F5]  }
0xb4: {  	[sflag:s24] =	ssyncset.done $0x0  }
0xb5: {  	[sflag:s24] =	ssyncadd.s32 $0xFFFFF800  }
0xb6: {  	[spmem:s11] =	stream.linear.scatter [tilespmem:s31], [sflag:$0x7], $0x800, $0x38;
	[tilespmem:$0x1F000] =	vst v63  }
0xb7: {  	_ =	swait.ge [sflag:s24], $0x800  }
0xb8: {  	s12 =	sld [smem:$0x7F6]  }
0xb9: {  	[sflag:s24] =	ssyncset.done $0x0  }
0xba: {  	[sflag:s24] =	ssyncadd.s32 $0xFFFFF800  }
0xbb: {  	[spmem:s12] =	stream.linear.scatter [tilespmem:s31], [sflag:$0x7], $0x800, $0x38;
	[tilespmem:$0x1F000] =	vst v63  }
0xbc: {  	_ =	swait.ge [sflag:s24], $0x800  }
0xbd: {  	s13 =	sld [smem:$0x7F7]  }
0xbe: {  	[sflag:s24] =	ssyncset.done $0x0  }
0xbf: {  	[sflag:s24] =	ssyncadd.s32 $0xFFFFF800  }
0xc0: {  	[spmem:s13] =	stream.linear.scatter [tilespmem:s31], [sflag:$0x7], $0x800, $0x38;
	[tilespmem:$0x1F000] =	vst v63  }
0xc1: {  	_ =	swait.ge [sflag:s24], $0x800  }
0xc2: {  	s14 =	sld [smem:$0x7F8]  }
0xc3: {  	[sflag:s24] =	ssyncset.done $0x0  }
0xc4: {  	[sflag:s24] =	ssyncadd.s32 $0xFFFFF800  }
0xc5: {  	[spmem:s14] =	stream.linear.scatter [tilespmem:s31], [sflag:$0x7], $0x800, $0x38;
	[tilespmem:$0x1F000] =	vst v63  }
0xc6: {  	_ =	swait.ge [sflag:s24], $0x800  }
0xc7: {  	s15 =	sld [smem:$0x7F9]  }
0xc8: {  	[sflag:s24] =	ssyncset.done $0x0  }
0xc9: {  	[sflag:s24] =	ssyncadd.s32 $0xFFFFF800  }
0xca: {  	[spmem:s15] =	stream.linear.scatter [tilespmem:s31], [sflag:$0x7], $0x800, $0x38;
	[tilespmem:$0x1F000] =	vst v63  }
0xcb: {  	_ =	swait.ge [sflag:s24], $0x800  }
0xcc: {  	s16 =	sld [smem:$0x7FA]  }
0xcd: {  	[sflag:s24] =	ssyncset.done $0x0  }
0xce: {  	[sflag:s24] =	ssyncadd.s32 $0xFFFFF800  }
0xcf: {  	[spmem:s16] =	stream.linear.scatter [tilespmem:s31], [sflag:$0x7], $0x800, $0x38;
	[tilespmem:$0x1F000] =	vst v63  }
0xd0: {  	_ =	swait.ge [sflag:s24], $0x800  }
0xd1: {  	s11 =	sld [smem:$0x7FB]  }
0xd2: {  	[sflag:s24] =	ssyncset.done $0x0  }
0xd3: {  	[sflag:s24] =	ssyncadd.s32 $0xFFFFF800  }
0xd4: {  	[spmem:s11] =	stream.linear.scatter [tilespmem:s31], [sflag:$0x7], $0x800, $0x38;
	[tilespmem:$0x1F000] =	vst v63  }
0xd5: {  	_ =	swait.ge [sflag:s24], $0x800  }
0xd6: {  	s12 =	sld [smem:$0x7FC]  }
0xd7: {  	[sflag:s24] =	ssyncset.done $0x0  }
0xd8: {  	[sflag:s24] =	ssyncadd.s32 $0xFFFFF800  }
0xd9: {  	[spmem:s12] =	stream.linear.scatter [tilespmem:s31], [sflag:$0x7], $0x800, $0x38;
	[tilespmem:$0x1F000] =	vst v63  }
0xda: {  	_ =	swait.ge [sflag:s24], $0x800  }
0xdb: {  	s13 =	sld [smem:$0x7FD]  }
0xdc: {  	[sflag:s24] =	ssyncset.done $0x0  }
0xdd: {  	[sflag:s24] =	ssyncadd.s32 $0xFFFFF800  }
0xde: {  	[spmem:s13] =	stream.linear.scatter [tilespmem:s31], [sflag:$0x7], $0x800, $0x38;
	[tilespmem:$0x1F000] =	vst v63  }
0xdf: {  	_ =	swait.ge [sflag:s24], $0x800  }
0xe0: {  	[sflag:s24] =	ssyncset.done $0x0  }
0xe1: {  	[sflag:s24] =	ssyncadd.s32 $0xFFFFF800  }
0xe2: {  	[spmem:s17] =	stream.linear.scatter [tilespmem:s31], [sflag:$0x7], $0x800, $0x38;
	[tilespmem:$0x1F000] =	vst v63  }
0xe3: {  	_ =	swait.ge [sflag:s24], $0x800  }
0xe4: {  	[sflag:s24] =	ssyncset.done $0x0  }
0xe5: {  	[sflag:s24] =	ssyncadd.s32 $0xFFFFF800  }
0xe6: {  	[spmem:s18] =	stream.linear.scatter [tilespmem:s31], [sflag:$0x7], $0x800, $0x38;
	[tilespmem:$0x1F000] =	vst v63  }
0xe7: {  	_ =	swait.ge [sflag:s24], $0x800  }
0xe8: {  	[sflag:s24] =	ssyncset.done $0x0  }
0xe9: {  	[sflag:s24] =	ssyncadd.s32 $0xFFFFF800  }
0xea: {  	[spmem:s19] =	stream.linear.scatter [tilespmem:s31], [sflag:$0x7], $0x800, $0x38;
	[tilespmem:$0x1F000] =	vst v63  }
0xeb: {  	_ =	swait.ge [sflag:s24], $0x800  }
0xec: {  	[sflag:s24] =	ssyncset.done $0x0  }
0xed: {  	[sflag:s24] =	ssyncadd.s32 $0xFFFFF800  }
0xee: {  	[spmem:s20] =	stream.linear.scatter [tilespmem:s31], [sflag:$0x7], $0x800, $0x38;
	[tilespmem:$0x1F000] =	vst v63  }
0xef: {  	_ =	swait.ge [sflag:s24], $0x800  }
0xf0: {  	[sflag:s24] =	ssyncset.done $0x0  }
0xf1: {  	[sflag:s24] =	ssyncadd.s32 $0xFFFFF800  }
0xf2: {  	[spmem:s23] =	stream.linear.scatter [tilespmem:s31], [sflag:$0x7], $0x800, $0x38;
	[tilespmem:$0x1F000] =	vst v63  }
0xf3: {  	_ =	swait.ge [sflag:s24], $0x800  }
0xf4: {  	[sflag:s24] =	ssyncset.done $0x0  }
0xf5: {  	s14 =	simm.s32 $0x200;
	[sflag:s24] =	ssyncadd.s32 $0xFFFFF800  }
0xf6: {  	s10 =	sand.u32 $0x200, s14;
	[bflag:$0x0] =	sbarrier.arrive $0xFFFF  }
0xf7: {  	[tilespmem:s10], [sflag:$0x5] =	stream.linear.gather [hbm4b:s22+s3], $0x200, $0x38;
	[tilespmem:$0x1F000] =	vst v63  }
0xf8: {  	s11 =	sor.u32 $0x400, s10  }
0xf9: {  	[tilespmem:s11], [sflag:$0x6] =	stream.linear.gather [hbm4b:s21+s3], $0x200, $0x38;
	[tilespmem:$0x1F000] =	vst v63  }
0xfa: {  	_ =	swait.ge [sflag:s1], $0x2800  }
0xfb: {  	[sflag:s1] =	ssyncset.done $0x0  }
0xfc: {  	[sflag:s1] =	ssyncadd.s32 $0xFFFFD800  }
0xfd: {  	_ =	swait.ge [sflag:s2], $0x2800  }
0xfe: {  	[sflag:s2] =	ssyncset.done $0x0  }
0xff: {  	[sflag:s2] =	ssyncadd.s32 $0xFFFFD800  }
0x100: {  	_ =	swait.ge [sflag:s4], $0x200  }
0x101: {  	[sflag:s4] =	ssyncset.done $0x0  }
0x102: {  	[sflag:s4] =	ssyncadd.s32 $0xFFFFFE00  }
0x103: {  	_ =	swait.ge [sflag:s5], $0x200  }
0x104: {  	[sflag:s5] =	ssyncset.done $0x0  }
0x105: {  	[sflag:s5] =	ssyncadd.s32 $0xFFFFFE00  }
0x106: {  	[tilespmem:s26], [sflag:$0x1] =	stream.indirect.gather [hbm4b:s0+s25], $0x80, s10, s25, $0xb8;
	[tilespmem:$0x1F000] =	vst v63  }
0x107: {  	s15 =	sor.u32 $0x80, s10  }
0x108: {  	[tilespmem:s28], [sflag:$0x2] =	stream.indirect.gather [hbm4b:s0+s25], $0x80, s15, s25, $0xb8;
	[tilespmem:$0x1F000] =	vst v63  }
0x109: {  	_ =	swait.ge [sflag:s7], $0x2800  }
0x10a: {  	[sflag:s7] =	ssyncset.done $0x0  }
0x10b: {  	[sflag:s7] =	ssyncadd.s32 $0xFFFFD800  }
0x10c: {  	s14 =	sor.u32 $0x180, s10;
	s16 =	sor.u32 $0x100, s10;
	_ =	swait.ge [sflag:s8], $0x2800  }
0x10d: {  	s12 =	sadd.s32 $0x40, s22;
	s13 =	simm.s32 $0x3;
	[sflag:s8] =	ssyncset.done $0x0  }
0x10e: {  	s11 =	simm.s32 $0x400;
	s10 =	sadd.s32 $0x40, s21;
	[sflag:s8] =	ssyncadd.s32 $0xFFFFD800  }
0x10f: {  	[tilespmem:s29], [sflag:$0x3] =	stream.indirect.gather [hbm4b:s0+s25], $0x80, s16, s25, $0xb8;
	[tilespmem:$0x1F000] =	vst v63  }
.LBB2_4:
0x110: {  	[tilespmem:s30], [sflag:$0x4] =	stream.indirect.gather [hbm4b:s0+s25], $0x80, s14, s25, $0xb8;
	[tilespmem:$0x1F000] =	vst v63  }
0x111: {  	s14 =	smov.u32 s13  }
0x112: {  	s15 =	sadd.s32 $0x1, s13;
	s16 =	sand.u32 $0x200, s11;
	s11 =	sshll.u32 s14, $0x9  }
0x113: {  	[tilespmem:s16], [sflag:$0x5] =	stream.linear.gather [hbm4b:s12+s3], $0x200, $0x38;
	[tilespmem:$0x1F000] =	vst v63  }
0x114: {  	p0 =	sne.s32 s13, $0x1F;
	s13 =	sor.u32 $0x400, s16  }
0x115: {  	[tilespmem:s13], [sflag:$0x6] =	stream.linear.gather [hbm4b:s10+s3], $0x200, $0x38;
	[tilespmem:$0x1F000] =	vst v63  }
0x116: {  	_ =	swait.ge [sflag:s1], $0x2800  }
0x117: {  	[sflag:s1] =	ssyncset.done $0x0  }
0x118: {  	[sflag:s1] =	ssyncadd.s32 $0xFFFFD800  }
0x119: {  	_ =	swait.ge [sflag:s2], $0x2800  }
0x11a: {  	[sflag:s2] =	ssyncset.done $0x0  }
0x11b: {  	[sflag:s2] =	ssyncadd.s32 $0xFFFFD800  }
0x11c: {  	_ =	swait.ge [sflag:s4], $0x200  }
0x11d: {  	[sflag:s4] =	ssyncset.done $0x0  }
0x11e: {  	[sflag:s4] =	ssyncadd.s32 $0xFFFFFE00  }
0x11f: {  	_ =	swait.ge [sflag:s5], $0x200  }
0x120: {  	[sflag:s5] =	ssyncset.done $0x0  }
0x121: {  	[sflag:s5] =	ssyncadd.s32 $0xFFFFFE00  }
0x122: {  	[tilespmem:s26], [sflag:$0x1] =	stream.indirect.gather [hbm4b:s0+s25], $0x80, s16, s25, $0xb8;
	[tilespmem:$0x1F000] =	vst v63  }
0x123: {  	s13 =	sor.u32 $0x80, s16  }
0x124: {  	[tilespmem:s28], [sflag:$0x2] =	stream.indirect.gather [hbm4b:s0+s25], $0x80, s13, s25, $0xb8;
	[tilespmem:$0x1F000] =	vst v63  }
0x125: {  	_ =	swait.ge [sflag:s7], $0x2800  }
0x126: {  	[sflag:s7] =	ssyncset.done $0x0  }
0x127: {  	[sflag:s7] =	ssyncadd.s32 $0xFFFFD800  }
.Ltmp1:
0x128: {  	_ =	swait.ge [sflag:s8], $0x2800;
	(pc) =	sbr.rel @p0 .LBB2_4-.Ltmp1, $4  }
0x129: {  	[sflag:s8] =	ssyncset.done $0x0  }
0x12a: {  	s14 =	sor.u32 $0x180, s16;
	s13 =	sor.u32 $0x100, s16;
	[sflag:s8] =	ssyncadd.s32 $0xFFFFD800  }
0x12b: {  	[tilespmem:s29], [sflag:$0x3] =	stream.indirect.gather [hbm4b:s0+s25], $0x80, s13, s25, $0xb8;
	[tilespmem:$0x1F000] =	vst v63  }
0x12c: {  	s12 =	sadd.s32 $0x40, s12;
	s10 =	sadd.s32 $0x40, s10;
	s13 =	smov.u32 s15  }
0x12d: {  	[tilespmem:s30], [sflag:$0x4] =	stream.indirect.gather [hbm4b:s0+s25], $0x80, s14, s25, $0xb8;
	[tilespmem:$0x1F000] =	vst v63  }
0x12e: {  	s11 =	sand.u32 $0x200, s11  }
0x12f: {  	[tilespmem:s11], [sflag:$0x5] =	stream.linear.gather [hbm4b:s12+s3], $0x200, $0x38;
	[tilespmem:$0x1F000] =	vst v63  }
0x130: {  	s14 =	sor.u32 $0x400, s11  }
0x131: {  	[tilespmem:s14], [sflag:$0x6] =	stream.linear.gather [hbm4b:s10+s3], $0x200, $0x38;
	[tilespmem:$0x1F000] =	vst v63  }
0x132: {  	_ =	swait.ge [sflag:s1], $0x2800  }
0x133: {  	[sflag:s1] =	ssyncset.done $0x0  }
0x134: {  	[sflag:s1] =	ssyncadd.s32 $0xFFFFD800  }
0x135: {  	_ =	swait.ge [sflag:s2], $0x2800  }
0x136: {  	[sflag:s2] =	ssyncset.done $0x0  }
0x137: {  	[sflag:s2] =	ssyncadd.s32 $0xFFFFD800  }
0x138: {  	_ =	swait.ge [sflag:s4], $0x200  }
0x139: {  	[sflag:s4] =	ssyncset.done $0x0  }
0x13a: {  	[sflag:s4] =	ssyncadd.s32 $0xFFFFFE00  }
0x13b: {  	_ =	swait.ge [sflag:s5], $0x200  }
0x13c: {  	[sflag:s5] =	ssyncset.done $0x0  }
0x13d: {  	[sflag:s5] =	ssyncadd.s32 $0xFFFFFE00  }
0x13e: {  	[tilespmem:s26], [sflag:$0x1] =	stream.indirect.gather [hbm4b:s0+s25], $0x80, s11, s25, $0xb8;
	[tilespmem:$0x1F000] =	vst v63  }
0x13f: {  	s15 =	sor.u32 $0x80, s11  }
0x140: {  	[tilespmem:s28], [sflag:$0x2] =	stream.indirect.gather [hbm4b:s0+s25], $0x80, s15, s25, $0xb8;
	[tilespmem:$0x1F000] =	vst v63  }
0x141: {  	_ =	swait.ge [sflag:s7], $0x2800  }
0x142: {  	[sflag:s7] =	ssyncset.done $0x0  }
0x143: {  	[sflag:s7] =	ssyncadd.s32 $0xFFFFD800  }
0x144: {  	_ =	swait.ge [sflag:s8], $0x2800  }
0x145: {  	[sflag:s8] =	ssyncset.done $0x0  }
0x146: {  	s16 =	sor.u32 $0x100, s11;
	[sflag:s8] =	ssyncadd.s32 $0xFFFFD800  }
0x147: {  	[tilespmem:s29], [sflag:$0x3] =	stream.indirect.gather [hbm4b:s0+s25], $0x80, s16, s25, $0xb8;
	[tilespmem:$0x1F000] =	vst v63  }
0x148: {  	s12 =	sor.u32 $0x180, s11  }
0x149: {  	[tilespmem:s30], [sflag:$0x4] =	stream.indirect.gather [hbm4b:s0+s25], $0x80, s12, s25, $0xb8;
	[tilespmem:$0x1F000] =	vst v63  }
0x14a: {  	_ =	swait.ge [sflag:s1], $0x2800  }
0x14b: {  	[sflag:s1] =	ssyncset.done $0x0  }
0x14c: {  	[sflag:s1] =	ssyncadd.s32 $0xFFFFD800  }
0x14d: {  	_ =	swait.ge [sflag:s2], $0x2800  }
0x14e: {  	[sflag:s2] =	ssyncset.done $0x0  }
0x14f: {  	[sflag:s2] =	ssyncadd.s32 $0xFFFFD800  }
0x150: {  	_ =	swait.ge [sflag:s7], $0x2800  }
0x151: {  	[sflag:s7] =	ssyncset.done $0x0  }
0x152: {  	[sflag:s7] =	ssyncadd.s32 $0xFFFFD800  }
0x153: {  	_ =	swait.ge [sflag:s8], $0x2800  }
0x154: {  	[sflag:s8] =	ssyncset.done $0x0  }
0x155: {  	s13 =	stileid.u32;
	[sflag:s8] =	ssyncadd.s32 $0xFFFFD800  }
0x156: {  	s10 =	sshll.u32 s13, $0x6;
	[bflag:$0x0] =	sbarrier.arrive $0xFFFF  }
0x157: {  	s14 =	sshrl.u32 s6, $0x3;
	s10 =	sor.u32 $0x1C07, s10;
	s15 =	rddreg [dreg:$0x15]  }
0x158: {  	[hbm:s15], [sflag:s10] =	dma.local [spmem:s14], $0x2800  }
0x159: {  	_ =	swait.ge [sflag:s24], $0x2800  }
0x15a: {  	s9 =	sadd.s32 $0x1, s9;
	s16 =	rddreg [dreg:$0x16]  }
0x15b: {  	p0 =	sne.s32 s9, s16  }
.Ltmp2:
0x15c: {  	_ = 	snop;
	(pc) =	sbr.rel @p0 .LBB2_1-.Ltmp2, $3  }
0x15d: {  	_ =	sdelay $0x1  }
0x15e: {  	[sflag:s24] =	ssyncset.done $0x0  }
0x15f: {  	[sflag:s24] =	ssyncadd.s32 $0xFFFFD800  }
0x160: {  	_ =	sfence.sel $0x180000  }
0x161: {  	[bflag:$0x0] =	sbarrier.arrive $0xFFFF  }
0x162: {  	_ =	strace $0x9000004A  }
0x163: {  	s0 =	stileid.u32;
	[bflag:$0x2] =	sbarrier.arrive $0xFFFF  }
0x164: {  	p0 =	sne.s32 s0, $0x0;
	s0 =	rddreg [dreg:$0x3]  }
0x165: {  	s0 =	sadd.s32 @!p0 $0x100000, s0  }
0x166: {  	[sflag:s0] =	ssyncadd.tile.s32 @!p0 $0x1;
	_ =	shalt  }
.Lfunc_end2:
_tile_overlayer_lowered:
.L_overlay_start_2:
0x167: {  	(tag) =	ssettag $0x2  }
0x168: {  	s0 =	rddreg [dreg:$0x0];
	s2 =	stileid.u32  }
0x169: {  	s1 =	rddreg [dreg:$0x1];
	p0 =	sne.s32 s2, $0x0  }
0x16a: {  	s3 =	rddreg [dreg:$0x2];
	[bflag:$0x3] =	sbarrier.arrive $0xFFFF;
	s2 =	simm.s32 @!p0 $0x1C07  }
0x16b: {  	[timem:s3], [sflag:s2] =	dma.local @!p0 [hbm:s0], s1  }
0x16c: {  	s0 =	simm.s32 @!p0 $0x7  }
0x16d: {  	_ =	swait.ge @!p0 [sflag:s0], s1  }
0x16e: {  	s1 =	ssub.s32 @!p0 $0x0, s1;
	[sflag:s0] =	ssyncset.done @!p0 $0x0  }
0x16f: {  	[sflag:s0] =	ssyncadd.s32 @!p0 s1  }
0x170: {  	[bflag:$0x3] =	sbarrier.arrive $0xFFFF  }
0x171: {  	_ =	shalt  }

// kernel: kernel.14.cloned.1.call-start
scs
__scs_entry_jumppad:
0x0: {  	(pc) =	sbr.rel $0x88, $3  }
0x1: {  	(tag) =	ssettag $0x0;
	lr =	simm.s32 $0x1  }
0x2: {  	[smem:$0x3F8A] =	sst lr;
	_ =	strace $0xD0000000  }
0x3: {  	_ = 	snop  }
0x4: {  	_ = 	snop  }
0x5: {  	_ = 	snop  }
0x6: {  	_ = 	snop  }
0x7: {  	_ = 	snop  }
__scs_overlays_trampoline_lowered:
0x8: {  	[smem:$0x3F99] =	sst s0  }
0x9: {  	[smem:$0x3F9A] =	sst s1  }
0xa: {  	[smem:$0x3F9B] =	sst s2  }
0xb: {  	[smem:$0x3F9C] =	sst s3  }
0xc: {  	[smem:$0x3F9D] =	sst s4  }
0xd: {  	[smem:$0x3F9E] =	sst s5  }
0xe: {  	[smem:$0x3F9F] =	sst s6  }
0xf: {  	[smem:$0x3FA0] =	sst s7  }
0x10: {  	[smem:$0x3FA1] =	sst s8  }
0x11: {  	[smem:$0x3FA2] =	sst s9;
	s0 =	simm.s32 @!p0 $0x0  }
0x12: {  	s1 =	sld [smem:$0x3F88];
	s0 =	simm.s32 @p0 $0x1  }
0x13: {  	[smem:$0x3FA3] =	sst s0;
	s0 =	simm.s32 @!p1 $0x0  }
0x14: {  	s2 =	sld [smem:$0x3F87];
	s0 =	simm.s32 @p1 $0x1  }
0x15: {  	[smem:$0x3FA4] =	sst s0;
	s0 =	simm.s32 @!p2 $0x0  }
0x16: {  	s3 =	sld [smem:$0x3FDB];
	s0 =	simm.s32 @p2 $0x1  }
0x17: {  	s4 =	simm.s32 $0x1BF5;
	[smem:$0x3FA6] =	sst s0  }
0x18: {  	s0 =	sld [smem:$0x3F89];
	_ =	swait.ge [sflag:s4], $0x0  }
0x19: {  	s7 =	sld [smem:$0x3F8A]  }
0x1a: {  	s8 =	sadd.s32 $0xFFFFE003, lr  }
0x1b: {  	s9 =	sadd.s32 $0xFFFFFEF7, lr;
	s5 =	simm.s32 $0xFFFFFFFF;
	p2 =	slt.u32 s8, $0xFFFFF086  }
0x1c: {  	p1 =	slt.u32 s9, $0xF7A;
	s5 =	simm.s32 @!p2 $0x0  }
0x1d: {  	s5 =	simm.s32 @p1 $0x1;
	p0 =	seq.s32 s7, s2  }
0x1e: {  	s7 =	smul.u32 @!p0 $0xF7A, s2;
	p2 =	seq.s32 @!p0 s5, $0x0  }
0x1f: {  	s9 =	smul.u32 $0xF7A, s1;
	s8 =	simm.s32 @!p0 $0x1BF5;
	p2 =	por !p2, p0  }
0x20: {  	[sflag:s8] =	ssyncset.s32 @!p0 $0xFFFFF086;
	s6 =	sadd.s32 @!p0 s3, s7;
	s7 =	simm.s32 @!p0 $0x108  }
0x21: {  	s3 =	sadd.s32 s3, s9;
	s6 =	sadd.s32 @!p0 $0x88, s6;
	s7 =	simm.s32 @p2 $0x1082  }
0x22: {  	[simem:s7], [sflag:s8] =	dma.local @!p0 [hbm:s6], $0xF7A  }
0x23: {  	s9 =	sor.u32 $0xD0000000, s2;
	s6 =	simm.s32 $0x108;
	_ =	swait.ge @!p0 [sflag:s8], $0x0  }
0x24: {  	s3 =	sadd.s32 $0x88, s3;
	s6 =	simm.s32 @!p1 $0x1082;
	[sflag:s4] =	ssyncset.s32 $0xFFFFF086  }
0x25: {  	[simem:s6], [sflag:s4] =	dma.local [hbm:s3], $0xF7A  }
0x26: {  	[smem:$0x3F8A] =	sst s1;
	(tag) =	ssettag s2;
	_ =	strace s9  }
0x27: {  	s1 =	sld [smem:$0x3F9A]  }
0x28: {  	s2 =	sld [smem:$0x3F9B]  }
0x29: {  	s4 =	sld [smem:$0x3F9D]  }
0x2a: {  	p0 =	seq.s32 s5, $0x0;
	s5 =	sld [smem:$0x3F9E]  }
0x2b: {  	s6 =	sld [smem:$0x3F9F]  }
0x2c: {  	s7 =	sld [smem:$0x3FA0]  }
0x2d: {  	s3 =	simm.s32 $0x108;
	s8 =	sld [smem:$0x3FA1]  }
0x2e: {  	s3 =	simm.s32 @!p0 $0x1082;
	s9 =	sld [smem:$0x3FA2]  }
0x2f: {  	lr =	sadd.s32 s0, s3;
	s0 =	sld [smem:$0x3F99]  }
0x30: {  	s3 =	sld [smem:$0x3F9C]  }
0x31: {  	[smem:$0x3FA5] =	sst s10  }
0x32: {  	s10 =	sld [smem:$0x3FA3];
	_ =	sdelay $0x3  }
0x33: {  	p0 =	seq.s32 s10, $0x1;
	s10 =	sld [smem:$0x3FA5];
	_ =	sdelay $0x3  }
0x34: {  	[smem:$0x3FA5] =	sst s10  }
0x35: {  	s10 =	sld [smem:$0x3FA4];
	_ =	sdelay $0x3  }
0x36: {  	p1 =	seq.s32 s10, $0x1;
	s10 =	sld [smem:$0x3FA5];
	_ =	sdelay $0x3  }
0x37: {  	[smem:$0x3FA5] =	sst s10  }
0x38: {  	s10 =	sld [smem:$0x3FA6]  }
0x39: {  	_ = 	snop;
	(pc) =	sbr.ind lr, $3  }
0x3a: {  	_ = 	snop  }
0x3b: {  	_ = 	snop  }
0x3c: {  	p2 =	seq.s32 s10, $0x1;
	s10 =	sld [smem:$0x3FA5]  }
0x3d: {  	_ =	shalt  }
0x3e: {  	_ =	shalt  }
0x3f: {  	_ =	shalt  }
0x40: {  	_ =	shalt  }
0x41: {  	_ =	shalt  }
0x42: {  	_ =	shalt  }
0x43: {  	_ =	shalt  }
0x44: {  	_ =	shalt  }
0x45: {  	_ =	shalt  }
0x46: {  	_ =	shalt  }
0x47: {  	_ =	shalt  }
0x48: {  	_ =	shalt  }
0x49: {  	_ =	shalt  }
0x4a: {  	_ =	shalt  }
0x4b: {  	_ =	shalt  }
0x4c: {  	_ =	shalt  }
0x4d: {  	_ =	shalt  }
0x4e: {  	_ =	shalt  }
0x4f: {  	_ =	shalt  }
0x50: {  	_ =	shalt  }
0x51: {  	_ =	shalt  }
0x52: {  	_ =	shalt  }
0x53: {  	_ =	shalt  }
0x54: {  	_ =	shalt  }
0x55: {  	_ =	shalt  }
0x56: {  	_ =	shalt  }
0x57: {  	_ =	shalt  }
0x58: {  	_ =	shalt  }
0x59: {  	_ =	shalt  }
0x5a: {  	_ =	shalt  }
0x5b: {  	_ =	shalt  }
0x5c: {  	_ =	shalt  }
0x5d: {  	_ =	shalt  }
0x5e: {  	_ =	shalt  }
0x5f: {  	_ =	shalt  }
0x60: {  	_ =	shalt  }
0x61: {  	_ =	shalt  }
0x62: {  	_ =	shalt  }
0x63: {  	_ =	shalt  }
0x64: {  	_ =	shalt  }
0x65: {  	_ =	shalt  }
0x66: {  	_ =	shalt  }
0x67: {  	_ =	shalt  }
0x68: {  	_ =	shalt  }
0x69: {  	_ =	shalt  }
0x6a: {  	_ =	shalt  }
0x6b: {  	_ =	shalt  }
0x6c: {  	_ =	shalt  }
0x6d: {  	_ =	shalt  }
0x6e: {  	_ =	shalt  }
0x6f: {  	_ =	shalt  }
0x70: {  	_ =	shalt  }
0x71: {  	_ =	shalt  }
0x72: {  	_ =	shalt  }
0x73: {  	_ =	shalt  }
0x74: {  	_ =	shalt  }
0x75: {  	_ =	shalt  }
0x76: {  	_ =	shalt  }
0x77: {  	_ =	shalt  }
0x78: {  	_ =	shalt  }
0x79: {  	_ =	shalt  }
0x7a: {  	_ =	shalt  }
0x7b: {  	_ =	shalt  }
0x7c: {  	_ =	shalt  }
0x7d: {  	_ =	shalt  }
0x7e: {  	_ =	shalt  }
0x7f: {  	_ =	shalt  }
0x80: {  	_ =	shalt  }
0x81: {  	_ =	shalt  }
0x82: {  	_ =	shalt  }
0x83: {  	_ =	shalt  }
0x84: {  	_ =	shalt  }
0x85: {  	_ =	shalt  }
0x86: {  	_ =	shalt  }
0x87: {  	_ =	shalt  }
.Lfunc_end0:
.L_simem_size_0:
called_computation.2_lowered:
.L_overlay_start_0:
0x88: {  	s2 =	sld [smem:$0x3FD9]  }
0x89: {  	s3 =	sld [smem:$0x3FFE];
	_ =	sdelay $0x1  }
0x8a: {  	s1 =	srdreg.scid  }
0x8b: {  	s0 =	sand.u32 $0x1, s1  }
0x8c: {  	s17 =	sshll.u32 s0, $0xA;
	s2 =	sadd.s32 s3, s2  }
0x8d: {  	s2 =	sadd.s32 s2, s17  }
0x8e: {  	[smem:$0x3FB1] =	sst s2  }
0x8f: {  	_ = 	snop  }
0x90: {  	s2 =	sld [smem:$0x3FD0];
	(tm) =	ssettm $0x1  }
0x91: {  	s18 =	sld [smem:$0x3FFB];
	_ =	sdelay $0x3  }
0x92: {  	_ =	strace s18  }
0x93: {  	s3 =	sld [smem:$0x3FFC];
	_ =	sdelay $0x3  }
0x94: {  	_ =	strace s3  }
0x95: {  	s3 =	sld [smem:$0x3FFD];
	_ =	sdelay $0x3  }
0x96: {  	_ =	strace s3  }
0x97: {  	_ =	strace $0x8FFFFFFF  }
0x98: {  	s19 =	sld [smem:$0x3FDB];
	_ =	sdelay $0x1  }
0x99: {  	s4 =	simm.s32 $_scs_section_size  }
0x9a: {  	s5 =	simm.s32 $_size__tile_overlayer_lowered;
	s6 =	simm.s32 $_tile_overlayer_lowered  }
0x9b: {  	s22 =	simm.s32 $0x1BFF;
	s21 =	sshll.u32 s6, $0x1;
	s3 =	sadd.s32 s4, s19  }
0x9c: {  	s7 =	simm.s32 $0x0;
	s20 =	sshll.u32 s5, $0x1;
	s5 =	sadd.s32 s21, s3  }
0x9d: {  	[timem:s7], [sflag:s22] =	dma.local [hbm:s5], s20  }
0x9e: {  	_ =	swait.ge [sflag:s22], s20  }
0x9f: {  	s4 =	ssub.s32 $0x0, s20;
	[sflag:s22] =	ssyncset.done $0x0  }
0xa0: {  	[sflag:s22] =	ssyncadd.s32 s4;
	_ =	sdelay $0x1  }
0xa1: {  	s23 =	simm.s32 $0x1B8B  }
0xa2: {  	_ =	swait.ge [sflag:s23], $0x1  }
0xa3: {  	[sflag:s23] =	ssyncset.done $0x0  }
0xa4: {  	s25 =	simm.s32 $0x1B8E;
	s24 =	sld [smem:$0x3FFE];
	[sflag:s23] =	ssyncadd.s32 $0xFFFFFFFF  }
0xa5: {  	s26 =	simm.s32 $execute0_lowered;
	[smem:$0x3FD2] =	sst s25  }
0xa6: {  	s5 =	sshll.u32 s26, $0x1;
	_ =	strace $0x8000004C;
	[dreg:$0x1] =	wrdreg $0xFFFFFFFF  }
0xa7: {  	s28 =	simm.s32 $_size_execute0_lowered;
	s3 =	sadd.s32 s3, s5;
	[dreg:$0x0] =	wrdreg $0x0  }
0xa8: {  	s5 =	sshll.u32 s28, $0x1;
	[dreg:$0x2] =	wrdreg s3  }
0xa9: {  	[dreg:$0x3] =	wrdreg s5  }
0xaa: {  	[dreg:$0x4] =	wrdreg $0xC0  }
0xab: {  	_ =	task [dreg:s7], $0x5FFFF  }
0xac: {  	[dreg:$0x1] =	wrdreg $0xFFFFFFFF  }
0xad: {  	[dreg:$0x0] =	wrdreg $0x60  }
0xae: {  	[dreg:$0x2] =	wrdreg s2  }
0xaf: {  	[dreg:$0x3] =	wrdreg s24  }
0xb0: {  	[dreg:$0x4] =	wrdreg $0xB0000  }
0xb1: {  	[dreg:$0x5] =	wrdreg $0x9  }
0xb2: {  	_ =	task.clear_ibuf [dreg:s7], $0x6FFFF;
	_ =	strace $0x9000004C  }
0xb3: {  	s29 =	simm.s32 $0x9;
	_ =	strace $0x8000004E  }
0xb4: {  	_ =	swait.ge [sflag:s29], $0x1  }
0xb5: {  	[sflag:s29] =	ssyncadd.s32 $0xFFFFFFFF  }
0xb6: {  	_ =	strace $0x9000004E  }
0xb7: {  	_ =	sfence  }
0xb8: {  	s30 =	sld [smem:$0x0];
	_ =	sdelay $0x2  }
0xb9: {  	s31 =	sshll.u32 s1, $0xD;
	s1 =	sshrl.u32 s1, $0x2  }
0xba: {  	s3 =	sand.u32 $0x4000, s31;
	s1 =	sadd.s32 s1, s30  }
0xbb: {  	s0 =	sor.u32 s3, s0;
	s1 =	sshll.u32 s1, $0x11  }
0xbc: {  	s0 =	sor.u32 s1, s0  }
0xbd: {  	s0 =	sadd.s32 $0x8F2B, s0  }
0xbe: {  	[sflag:s0] =	ssyncadd.remote.s32 $0x1  }
0xbf: {  	_ =	sfence.sel $0xFFFF  }
0xc0: {  	[dreg:$0x0] =	wrdreg $0xFFFFFFFF;
	(pc) =	sbr.abs _section_cstart, $3  }
0xc1: {  	[dreg:$0x1] =	wrdreg $0xFFFFFFFF  }
0xc2: {  	_ =	task.clear_ibuf [dreg:s7], $0x2FFFF;
	_ =	strace $0x9FFFFFFF  }
0xc3: {  	(tm) =	ssettm $0x7FFFFFFF  }
tec
execute0_lowered:
.L_overlay_start_1:
0x0: {  	(tag) =	ssettag $0x1  }
0x1: {  	s0 =	rddreg [dreg:$0x0]  }
0x2: {  	s1 =	rddreg [dreg:$0x1]  }
0x3: {  	s2 =	srdreg.scid;
	s4 =	rddreg [dreg:$0x2]  }
0x4: {  	s10 =	stileid.u32;
	s3 =	simm.s32 $0x0;
	s2 =	sand.u32 $0x1, s2  }
0x5: {  	s6 =	smul.u32 $0x14000, s10;
	[smem:$0x7FF] =	sst s3;
	s9 =	sshll.u32 s10, $0xE  }
0x6: {  	s5 =	smul.u32 $0x140000, s2;
	s25 =	ssub.s32 $0x2, s2;
	s2 =	sshll.u32 s2, $0x12  }
0x7: {  	s7 =	sadd.s32 $0x4000, s1;
	s10 =	smul.u32 $0x50000, s10;
	s2 =	sor.u32 s9, s2  }
0x8: {  	s8 =	sadd.s32 $0x14000, s1;
	_ =	strace $0x8000004D;
	s9 =	sshrl.u32 s2, $0x3  }
0x9: {  	s11 =	sshrl.u32 s10, $0x2;
	s5 =	sadd.s32 s6, s5;
	s6 =	sadd.s32 s8, s9  }
0xa: {  	s12 =	sadd.s32 s7, s9;
	[dreg:$0x5] =	wrdreg s6;
	s6 =	sadd.s32 s11, s4  }
0xb: {  	[dreg:$0x4] =	wrdreg s12;
	s4 =	sadd.s32 $0x800, s6  }
0xc: {  	s13 =	sadd.s32 $0x1000, s6;
	[dreg:$0x6] =	wrdreg s4  }
0xd: {  	s14 =	sadd.s32 $0x1800, s6;
	[dreg:$0x7] =	wrdreg s13  }
0xe: {  	s15 =	sadd.s32 $0x2000, s6;
	[dreg:$0x8] =	wrdreg s14  }
0xf: {  	s16 =	sadd.s32 $0x2800, s6;
	[dreg:$0x9] =	wrdreg s15  }
0x10: {  	s17 =	sadd.s32 $0x3000, s6;
	[dreg:$0xa] =	wrdreg s16  }
0x11: {  	s18 =	sadd.s32 $0x3800, s6;
	[dreg:$0xb] =	wrdreg s17  }
0x12: {  	s19 =	sadd.s32 $0x4000, s6;
	[dreg:$0xc] =	wrdreg s18  }
0x13: {  	s20 =	sadd.s32 $0x4800, s6;
	[dreg:$0xd] =	wrdreg s19  }
0x14: {  	s21 =	sadd.s32 $0x5000, s6;
	[dreg:$0xe] =	wrdreg s20  }
0x15: {  	s26 =	sshrl.u32 s25, $0x1;
	s22 =	sadd.s32 $0x5800, s6;
	[dreg:$0xf] =	wrdreg s21  }
0x16: {  	s5 =	sshrl.u32 s5, $0x3;
	s23 =	sadd.s32 $0x6000, s6;
	[dreg:$0x10] =	wrdreg s22  }
0x17: {  	s1 =	sadd.s32 s5, s1;
	s24 =	sadd.s32 $0x6800, s6;
	[dreg:$0x11] =	wrdreg s23  }
0x18: {  	s5 =	ssub.s32 s25, s26;
	s25 =	sadd.s32 $0x7000, s6;
	[dreg:$0x12] =	wrdreg s24  }
0x19: {  	s26 =	sadd.s32 $0x7800, s6;
	[dreg:$0x13] =	wrdreg s25  }
0x1a: {  	s1 =	sadd.s32 $0x24000, s1;
	[dreg:$0x14] =	wrdreg s26  }
0x1b: {  	s9 =	sadd.s32 $0x9800, s6;
	[dreg:$0x15] =	wrdreg s1  }
0x1c: {  	s10 =	sadd.s32 $0xA000, s6;
	[dreg:$0x1a] =	wrdreg s9  }
0x1d: {  	s11 =	sadd.s32 $0xA800, s6;
	[dreg:$0x1b] =	wrdreg s10  }
0x1e: {  	s12 =	sadd.s32 $0xB000, s6;
	[dreg:$0x1c] =	wrdreg s11  }
0x1f: {  	s2 =	sor.u32 $0x200, s2;
	s4 =	smax.u32 s5, $0x1;
	[dreg:$0x1d] =	wrdreg s12  }
0x20: {  	s2 =	sshrl.u32 s2, $0x3;
	s5 =	sadd.s32 $0x8000, s6;
	[dreg:$0x16] =	wrdreg s4  }
0x21: {  	s22 =	sadd.s32 s2, s7;
	s7 =	sadd.s32 $0x8800, s6;
	[dreg:$0x17] =	wrdreg s5  }
0x22: {  	s21 =	sadd.s32 s2, s8;
	s8 =	sadd.s32 $0x9000, s6;
	[dreg:$0x18] =	wrdreg s7  }
0x23: {  	s13 =	sadd.s32 $0xB800, s6;
	[dreg:$0x19] =	wrdreg s8  }
0x24: {  	s14 =	sadd.s32 $0xC000, s6;
	[dreg:$0x1e] =	wrdreg s13  }
0x25: {  	s15 =	sadd.s32 $0xC800, s6;
	[dreg:$0x1f] =	wrdreg s14  }
0x26: {  	s16 =	sadd.s32 $0xD000, s6;
	[smem:$0x7F4] =	sst s15  }
0x27: {  	s17 =	sadd.s32 $0xD800, s6;
	[smem:$0x7F5] =	sst s16  }
0x28: {  	s18 =	sadd.s32 $0xE000, s6;
	[smem:$0x7F6] =	sst s17  }
0x29: {  	s19 =	sadd.s32 $0xE800, s6;
	[smem:$0x7F7] =	sst s18  }
0x2a: {  	s28 =	simm.s32 $0x3000;
	s20 =	sadd.s32 $0xF000, s6;
	[smem:$0x7F8] =	sst s19  }
0x2b: {  	s29 =	simm.s32 $0x5800;
	s23 =	sadd.s32 $0xF800, s6;
	[smem:$0x7F9] =	sst s20  }
0x2c: {  	s30 =	simm.s32 $0x8000;
	s24 =	sadd.s32 $0x10000, s6;
	[smem:$0x7FA] =	sst s23  }
0x2d: {  	s31 =	simm.s32 $0xA800;
	s25 =	sadd.s32 $0x10800, s6;
	[smem:$0x7FB] =	sst s24  }
0x2e: {  	s26 =	sadd.s32 $0x11000, s6;
	s1 =	simm.s32 $0x1;
	[smem:$0x7FC] =	sst s25  }
0x2f: {  	s2 =	simm.s32 $0x2;
	s9 =	simm.s32 $0x0;
	[smem:$0x7FD] =	sst s26  }
0x30: {  	s17 =	sadd.s32 $0x11800, s6;
	s18 =	sadd.s32 $0x12000, s6;
	s19 =	sadd.s32 $0x12800, s6  }
0x31: {  	s20 =	sadd.s32 $0x13000, s6;
	s23 =	sadd.s32 $0x13800, s6;
	s24 =	simm.s32 $0x7  }
0x32: {  	s25 =	simm.s32 $0x50;
	s26 =	simm.s32 $0x800;
	s4 =	simm.s32 $0x5  }
0x33: {  	v0 =	vimm.f32 $0.0e+00;
	s5 =	simm.s32 $0x6;
	s7 =	simm.s32 $0x3;
	s8 =	simm.s32 $0x4  }
.LBB2_1:
0x34: {  	s10 =	rddreg [dreg:$0x4]  }
0x35: {  	[tilespmem:s3], [sflag:$0x7] =	stream.linear.gather [hbm4b:s10+s3], $0x200, $0x38;
	[tilespmem:$0x1F000] =	vst v63  }
0x36: {  	_ =	swait.ge [sflag:s24], $0x200  }
0x37: {  	[sflag:s24] =	ssyncset.done $0x0  }
0x38: {  	s11 =	simm.s32 $0x400;
	s16 =	rddreg [dreg:$0x5];
	[sflag:s24] =	ssyncadd.s32 $0xFFFFFE00  }
0x39: {  	[tilespmem:s11], [sflag:$0x7] =	stream.linear.gather [hbm4b:s16+s3], $0x200, $0x38;
	[tilespmem:$0x1F000] =	vst v63  }
0x3a: {  	_ =	swait.ge [sflag:s24], $0x200  }
0x3b: {  	[sflag:s24] =	ssyncset.done $0x0  }
0x3c: {  	[sflag:s24] =	ssyncadd.s32 $0xFFFFFE00  }
0x3d: {  	[tilespmem:s26], [sflag:$0x1] =	stream.indirect.gather [hbm4b:s0+s25], $0x80, s3, s25, $0xb8;
	[tilespmem:$0x1F000] =	vst v63  }
0x3e: {  	s12 =	simm.s32 $0x80;
	s13 =	simm.s32 $0x100;
	s15 =	sand.u32 $0x1E00, s3  }
0x3f: {  	[tilespmem:s28], [sflag:$0x2] =	stream.indirect.gather [hbm4b:s0+s25], $0x80, s12, s25, $0xb8;
	[tilespmem:$0x1F000] =	vst v63  }
0x40: {  	s14 =	simm.s32 $0x180;
	s16 =	sand.u32 $0x70, s3;
	s12 =	sshrl.u32 s15, $0x2  }
0x41: {  	[tilespmem:s29], [sflag:$0x3] =	stream.indirect.gather [hbm4b:s0+s25], $0x80, s13, s25, $0xb8;
	[tilespmem:$0x1F000] =	vst v63  }
0x42: {  	s10 =	simm.s32 $0x40;
	s11 =	simm.s32 $0x0;
	s12 =	sor.u32 s16, s12  }
0x43: {  	[tilespmem:s30], [sflag:$0x4] =	stream.indirect.gather [hbm4b:s0+s25], $0x80, s14, s25, $0xb8;
	[tilespmem:$0x1F000] =	vst v63  }
.LBB2_2:
0x44: {  	p0 =	sne.s32 s10, $0x1FC0  }
0x45: {  	[tilespmem:s12+$0xA800] =	vst v0;
	s11 =	sadd.s32 $0x10, s11;
	s12 =	smov.u32 s10;
	s10 =	sadd.s32 $0x40, s10  }
.Ltmp0:
0x46: {  	(pc) =	sbr.rel @p0 .LBB2_2-.Ltmp0, $4  }
0x47: {  	_ = 	snop  }
0x48: {  	s12 =	sand.u32 $0x1E00, s12  }
0x49: {  	s13 =	sand.u32 $0x70, s11;
	s12 =	sshrl.u32 s12, $0x2  }
0x4a: {  	s12 =	sor.u32 s13, s12  }
0x4b: {  	[tilespmem:s12+$0xA800] =	vst v0  }
0x4c: {  	[spmem:s6] =	stream.linear.scatter [tilespmem:s31], [sflag:$0x7], $0x800, $0x38;
	[tilespmem:$0x1F000] =	vst v63  }
0x4d: {  	_ =	swait.ge [sflag:s24], $0x800  }
0x4e: {  	[sflag:s24] =	ssyncset.done $0x0  }
0x4f: {  	s10 =	rddreg [dreg:$0x6];
	[sflag:s24] =	ssyncadd.s32 $0xFFFFF800  }
0x50: {  	[spmem:s10] =	stream.linear.scatter [tilespmem:s31], [sflag:$0x7], $0x800, $0x38;
	[tilespmem:$0x1F000] =	vst v63  }
0x51: {  	_ =	swait.ge [sflag:s24], $0x800  }
0x52: {  	[sflag:s24] =	ssyncset.done $0x0  }
0x53: {  	s11 =	rddreg [dreg:$0x7];
	[sflag:s24] =	ssyncadd.s32 $0xFFFFF800  }
0x54: {  	[spmem:s11] =	stream.linear.scatter [tilespmem:s31], [sflag:$0x7], $0x800, $0x38;
	[tilespmem:$0x1F000] =	vst v63  }
0x55: {  	_ =	swait.ge [sflag:s24], $0x800  }
0x56: {  	[sflag:s24] =	ssyncset.done $0x0  }
0x57: {  	s12 =	rddreg [dreg:$0x8];
	[sflag:s24] =	ssyncadd.s32 $0xFFFFF800  }
0x58: {  	[spmem:s12] =	stream.linear.scatter [tilespmem:s31], [sflag:$0x7], $0x800, $0x38;
	[tilespmem:$0x1F000] =	vst v63  }
0x59: {  	_ =	swait.ge [sflag:s24], $0x800  }
0x5a: {  	[sflag:s24] =	ssyncset.done $0x0  }
0x5b: {  	s13 =	rddreg [dreg:$0x9];
	[sflag:s24] =	ssyncadd.s32 $0xFFFFF800  }
0x5c: {  	[spmem:s13] =	stream.linear.scatter [tilespmem:s31], [sflag:$0x7], $0x800, $0x38;
	[tilespmem:$0x1F000] =	vst v63  }
0x5d: {  	_ =	swait.ge [sflag:s24], $0x800  }
0x5e: {  	[sflag:s24] =	ssyncset.done $0x0  }
0x5f: {  	s14 =	rddreg [dreg:$0xa];
	[sflag:s24] =	ssyncadd.s32 $0xFFFFF800  }
0x60: {  	[spmem:s14] =	stream.linear.scatter [tilespmem:s31], [sflag:$0x7], $0x800, $0x38;
	[tilespmem:$0x1F000] =	vst v63  }
0x61: {  	_ =	swait.ge [sflag:s24], $0x800  }
0x62: {  	[sflag:s24] =	ssyncset.done $0x0  }
0x63: {  	s15 =	rddreg [dreg:$0xb];
	[sflag:s24] =	ssyncadd.s32 $0xFFFFF800  }
0x64: {  	[spmem:s15] =	stream.linear.scatter [tilespmem:s31], [sflag:$0x7], $0x800, $0x38;
	[tilespmem:$0x1F000] =	vst v63  }
0x65: {  	_ =	swait.ge [sflag:s24], $0x800  }
0x66: {  	[sflag:s24] =	ssyncset.done $0x0  }
0x67: {  	s16 =	rddreg [dreg:$0xc];
	[sflag:s24] =	ssyncadd.s32 $0xFFFFF800  }
0x68: {  	[spmem:s16] =	stream.linear.scatter [tilespmem:s31], [sflag:$0x7], $0x800, $0x38;
	[tilespmem:$0x1F000] =	vst v63  }
0x69: {  	_ =	swait.ge [sflag:s24], $0x800  }
0x6a: {  	[sflag:s24] =	ssyncset.done $0x0  }
0x6b: {  	s11 =	rddreg [dreg:$0xd];
	[sflag:s24] =	ssyncadd.s32 $0xFFFFF800  }
0x6c: {  	[spmem:s11] =	stream.linear.scatter [tilespmem:s31], [sflag:$0x7], $0x800, $0x38;
	[tilespmem:$0x1F000] =	vst v63  }
0x6d: {  	_ =	swait.ge [sflag:s24], $0x800  }
0x6e: {  	[sflag:s24] =	ssyncset.done $0x0  }
0x6f: {  	s12 =	rddreg [dreg:$0xe];
	[sflag:s24] =	ssyncadd.s32 $0xFFFFF800  }
0x70: {  	[spmem:s12] =	stream.linear.scatter [tilespmem:s31], [sflag:$0x7], $0x800, $0x38;
	[tilespmem:$0x1F000] =	vst v63  }
0x71: {  	_ =	swait.ge [sflag:s24], $0x800  }
0x72: {  	[sflag:s24] =	ssyncset.done $0x0  }
0x73: {  	s13 =	rddreg [dreg:$0xf];
	[sflag:s24] =	ssyncadd.s32 $0xFFFFF800  }
0x74: {  	[spmem:s13] =	stream.linear.scatter [tilespmem:s31], [sflag:$0x7], $0x800, $0x38;
	[tilespmem:$0x1F000] =	vst v63  }
0x75: {  	_ =	swait.ge [sflag:s24], $0x800  }
0x76: {  	[sflag:s24] =	ssyncset.done $0x0  }
0x77: {  	s14 =	rddreg [dreg:$0x10];
	[sflag:s24] =	ssyncadd.s32 $0xFFFFF800  }
0x78: {  	[spmem:s14] =	stream.linear.scatter [tilespmem:s31], [sflag:$0x7], $0x800, $0x38;
	[tilespmem:$0x1F000] =	vst v63  }
0x79: {  	_ =	swait.ge [sflag:s24], $0x800  }
0x7a: {  	[sflag:s24] =	ssyncset.done $0x0  }
0x7b: {  	s15 =	rddreg [dreg:$0x11];
	[sflag:s24] =	ssyncadd.s32 $0xFFFFF800  }
0x7c: {  	[spmem:s15] =	stream.linear.scatter [tilespmem:s31], [sflag:$0x7], $0x800, $0x38;
	[tilespmem:$0x1F000] =	vst v63  }
0x7d: {  	_ =	swait.ge [sflag:s24], $0x800  }
0x7e: {  	[sflag:s24] =	ssyncset.done $0x0  }
0x7f: {  	s16 =	rddreg [dreg:$0x12];
	[sflag:s24] =	ssyncadd.s32 $0xFFFFF800  }
0x80: {  	[spmem:s16] =	stream.linear.scatter [tilespmem:s31], [sflag:$0x7], $0x800, $0x38;
	[tilespmem:$0x1F000] =	vst v63  }
0x81: {  	_ =	swait.ge [sflag:s24], $0x800  }
0x82: {  	[sflag:s24] =	ssyncset.done $0x0  }
0x83: {  	s11 =	rddreg [dreg:$0x13];
	[sflag:s24] =	ssyncadd.s32 $0xFFFFF800  }
0x84: {  	[spmem:s11] =	stream.linear.scatter [tilespmem:s31], [sflag:$0x7], $0x800, $0x38;
	[tilespmem:$0x1F000] =	vst v63  }
0x85: {  	_ =	swait.ge [sflag:s24], $0x800  }
0x86: {  	[sflag:s24] =	ssyncset.done $0x0  }
0x87: {  	s12 =	rddreg [dreg:$0x14];
	[sflag:s24] =	ssyncadd.s32 $0xFFFFF800  }
0x88: {  	[spmem:s12] =	stream.linear.scatter [tilespmem:s31], [sflag:$0x7], $0x800, $0x38;
	[tilespmem:$0x1F000] =	vst v63  }
0x89: {  	_ =	swait.ge [sflag:s24], $0x800  }
0x8a: {  	[sflag:s24] =	ssyncset.done $0x0  }
0x8b: {  	s13 =	rddreg [dreg:$0x17];
	[sflag:s24] =	ssyncadd.s32 $0xFFFFF800  }
0x8c: {  	[spmem:s13] =	stream.linear.scatter [tilespmem:s31], [sflag:$0x7], $0x800, $0x38;
	[tilespmem:$0x1F000] =	vst v63  }
0x8d: {  	_ =	swait.ge [sflag:s24], $0x800  }
0x8e: {  	[sflag:s24] =	ssyncset.done $0x0  }
0x8f: {  	s14 =	rddreg [dreg:$0x18];
	[sflag:s24] =	ssyncadd.s32 $0xFFFFF800  }
0x90: {  	[spmem:s14] =	stream.linear.scatter [tilespmem:s31], [sflag:$0x7], $0x800, $0x38;
	[tilespmem:$0x1F000] =	vst v63  }
0x91: {  	_ =	swait.ge [sflag:s24], $0x800  }
0x92: {  	[sflag:s24] =	ssyncset.done $0x0  }
0x93: {  	s15 =	rddreg [dreg:$0x19];
	[sflag:s24] =	ssyncadd.s32 $0xFFFFF800  }
0x94: {  	[spmem:s15] =	stream.linear.scatter [tilespmem:s31], [sflag:$0x7], $0x800, $0x38;
	[tilespmem:$0x1F000] =	vst v63  }
0x95: {  	_ =	swait.ge [sflag:s24], $0x800  }
0x96: {  	[sflag:s24] =	ssyncset.done $0x0  }
0x97: {  	s16 =	rddreg [dreg:$0x1a];
	[sflag:s24] =	ssyncadd.s32 $0xFFFFF800  }
0x98: {  	[spmem:s16] =	stream.linear.scatter [tilespmem:s31], [sflag:$0x7], $0x800, $0x38;
	[tilespmem:$0x1F000] =	vst v63  }
0x99: {  	_ =	swait.ge [sflag:s24], $0x800  }
0x9a: {  	[sflag:s24] =	ssyncset.done $0x0  }
0x9b: {  	s11 =	rddreg [dreg:$0x1b];
	[sflag:s24] =	ssyncadd.s32 $0xFFFFF800  }
0x9c: {  	[spmem:s11] =	stream.linear.scatter [tilespmem:s31], [sflag:$0x7], $0x800, $0x38;
	[tilespmem:$0x1F000] =	vst v63  }
0x9d: {  	_ =	swait.ge [sflag:s24], $0x800  }
0x9e: {  	[sflag:s24] =	ssyncset.done $0x0  }
0x9f: {  	s12 =	rddreg [dreg:$0x1c];
	[sflag:s24] =	ssyncadd.s32 $0xFFFFF800  }
0xa0: {  	[spmem:s12] =	stream.linear.scatter [tilespmem:s31], [sflag:$0x7], $0x800, $0x38;
	[tilespmem:$0x1F000] =	vst v63  }
0xa1: {  	_ =	swait.ge [sflag:s24], $0x800  }
0xa2: {  	[sflag:s24] =	ssyncset.done $0x0  }
0xa3: {  	s13 =	rddreg [dreg:$0x1d];
	[sflag:s24] =	ssyncadd.s32 $0xFFFFF800  }
0xa4: {  	[spmem:s13] =	stream.linear.scatter [tilespmem:s31], [sflag:$0x7], $0x800, $0x38;
	[tilespmem:$0x1F000] =	vst v63  }
0xa5: {  	_ =	swait.ge [sflag:s24], $0x800  }
0xa6: {  	[sflag:s24] =	ssyncset.done $0x0  }
0xa7: {  	s14 =	rddreg [dreg:$0x1e];
	[sflag:s24] =	ssyncadd.s32 $0xFFFFF800  }
0xa8: {  	[spmem:s14] =	stream.linear.scatter [tilespmem:s31], [sflag:$0x7], $0x800, $0x38;
	[tilespmem:$0x1F000] =	vst v63  }
0xa9: {  	_ =	swait.ge [sflag:s24], $0x800  }
0xaa: {  	[sflag:s24] =	ssyncset.done $0x0  }
0xab: {  	s15 =	rddreg [dreg:$0x1f];
	[sflag:s24] =	ssyncadd.s32 $0xFFFFF800  }
0xac: {  	[spmem:s15] =	stream.linear.scatter [tilespmem:s31], [sflag:$0x7], $0x800, $0x38;
	[tilespmem:$0x1F000] =	vst v63  }
0xad: {  	_ =	swait.ge [sflag:s24], $0x800  }
0xae: {  	s16 =	sld [smem:$0x7F4]  }
0xaf: {  	[sflag:s24] =	ssyncset.done $0x0  }
0xb0: {  	[sflag:s24] =	ssyncadd.s32 $0xFFFFF800  }
0xb1: {  	[spmem:s16] =	stream.linear.scatter [tilespmem:s31], [sflag:$0x7], $0x800, $0x38;
	[tilespmem:$0x1F000] =	vst v63  }
0xb2: {  	_ =	swait.ge [sflag:s24], $0x800  }
0xb3: {  	s11 =	sld [smem:$0x7F5]  }
0xb4: {  	[sflag:s24] =	ssyncset.done $0x0  }
0xb5: {  	[sflag:s24] =	ssyncadd.s32 $0xFFFFF800  }
0xb6: {  	[spmem:s11] =	stream.linear.scatter [tilespmem:s31], [sflag:$0x7], $0x800, $0x38;
	[tilespmem:$0x1F000] =	vst v63  }
0xb7: {  	_ =	swait.ge [sflag:s24], $0x800  }
0xb8: {  	s12 =	sld [smem:$0x7F6]  }
0xb9: {  	[sflag:s24] =	ssyncset.done $0x0  }
0xba: {  	[sflag:s24] =	ssyncadd.s32 $0xFFFFF800  }
0xbb: {  	[spmem:s12] =	stream.linear.scatter [tilespmem:s31], [sflag:$0x7], $0x800, $0x38;
	[tilespmem:$0x1F000] =	vst v63  }
0xbc: {  	_ =	swait.ge [sflag:s24], $0x800  }
0xbd: {  	s13 =	sld [smem:$0x7F7]  }
0xbe: {  	[sflag:s24] =	ssyncset.done $0x0  }
0xbf: {  	[sflag:s24] =	ssyncadd.s32 $0xFFFFF800  }
0xc0: {  	[spmem:s13] =	stream.linear.scatter [tilespmem:s31], [sflag:$0x7], $0x800, $0x38;
	[tilespmem:$0x1F000] =	vst v63  }
0xc1: {  	_ =	swait.ge [sflag:s24], $0x800  }
0xc2: {  	s14 =	sld [smem:$0x7F8]  }
0xc3: {  	[sflag:s24] =	ssyncset.done $0x0  }
0xc4: {  	[sflag:s24] =	ssyncadd.s32 $0xFFFFF800  }
0xc5: {  	[spmem:s14] =	stream.linear.scatter [tilespmem:s31], [sflag:$0x7], $0x800, $0x38;
	[tilespmem:$0x1F000] =	vst v63  }
0xc6: {  	_ =	swait.ge [sflag:s24], $0x800  }
0xc7: {  	s15 =	sld [smem:$0x7F9]  }
0xc8: {  	[sflag:s24] =	ssyncset.done $0x0  }
0xc9: {  	[sflag:s24] =	ssyncadd.s32 $0xFFFFF800  }
0xca: {  	[spmem:s15] =	stream.linear.scatter [tilespmem:s31], [sflag:$0x7], $0x800, $0x38;
	[tilespmem:$0x1F000] =	vst v63  }
0xcb: {  	_ =	swait.ge [sflag:s24], $0x800  }
0xcc: {  	s16 =	sld [smem:$0x7FA]  }
0xcd: {  	[sflag:s24] =	ssyncset.done $0x0  }
0xce: {  	[sflag:s24] =	ssyncadd.s32 $0xFFFFF800  }
0xcf: {  	[spmem:s16] =	stream.linear.scatter [tilespmem:s31], [sflag:$0x7], $0x800, $0x38;
	[tilespmem:$0x1F000] =	vst v63  }
0xd0: {  	_ =	swait.ge [sflag:s24], $0x800  }
0xd1: {  	s11 =	sld [smem:$0x7FB]  }
0xd2: {  	[sflag:s24] =	ssyncset.done $0x0  }
0xd3: {  	[sflag:s24] =	ssyncadd.s32 $0xFFFFF800  }
0xd4: {  	[spmem:s11] =	stream.linear.scatter [tilespmem:s31], [sflag:$0x7], $0x800, $0x38;
	[tilespmem:$0x1F000] =	vst v63  }
0xd5: {  	_ =	swait.ge [sflag:s24], $0x800  }
0xd6: {  	s12 =	sld [smem:$0x7FC]  }
0xd7: {  	[sflag:s24] =	ssyncset.done $0x0  }
0xd8: {  	[sflag:s24] =	ssyncadd.s32 $0xFFFFF800  }
0xd9: {  	[spmem:s12] =	stream.linear.scatter [tilespmem:s31], [sflag:$0x7], $0x800, $0x38;
	[tilespmem:$0x1F000] =	vst v63  }
0xda: {  	_ =	swait.ge [sflag:s24], $0x800  }
0xdb: {  	s13 =	sld [smem:$0x7FD]  }
0xdc: {  	[sflag:s24] =	ssyncset.done $0x0  }
0xdd: {  	[sflag:s24] =	ssyncadd.s32 $0xFFFFF800  }
0xde: {  	[spmem:s13] =	stream.linear.scatter [tilespmem:s31], [sflag:$0x7], $0x800, $0x38;
	[tilespmem:$0x1F000] =	vst v63  }
0xdf: {  	_ =	swait.ge [sflag:s24], $0x800  }
0xe0: {  	[sflag:s24] =	ssyncset.done $0x0  }
0xe1: {  	[sflag:s24] =	ssyncadd.s32 $0xFFFFF800  }
0xe2: {  	[spmem:s17] =	stream.linear.scatter [tilespmem:s31], [sflag:$0x7], $0x800, $0x38;
	[tilespmem:$0x1F000] =	vst v63  }
0xe3: {  	_ =	swait.ge [sflag:s24], $0x800  }
0xe4: {  	[sflag:s24] =	ssyncset.done $0x0  }
0xe5: {  	[sflag:s24] =	ssyncadd.s32 $0xFFFFF800  }
0xe6: {  	[spmem:s18] =	stream.linear.scatter [tilespmem:s31], [sflag:$0x7], $0x800, $0x38;
	[tilespmem:$0x1F000] =	vst v63  }
0xe7: {  	_ =	swait.ge [sflag:s24], $0x800  }
0xe8: {  	[sflag:s24] =	ssyncset.done $0x0  }
0xe9: {  	[sflag:s24] =	ssyncadd.s32 $0xFFFFF800  }
0xea: {  	[spmem:s19] =	stream.linear.scatter [tilespmem:s31], [sflag:$0x7], $0x800, $0x38;
	[tilespmem:$0x1F000] =	vst v63  }
0xeb: {  	_ =	swait.ge [sflag:s24], $0x800  }
0xec: {  	[sflag:s24] =	ssyncset.done $0x0  }
0xed: {  	[sflag:s24] =	ssyncadd.s32 $0xFFFFF800  }
0xee: {  	[spmem:s20] =	stream.linear.scatter [tilespmem:s31], [sflag:$0x7], $0x800, $0x38;
	[tilespmem:$0x1F000] =	vst v63  }
0xef: {  	_ =	swait.ge [sflag:s24], $0x800  }
0xf0: {  	[sflag:s24] =	ssyncset.done $0x0  }
0xf1: {  	[sflag:s24] =	ssyncadd.s32 $0xFFFFF800  }
0xf2: {  	[spmem:s23] =	stream.linear.scatter [tilespmem:s31], [sflag:$0x7], $0x800, $0x38;
	[tilespmem:$0x1F000] =	vst v63  }
0xf3: {  	_ =	swait.ge [sflag:s24], $0x800  }
0xf4: {  	[sflag:s24] =	ssyncset.done $0x0  }
0xf5: {  	s14 =	simm.s32 $0x200;
	[sflag:s24] =	ssyncadd.s32 $0xFFFFF800  }
0xf6: {  	s10 =	sand.u32 $0x200, s14;
	[bflag:$0x0] =	sbarrier.arrive $0xFFFF  }
0xf7: {  	[tilespmem:s10], [sflag:$0x5] =	stream.linear.gather [hbm4b:s22+s3], $0x200, $0x38;
	[tilespmem:$0x1F000] =	vst v63  }
0xf8: {  	s11 =	sor.u32 $0x400, s10  }
0xf9: {  	[tilespmem:s11], [sflag:$0x6] =	stream.linear.gather [hbm4b:s21+s3], $0x200, $0x38;
	[tilespmem:$0x1F000] =	vst v63  }
0xfa: {  	_ =	swait.ge [sflag:s1], $0x2800  }
0xfb: {  	[sflag:s1] =	ssyncset.done $0x0  }
0xfc: {  	[sflag:s1] =	ssyncadd.s32 $0xFFFFD800  }
0xfd: {  	_ =	swait.ge [sflag:s2], $0x2800  }
0xfe: {  	[sflag:s2] =	ssyncset.done $0x0  }
0xff: {  	[sflag:s2] =	ssyncadd.s32 $0xFFFFD800  }
0x100: {  	_ =	swait.ge [sflag:s4], $0x200  }
0x101: {  	[sflag:s4] =	ssyncset.done $0x0  }
0x102: {  	[sflag:s4] =	ssyncadd.s32 $0xFFFFFE00  }
0x103: {  	_ =	swait.ge [sflag:s5], $0x200  }
0x104: {  	[sflag:s5] =	ssyncset.done $0x0  }
0x105: {  	[sflag:s5] =	ssyncadd.s32 $0xFFFFFE00  }
0x106: {  	[tilespmem:s26], [sflag:$0x1] =	stream.indirect.gather [hbm4b:s0+s25], $0x80, s10, s25, $0xb8;
	[tilespmem:$0x1F000] =	vst v63  }
0x107: {  	s15 =	sor.u32 $0x80, s10  }
0x108: {  	[tilespmem:s28], [sflag:$0x2] =	stream.indirect.gather [hbm4b:s0+s25], $0x80, s15, s25, $0xb8;
	[tilespmem:$0x1F000] =	vst v63  }
0x109: {  	_ =	swait.ge [sflag:s7], $0x2800  }
0x10a: {  	[sflag:s7] =	ssyncset.done $0x0  }
0x10b: {  	[sflag:s7] =	ssyncadd.s32 $0xFFFFD800  }
0x10c: {  	s14 =	sor.u32 $0x180, s10;
	s16 =	sor.u32 $0x100, s10;
	_ =	swait.ge [sflag:s8], $0x2800  }
0x10d: {  	s12 =	sadd.s32 $0x40, s22;
	s13 =	simm.s32 $0x3;
	[sflag:s8] =	ssyncset.done $0x0  }
0x10e: {  	s11 =	simm.s32 $0x400;
	s10 =	sadd.s32 $0x40, s21;
	[sflag:s8] =	ssyncadd.s32 $0xFFFFD800  }
0x10f: {  	[tilespmem:s29], [sflag:$0x3] =	stream.indirect.gather [hbm4b:s0+s25], $0x80, s16, s25, $0xb8;
	[tilespmem:$0x1F000] =	vst v63  }
.LBB2_4:
0x110: {  	[tilespmem:s30], [sflag:$0x4] =	stream.indirect.gather [hbm4b:s0+s25], $0x80, s14, s25, $0xb8;
	[tilespmem:$0x1F000] =	vst v63  }
0x111: {  	s14 =	smov.u32 s13  }
0x112: {  	s15 =	sadd.s32 $0x1, s13;
	s16 =	sand.u32 $0x200, s11;
	s11 =	sshll.u32 s14, $0x9  }
0x113: {  	[tilespmem:s16], [sflag:$0x5] =	stream.linear.gather [hbm4b:s12+s3], $0x200, $0x38;
	[tilespmem:$0x1F000] =	vst v63  }
0x114: {  	p0 =	sne.s32 s13, $0x1F;
	s13 =	sor.u32 $0x400, s16  }
0x115: {  	[tilespmem:s13], [sflag:$0x6] =	stream.linear.gather [hbm4b:s10+s3], $0x200, $0x38;
	[tilespmem:$0x1F000] =	vst v63  }
0x116: {  	_ =	swait.ge [sflag:s1], $0x2800  }
0x117: {  	[sflag:s1] =	ssyncset.done $0x0  }
0x118: {  	[sflag:s1] =	ssyncadd.s32 $0xFFFFD800  }
0x119: {  	_ =	swait.ge [sflag:s2], $0x2800  }
0x11a: {  	[sflag:s2] =	ssyncset.done $0x0  }
0x11b: {  	[sflag:s2] =	ssyncadd.s32 $0xFFFFD800  }
0x11c: {  	_ =	swait.ge [sflag:s4], $0x200  }
0x11d: {  	[sflag:s4] =	ssyncset.done $0x0  }
0x11e: {  	[sflag:s4] =	ssyncadd.s32 $0xFFFFFE00  }
0x11f: {  	_ =	swait.ge [sflag:s5], $0x200  }
0x120: {  	[sflag:s5] =	ssyncset.done $0x0  }
0x121: {  	[sflag:s5] =	ssyncadd.s32 $0xFFFFFE00  }
0x122: {  	[tilespmem:s26], [sflag:$0x1] =	stream.indirect.gather [hbm4b:s0+s25], $0x80, s16, s25, $0xb8;
	[tilespmem:$0x1F000] =	vst v63  }
0x123: {  	s13 =	sor.u32 $0x80, s16  }
0x124: {  	[tilespmem:s28], [sflag:$0x2] =	stream.indirect.gather [hbm4b:s0+s25], $0x80, s13, s25, $0xb8;
	[tilespmem:$0x1F000] =	vst v63  }
0x125: {  	_ =	swait.ge [sflag:s7], $0x2800  }
0x126: {  	[sflag:s7] =	ssyncset.done $0x0  }
0x127: {  	[sflag:s7] =	ssyncadd.s32 $0xFFFFD800  }
.Ltmp1:
0x128: {  	_ =	swait.ge [sflag:s8], $0x2800;
	(pc) =	sbr.rel @p0 .LBB2_4-.Ltmp1, $4  }
0x129: {  	[sflag:s8] =	ssyncset.done $0x0  }
0x12a: {  	s14 =	sor.u32 $0x180, s16;
	s13 =	sor.u32 $0x100, s16;
	[sflag:s8] =	ssyncadd.s32 $0xFFFFD800  }
0x12b: {  	[tilespmem:s29], [sflag:$0x3] =	stream.indirect.gather [hbm4b:s0+s25], $0x80, s13, s25, $0xb8;
	[tilespmem:$0x1F000] =	vst v63  }
0x12c: {  	s12 =	sadd.s32 $0x40, s12;
	s10 =	sadd.s32 $0x40, s10;
	s13 =	smov.u32 s15  }
0x12d: {  	[tilespmem:s30], [sflag:$0x4] =	stream.indirect.gather [hbm4b:s0+s25], $0x80, s14, s25, $0xb8;
	[tilespmem:$0x1F000] =	vst v63  }
0x12e: {  	s11 =	sand.u32 $0x200, s11  }
0x12f: {  	[tilespmem:s11], [sflag:$0x5] =	stream.linear.gather [hbm4b:s12+s3], $0x200, $0x38;
	[tilespmem:$0x1F000] =	vst v63  }
0x130: {  	s14 =	sor.u32 $0x400, s11  }
0x131: {  	[tilespmem:s14], [sflag:$0x6] =	stream.linear.gather [hbm4b:s10+s3], $0x200, $0x38;
	[tilespmem:$0x1F000] =	vst v63  }
0x132: {  	_ =	swait.ge [sflag:s1], $0x2800  }
0x133: {  	[sflag:s1] =	ssyncset.done $0x0  }
0x134: {  	[sflag:s1] =	ssyncadd.s32 $0xFFFFD800  }
0x135: {  	_ =	swait.ge [sflag:s2], $0x2800  }
0x136: {  	[sflag:s2] =	ssyncset.done $0x0  }
0x137: {  	[sflag:s2] =	ssyncadd.s32 $0xFFFFD800  }
0x138: {  	_ =	swait.ge [sflag:s4], $0x200  }
0x139: {  	[sflag:s4] =	ssyncset.done $0x0  }
0x13a: {  	[sflag:s4] =	ssyncadd.s32 $0xFFFFFE00  }
0x13b: {  	_ =	swait.ge [sflag:s5], $0x200  }
0x13c: {  	[sflag:s5] =	ssyncset.done $0x0  }
0x13d: {  	[sflag:s5] =	ssyncadd.s32 $0xFFFFFE00  }
0x13e: {  	[tilespmem:s26], [sflag:$0x1] =	stream.indirect.gather [hbm4b:s0+s25], $0x80, s11, s25, $0xb8;
	[tilespmem:$0x1F000] =	vst v63  }
0x13f: {  	s15 =	sor.u32 $0x80, s11  }
0x140: {  	[tilespmem:s28], [sflag:$0x2] =	stream.indirect.gather [hbm4b:s0+s25], $0x80, s15, s25, $0xb8;
	[tilespmem:$0x1F000] =	vst v63  }
0x141: {  	_ =	swait.ge [sflag:s7], $0x2800  }
0x142: {  	[sflag:s7] =	ssyncset.done $0x0  }
0x143: {  	[sflag:s7] =	ssyncadd.s32 $0xFFFFD800  }
0x144: {  	_ =	swait.ge [sflag:s8], $0x2800  }
0x145: {  	[sflag:s8] =	ssyncset.done $0x0  }
0x146: {  	s16 =	sor.u32 $0x100, s11;
	[sflag:s8] =	ssyncadd.s32 $0xFFFFD800  }
0x147: {  	[tilespmem:s29], [sflag:$0x3] =	stream.indirect.gather [hbm4b:s0+s25], $0x80, s16, s25, $0xb8;
	[tilespmem:$0x1F000] =	vst v63  }
0x148: {  	s12 =	sor.u32 $0x180, s11  }
0x149: {  	[tilespmem:s30], [sflag:$0x4] =	stream.indirect.gather [hbm4b:s0+s25], $0x80, s12, s25, $0xb8;
	[tilespmem:$0x1F000] =	vst v63  }
0x14a: {  	_ =	swait.ge [sflag:s1], $0x2800  }
0x14b: {  	[sflag:s1] =	ssyncset.done $0x0  }
0x14c: {  	[sflag:s1] =	ssyncadd.s32 $0xFFFFD800  }
0x14d: {  	_ =	swait.ge [sflag:s2], $0x2800  }
0x14e: {  	[sflag:s2] =	ssyncset.done $0x0  }
0x14f: {  	[sflag:s2] =	ssyncadd.s32 $0xFFFFD800  }
0x150: {  	_ =	swait.ge [sflag:s7], $0x2800  }
0x151: {  	[sflag:s7] =	ssyncset.done $0x0  }
0x152: {  	[sflag:s7] =	ssyncadd.s32 $0xFFFFD800  }
0x153: {  	_ =	swait.ge [sflag:s8], $0x2800  }
0x154: {  	[sflag:s8] =	ssyncset.done $0x0  }
0x155: {  	s13 =	stileid.u32;
	[sflag:s8] =	ssyncadd.s32 $0xFFFFD800  }
0x156: {  	s10 =	sshll.u32 s13, $0x6;
	[bflag:$0x0] =	sbarrier.arrive $0xFFFF  }
0x157: {  	s14 =	sshrl.u32 s6, $0x3;
	s10 =	sor.u32 $0x1C07, s10;
	s15 =	rddreg [dreg:$0x15]  }
0x158: {  	[hbm:s15], [sflag:s10] =	dma.local [spmem:s14], $0x2800  }
0x159: {  	_ =	swait.ge [sflag:s24], $0x2800  }
0x15a: {  	s9 =	sadd.s32 $0x1, s9;
	s16 =	rddreg [dreg:$0x16]  }
0x15b: {  	p0 =	sne.s32 s9, s16  }
.Ltmp2:
0x15c: {  	_ = 	snop;
	(pc) =	sbr.rel @p0 .LBB2_1-.Ltmp2, $3  }
0x15d: {  	_ =	sdelay $0x1  }
0x15e: {  	[sflag:s24] =	ssyncset.done $0x0  }
0x15f: {  	[sflag:s24] =	ssyncadd.s32 $0xFFFFD800  }
0x160: {  	_ =	sfence.sel $0x180000  }
0x161: {  	[bflag:$0x0] =	sbarrier.arrive $0xFFFF  }
0x162: {  	_ =	strace $0x9000004D  }
0x163: {  	s0 =	stileid.u32;
	[bflag:$0x2] =	sbarrier.arrive $0xFFFF  }
0x164: {  	p0 =	sne.s32 s0, $0x0;
	s0 =	rddreg [dreg:$0x3]  }
0x165: {  	s0 =	sadd.s32 @!p0 $0x100000, s0  }
0x166: {  	[sflag:s0] =	ssyncadd.tile.s32 @!p0 $0x1;
	_ =	shalt  }
.Lfunc_end2:
_tile_overlayer_lowered:
.L_overlay_start_2:
0x167: {  	(tag) =	ssettag $0x2  }
0x168: {  	s0 =	rddreg [dreg:$0x0];
	s2 =	stileid.u32  }
0x169: {  	s1 =	rddreg [dreg:$0x1];
	p0 =	sne.s32 s2, $0x0  }
0x16a: {  	s3 =	rddreg [dreg:$0x2];
	[bflag:$0x3] =	sbarrier.arrive $0xFFFF;
	s2 =	simm.s32 @!p0 $0x1C07  }
0x16b: {  	[timem:s3], [sflag:s2] =	dma.local @!p0 [hbm:s0], s1  }
0x16c: {  	s0 =	simm.s32 @!p0 $0x7  }
0x16d: {  	_ =	swait.ge @!p0 [sflag:s0], s1  }
0x16e: {  	s1 =	ssub.s32 @!p0 $0x0, s1;
	[sflag:s0] =	ssyncset.done @!p0 $0x0  }
0x16f: {  	[sflag:s0] =	ssyncadd.s32 @!p0 s1  }
0x170: {  	[bflag:$0x3] =	sbarrier.arrive $0xFFFF  }
0x171: {  	_ =	shalt  }

// kernel: kernel.8.cloned.1.call-start
scs
__scs_entry_jumppad:
0x0: {  	(pc) =	sbr.rel $0x88, $3  }
0x1: {  	(tag) =	ssettag $0x0;
	lr =	simm.s32 $0x1  }
0x2: {  	[smem:$0x3F8A] =	sst lr;
	_ =	strace $0xD0000000  }
0x3: {  	_ = 	snop  }
0x4: {  	_ = 	snop  }
0x5: {  	_ = 	snop  }
0x6: {  	_ = 	snop  }
0x7: {  	_ = 	snop  }
__scs_overlays_trampoline_lowered:
0x8: {  	[smem:$0x3F99] =	sst s0  }
0x9: {  	[smem:$0x3F9A] =	sst s1  }
0xa: {  	[smem:$0x3F9B] =	sst s2  }
0xb: {  	[smem:$0x3F9C] =	sst s3  }
0xc: {  	[smem:$0x3F9D] =	sst s4  }
0xd: {  	[smem:$0x3F9E] =	sst s5  }
0xe: {  	[smem:$0x3F9F] =	sst s6  }
0xf: {  	[smem:$0x3FA0] =	sst s7  }
0x10: {  	[smem:$0x3FA1] =	sst s8  }
0x11: {  	[smem:$0x3FA2] =	sst s9;
	s0 =	simm.s32 @!p0 $0x0  }
0x12: {  	s1 =	sld [smem:$0x3F88];
	s0 =	simm.s32 @p0 $0x1  }
0x13: {  	[smem:$0x3FA3] =	sst s0;
	s0 =	simm.s32 @!p1 $0x0  }
0x14: {  	s2 =	sld [smem:$0x3F87];
	s0 =	simm.s32 @p1 $0x1  }
0x15: {  	[smem:$0x3FA4] =	sst s0;
	s0 =	simm.s32 @!p2 $0x0  }
0x16: {  	s3 =	sld [smem:$0x3FDB];
	s0 =	simm.s32 @p2 $0x1  }
0x17: {  	s4 =	simm.s32 $0x1BF5;
	[smem:$0x3FA6] =	sst s0  }
0x18: {  	s0 =	sld [smem:$0x3F89];
	_ =	swait.ge [sflag:s4], $0x0  }
0x19: {  	s7 =	sld [smem:$0x3F8A]  }
0x1a: {  	s8 =	sadd.s32 $0xFFFFE003, lr  }
0x1b: {  	s9 =	sadd.s32 $0xFFFFFEF7, lr;
	s5 =	simm.s32 $0xFFFFFFFF;
	p2 =	slt.u32 s8, $0xFFFFF086  }
0x1c: {  	p1 =	slt.u32 s9, $0xF7A;
	s5 =	simm.s32 @!p2 $0x0  }
0x1d: {  	s5 =	simm.s32 @p1 $0x1;
	p0 =	seq.s32 s7, s2  }
0x1e: {  	s7 =	smul.u32 @!p0 $0xF7A, s2;
	p2 =	seq.s32 @!p0 s5, $0x0  }
0x1f: {  	s9 =	smul.u32 $0xF7A, s1;
	s8 =	simm.s32 @!p0 $0x1BF5;
	p2 =	por !p2, p0  }
0x20: {  	[sflag:s8] =	ssyncset.s32 @!p0 $0xFFFFF086;
	s6 =	sadd.s32 @!p0 s3, s7;
	s7 =	simm.s32 @!p0 $0x108  }
0x21: {  	s3 =	sadd.s32 s3, s9;
	s6 =	sadd.s32 @!p0 $0x88, s6;
	s7 =	simm.s32 @p2 $0x1082  }
0x22: {  	[simem:s7], [sflag:s8] =	dma.local @!p0 [hbm:s6], $0xF7A  }
0x23: {  	s9 =	sor.u32 $0xD0000000, s2;
	s6 =	simm.s32 $0x108;
	_ =	swait.ge @!p0 [sflag:s8], $0x0  }
0x24: {  	s3 =	sadd.s32 $0x88, s3;
	s6 =	simm.s32 @!p1 $0x1082;
	[sflag:s4] =	ssyncset.s32 $0xFFFFF086  }
0x25: {  	[simem:s6], [sflag:s4] =	dma.local [hbm:s3], $0xF7A  }
0x26: {  	[smem:$0x3F8A] =	sst s1;
	(tag) =	ssettag s2;
	_ =	strace s9  }
0x27: {  	s1 =	sld [smem:$0x3F9A]  }
0x28: {  	s2 =	sld [smem:$0x3F9B]  }
0x29: {  	s4 =	sld [smem:$0x3F9D]  }
0x2a: {  	p0 =	seq.s32 s5, $0x0;
	s5 =	sld [smem:$0x3F9E]  }
0x2b: {  	s6 =	sld [smem:$0x3F9F]  }
0x2c: {  	s7 =	sld [smem:$0x3FA0]  }
0x2d: {  	s3 =	simm.s32 $0x108;
	s8 =	sld [smem:$0x3FA1]  }
0x2e: {  	s3 =	simm.s32 @!p0 $0x1082;
	s9 =	sld [smem:$0x3FA2]  }
0x2f: {  	lr =	sadd.s32 s0, s3;
	s0 =	sld [smem:$0x3F99]  }
0x30: {  	s3 =	sld [smem:$0x3F9C]  }
0x31: {  	[smem:$0x3FA5] =	sst s10  }
0x32: {  	s10 =	sld [smem:$0x3FA3];
	_ =	sdelay $0x3  }
0x33: {  	p0 =	seq.s32 s10, $0x1;
	s10 =	sld [smem:$0x3FA5];
	_ =	sdelay $0x3  }
0x34: {  	[smem:$0x3FA5] =	sst s10  }
0x35: {  	s10 =	sld [smem:$0x3FA4];
	_ =	sdelay $0x3  }
0x36: {  	p1 =	seq.s32 s10, $0x1;
	s10 =	sld [smem:$0x3FA5];
	_ =	sdelay $0x3  }
0x37: {  	[smem:$0x3FA5] =	sst s10  }
0x38: {  	s10 =	sld [smem:$0x3FA6]  }
0x39: {  	_ = 	snop;
	(pc) =	sbr.ind lr, $3  }
0x3a: {  	_ = 	snop  }
0x3b: {  	_ = 	snop  }
0x3c: {  	p2 =	seq.s32 s10, $0x1;
	s10 =	sld [smem:$0x3FA5]  }
0x3d: {  	_ =	shalt  }
0x3e: {  	_ =	shalt  }
0x3f: {  	_ =	shalt  }
0x40: {  	_ =	shalt  }
0x41: {  	_ =	shalt  }
0x42: {  	_ =	shalt  }
0x43: {  	_ =	shalt  }
0x44: {  	_ =	shalt  }
0x45: {  	_ =	shalt  }
0x46: {  	_ =	shalt  }
0x47: {  	_ =	shalt  }
0x48: {  	_ =	shalt  }
0x49: {  	_ =	shalt  }
0x4a: {  	_ =	shalt  }
0x4b: {  	_ =	shalt  }
0x4c: {  	_ =	shalt  }
0x4d: {  	_ =	shalt  }
0x4e: {  	_ =	shalt  }
0x4f: {  	_ =	shalt  }
0x50: {  	_ =	shalt  }
0x51: {  	_ =	shalt  }
0x52: {  	_ =	shalt  }
0x53: {  	_ =	shalt  }
0x54: {  	_ =	shalt  }
0x55: {  	_ =	shalt  }
0x56: {  	_ =	shalt  }
0x57: {  	_ =	shalt  }
0x58: {  	_ =	shalt  }
0x59: {  	_ =	shalt  }
0x5a: {  	_ =	shalt  }
0x5b: {  	_ =	shalt  }
0x5c: {  	_ =	shalt  }
0x5d: {  	_ =	shalt  }
0x5e: {  	_ =	shalt  }
0x5f: {  	_ =	shalt  }
0x60: {  	_ =	shalt  }
0x61: {  	_ =	shalt  }
0x62: {  	_ =	shalt  }
0x63: {  	_ =	shalt  }
0x64: {  	_ =	shalt  }
0x65: {  	_ =	shalt  }
0x66: {  	_ =	shalt  }
0x67: {  	_ =	shalt  }
0x68: {  	_ =	shalt  }
0x69: {  	_ =	shalt  }
0x6a: {  	_ =	shalt  }
0x6b: {  	_ =	shalt  }
0x6c: {  	_ =	shalt  }
0x6d: {  	_ =	shalt  }
0x6e: {  	_ =	shalt  }
0x6f: {  	_ =	shalt  }
0x70: {  	_ =	shalt  }
0x71: {  	_ =	shalt  }
0x72: {  	_ =	shalt  }
0x73: {  	_ =	shalt  }
0x74: {  	_ =	shalt  }
0x75: {  	_ =	shalt  }
0x76: {  	_ =	shalt  }
0x77: {  	_ =	shalt  }
0x78: {  	_ =	shalt  }
0x79: {  	_ =	shalt  }
0x7a: {  	_ =	shalt  }
0x7b: {  	_ =	shalt  }
0x7c: {  	_ =	shalt  }
0x7d: {  	_ =	shalt  }
0x7e: {  	_ =	shalt  }
0x7f: {  	_ =	shalt  }
0x80: {  	_ =	shalt  }
0x81: {  	_ =	shalt  }
0x82: {  	_ =	shalt  }
0x83: {  	_ =	shalt  }
0x84: {  	_ =	shalt  }
0x85: {  	_ =	shalt  }
0x86: {  	_ =	shalt  }
0x87: {  	_ =	shalt  }
.Lfunc_end0:
.L_simem_size_0:
called_computation_lowered:
.L_overlay_start_0:
0x88: {  	s2 =	sld [smem:$0x3FD9]  }
0x89: {  	s3 =	sld [smem:$0x3FFE];
	_ =	sdelay $0x1  }
0x8a: {  	s1 =	srdreg.scid  }
0x8b: {  	s0 =	sand.u32 $0x1, s1  }
0x8c: {  	s17 =	sshll.u32 s0, $0xA;
	s2 =	sadd.s32 s3, s2  }
0x8d: {  	s2 =	sadd.s32 s2, s17  }
0x8e: {  	[smem:$0x3FB1] =	sst s2  }
0x8f: {  	_ = 	snop  }
0x90: {  	s2 =	sld [smem:$0x3FC9];
	(tm) =	ssettm $0x1  }
0x91: {  	s18 =	sld [smem:$0x3FFB];
	_ =	sdelay $0x3  }
0x92: {  	_ =	strace s18  }
0x93: {  	s3 =	sld [smem:$0x3FFC];
	_ =	sdelay $0x3  }
0x94: {  	_ =	strace s3  }
0x95: {  	s3 =	sld [smem:$0x3FFD];
	_ =	sdelay $0x3  }
0x96: {  	_ =	strace s3  }
0x97: {  	_ =	strace $0x8FFFFFFF  }
0x98: {  	s19 =	sld [smem:$0x3FDB];
	_ =	sdelay $0x1  }
0x99: {  	s4 =	simm.s32 $_scs_section_size  }
0x9a: {  	s5 =	simm.s32 $_size__tile_overlayer_lowered;
	s6 =	simm.s32 $_tile_overlayer_lowered  }
0x9b: {  	s22 =	simm.s32 $0x1BFF;
	s21 =	sshll.u32 s6, $0x1;
	s3 =	sadd.s32 s4, s19  }
0x9c: {  	s7 =	simm.s32 $0x0;
	s20 =	sshll.u32 s5, $0x1;
	s5 =	sadd.s32 s21, s3  }
0x9d: {  	[timem:s7], [sflag:s22] =	dma.local [hbm:s5], s20  }
0x9e: {  	_ =	swait.ge [sflag:s22], s20  }
0x9f: {  	s4 =	ssub.s32 $0x0, s20;
	[sflag:s22] =	ssyncset.done $0x0  }
0xa0: {  	[sflag:s22] =	ssyncadd.s32 s4;
	_ =	sdelay $0x1  }
0xa1: {  	s23 =	simm.s32 $0x1B8B  }
0xa2: {  	_ =	swait.ge [sflag:s23], $0x1  }
0xa3: {  	[sflag:s23] =	ssyncset.done $0x0  }
0xa4: {  	s25 =	simm.s32 $0x1B8E;
	s24 =	sld [smem:$0x3FFE];
	[sflag:s23] =	ssyncadd.s32 $0xFFFFFFFF  }
0xa5: {  	s26 =	simm.s32 $execute0_lowered;
	[smem:$0x3FD2] =	sst s25  }
0xa6: {  	s5 =	sshll.u32 s26, $0x1;
	_ =	strace $0x80000046;
	[dreg:$0x1] =	wrdreg $0xFFFFFFFF  }
0xa7: {  	s28 =	simm.s32 $_size_execute0_lowered;
	s3 =	sadd.s32 s3, s5;
	[dreg:$0x0] =	wrdreg $0x0  }
0xa8: {  	s5 =	sshll.u32 s28, $0x1;
	[dreg:$0x2] =	wrdreg s3  }
0xa9: {  	[dreg:$0x3] =	wrdreg s5  }
0xaa: {  	[dreg:$0x4] =	wrdreg $0xC0  }
0xab: {  	_ =	task [dreg:s7], $0x5FFFF  }
0xac: {  	[dreg:$0x1] =	wrdreg $0xFFFFFFFF  }
0xad: {  	[dreg:$0x0] =	wrdreg $0x60  }
0xae: {  	[dreg:$0x2] =	wrdreg s2  }
0xaf: {  	[dreg:$0x3] =	wrdreg s24  }
0xb0: {  	[dreg:$0x4] =	wrdreg $0xB0000  }
0xb1: {  	[dreg:$0x5] =	wrdreg $0x9  }
0xb2: {  	_ =	task.clear_ibuf [dreg:s7], $0x6FFFF;
	_ =	strace $0x90000046  }
0xb3: {  	s29 =	simm.s32 $0x9;
	_ =	strace $0x80000048  }
0xb4: {  	_ =	swait.ge [sflag:s29], $0x1  }
0xb5: {  	[sflag:s29] =	ssyncadd.s32 $0xFFFFFFFF  }
0xb6: {  	_ =	strace $0x90000048  }
0xb7: {  	_ =	sfence  }
0xb8: {  	s30 =	sld [smem:$0x0];
	_ =	sdelay $0x2  }
0xb9: {  	s31 =	sshll.u32 s1, $0xD;
	s1 =	sshrl.u32 s1, $0x2  }
0xba: {  	s3 =	sand.u32 $0x4000, s31;
	s1 =	sadd.s32 s1, s30  }
0xbb: {  	s0 =	sor.u32 s3, s0;
	s1 =	sshll.u32 s1, $0x11  }
0xbc: {  	s0 =	sor.u32 s1, s0  }
0xbd: {  	s0 =	sadd.s32 $0x8F2B, s0  }
0xbe: {  	[sflag:s0] =	ssyncadd.remote.s32 $0x1  }
0xbf: {  	_ =	sfence.sel $0xFFFF  }
0xc0: {  	[dreg:$0x0] =	wrdreg $0xFFFFFFFF;
	(pc) =	sbr.abs _section_cstart, $3  }
0xc1: {  	[dreg:$0x1] =	wrdreg $0xFFFFFFFF  }
0xc2: {  	_ =	task.clear_ibuf [dreg:s7], $0x2FFFF;
	_ =	strace $0x9FFFFFFF  }
0xc3: {  	(tm) =	ssettm $0x7FFFFFFF  }
tec
execute0_lowered:
.L_overlay_start_1:
0x0: {  	(tag) =	ssettag $0x1  }
0x1: {  	s0 =	rddreg [dreg:$0x0]  }
0x2: {  	s1 =	rddreg [dreg:$0x1]  }
0x3: {  	s2 =	srdreg.scid;
	s4 =	rddreg [dreg:$0x2]  }
0x4: {  	s10 =	stileid.u32;
	s3 =	simm.s32 $0x0;
	s2 =	sand.u32 $0x1, s2  }
0x5: {  	s6 =	smul.u32 $0x14000, s10;
	[smem:$0x7FF] =	sst s3;
	s9 =	sshll.u32 s10, $0xE  }
0x6: {  	s5 =	smul.u32 $0x140000, s2;
	s25 =	ssub.s32 $0x2, s2;
	s2 =	sshll.u32 s2, $0x12  }
0x7: {  	s7 =	sadd.s32 $0x4000, s1;
	s10 =	smul.u32 $0x50000, s10;
	s2 =	sor.u32 s9, s2  }
0x8: {  	s8 =	sadd.s32 $0x14000, s1;
	_ =	strace $0x80000047;
	s9 =	sshrl.u32 s2, $0x3  }
0x9: {  	s11 =	sshrl.u32 s10, $0x2;
	s5 =	sadd.s32 s6, s5;
	s6 =	sadd.s32 s8, s9  }
0xa: {  	s12 =	sadd.s32 s7, s9;
	[dreg:$0x5] =	wrdreg s6;
	s6 =	sadd.s32 s11, s4  }
0xb: {  	[dreg:$0x4] =	wrdreg s12;
	s4 =	sadd.s32 $0x800, s6  }
0xc: {  	s13 =	sadd.s32 $0x1000, s6;
	[dreg:$0x6] =	wrdreg s4  }
0xd: {  	s14 =	sadd.s32 $0x1800, s6;
	[dreg:$0x7] =	wrdreg s13  }
0xe: {  	s15 =	sadd.s32 $0x2000, s6;
	[dreg:$0x8] =	wrdreg s14  }
0xf: {  	s16 =	sadd.s32 $0x2800, s6;
	[dreg:$0x9] =	wrdreg s15  }
0x10: {  	s17 =	sadd.s32 $0x3000, s6;
	[dreg:$0xa] =	wrdreg s16  }
0x11: {  	s18 =	sadd.s32 $0x3800, s6;
	[dreg:$0xb] =	wrdreg s17  }
0x12: {  	s19 =	sadd.s32 $0x4000, s6;
	[dreg:$0xc] =	wrdreg s18  }
0x13: {  	s20 =	sadd.s32 $0x4800, s6;
	[dreg:$0xd] =	wrdreg s19  }
0x14: {  	s21 =	sadd.s32 $0x5000, s6;
	[dreg:$0xe] =	wrdreg s20  }
0x15: {  	s26 =	sshrl.u32 s25, $0x1;
	s22 =	sadd.s32 $0x5800, s6;
	[dreg:$0xf] =	wrdreg s21  }
0x16: {  	s5 =	sshrl.u32 s5, $0x3;
	s23 =	sadd.s32 $0x6000, s6;
	[dreg:$0x10] =	wrdreg s22  }
0x17: {  	s1 =	sadd.s32 s5, s1;
	s24 =	sadd.s32 $0x6800, s6;
	[dreg:$0x11] =	wrdreg s23  }
0x18: {  	s5 =	ssub.s32 s25, s26;
	s25 =	sadd.s32 $0x7000, s6;
	[dreg:$0x12] =	wrdreg s24  }
0x19: {  	s26 =	sadd.s32 $0x7800, s6;
	[dreg:$0x13] =	wrdreg s25  }
0x1a: {  	s1 =	sadd.s32 $0x24000, s1;
	[dreg:$0x14] =	wrdreg s26  }
0x1b: {  	s9 =	sadd.s32 $0x9800, s6;
	[dreg:$0x15] =	wrdreg s1  }
0x1c: {  	s10 =	sadd.s32 $0xA000, s6;
	[dreg:$0x1a] =	wrdreg s9  }
0x1d: {  	s11 =	sadd.s32 $0xA800, s6;
	[dreg:$0x1b] =	wrdreg s10  }
0x1e: {  	s12 =	sadd.s32 $0xB000, s6;
	[dreg:$0x1c] =	wrdreg s11  }
0x1f: {  	s2 =	sor.u32 $0x200, s2;
	s4 =	smax.u32 s5, $0x1;
	[dreg:$0x1d] =	wrdreg s12  }
0x20: {  	s2 =	sshrl.u32 s2, $0x3;
	s5 =	sadd.s32 $0x8000, s6;
	[dreg:$0x16] =	wrdreg s4  }
0x21: {  	s22 =	sadd.s32 s2, s7;
	s7 =	sadd.s32 $0x8800, s6;
	[dreg:$0x17] =	wrdreg s5  }
0x22: {  	s21 =	sadd.s32 s2, s8;
	s8 =	sadd.s32 $0x9000, s6;
	[dreg:$0x18] =	wrdreg s7  }
0x23: {  	s13 =	sadd.s32 $0xB800, s6;
	[dreg:$0x19] =	wrdreg s8  }
0x24: {  	s14 =	sadd.s32 $0xC000, s6;
	[dreg:$0x1e] =	wrdreg s13  }
0x25: {  	s15 =	sadd.s32 $0xC800, s6;
	[dreg:$0x1f] =	wrdreg s14  }
0x26: {  	s16 =	sadd.s32 $0xD000, s6;
	[smem:$0x7F4] =	sst s15  }
0x27: {  	s17 =	sadd.s32 $0xD800, s6;
	[smem:$0x7F5] =	sst s16  }
0x28: {  	s18 =	sadd.s32 $0xE000, s6;
	[smem:$0x7F6] =	sst s17  }
0x29: {  	s19 =	sadd.s32 $0xE800, s6;
	[smem:$0x7F7] =	sst s18  }
0x2a: {  	s28 =	simm.s32 $0x3000;
	s20 =	sadd.s32 $0xF000, s6;
	[smem:$0x7F8] =	sst s19  }
0x2b: {  	s29 =	simm.s32 $0x5800;
	s23 =	sadd.s32 $0xF800, s6;
	[smem:$0x7F9] =	sst s20  }
0x2c: {  	s30 =	simm.s32 $0x8000;
	s24 =	sadd.s32 $0x10000, s6;
	[smem:$0x7FA] =	sst s23  }
0x2d: {  	s31 =	simm.s32 $0xA800;
	s25 =	sadd.s32 $0x10800, s6;
	[smem:$0x7FB] =	sst s24  }
0x2e: {  	s26 =	sadd.s32 $0x11000, s6;
	s1 =	simm.s32 $0x1;
	[smem:$0x7FC] =	sst s25  }
0x2f: {  	s2 =	simm.s32 $0x2;
	s9 =	simm.s32 $0x0;
	[smem:$0x7FD] =	sst s26  }
0x30: {  	s17 =	sadd.s32 $0x11800, s6;
	s18 =	sadd.s32 $0x12000, s6;
	s19 =	sadd.s32 $0x12800, s6  }
0x31: {  	s20 =	sadd.s32 $0x13000, s6;
	s23 =	sadd.s32 $0x13800, s6;
	s24 =	simm.s32 $0x7  }
0x32: {  	s25 =	simm.s32 $0x50;
	s26 =	simm.s32 $0x800;
	s4 =	simm.s32 $0x5  }
0x33: {  	v0 =	vimm.f32 $0.0e+00;
	s5 =	simm.s32 $0x6;
	s7 =	simm.s32 $0x3;
	s8 =	simm.s32 $0x4  }
.LBB2_1:
0x34: {  	s10 =	rddreg [dreg:$0x4]  }
0x35: {  	[tilespmem:s3], [sflag:$0x7] =	stream.linear.gather [hbm4b:s10+s3], $0x200, $0x38;
	[tilespmem:$0x1F000] =	vst v63  }
0x36: {  	_ =	swait.ge [sflag:s24], $0x200  }
0x37: {  	[sflag:s24] =	ssyncset.done $0x0  }
0x38: {  	s11 =	simm.s32 $0x400;
	s16 =	rddreg [dreg:$0x5];
	[sflag:s24] =	ssyncadd.s32 $0xFFFFFE00  }
0x39: {  	[tilespmem:s11], [sflag:$0x7] =	stream.linear.gather [hbm4b:s16+s3], $0x200, $0x38;
	[tilespmem:$0x1F000] =	vst v63  }
0x3a: {  	_ =	swait.ge [sflag:s24], $0x200  }
0x3b: {  	[sflag:s24] =	ssyncset.done $0x0  }
0x3c: {  	[sflag:s24] =	ssyncadd.s32 $0xFFFFFE00  }
0x3d: {  	[tilespmem:s26], [sflag:$0x1] =	stream.indirect.gather [hbm4b:s0+s25], $0x80, s3, s25, $0xb8;
	[tilespmem:$0x1F000] =	vst v63  }
0x3e: {  	s12 =	simm.s32 $0x80;
	s13 =	simm.s32 $0x100;
	s15 =	sand.u32 $0x1E00, s3  }
0x3f: {  	[tilespmem:s28], [sflag:$0x2] =	stream.indirect.gather [hbm4b:s0+s25], $0x80, s12, s25, $0xb8;
	[tilespmem:$0x1F000] =	vst v63  }
0x40: {  	s14 =	simm.s32 $0x180;
	s16 =	sand.u32 $0x70, s3;
	s12 =	sshrl.u32 s15, $0x2  }
0x41: {  	[tilespmem:s29], [sflag:$0x3] =	stream.indirect.gather [hbm4b:s0+s25], $0x80, s13, s25, $0xb8;
	[tilespmem:$0x1F000] =	vst v63  }
0x42: {  	s10 =	simm.s32 $0x40;
	s11 =	simm.s32 $0x0;
	s12 =	sor.u32 s16, s12  }
0x43: {  	[tilespmem:s30], [sflag:$0x4] =	stream.indirect.gather [hbm4b:s0+s25], $0x80, s14, s25, $0xb8;
	[tilespmem:$0x1F000] =	vst v63  }
.LBB2_2:
0x44: {  	p0 =	sne.s32 s10, $0x1FC0  }
0x45: {  	[tilespmem:s12+$0xA800] =	vst v0;
	s11 =	sadd.s32 $0x10, s11;
	s12 =	smov.u32 s10;
	s10 =	sadd.s32 $0x40, s10  }
.Ltmp0:
0x46: {  	(pc) =	sbr.rel @p0 .LBB2_2-.Ltmp0, $4  }
0x47: {  	_ = 	snop  }
0x48: {  	s12 =	sand.u32 $0x1E00, s12  }
0x49: {  	s13 =	sand.u32 $0x70, s11;
	s12 =	sshrl.u32 s12, $0x2  }
0x4a: {  	s12 =	sor.u32 s13, s12  }
0x4b: {  	[tilespmem:s12+$0xA800] =	vst v0  }
0x4c: {  	[spmem:s6] =	stream.linear.scatter [tilespmem:s31], [sflag:$0x7], $0x800, $0x38;
	[tilespmem:$0x1F000] =	vst v63  }
0x4d: {  	_ =	swait.ge [sflag:s24], $0x800  }
0x4e: {  	[sflag:s24] =	ssyncset.done $0x0  }
0x4f: {  	s10 =	rddreg [dreg:$0x6];
	[sflag:s24] =	ssyncadd.s32 $0xFFFFF800  }
0x50: {  	[spmem:s10] =	stream.linear.scatter [tilespmem:s31], [sflag:$0x7], $0x800, $0x38;
	[tilespmem:$0x1F000] =	vst v63  }
0x51: {  	_ =	swait.ge [sflag:s24], $0x800  }
0x52: {  	[sflag:s24] =	ssyncset.done $0x0  }
0x53: {  	s11 =	rddreg [dreg:$0x7];
	[sflag:s24] =	ssyncadd.s32 $0xFFFFF800  }
0x54: {  	[spmem:s11] =	stream.linear.scatter [tilespmem:s31], [sflag:$0x7], $0x800, $0x38;
	[tilespmem:$0x1F000] =	vst v63  }
0x55: {  	_ =	swait.ge [sflag:s24], $0x800  }
0x56: {  	[sflag:s24] =	ssyncset.done $0x0  }
0x57: {  	s12 =	rddreg [dreg:$0x8];
	[sflag:s24] =	ssyncadd.s32 $0xFFFFF800  }
0x58: {  	[spmem:s12] =	stream.linear.scatter [tilespmem:s31], [sflag:$0x7], $0x800, $0x38;
	[tilespmem:$0x1F000] =	vst v63  }
0x59: {  	_ =	swait.ge [sflag:s24], $0x800  }
0x5a: {  	[sflag:s24] =	ssyncset.done $0x0  }
0x5b: {  	s13 =	rddreg [dreg:$0x9];
	[sflag:s24] =	ssyncadd.s32 $0xFFFFF800  }
0x5c: {  	[spmem:s13] =	stream.linear.scatter [tilespmem:s31], [sflag:$0x7], $0x800, $0x38;
	[tilespmem:$0x1F000] =	vst v63  }
0x5d: {  	_ =	swait.ge [sflag:s24], $0x800  }
0x5e: {  	[sflag:s24] =	ssyncset.done $0x0  }
0x5f: {  	s14 =	rddreg [dreg:$0xa];
	[sflag:s24] =	ssyncadd.s32 $0xFFFFF800  }
0x60: {  	[spmem:s14] =	stream.linear.scatter [tilespmem:s31], [sflag:$0x7], $0x800, $0x38;
	[tilespmem:$0x1F000] =	vst v63  }
0x61: {  	_ =	swait.ge [sflag:s24], $0x800  }
0x62: {  	[sflag:s24] =	ssyncset.done $0x0  }
0x63: {  	s15 =	rddreg [dreg:$0xb];
	[sflag:s24] =	ssyncadd.s32 $0xFFFFF800  }
0x64: {  	[spmem:s15] =	stream.linear.scatter [tilespmem:s31], [sflag:$0x7], $0x800, $0x38;
	[tilespmem:$0x1F000] =	vst v63  }
0x65: {  	_ =	swait.ge [sflag:s24], $0x800  }
0x66: {  	[sflag:s24] =	ssyncset.done $0x0  }
0x67: {  	s16 =	rddreg [dreg:$0xc];
	[sflag:s24] =	ssyncadd.s32 $0xFFFFF800  }
0x68: {  	[spmem:s16] =	stream.linear.scatter [tilespmem:s31], [sflag:$0x7], $0x800, $0x38;
	[tilespmem:$0x1F000] =	vst v63  }
0x69: {  	_ =	swait.ge [sflag:s24], $0x800  }
0x6a: {  	[sflag:s24] =	ssyncset.done $0x0  }
0x6b: {  	s11 =	rddreg [dreg:$0xd];
	[sflag:s24] =	ssyncadd.s32 $0xFFFFF800  }
0x6c: {  	[spmem:s11] =	stream.linear.scatter [tilespmem:s31], [sflag:$0x7], $0x800, $0x38;
	[tilespmem:$0x1F000] =	vst v63  }
0x6d: {  	_ =	swait.ge [sflag:s24], $0x800  }
0x6e: {  	[sflag:s24] =	ssyncset.done $0x0  }
0x6f: {  	s12 =	rddreg [dreg:$0xe];
	[sflag:s24] =	ssyncadd.s32 $0xFFFFF800  }
0x70: {  	[spmem:s12] =	stream.linear.scatter [tilespmem:s31], [sflag:$0x7], $0x800, $0x38;
	[tilespmem:$0x1F000] =	vst v63  }
0x71: {  	_ =	swait.ge [sflag:s24], $0x800  }
0x72: {  	[sflag:s24] =	ssyncset.done $0x0  }
0x73: {  	s13 =	rddreg [dreg:$0xf];
	[sflag:s24] =	ssyncadd.s32 $0xFFFFF800  }
0x74: {  	[spmem:s13] =	stream.linear.scatter [tilespmem:s31], [sflag:$0x7], $0x800, $0x38;
	[tilespmem:$0x1F000] =	vst v63  }
0x75: {  	_ =	swait.ge [sflag:s24], $0x800  }
0x76: {  	[sflag:s24] =	ssyncset.done $0x0  }
0x77: {  	s14 =	rddreg [dreg:$0x10];
	[sflag:s24] =	ssyncadd.s32 $0xFFFFF800  }
0x78: {  	[spmem:s14] =	stream.linear.scatter [tilespmem:s31], [sflag:$0x7], $0x800, $0x38;
	[tilespmem:$0x1F000] =	vst v63  }
0x79: {  	_ =	swait.ge [sflag:s24], $0x800  }
0x7a: {  	[sflag:s24] =	ssyncset.done $0x0  }
0x7b: {  	s15 =	rddreg [dreg:$0x11];
	[sflag:s24] =	ssyncadd.s32 $0xFFFFF800  }
0x7c: {  	[spmem:s15] =	stream.linear.scatter [tilespmem:s31], [sflag:$0x7], $0x800, $0x38;
	[tilespmem:$0x1F000] =	vst v63  }
0x7d: {  	_ =	swait.ge [sflag:s24], $0x800  }
0x7e: {  	[sflag:s24] =	ssyncset.done $0x0  }
0x7f: {  	s16 =	rddreg [dreg:$0x12];
	[sflag:s24] =	ssyncadd.s32 $0xFFFFF800  }
0x80: {  	[spmem:s16] =	stream.linear.scatter [tilespmem:s31], [sflag:$0x7], $0x800, $0x38;
	[tilespmem:$0x1F000] =	vst v63  }
0x81: {  	_ =	swait.ge [sflag:s24], $0x800  }
0x82: {  	[sflag:s24] =	ssyncset.done $0x0  }
0x83: {  	s11 =	rddreg [dreg:$0x13];
	[sflag:s24] =	ssyncadd.s32 $0xFFFFF800  }
0x84: {  	[spmem:s11] =	stream.linear.scatter [tilespmem:s31], [sflag:$0x7], $0x800, $0x38;
	[tilespmem:$0x1F000] =	vst v63  }
0x85: {  	_ =	swait.ge [sflag:s24], $0x800  }
0x86: {  	[sflag:s24] =	ssyncset.done $0x0  }
0x87: {  	s12 =	rddreg [dreg:$0x14];
	[sflag:s24] =	ssyncadd.s32 $0xFFFFF800  }
0x88: {  	[spmem:s12] =	stream.linear.scatter [tilespmem:s31], [sflag:$0x7], $0x800, $0x38;
	[tilespmem:$0x1F000] =	vst v63  }
0x89: {  	_ =	swait.ge [sflag:s24], $0x800  }
0x8a: {  	[sflag:s24] =	ssyncset.done $0x0  }
0x8b: {  	s13 =	rddreg [dreg:$0x17];
	[sflag:s24] =	ssyncadd.s32 $0xFFFFF800  }
0x8c: {  	[spmem:s13] =	stream.linear.scatter [tilespmem:s31], [sflag:$0x7], $0x800, $0x38;
	[tilespmem:$0x1F000] =	vst v63  }
0x8d: {  	_ =	swait.ge [sflag:s24], $0x800  }
0x8e: {  	[sflag:s24] =	ssyncset.done $0x0  }
0x8f: {  	s14 =	rddreg [dreg:$0x18];
	[sflag:s24] =	ssyncadd.s32 $0xFFFFF800  }
0x90: {  	[spmem:s14] =	stream.linear.scatter [tilespmem:s31], [sflag:$0x7], $0x800, $0x38;
	[tilespmem:$0x1F000] =	vst v63  }
0x91: {  	_ =	swait.ge [sflag:s24], $0x800  }
0x92: {  	[sflag:s24] =	ssyncset.done $0x0  }
0x93: {  	s15 =	rddreg [dreg:$0x19];
	[sflag:s24] =	ssyncadd.s32 $0xFFFFF800  }
0x94: {  	[spmem:s15] =	stream.linear.scatter [tilespmem:s31], [sflag:$0x7], $0x800, $0x38;
	[tilespmem:$0x1F000] =	vst v63  }
0x95: {  	_ =	swait.ge [sflag:s24], $0x800  }
0x96: {  	[sflag:s24] =	ssyncset.done $0x0  }
0x97: {  	s16 =	rddreg [dreg:$0x1a];
	[sflag:s24] =	ssyncadd.s32 $0xFFFFF800  }
0x98: {  	[spmem:s16] =	stream.linear.scatter [tilespmem:s31], [sflag:$0x7], $0x800, $0x38;
	[tilespmem:$0x1F000] =	vst v63  }
0x99: {  	_ =	swait.ge [sflag:s24], $0x800  }
0x9a: {  	[sflag:s24] =	ssyncset.done $0x0  }
0x9b: {  	s11 =	rddreg [dreg:$0x1b];
	[sflag:s24] =	ssyncadd.s32 $0xFFFFF800  }
0x9c: {  	[spmem:s11] =	stream.linear.scatter [tilespmem:s31], [sflag:$0x7], $0x800, $0x38;
	[tilespmem:$0x1F000] =	vst v63  }
0x9d: {  	_ =	swait.ge [sflag:s24], $0x800  }
0x9e: {  	[sflag:s24] =	ssyncset.done $0x0  }
0x9f: {  	s12 =	rddreg [dreg:$0x1c];
	[sflag:s24] =	ssyncadd.s32 $0xFFFFF800  }
0xa0: {  	[spmem:s12] =	stream.linear.scatter [tilespmem:s31], [sflag:$0x7], $0x800, $0x38;
	[tilespmem:$0x1F000] =	vst v63  }
0xa1: {  	_ =	swait.ge [sflag:s24], $0x800  }
0xa2: {  	[sflag:s24] =	ssyncset.done $0x0  }
0xa3: {  	s13 =	rddreg [dreg:$0x1d];
	[sflag:s24] =	ssyncadd.s32 $0xFFFFF800  }
0xa4: {  	[spmem:s13] =	stream.linear.scatter [tilespmem:s31], [sflag:$0x7], $0x800, $0x38;
	[tilespmem:$0x1F000] =	vst v63  }
0xa5: {  	_ =	swait.ge [sflag:s24], $0x800  }
0xa6: {  	[sflag:s24] =	ssyncset.done $0x0  }
0xa7: {  	s14 =	rddreg [dreg:$0x1e];
	[sflag:s24] =	ssyncadd.s32 $0xFFFFF800  }
0xa8: {  	[spmem:s14] =	stream.linear.scatter [tilespmem:s31], [sflag:$0x7], $0x800, $0x38;
	[tilespmem:$0x1F000] =	vst v63  }
0xa9: {  	_ =	swait.ge [sflag:s24], $0x800  }
0xaa: {  	[sflag:s24] =	ssyncset.done $0x0  }
0xab: {  	s15 =	rddreg [dreg:$0x1f];
	[sflag:s24] =	ssyncadd.s32 $0xFFFFF800  }
0xac: {  	[spmem:s15] =	stream.linear.scatter [tilespmem:s31], [sflag:$0x7], $0x800, $0x38;
	[tilespmem:$0x1F000] =	vst v63  }
0xad: {  	_ =	swait.ge [sflag:s24], $0x800  }
0xae: {  	s16 =	sld [smem:$0x7F4]  }
0xaf: {  	[sflag:s24] =	ssyncset.done $0x0  }
0xb0: {  	[sflag:s24] =	ssyncadd.s32 $0xFFFFF800  }
0xb1: {  	[spmem:s16] =	stream.linear.scatter [tilespmem:s31], [sflag:$0x7], $0x800, $0x38;
	[tilespmem:$0x1F000] =	vst v63  }
0xb2: {  	_ =	swait.ge [sflag:s24], $0x800  }
0xb3: {  	s11 =	sld [smem:$0x7F5]  }
0xb4: {  	[sflag:s24] =	ssyncset.done $0x0  }
0xb5: {  	[sflag:s24] =	ssyncadd.s32 $0xFFFFF800  }
0xb6: {  	[spmem:s11] =	stream.linear.scatter [tilespmem:s31], [sflag:$0x7], $0x800, $0x38;
	[tilespmem:$0x1F000] =	vst v63  }
0xb7: {  	_ =	swait.ge [sflag:s24], $0x800  }
0xb8: {  	s12 =	sld [smem:$0x7F6]  }
0xb9: {  	[sflag:s24] =	ssyncset.done $0x0  }
0xba: {  	[sflag:s24] =	ssyncadd.s32 $0xFFFFF800  }
0xbb: {  	[spmem:s12] =	stream.linear.scatter [tilespmem:s31], [sflag:$0x7], $0x800, $0x38;
	[tilespmem:$0x1F000] =	vst v63  }
0xbc: {  	_ =	swait.ge [sflag:s24], $0x800  }
0xbd: {  	s13 =	sld [smem:$0x7F7]  }
0xbe: {  	[sflag:s24] =	ssyncset.done $0x0  }
0xbf: {  	[sflag:s24] =	ssyncadd.s32 $0xFFFFF800  }
0xc0: {  	[spmem:s13] =	stream.linear.scatter [tilespmem:s31], [sflag:$0x7], $0x800, $0x38;
	[tilespmem:$0x1F000] =	vst v63  }
0xc1: {  	_ =	swait.ge [sflag:s24], $0x800  }
0xc2: {  	s14 =	sld [smem:$0x7F8]  }
0xc3: {  	[sflag:s24] =	ssyncset.done $0x0  }
0xc4: {  	[sflag:s24] =	ssyncadd.s32 $0xFFFFF800  }
0xc5: {  	[spmem:s14] =	stream.linear.scatter [tilespmem:s31], [sflag:$0x7], $0x800, $0x38;
	[tilespmem:$0x1F000] =	vst v63  }
0xc6: {  	_ =	swait.ge [sflag:s24], $0x800  }
0xc7: {  	s15 =	sld [smem:$0x7F9]  }
0xc8: {  	[sflag:s24] =	ssyncset.done $0x0  }
0xc9: {  	[sflag:s24] =	ssyncadd.s32 $0xFFFFF800  }
0xca: {  	[spmem:s15] =	stream.linear.scatter [tilespmem:s31], [sflag:$0x7], $0x800, $0x38;
	[tilespmem:$0x1F000] =	vst v63  }
0xcb: {  	_ =	swait.ge [sflag:s24], $0x800  }
0xcc: {  	s16 =	sld [smem:$0x7FA]  }
0xcd: {  	[sflag:s24] =	ssyncset.done $0x0  }
0xce: {  	[sflag:s24] =	ssyncadd.s32 $0xFFFFF800  }
0xcf: {  	[spmem:s16] =	stream.linear.scatter [tilespmem:s31], [sflag:$0x7], $0x800, $0x38;
	[tilespmem:$0x1F000] =	vst v63  }
0xd0: {  	_ =	swait.ge [sflag:s24], $0x800  }
0xd1: {  	s11 =	sld [smem:$0x7FB]  }
0xd2: {  	[sflag:s24] =	ssyncset.done $0x0  }
0xd3: {  	[sflag:s24] =	ssyncadd.s32 $0xFFFFF800  }
0xd4: {  	[spmem:s11] =	stream.linear.scatter [tilespmem:s31], [sflag:$0x7], $0x800, $0x38;
	[tilespmem:$0x1F000] =	vst v63  }
0xd5: {  	_ =	swait.ge [sflag:s24], $0x800  }
0xd6: {  	s12 =	sld [smem:$0x7FC]  }
0xd7: {  	[sflag:s24] =	ssyncset.done $0x0  }
0xd8: {  	[sflag:s24] =	ssyncadd.s32 $0xFFFFF800  }
0xd9: {  	[spmem:s12] =	stream.linear.scatter [tilespmem:s31], [sflag:$0x7], $0x800, $0x38;
	[tilespmem:$0x1F000] =	vst v63  }
0xda: {  	_ =	swait.ge [sflag:s24], $0x800  }
0xdb: {  	s13 =	sld [smem:$0x7FD]  }
0xdc: {  	[sflag:s24] =	ssyncset.done $0x0  }
0xdd: {  	[sflag:s24] =	ssyncadd.s32 $0xFFFFF800  }
0xde: {  	[spmem:s13] =	stream.linear.scatter [tilespmem:s31], [sflag:$0x7], $0x800, $0x38;
	[tilespmem:$0x1F000] =	vst v63  }
0xdf: {  	_ =	swait.ge [sflag:s24], $0x800  }
0xe0: {  	[sflag:s24] =	ssyncset.done $0x0  }
0xe1: {  	[sflag:s24] =	ssyncadd.s32 $0xFFFFF800  }
0xe2: {  	[spmem:s17] =	stream.linear.scatter [tilespmem:s31], [sflag:$0x7], $0x800, $0x38;
	[tilespmem:$0x1F000] =	vst v63  }
0xe3: {  	_ =	swait.ge [sflag:s24], $0x800  }
0xe4: {  	[sflag:s24] =	ssyncset.done $0x0  }
0xe5: {  	[sflag:s24] =	ssyncadd.s32 $0xFFFFF800  }
0xe6: {  	[spmem:s18] =	stream.linear.scatter [tilespmem:s31], [sflag:$0x7], $0x800, $0x38;
	[tilespmem:$0x1F000] =	vst v63  }
0xe7: {  	_ =	swait.ge [sflag:s24], $0x800  }
0xe8: {  	[sflag:s24] =	ssyncset.done $0x0  }
0xe9: {  	[sflag:s24] =	ssyncadd.s32 $0xFFFFF800  }
0xea: {  	[spmem:s19] =	stream.linear.scatter [tilespmem:s31], [sflag:$0x7], $0x800, $0x38;
	[tilespmem:$0x1F000] =	vst v63  }
0xeb: {  	_ =	swait.ge [sflag:s24], $0x800  }
0xec: {  	[sflag:s24] =	ssyncset.done $0x0  }
0xed: {  	[sflag:s24] =	ssyncadd.s32 $0xFFFFF800  }
0xee: {  	[spmem:s20] =	stream.linear.scatter [tilespmem:s31], [sflag:$0x7], $0x800, $0x38;
	[tilespmem:$0x1F000] =	vst v63  }
0xef: {  	_ =	swait.ge [sflag:s24], $0x800  }
0xf0: {  	[sflag:s24] =	ssyncset.done $0x0  }
0xf1: {  	[sflag:s24] =	ssyncadd.s32 $0xFFFFF800  }
0xf2: {  	[spmem:s23] =	stream.linear.scatter [tilespmem:s31], [sflag:$0x7], $0x800, $0x38;
	[tilespmem:$0x1F000] =	vst v63  }
0xf3: {  	_ =	swait.ge [sflag:s24], $0x800  }
0xf4: {  	[sflag:s24] =	ssyncset.done $0x0  }
0xf5: {  	s14 =	simm.s32 $0x200;
	[sflag:s24] =	ssyncadd.s32 $0xFFFFF800  }
0xf6: {  	s10 =	sand.u32 $0x200, s14;
	[bflag:$0x0] =	sbarrier.arrive $0xFFFF  }
0xf7: {  	[tilespmem:s10], [sflag:$0x5] =	stream.linear.gather [hbm4b:s22+s3], $0x200, $0x38;
	[tilespmem:$0x1F000] =	vst v63  }
0xf8: {  	s11 =	sor.u32 $0x400, s10  }
0xf9: {  	[tilespmem:s11], [sflag:$0x6] =	stream.linear.gather [hbm4b:s21+s3], $0x200, $0x38;
	[tilespmem:$0x1F000] =	vst v63  }
0xfa: {  	_ =	swait.ge [sflag:s1], $0x2800  }
0xfb: {  	[sflag:s1] =	ssyncset.done $0x0  }
0xfc: {  	[sflag:s1] =	ssyncadd.s32 $0xFFFFD800  }
0xfd: {  	_ =	swait.ge [sflag:s2], $0x2800  }
0xfe: {  	[sflag:s2] =	ssyncset.done $0x0  }
0xff: {  	[sflag:s2] =	ssyncadd.s32 $0xFFFFD800  }
0x100: {  	_ =	swait.ge [sflag:s4], $0x200  }
0x101: {  	[sflag:s4] =	ssyncset.done $0x0  }
0x102: {  	[sflag:s4] =	ssyncadd.s32 $0xFFFFFE00  }
0x103: {  	_ =	swait.ge [sflag:s5], $0x200  }
0x104: {  	[sflag:s5] =	ssyncset.done $0x0  }
0x105: {  	[sflag:s5] =	ssyncadd.s32 $0xFFFFFE00  }
0x106: {  	[tilespmem:s26], [sflag:$0x1] =	stream.indirect.gather [hbm4b:s0+s25], $0x80, s10, s25, $0xb8;
	[tilespmem:$0x1F000] =	vst v63  }
0x107: {  	s15 =	sor.u32 $0x80, s10  }
0x108: {  	[tilespmem:s28], [sflag:$0x2] =	stream.indirect.gather [hbm4b:s0+s25], $0x80, s15, s25, $0xb8;
	[tilespmem:$0x1F000] =	vst v63  }
0x109: {  	_ =	swait.ge [sflag:s7], $0x2800  }
0x10a: {  	[sflag:s7] =	ssyncset.done $0x0  }
0x10b: {  	[sflag:s7] =	ssyncadd.s32 $0xFFFFD800  }
0x10c: {  	s14 =	sor.u32 $0x180, s10;
	s16 =	sor.u32 $0x100, s10;
	_ =	swait.ge [sflag:s8], $0x2800  }
0x10d: {  	s12 =	sadd.s32 $0x40, s22;
	s13 =	simm.s32 $0x3;
	[sflag:s8] =	ssyncset.done $0x0  }
0x10e: {  	s11 =	simm.s32 $0x400;
	s10 =	sadd.s32 $0x40, s21;
	[sflag:s8] =	ssyncadd.s32 $0xFFFFD800  }
0x10f: {  	[tilespmem:s29], [sflag:$0x3] =	stream.indirect.gather [hbm4b:s0+s25], $0x80, s16, s25, $0xb8;
	[tilespmem:$0x1F000] =	vst v63  }
.LBB2_4:
0x110: {  	[tilespmem:s30], [sflag:$0x4] =	stream.indirect.gather [hbm4b:s0+s25], $0x80, s14, s25, $0xb8;
	[tilespmem:$0x1F000] =	vst v63  }
0x111: {  	s14 =	smov.u32 s13  }
0x112: {  	s15 =	sadd.s32 $0x1, s13;
	s16 =	sand.u32 $0x200, s11;
	s11 =	sshll.u32 s14, $0x9  }
0x113: {  	[tilespmem:s16], [sflag:$0x5] =	stream.linear.gather [hbm4b:s12+s3], $0x200, $0x38;
	[tilespmem:$0x1F000] =	vst v63  }
0x114: {  	p0 =	sne.s32 s13, $0x1F;
	s13 =	sor.u32 $0x400, s16  }
0x115: {  	[tilespmem:s13], [sflag:$0x6] =	stream.linear.gather [hbm4b:s10+s3], $0x200, $0x38;
	[tilespmem:$0x1F000] =	vst v63  }
0x116: {  	_ =	swait.ge [sflag:s1], $0x2800  }
0x117: {  	[sflag:s1] =	ssyncset.done $0x0  }
0x118: {  	[sflag:s1] =	ssyncadd.s32 $0xFFFFD800  }
0x119: {  	_ =	swait.ge [sflag:s2], $0x2800  }
0x11a: {  	[sflag:s2] =	ssyncset.done $0x0  }
0x11b: {  	[sflag:s2] =	ssyncadd.s32 $0xFFFFD800  }
0x11c: {  	_ =	swait.ge [sflag:s4], $0x200  }
0x11d: {  	[sflag:s4] =	ssyncset.done $0x0  }
0x11e: {  	[sflag:s4] =	ssyncadd.s32 $0xFFFFFE00  }
0x11f: {  	_ =	swait.ge [sflag:s5], $0x200  }
0x120: {  	[sflag:s5] =	ssyncset.done $0x0  }
0x121: {  	[sflag:s5] =	ssyncadd.s32 $0xFFFFFE00  }
0x122: {  	[tilespmem:s26], [sflag:$0x1] =	stream.indirect.gather [hbm4b:s0+s25], $0x80, s16, s25, $0xb8;
	[tilespmem:$0x1F000] =	vst v63  }
0x123: {  	s13 =	sor.u32 $0x80, s16  }
0x124: {  	[tilespmem:s28], [sflag:$0x2] =	stream.indirect.gather [hbm4b:s0+s25], $0x80, s13, s25, $0xb8;
	[tilespmem:$0x1F000] =	vst v63  }
0x125: {  	_ =	swait.ge [sflag:s7], $0x2800  }
0x126: {  	[sflag:s7] =	ssyncset.done $0x0  }
0x127: {  	[sflag:s7] =	ssyncadd.s32 $0xFFFFD800  }
.Ltmp1:
0x128: {  	_ =	swait.ge [sflag:s8], $0x2800;
	(pc) =	sbr.rel @p0 .LBB2_4-.Ltmp1, $4  }
0x129: {  	[sflag:s8] =	ssyncset.done $0x0  }
0x12a: {  	s14 =	sor.u32 $0x180, s16;
	s13 =	sor.u32 $0x100, s16;
	[sflag:s8] =	ssyncadd.s32 $0xFFFFD800  }
0x12b: {  	[tilespmem:s29], [sflag:$0x3] =	stream.indirect.gather [hbm4b:s0+s25], $0x80, s13, s25, $0xb8;
	[tilespmem:$0x1F000] =	vst v63  }
0x12c: {  	s12 =	sadd.s32 $0x40, s12;
	s10 =	sadd.s32 $0x40, s10;
	s13 =	smov.u32 s15  }
0x12d: {  	[tilespmem:s30], [sflag:$0x4] =	stream.indirect.gather [hbm4b:s0+s25], $0x80, s14, s25, $0xb8;
	[tilespmem:$0x1F000] =	vst v63  }
0x12e: {  	s11 =	sand.u32 $0x200, s11  }
0x12f: {  	[tilespmem:s11], [sflag:$0x5] =	stream.linear.gather [hbm4b:s12+s3], $0x200, $0x38;
	[tilespmem:$0x1F000] =	vst v63  }
0x130: {  	s14 =	sor.u32 $0x400, s11  }
0x131: {  	[tilespmem:s14], [sflag:$0x6] =	stream.linear.gather [hbm4b:s10+s3], $0x200, $0x38;
	[tilespmem:$0x1F000] =	vst v63  }
0x132: {  	_ =	swait.ge [sflag:s1], $0x2800  }
0x133: {  	[sflag:s1] =	ssyncset.done $0x0  }
0x134: {  	[sflag:s1] =	ssyncadd.s32 $0xFFFFD800  }
0x135: {  	_ =	swait.ge [sflag:s2], $0x2800  }
0x136: {  	[sflag:s2] =	ssyncset.done $0x0  }
0x137: {  	[sflag:s2] =	ssyncadd.s32 $0xFFFFD800  }
0x138: {  	_ =	swait.ge [sflag:s4], $0x200  }
0x139: {  	[sflag:s4] =	ssyncset.done $0x0  }
0x13a: {  	[sflag:s4] =	ssyncadd.s32 $0xFFFFFE00  }
0x13b: {  	_ =	swait.ge [sflag:s5], $0x200  }
0x13c: {  	[sflag:s5] =	ssyncset.done $0x0  }
0x13d: {  	[sflag:s5] =	ssyncadd.s32 $0xFFFFFE00  }
0x13e: {  	[tilespmem:s26], [sflag:$0x1] =	stream.indirect.gather [hbm4b:s0+s25], $0x80, s11, s25, $0xb8;
	[tilespmem:$0x1F000] =	vst v63  }
0x13f: {  	s15 =	sor.u32 $0x80, s11  }
0x140: {  	[tilespmem:s28], [sflag:$0x2] =	stream.indirect.gather [hbm4b:s0+s25], $0x80, s15, s25, $0xb8;
	[tilespmem:$0x1F000] =	vst v63  }
0x141: {  	_ =	swait.ge [sflag:s7], $0x2800  }
0x142: {  	[sflag:s7] =	ssyncset.done $0x0  }
0x143: {  	[sflag:s7] =	ssyncadd.s32 $0xFFFFD800  }
0x144: {  	_ =	swait.ge [sflag:s8], $0x2800  }
0x145: {  	[sflag:s8] =	ssyncset.done $0x0  }
0x146: {  	s16 =	sor.u32 $0x100, s11;
	[sflag:s8] =	ssyncadd.s32 $0xFFFFD800  }
0x147: {  	[tilespmem:s29], [sflag:$0x3] =	stream.indirect.gather [hbm4b:s0+s25], $0x80, s16, s25, $0xb8;
	[tilespmem:$0x1F000] =	vst v63  }
0x148: {  	s12 =	sor.u32 $0x180, s11  }
0x149: {  	[tilespmem:s30], [sflag:$0x4] =	stream.indirect.gather [hbm4b:s0+s25], $0x80, s12, s25, $0xb8;
	[tilespmem:$0x1F000] =	vst v63  }
0x14a: {  	_ =	swait.ge [sflag:s1], $0x2800  }
0x14b: {  	[sflag:s1] =	ssyncset.done $0x0  }
0x14c: {  	[sflag:s1] =	ssyncadd.s32 $0xFFFFD800  }
0x14d: {  	_ =	swait.ge [sflag:s2], $0x2800  }
0x14e: {  	[sflag:s2] =	ssyncset.done $0x0  }
0x14f: {  	[sflag:s2] =	ssyncadd.s32 $0xFFFFD800  }
0x150: {  	_ =	swait.ge [sflag:s7], $0x2800  }
0x151: {  	[sflag:s7] =	ssyncset.done $0x0  }
0x152: {  	[sflag:s7] =	ssyncadd.s32 $0xFFFFD800  }
0x153: {  	_ =	swait.ge [sflag:s8], $0x2800  }
0x154: {  	[sflag:s8] =	ssyncset.done $0x0  }
0x155: {  	s13 =	stileid.u32;
	[sflag:s8] =	ssyncadd.s32 $0xFFFFD800  }
0x156: {  	s10 =	sshll.u32 s13, $0x6;
	[bflag:$0x0] =	sbarrier.arrive $0xFFFF  }
0x157: {  	s14 =	sshrl.u32 s6, $0x3;
	s10 =	sor.u32 $0x1C07, s10;
	s15 =	rddreg [dreg:$0x15]  }
0x158: {  	[hbm:s15], [sflag:s10] =	dma.local [spmem:s14], $0x2800  }
0x159: {  	_ =	swait.ge [sflag:s24], $0x2800  }
0x15a: {  	s9 =	sadd.s32 $0x1, s9;
	s16 =	rddreg [dreg:$0x16]  }
0x15b: {  	p0 =	sne.s32 s9, s16  }
.Ltmp2:
0x15c: {  	_ = 	snop;
	(pc) =	sbr.rel @p0 .LBB2_1-.Ltmp2, $3  }
0x15d: {  	_ =	sdelay $0x1  }
0x15e: {  	[sflag:s24] =	ssyncset.done $0x0  }
0x15f: {  	[sflag:s24] =	ssyncadd.s32 $0xFFFFD800  }
0x160: {  	_ =	sfence.sel $0x180000  }
0x161: {  	[bflag:$0x0] =	sbarrier.arrive $0xFFFF  }
0x162: {  	_ =	strace $0x90000047  }
0x163: {  	s0 =	stileid.u32;
	[bflag:$0x2] =	sbarrier.arrive $0xFFFF  }
0x164: {  	p0 =	sne.s32 s0, $0x0;
	s0 =	rddreg [dreg:$0x3]  }
0x165: {  	s0 =	sadd.s32 @!p0 $0x100000, s0  }
0x166: {  	[sflag:s0] =	ssyncadd.tile.s32 @!p0 $0x1;
	_ =	shalt  }
.Lfunc_end2:
_tile_overlayer_lowered:
.L_overlay_start_2:
0x167: {  	(tag) =	ssettag $0x2  }
0x168: {  	s0 =	rddreg [dreg:$0x0];
	s2 =	stileid.u32  }
0x169: {  	s1 =	rddreg [dreg:$0x1];
	p0 =	sne.s32 s2, $0x0  }
0x16a: {  	s3 =	rddreg [dreg:$0x2];
	[bflag:$0x3] =	sbarrier.arrive $0xFFFF;
	s2 =	simm.s32 @!p0 $0x1C07  }
0x16b: {  	[timem:s3], [sflag:s2] =	dma.local @!p0 [hbm:s0], s1  }
0x16c: {  	s0 =	simm.s32 @!p0 $0x7  }
0x16d: {  	_ =	swait.ge @!p0 [sflag:s0], s1  }
0x16e: {  	s1 =	ssub.s32 @!p0 $0x0, s1;
	[sflag:s0] =	ssyncset.done @!p0 $0x0  }
0x16f: {  	[sflag:s0] =	ssyncadd.s32 @!p0 s1  }
0x170: {  	[bflag:$0x3] =	sbarrier.arrive $0xFFFF  }
0x171: {  	_ =	shalt  }

</sc_bundles>
